<compile_context>
chip_gen: v7x
topology: tpu7x:2x2x1
jax: 0.10.2.dev20260603
libtpu: 0.0.44.dev20260713+nightly
codegen_flags: <defaults>
</compile_context>

<pallas_src>
import functools
import numpy as np
import jax
import jax.numpy as jnp
from jax import lax
from jax.experimental import pallas as pl
from jax.experimental.pallas import tpu as pltpu
from jax.experimental.pallas import tpu_sc as plsc

NC = 2
NS = 16
LANES = 16
CHUNK = 128
HALF = 128
PAD_ROWS = 128


_GATHER_DNUMS = lax.GatherDimensionNumbers(
    offset_dims=(), collapsed_slice_dims=(0,), start_index_map=(0,))


def _lane_rot(v, shift):
  ii = lax.iota(jnp.int32, LANES)
  idx = jnp.bitwise_xor(ii, shift)[:, None]
  return lax.gather(v, idx, _GATHER_DNUMS, (1,),
                    mode=lax.GatherScatterMode.PROMISE_IN_BOUNDS)



def _mm_body(x_ref, w_ref, o_ref):
  o_ref[...] = jnp.dot(x_ref[...], w_ref[...],
                       preferred_element_type=jnp.float32).astype(o_ref.dtype)


def _matmul(x, w, bn=1000, out_dtype=jnp.float32):
  n, d = x.shape
  k = w.shape[1]
  return pl.pallas_call(
      _mm_body,
      grid=(n // bn,),
      in_specs=[
          pl.BlockSpec((bn, d), lambda i: (i, 0)),
          pl.BlockSpec((d, k), lambda i: (0, 0)),
      ],
      out_specs=pl.BlockSpec((bn, k), lambda i: (i, 0)),
      out_shape=jax.ShapeDtypeStruct((n, k), out_dtype),
  )(x, w)


def _mid_body(acc_ref, psel_ref, tsel_ref, w_ref, o_ref):
  a = acc_ref[0] + acc_ref[1]
  num = jnp.dot(a, psel_ref[...], preferred_element_type=jnp.float32)
  den = jnp.dot(a, tsel_ref[...], preferred_element_type=jnp.float32)
  h = num / (den + 1e-9)
  h = jnp.where(h > 0, h, jnp.exp(h) - 1.0)
  o_ref[...] = jnp.dot(h, w_ref[...], preferred_element_type=jnp.float32)


def _mid(acc, p_sel, t_sel, w2t, bn=1000):
  n = acc.shape[1]
  accw = acc.shape[2]
  ch = p_sel.shape[1]
  k = w2t.shape[1]
  return pl.pallas_call(
      _mid_body,
      grid=(n // bn,),
      in_specs=[
          pl.BlockSpec((2, bn, accw), lambda i: (0, i, 0)),
          pl.BlockSpec((accw, ch), lambda i: (0, 0)),
          pl.BlockSpec((accw, ch), lambda i: (0, 0)),
          pl.BlockSpec((ch, k), lambda i: (0, 0)),
      ],
      out_specs=pl.BlockSpec((bn, k), lambda i: (i, 0)),
      out_shape=jax.ShapeDtypeStruct((n, k), jnp.float32),
  )(acc, p_sel, t_sel, w2t)



def _edge_layer(g, src2, dst2, a_vec, *, n, num_edges, heads, row, chunk,
                in_dtype=jnp.float32):
  accw = row + LANES
  nhalf = chunk // HALF
  nchunk = num_edges // chunk
  per_tile_chunks = nchunk // (NC * NS)
  assert per_tile_chunks * NC * NS == nchunk and per_tile_chunks % 2 == 0
  rows_per_tile = n // NS
  zrows = 125
  nvr = row // LANES
  nfold = {8: 1, 1: 4}[heads]
  packed = in_dtype == jnp.bfloat16

  mesh = plsc.VectorSubcoreMesh(core_axis_name="c", subcore_axis_name="s")

  @functools.partial(
      pl.kernel,
      out_type=jax.ShapeDtypeStruct((2, n, accw), jnp.float32),
      mesh=mesh,
      compiler_params=pltpu.CompilerParams(use_tc_tiling_on_sc=False,
                                           needs_layout_passes=False),
      scratch_types=[
          pltpu.VMEM_SHARED((n + PAD_ROWS, accw), jnp.float32),
          pltpu.VMEM((chunk, accw), jnp.float32),
          pltpu.VMEM((per_tile_chunks * nhalf, HALF), jnp.int32),
          pltpu.VMEM((per_tile_chunks * nhalf, HALF), jnp.int32),
          [pltpu.VMEM((chunk, row), in_dtype)] * 2,
          [pltpu.VMEM((chunk, row), in_dtype)] * 2,
          pltpu.VMEM((row,), jnp.float32),
          [pltpu.SemaphoreType.DMA] * 2,
          pltpu.SemaphoreType.DMA,
      ],
  )
  def k(g_hbm, src_hbm, dst_hbm, a_hbm, out_hbm,
        acc, vals, srcq, dstq, gsv, gdv, av, sems, semi):
    cid = lax.axis_index("c")
    sid = lax.axis_index("s")
    wid = sid * NC + cid

    nq = per_tile_chunks * nhalf
    qbase = wid * nq
    pltpu.async_copy(src_hbm.at[pl.ds(qbase, nq)], srcq, semi)
    pltpu.async_copy(dst_hbm.at[pl.ds(qbase, nq)], dstq, semi)

    def issue_chunk(c, b):
      for hh in range(nhalf):
        pltpu.async_copy(g_hbm.at[srcq.at[c * nhalf + hh]],
                         gsv[b].at[pl.ds(hh * HALF, HALF)], sems[b])
        pltpu.async_copy(g_hbm.at[dstq.at[c * nhalf + hh]],
                         gdv[b].at[pl.ds(hh * HALF, HALF)], sems[b])

    def wait_chunk(b):
      for _ in range(2 * nhalf):
        pltpu.make_async_copy(g_hbm.at[pl.ds(0, HALF)],
                              gsv[b].at[pl.ds(0, HALF)], sems[b]).wait()

    zero = jnp.zeros((LANES,), jnp.float32)

    def zbody(i, _):
      for kk in range(accw // LANES):
        vals[i, pl.ds(kk * LANES, LANES)] = zero
      return 0

    lax.fori_loop(0, PAD_ROWS, zbody, 0)
    for r in range(rows_per_tile // zrows):
      pltpu.sync_copy(vals.at[pl.ds(0, zrows)],
                      acc.at[pl.ds(sid * rows_per_tile + r * zrows, zrows)])

    @pl.when(sid == 0)
    def _():
      pltpu.sync_copy(vals.at[pl.ds(0, PAD_ROWS)], acc.at[pl.ds(n, PAD_ROWS)])

    pltpu.sync_copy(a_hbm, av)
    a_regs = [av[pl.ds(kk * LANES, LANES)] for kk in range(nvr)]

    for _ in range(2):
      pltpu.make_async_copy(src_hbm.at[pl.ds(0, nq)], srcq, semi).wait()
    issue_chunk(0, 0)
    issue_chunk(1, 1)
    plsc.subcore_barrier()

    def compute_scatter(c, b):
      @plsc.parallel_loop(0, chunk, 1, unroll=4)
      def edge_body(i):
        gs_regs = []
        t = None
        if packed:
          for k2 in range(row // 32):
            gs32 = gsv[b][i, pl.ds(k2 * 32, 32)]
            gd32 = gdv[b][i, pl.ds(k2 * 32, 32)]
            gs_u = plsc.unpack(gs32, format=plsc.PackFormat.INTERLEAVED)
            gd_u = plsc.unpack(gd32, format=plsc.PackFormat.INTERLEAVED)
            for r in range(2):
              gsk = gs_u[r]
              s = gsk + gd_u[r]
              z = jnp.maximum(s, s * 0.2)
              az = a_regs[2 * k2 + r] * z
              t = az if t is None else t + az
              gs_regs.append(gsk)
        else:
          for kk in range(nvr):
            gsk = gsv[b][i, pl.ds(kk * LANES, LANES)]
            gdk = gdv[b][i, pl.ds(kk * LANES, LANES)]
            s = gsk + gdk
            z = jnp.maximum(s, s * 0.2)
            az = a_regs[kk] * z
            t = az if t is None else t + az
            gs_regs.append(gsk)
        for f in range(nfold):
          t = t + _lane_rot(t, 8 >> f)
        p = jnp.exp(t)
        for kk in range(nvr):
          vals[i, pl.ds(kk * LANES, LANES)] = p * gs_regs[kk]
        vals[i, pl.ds(row, LANES)] = p

      for hh in range(nhalf):
        pltpu.sync_copy(vals.at[pl.ds(hh * HALF, HALF)],
                        acc.at[dstq.at[c * nhalf + hh]], add=True)

    def chunk_pair(j, _):
      for b in range(2):
        jj2 = j * 2 + b
        wait_chunk(b)
        compute_scatter(jj2, b)
        issue_chunk(jj2 + 2, b)
      return 0

    lax.fori_loop(0, per_tile_chunks // 2 - 1, chunk_pair, 0)
    for b in range(2):
      wait_chunk(b)
      compute_scatter(per_tile_chunks - 2 + b, b)
    plsc.subcore_barrier()

    for r in range(rows_per_tile // zrows):
      off = sid * rows_per_tile + r * zrows
      pltpu.sync_copy(acc.at[pl.ds(off, zrows)],
                      out_hbm.at[cid].at[pl.ds(off, zrows)])

  return k(g, src2, dst2, a_vec)



def _final_gather(acca, accb, idx_pad, *, out_ch):
  npad = idx_pad.shape[0]
  per_tile = npad // (NC * NS)
  mesh = plsc.VectorSubcoreMesh(core_axis_name="c", subcore_axis_name="s")

  @functools.partial(
      pl.kernel,
      out_type=jax.ShapeDtypeStruct((npad, out_ch), jnp.float32),
      mesh=mesh,
      compiler_params=pltpu.CompilerParams(use_tc_tiling_on_sc=False),
      scratch_types=[
          pltpu.VMEM((per_tile,), jnp.int32),
          pltpu.VMEM((per_tile, 2 * out_ch), jnp.float32),
          pltpu.VMEM((per_tile, 2 * out_ch), jnp.float32),
          pltpu.VMEM((per_tile, out_ch), jnp.float32),
          pltpu.SemaphoreType.DMA,
      ],
  )
  def k(a_hbm, b_hbm, idx_hbm, out_hbm, idxv, rav, rbv, outv, sem):
    cid = lax.axis_index("c")
    sid = lax.axis_index("s")
    wid = sid * NC + cid
    base = wid * per_tile
    pltpu.sync_copy(idx_hbm.at[pl.ds(base, per_tile)], idxv)
    pltpu.async_copy(a_hbm.at[idxv], rav, sem).wait()
    pltpu.async_copy(b_hbm.at[idxv], rbv, sem).wait()

    def row_body(i, _):
      num = rav[i, pl.ds(0, out_ch)] + rbv[i, pl.ds(0, out_ch)]
      den = rav[i, pl.ds(out_ch, out_ch)] + rbv[i, pl.ds(out_ch, out_ch)]
      outv[i, pl.ds(0, out_ch)] = num / (den + 1e-9)
      return 0

    lax.fori_loop(0, per_tile, row_body, 0)
    pltpu.sync_copy(outv, out_hbm.at[pl.ds(base, per_tile)])

  return k(acca, accb, idx_pad)



def kernel(input_features, edges, indices, W1, a1, W2, a2):
  n, d = input_features.shape
  num_edges = edges.shape[1]
  h1, c1 = a1.shape
  ch1 = h1 * c1
  out_ch = W2.shape[2]

  w1t = W1.transpose(1, 2, 0).reshape(d, ch1)
  a1t = a1.transpose(1, 0).reshape(ch1)
  w2t = W2[0].reshape(h1, c1, out_ch).transpose(1, 0, 2).reshape(ch1, out_ch)
  a2t = a2[0]

  nt = NC * NS
  per_tile_real = num_edges // nt
  unit = 2 * 256
  per_tile_pad = ((per_tile_real + unit - 1) // unit) * unit
  e_pad = per_tile_pad * nt
  extra = per_tile_pad - per_tile_real
  dummy_src = jnp.broadcast_to(
      jnp.arange(extra, dtype=jnp.int32)[None, :] * 97 % n, (nt, extra))
  dummy_dst = jnp.broadcast_to(
      n + (jnp.arange(extra, dtype=jnp.int32)[None, :] % PAD_ROWS),
      (nt, extra))
  src_p = jnp.concatenate(
      [edges[0].reshape(nt, per_tile_real), dummy_src], axis=1)
  dst_p = jnp.concatenate(
      [edges[1].reshape(nt, per_tile_real), dummy_dst], axis=1)
  src2 = src_p.reshape(e_pad // HALF, HALF)
  dst2 = dst_p.reshape(e_pad // HALF, HALF)

  vl = np.arange(ch1, dtype=np.int32)
  p_sel = np.zeros((ch1 + LANES, ch1), np.float32)
  p_sel[np.arange(ch1), vl] = 1.0
  t_sel = np.zeros((ch1 + LANES, ch1), np.float32)
  for hh in range(h1):
    t_sel[ch1 + hh, np.arange(ch1) % h1 == hh] = 1.0

  g1 = _matmul(input_features, w1t)
  acc1 = _edge_layer(g1, src2, dst2, a1t, n=n, num_edges=e_pad,
                     heads=h1, row=ch1, chunk=128)
  g2 = _mid(acc1, jnp.asarray(p_sel), jnp.asarray(t_sel), w2t)
  acc2 = _edge_layer(g2, src2, dst2, a2t, n=n, num_edges=e_pad,
                     heads=1, row=out_ch, chunk=256)

  nidx = indices.shape[0]
  npad = ((nidx + NC * NS * 8 - 1) // (NC * NS * 8)) * (NC * NS * 8)
  idx_pad = jnp.pad(indices, (0, npad - nidx))
  out = _final_gather(acc2[0], acc2[1], idx_pad, out_ch=out_ch)
  return out[:nidx]

# --- scband reference (transcript-rebuilt; emitter-appended) ---
"""Pipeline reference for scband-graph-attention-network-transductive1-25314537243085 (READ-ONLY COPY).

The authoritative reference and input builder live on the scoring server;
editing this copy changes nothing except your own understanding.
"""

import jax, jax.numpy as jnp
import numpy as np

N = 10000
E = 320000
D = 128
H1 = 8
C1 = 8
OUT = 16
NIDX = 1000


def setup_inputs(seed: int = 0) -> dict:
    key = jax.random.key(seed)
    ks = jax.random.split(key, 8)
    input_features = jax.random.normal(ks[0], (N, D), dtype=jnp.float32)
    edges = jax.random.randint(ks[1], (2, E), 0, N, dtype=jnp.int32)
    indices = jax.random.randint(ks[2], (NIDX,), 0, N, dtype=jnp.int32)
    # Layer 1: GATv2, 8 heads x 8 channels, concat (repeat=True) -> 64 dims
    W1 = jax.random.normal(ks[3], (H1, D, C1), dtype=jnp.float32) * 0.1
    a1 = jax.random.normal(ks[4], (H1, C1), dtype=jnp.float32) * 0.1
    # Layer 2: GATv2, 1 head x OUT channels, average (repeat=False)
    W2 = jax.random.normal(ks[5], (1, H1 * C1, OUT), dtype=jnp.float32) * 0.1
    a2 = jax.random.normal(ks[6], (1, OUT), dtype=jnp.float32) * 0.1
    return {"input_features": input_features, "edges": edges, "indices": indices,
            "W1": W1, "a1": a1, "W2": W2, "a2": a2}


def _gatv2_layer(x, src, dst, W, a, concat):
    n = x.shape[0]
    # per-head linear transform: [N, H, C]
    g = jnp.einsum('nd,hdc->nhc', x, W)
    gs = jnp.take(g, src, axis=0)  # [E, H, C] gather source
    gd = jnp.take(g, dst, axis=0)  # [E, H, C] gather destination
    # GATv2 scoring: a^T LeakyReLU(W h_i + W h_j)
    z = jax.nn.leaky_relu(gs + gd, negative_slope=0.2)
    e = jnp.einsum('ehc,hc->eh', z, a)  # [E, H]
    # segment softmax over incoming edges of each dst node
    m = jax.ops.segment_max(e, dst, num_segments=n)
    ex = jnp.exp(e - jnp.take(m, dst, axis=0))
    denom = jax.ops.segment_sum(ex, dst, num_segments=n)
    alpha = ex / (jnp.take(denom, dst, axis=0) + 1e-9)  # [E, H]
    out = jax.ops.segment_sum(alpha[:, :, None] * gs, dst, num_segments=n)  # [N, H, C]
    if concat:
        return out.reshape(n, -1)
    return out.mean(axis=1)


def reference(input_features, edges, indices, W1, a1, W2, a2):
    src = edges[0]
    dst = edges[1]
    h = _gatv2_layer(input_features, src, dst, W1, a1, concat=True)
    h = jax.nn.elu(h)
    out = _gatv2_layer(h, src, dst, W2, a2, concat=False)
    return jnp.take(out, indices, axis=0)

if __name__ == "__main__":
    import jax
    _d = setup_inputs()
    print(jax.jit(kernel)(*tuple(_d.values())))

</pallas_src>

<mosaic_0001>
#map = affine_map<(d0, d1) -> (0, 0)>
#map1 = affine_map<(d0, d1) -> (0)>
#map2 = affine_map<(d0, d1) -> (0, 0, 0)>
module attributes {stable_mosaic.version = 14 : i64} {
  func.func @k(%arg0: i32, %arg1: i32, %arg2: memref<10000x64xf32, #tpu.memory_space<hbm>>, %arg3: memref<2560x128xi32, #tpu.memory_space<hbm>>, %arg4: memref<2560x128xi32, #tpu.memory_space<hbm>>, %arg5: memref<64xf32, #tpu.memory_space<hbm>>, %arg6: memref<2x10000x80xf32, #tpu.memory_space<hbm>>, %arg7: memref<10128x80xf32, #tpu.memory_space<vmem_shared>>, %arg8: memref<128x80xf32, #tpu.memory_space<vmem>>, %arg9: memref<80x128xi32, #tpu.memory_space<vmem>>, %arg10: memref<80x128xi32, #tpu.memory_space<vmem>>, %arg11: memref<128x64xf32, #tpu.memory_space<vmem>>, %arg12: memref<128x64xf32, #tpu.memory_space<vmem>>, %arg13: memref<128x64xf32, #tpu.memory_space<vmem>>, %arg14: memref<128x64xf32, #tpu.memory_space<vmem>>, %arg15: memref<64xf32, #tpu.memory_space<vmem>>, %arg16: memref<!tpu.dma_semaphore, #tpu.memory_space<semaphore_mem>>, %arg17: memref<!tpu.dma_semaphore, #tpu.memory_space<semaphore_mem>>, %arg18: memref<!tpu.dma_semaphore, #tpu.memory_space<semaphore_mem>>) attributes {dimension_semantics = [#tpu.dimension_semantics<core_parallel>, #tpu.dimension_semantics<subcore_parallel>], iteration_bounds = array<i64: 2, 16>, scalar_prefetch = 0 : i64, scratch_operands = 12 : i64, tpu.core_type = #tpu.core_type<sc_vector_subcore>, window_params = [{transform_indices = #map}, {transform_indices = #map}, {transform_indices = #map}, {transform_indices = #map1}, {transform_indices = #map2}]} {
    %mul3A = arith.constant 2 : i32
    %mul3A_0 = arith.muli %arg1, %mul3A : i32
    %add3A = arith.addi %mul3A_0, %arg0 : i32
    %mul3A_1 = arith.constant 80 : i32
    %mul3A_2 = arith.muli %add3A, %mul3A_1 : i32
    %dma_start3A = arith.constant 0 : i32
    %dma_start3A_3 = tpu.memref_slice %arg3[%mul3A_2, %dma_start3A] : memref<2560x128xi32, #tpu.memory_space<hbm>> -> memref<80x128xi32, #tpu.memory_space<hbm>>
    %dma_start3A_4 = arith.constant 0 : i32
    %dma_start3A_5 = tpu.memref_slice %arg3[%mul3A_2, %dma_start3A_4] : memref<2560x128xi32, #tpu.memory_space<hbm>> -> memref<80x128xi32, #tpu.memory_space<hbm>>
    tpu.enqueue_dma source(%dma_start3A_5 : memref<80x128xi32, #tpu.memory_space<hbm>>) target(%arg9 : memref<80x128xi32, #tpu.memory_space<vmem>>) target_semaphore(%arg18 : memref<!tpu.dma_semaphore, #tpu.memory_space<semaphore_mem>>)
    %dma_start3A_6 = arith.constant 0 : i32
    %dma_start3A_7 = tpu.memref_slice %arg4[%mul3A_2, %dma_start3A_6] : memref<2560x128xi32, #tpu.memory_space<hbm>> -> memref<80x128xi32, #tpu.memory_space<hbm>>
    %dma_start3A_8 = arith.constant 0 : i32
    %dma_start3A_9 = tpu.memref_slice %arg4[%mul3A_2, %dma_start3A_8] : memref<2560x128xi32, #tpu.memory_space<hbm>> -> memref<80x128xi32, #tpu.memory_space<hbm>>
    tpu.enqueue_dma source(%dma_start3A_9 : memref<80x128xi32, #tpu.memory_space<hbm>>) target(%arg10 : memref<80x128xi32, #tpu.memory_space<vmem>>) target_semaphore(%arg18 : memref<!tpu.dma_semaphore, #tpu.memory_space<semaphore_mem>>)
    %broadcast_in_dim3A = arith.constant 0.000000e+00 : f32
    %broadcast_in_dim3A_10 = vector.broadcast %broadcast_in_dim3A : f32 to vector<16xf32>
    %scan3A = arith.constant 0 : i32
    %scan3A_11 = arith.constant 0 : i32
    %scan3A_12 = arith.constant 128 : i32
    %scan3A_13 = arith.addi %scan3A_11, %scan3A_12 : i32
    %scan3A_14 = arith.constant 1 : i32
    %scan3A_15 = scf.for %scan3A_179 = %scan3A_11 to %scan3A_13 step %scan3A_14 iter_args(%scan3A_180 = %scan3A) -> (i32)  : i32 {
      %swap3A = arith.index_cast %scan3A_179 : i32 to index
      %swap3A_181 = arith.constant 0 : index
      %swap3A_182 = tpu.vector_load %arg8[%swap3A, %swap3A_181] {strides = array<i32>} : memref<128x80xf32, #tpu.memory_space<vmem>>, vector<16xf32>,
      tpu.vector_store %arg8[%swap3A, %swap3A_181], %broadcast_in_dim3A_10 {strides = array<i32>} : memref<128x80xf32, #tpu.memory_space<vmem>>, vector<16xf32>,
      %swap3A_183 = arith.index_cast %scan3A_179 : i32 to index
      %swap3A_184 = arith.constant 16 : index
      %swap3A_185 = tpu.vector_load %arg8[%swap3A_183, %swap3A_184] {strides = array<i32>} : memref<128x80xf32, #tpu.memory_space<vmem>>, vector<16xf32>,
      tpu.vector_store %arg8[%swap3A_183, %swap3A_184], %broadcast_in_dim3A_10 {strides = array<i32>} : memref<128x80xf32, #tpu.memory_space<vmem>>, vector<16xf32>,
      %swap3A_186 = arith.index_cast %scan3A_179 : i32 to index
      %swap3A_187 = arith.constant 32 : index
      %swap3A_188 = tpu.vector_load %arg8[%swap3A_186, %swap3A_187] {strides = array<i32>} : memref<128x80xf32, #tpu.memory_space<vmem>>, vector<16xf32>,
      tpu.vector_store %arg8[%swap3A_186, %swap3A_187], %broadcast_in_dim3A_10 {strides = array<i32>} : memref<128x80xf32, #tpu.memory_space<vmem>>, vector<16xf32>,
      %swap3A_189 = arith.index_cast %scan3A_179 : i32 to index
      %swap3A_190 = arith.constant 48 : index
      %swap3A_191 = tpu.vector_load %arg8[%swap3A_189, %swap3A_190] {strides = array<i32>} : memref<128x80xf32, #tpu.memory_space<vmem>>, vector<16xf32>,
      tpu.vector_store %arg8[%swap3A_189, %swap3A_190], %broadcast_in_dim3A_10 {strides = array<i32>} : memref<128x80xf32, #tpu.memory_space<vmem>>, vector<16xf32>,
      %swap3A_192 = arith.index_cast %scan3A_179 : i32 to index
      %swap3A_193 = arith.constant 64 : index
      %swap3A_194 = tpu.vector_load %arg8[%swap3A_192, %swap3A_193] {strides = array<i32>} : memref<128x80xf32, #tpu.memory_space<vmem>>, vector<16xf32>,
      tpu.vector_store %arg8[%swap3A_192, %swap3A_193], %broadcast_in_dim3A_10 {strides = array<i32>} : memref<128x80xf32, #tpu.memory_space<vmem>>, vector<16xf32>,
      %scan3A_195 = arith.constant 0 : i32
      scf.yield %scan3A_195 : i32
    }
    %scan3A_16 = arith.constant 128 : i32
    %mul3A_17 = arith.constant 625 : i32
    %mul3A_18 = arith.muli %arg1, %mul3A_17 : i32
    %add3A_19 = arith.constant 0 : i32
    %add3A_20 = arith.addi %mul3A_18, %add3A_19 : i32
    "tpu.region"() ({
      %run_scoped3A_179 = tpu.sem_alloc : memref<!tpu.dma_semaphore, #tpu.memory_space<semaphore_mem>>
      %dma_start3A_180 = arith.constant 0 : i32
      %dma_start3A_181 = arith.constant 0 : i32
      %dma_start3A_182 = tpu.memref_slice %arg8[%dma_start3A_180, %dma_start3A_181] : memref<128x80xf32, #tpu.memory_space<vmem>> -> memref<125x80xf32, #tpu.memory_space<vmem>>
      %dma_start3A_183 = arith.constant 0 : i32
      %dma_start3A_184 = tpu.memref_slice %arg7[%add3A_20, %dma_start3A_183] : memref<10128x80xf32, #tpu.memory_space<vmem_shared>> -> memref<125x80xf32, #tpu.memory_space<vmem_shared>>
      %dma_start3A_185 = arith.constant 0 : i32
      %dma_start3A_186 = tpu.memref_slice %arg7[%add3A_20, %dma_start3A_185] : memref<10128x80xf32, #tpu.memory_space<vmem_shared>> -> memref<125x80xf32, #tpu.memory_space<vmem_shared>>
      %dma_start3A_187 = arith.constant 0 : i32
      %dma_start3A_188 = arith.constant 0 : i32
      %dma_start3A_189 = tpu.memref_slice %arg8[%dma_start3A_187, %dma_start3A_188] : memref<128x80xf32, #tpu.memory_space<vmem>> -> memref<125x80xf32, #tpu.memory_space<vmem>>
      tpu.enqueue_dma source(%dma_start3A_189 : memref<125x80xf32, #tpu.memory_space<vmem>>) target(%dma_start3A_186 : memref<125x80xf32, #tpu.memory_space<vmem_shared>>) target_semaphore(%run_scoped3A_179 : memref<!tpu.dma_semaphore, #tpu.memory_space<semaphore_mem>>)
      %dma_wait3A_190 = arith.constant 0 : i32
      %dma_wait3A_191 = arith.constant 0 : i32
      %dma_wait3A_192 = tpu.memref_slice %arg8[%dma_wait3A_190, %dma_wait3A_191] : memref<128x80xf32, #tpu.memory_space<vmem>> -> memref<125x80xf32, #tpu.memory_space<vmem>>
      %dma_wait3A_193 = arith.constant 0 : i32
      %dma_wait3A_194 = tpu.memref_slice %arg7[%add3A_20, %dma_wait3A_193] : memref<10128x80xf32, #tpu.memory_space<vmem_shared>> -> memref<125x80xf32, #tpu.memory_space<vmem_shared>>
      %dma_wait3A_195 = arith.constant 0 : i32
      %dma_wait3A_196 = tpu.memref_slice %arg7[%add3A_20, %dma_wait3A_195] : memref<10128x80xf32, #tpu.memory_space<vmem_shared>> -> memref<125x80xf32, #tpu.memory_space<vmem_shared>>
      %dma_wait3A_197 = arith.constant 0 : i32
      %dma_wait3A_198 = arith.constant 0 : i32
      %dma_wait3A_199 = tpu.memref_slice %arg8[%dma_wait3A_197, %dma_wait3A_198] : memref<128x80xf32, #tpu.memory_space<vmem>> -> memref<125x80xf32, #tpu.memory_space<vmem>>
      tpu.wait_dma2 semaphore(%run_scoped3A_179 : memref<!tpu.dma_semaphore, #tpu.memory_space<semaphore_mem>>) src(%dma_wait3A_199 : memref<125x80xf32, #tpu.memory_space<vmem>>) dst(%dma_wait3A_196 : memref<125x80xf32, #tpu.memory_space<vmem_shared>>)
      tpu.yield
    }) : () -> ()
    %mul3A_21 = arith.constant 625 : i32
    %mul3A_22 = arith.muli %arg1, %mul3A_21 : i32
    %add3A_23 = arith.constant 125 : i32
    %add3A_24 = arith.addi %mul3A_22, %add3A_23 : i32
    "tpu.region"() ({
      %run_scoped3A_179 = tpu.sem_alloc : memref<!tpu.dma_semaphore, #tpu.memory_space<semaphore_mem>>
      %dma_start3A_180 = arith.constant 0 : i32
      %dma_start3A_181 = arith.constant 0 : i32
      %dma_start3A_182 = tpu.memref_slice %arg8[%dma_start3A_180, %dma_start3A_181] : memref<128x80xf32, #tpu.memory_space<vmem>> -> memref<125x80xf32, #tpu.memory_space<vmem>>
      %dma_start3A_183 = arith.constant 0 : i32
      %dma_start3A_184 = tpu.memref_slice %arg7[%add3A_24, %dma_start3A_183] : memref<10128x80xf32, #tpu.memory_space<vmem_shared>> -> memref<125x80xf32, #tpu.memory_space<vmem_shared>>
      %dma_start3A_185 = arith.constant 0 : i32
      %dma_start3A_186 = tpu.memref_slice %arg7[%add3A_24, %dma_start3A_185] : memref<10128x80xf32, #tpu.memory_space<vmem_shared>> -> memref<125x80xf32, #tpu.memory_space<vmem_shared>>
      %dma_start3A_187 = arith.constant 0 : i32
      %dma_start3A_188 = arith.constant 0 : i32
      %dma_start3A_189 = tpu.memref_slice %arg8[%dma_start3A_187, %dma_start3A_188] : memref<128x80xf32, #tpu.memory_space<vmem>> -> memref<125x80xf32, #tpu.memory_space<vmem>>
      tpu.enqueue_dma source(%dma_start3A_189 : memref<125x80xf32, #tpu.memory_space<vmem>>) target(%dma_start3A_186 : memref<125x80xf32, #tpu.memory_space<vmem_shared>>) target_semaphore(%run_scoped3A_179 : memref<!tpu.dma_semaphore, #tpu.memory_space<semaphore_mem>>)
      %dma_wait3A_190 = arith.constant 0 : i32
      %dma_wait3A_191 = arith.constant 0 : i32
      %dma_wait3A_192 = tpu.memref_slice %arg8[%dma_wait3A_190, %dma_wait3A_191] : memref<128x80xf32, #tpu.memory_space<vmem>> -> memref<125x80xf32, #tpu.memory_space<vmem>>
      %dma_wait3A_193 = arith.constant 0 : i32
      %dma_wait3A_194 = tpu.memref_slice %arg7[%add3A_24, %dma_wait3A_193] : memref<10128x80xf32, #tpu.memory_space<vmem_shared>> -> memref<125x80xf32, #tpu.memory_space<vmem_shared>>
      %dma_wait3A_195 = arith.constant 0 : i32
      %dma_wait3A_196 = tpu.memref_slice %arg7[%add3A_24, %dma_wait3A_195] : memref<10128x80xf32, #tpu.memory_space<vmem_shared>> -> memref<125x80xf32, #tpu.memory_space<vmem_shared>>
      %dma_wait3A_197 = arith.constant 0 : i32
      %dma_wait3A_198 = arith.constant 0 : i32
      %dma_wait3A_199 = tpu.memref_slice %arg8[%dma_wait3A_197, %dma_wait3A_198] : memref<128x80xf32, #tpu.memory_space<vmem>> -> memref<125x80xf32, #tpu.memory_space<vmem>>
      tpu.wait_dma2 semaphore(%run_scoped3A_179 : memref<!tpu.dma_semaphore, #tpu.memory_space<semaphore_mem>>) src(%dma_wait3A_199 : memref<125x80xf32, #tpu.memory_space<vmem>>) dst(%dma_wait3A_196 : memref<125x80xf32, #tpu.memory_space<vmem_shared>>)
      tpu.yield
    }) : () -> ()
    %mul3A_25 = arith.constant 625 : i32
    %mul3A_26 = arith.muli %arg1, %mul3A_25 : i32
    %add3A_27 = arith.constant 250 : i32
    %add3A_28 = arith.addi %mul3A_26, %add3A_27 : i32
    "tpu.region"() ({
      %run_scoped3A_179 = tpu.sem_alloc : memref<!tpu.dma_semaphore, #tpu.memory_space<semaphore_mem>>
      %dma_start3A_180 = arith.constant 0 : i32
      %dma_start3A_181 = arith.constant 0 : i32
      %dma_start3A_182 = tpu.memref_slice %arg8[%dma_start3A_180, %dma_start3A_181] : memref<128x80xf32, #tpu.memory_space<vmem>> -> memref<125x80xf32, #tpu.memory_space<vmem>>
      %dma_start3A_183 = arith.constant 0 : i32
      %dma_start3A_184 = tpu.memref_slice %arg7[%add3A_28, %dma_start3A_183] : memref<10128x80xf32, #tpu.memory_space<vmem_shared>> -> memref<125x80xf32, #tpu.memory_space<vmem_shared>>
      %dma_start3A_185 = arith.constant 0 : i32
      %dma_start3A_186 = tpu.memref_slice %arg7[%add3A_28, %dma_start3A_185] : memref<10128x80xf32, #tpu.memory_space<vmem_shared>> -> memref<125x80xf32, #tpu.memory_space<vmem_shared>>
      %dma_start3A_187 = arith.constant 0 : i32
      %dma_start3A_188 = arith.constant 0 : i32
      %dma_start3A_189 = tpu.memref_slice %arg8[%dma_start3A_187, %dma_start3A_188] : memref<128x80xf32, #tpu.memory_space<vmem>> -> memref<125x80xf32, #tpu.memory_space<vmem>>
      tpu.enqueue_dma source(%dma_start3A_189 : memref<125x80xf32, #tpu.memory_space<vmem>>) target(%dma_start3A_186 : memref<125x80xf32, #tpu.memory_space<vmem_shared>>) target_semaphore(%run_scoped3A_179 : memref<!tpu.dma_semaphore, #tpu.memory_space<semaphore_mem>>)
      %dma_wait3A_190 = arith.constant 0 : i32
      %dma_wait3A_191 = arith.constant 0 : i32
      %dma_wait3A_192 = tpu.memref_slice %arg8[%dma_wait3A_190, %dma_wait3A_191] : memref<128x80xf32, #tpu.memory_space<vmem>> -> memref<125x80xf32, #tpu.memory_space<vmem>>
      %dma_wait3A_193 = arith.constant 0 : i32
      %dma_wait3A_194 = tpu.memref_slice %arg7[%add3A_28, %dma_wait3A_193] : memref<10128x80xf32, #tpu.memory_space<vmem_shared>> -> memref<125x80xf32, #tpu.memory_space<vmem_shared>>
      %dma_wait3A_195 = arith.constant 0 : i32
      %dma_wait3A_196 = tpu.memref_slice %arg7[%add3A_28, %dma_wait3A_195] : memref<10128x80xf32, #tpu.memory_space<vmem_shared>> -> memref<125x80xf32, #tpu.memory_space<vmem_shared>>
      %dma_wait3A_197 = arith.constant 0 : i32
      %dma_wait3A_198 = arith.constant 0 : i32
      %dma_wait3A_199 = tpu.memref_slice %arg8[%dma_wait3A_197, %dma_wait3A_198] : memref<128x80xf32, #tpu.memory_space<vmem>> -> memref<125x80xf32, #tpu.memory_space<vmem>>
      tpu.wait_dma2 semaphore(%run_scoped3A_179 : memref<!tpu.dma_semaphore, #tpu.memory_space<semaphore_mem>>) src(%dma_wait3A_199 : memref<125x80xf32, #tpu.memory_space<vmem>>) dst(%dma_wait3A_196 : memref<125x80xf32, #tpu.memory_space<vmem_shared>>)
      tpu.yield
    }) : () -> ()
    %mul3A_29 = arith.constant 625 : i32
    %mul3A_30 = arith.muli %arg1, %mul3A_29 : i32
    %add3A_31 = arith.constant 375 : i32
    %add3A_32 = arith.addi %mul3A_30, %add3A_31 : i32
    "tpu.region"() ({
      %run_scoped3A_179 = tpu.sem_alloc : memref<!tpu.dma_semaphore, #tpu.memory_space<semaphore_mem>>
      %dma_start3A_180 = arith.constant 0 : i32
      %dma_start3A_181 = arith.constant 0 : i32
      %dma_start3A_182 = tpu.memref_slice %arg8[%dma_start3A_180, %dma_start3A_181] : memref<128x80xf32, #tpu.memory_space<vmem>> -> memref<125x80xf32, #tpu.memory_space<vmem>>
      %dma_start3A_183 = arith.constant 0 : i32
      %dma_start3A_184 = tpu.memref_slice %arg7[%add3A_32, %dma_start3A_183] : memref<10128x80xf32, #tpu.memory_space<vmem_shared>> -> memref<125x80xf32, #tpu.memory_space<vmem_shared>>
      %dma_start3A_185 = arith.constant 0 : i32
      %dma_start3A_186 = tpu.memref_slice %arg7[%add3A_32, %dma_start3A_185] : memref<10128x80xf32, #tpu.memory_space<vmem_shared>> -> memref<125x80xf32, #tpu.memory_space<vmem_shared>>
      %dma_start3A_187 = arith.constant 0 : i32
      %dma_start3A_188 = arith.constant 0 : i32
      %dma_start3A_189 = tpu.memref_slice %arg8[%dma_start3A_187, %dma_start3A_188] : memref<128x80xf32, #tpu.memory_space<vmem>> -> memref<125x80xf32, #tpu.memory_space<vmem>>
      tpu.enqueue_dma source(%dma_start3A_189 : memref<125x80xf32, #tpu.memory_space<vmem>>) target(%dma_start3A_186 : memref<125x80xf32, #tpu.memory_space<vmem_shared>>) target_semaphore(%run_scoped3A_179 : memref<!tpu.dma_semaphore, #tpu.memory_space<semaphore_mem>>)
      %dma_wait3A_190 = arith.constant 0 : i32
      %dma_wait3A_191 = arith.constant 0 : i32
      %dma_wait3A_192 = tpu.memref_slice %arg8[%dma_wait3A_190, %dma_wait3A_191] : memref<128x80xf32, #tpu.memory_space<vmem>> -> memref<125x80xf32, #tpu.memory_space<vmem>>
      %dma_wait3A_193 = arith.constant 0 : i32
      %dma_wait3A_194 = tpu.memref_slice %arg7[%add3A_32, %dma_wait3A_193] : memref<10128x80xf32, #tpu.memory_space<vmem_shared>> -> memref<125x80xf32, #tpu.memory_space<vmem_shared>>
      %dma_wait3A_195 = arith.constant 0 : i32
      %dma_wait3A_196 = tpu.memref_slice %arg7[%add3A_32, %dma_wait3A_195] : memref<10128x80xf32, #tpu.memory_space<vmem_shared>> -> memref<125x80xf32, #tpu.memory_space<vmem_shared>>
      %dma_wait3A_197 = arith.constant 0 : i32
      %dma_wait3A_198 = arith.constant 0 : i32
      %dma_wait3A_199 = tpu.memref_slice %arg8[%dma_wait3A_197, %dma_wait3A_198] : memref<128x80xf32, #tpu.memory_space<vmem>> -> memref<125x80xf32, #tpu.memory_space<vmem>>
      tpu.wait_dma2 semaphore(%run_scoped3A_179 : memref<!tpu.dma_semaphore, #tpu.memory_space<semaphore_mem>>) src(%dma_wait3A_199 : memref<125x80xf32, #tpu.memory_space<vmem>>) dst(%dma_wait3A_196 : memref<125x80xf32, #tpu.memory_space<vmem_shared>>)
      tpu.yield
    }) : () -> ()
    %mul3A_33 = arith.constant 625 : i32
    %mul3A_34 = arith.muli %arg1, %mul3A_33 : i32
    %add3A_35 = arith.constant 500 : i32
    %add3A_36 = arith.addi %mul3A_34, %add3A_35 : i32
    "tpu.region"() ({
      %run_scoped3A_179 = tpu.sem_alloc : memref<!tpu.dma_semaphore, #tpu.memory_space<semaphore_mem>>
      %dma_start3A_180 = arith.constant 0 : i32
      %dma_start3A_181 = arith.constant 0 : i32
      %dma_start3A_182 = tpu.memref_slice %arg8[%dma_start3A_180, %dma_start3A_181] : memref<128x80xf32, #tpu.memory_space<vmem>> -> memref<125x80xf32, #tpu.memory_space<vmem>>
      %dma_start3A_183 = arith.constant 0 : i32
      %dma_start3A_184 = tpu.memref_slice %arg7[%add3A_36, %dma_start3A_183] : memref<10128x80xf32, #tpu.memory_space<vmem_shared>> -> memref<125x80xf32, #tpu.memory_space<vmem_shared>>
      %dma_start3A_185 = arith.constant 0 : i32
      %dma_start3A_186 = tpu.memref_slice %arg7[%add3A_36, %dma_start3A_185] : memref<10128x80xf32, #tpu.memory_space<vmem_shared>> -> memref<125x80xf32, #tpu.memory_space<vmem_shared>>
      %dma_start3A_187 = arith.constant 0 : i32
      %dma_start3A_188 = arith.constant 0 : i32
      %dma_start3A_189 = tpu.memref_slice %arg8[%dma_start3A_187, %dma_start3A_188] : memref<128x80xf32, #tpu.memory_space<vmem>> -> memref<125x80xf32, #tpu.memory_space<vmem>>
      tpu.enqueue_dma source(%dma_start3A_189 : memref<125x80xf32, #tpu.memory_space<vmem>>) target(%dma_start3A_186 : memref<125x80xf32, #tpu.memory_space<vmem_shared>>) target_semaphore(%run_scoped3A_179 : memref<!tpu.dma_semaphore, #tpu.memory_space<semaphore_mem>>)
      %dma_wait3A_190 = arith.constant 0 : i32
      %dma_wait3A_191 = arith.constant 0 : i32
      %dma_wait3A_192 = tpu.memref_slice %arg8[%dma_wait3A_190, %dma_wait3A_191] : memref<128x80xf32, #tpu.memory_space<vmem>> -> memref<125x80xf32, #tpu.memory_space<vmem>>
      %dma_wait3A_193 = arith.constant 0 : i32
      %dma_wait3A_194 = tpu.memref_slice %arg7[%add3A_36, %dma_wait3A_193] : memref<10128x80xf32, #tpu.memory_space<vmem_shared>> -> memref<125x80xf32, #tpu.memory_space<vmem_shared>>
      %dma_wait3A_195 = arith.constant 0 : i32
      %dma_wait3A_196 = tpu.memref_slice %arg7[%add3A_36, %dma_wait3A_195] : memref<10128x80xf32, #tpu.memory_space<vmem_shared>> -> memref<125x80xf32, #tpu.memory_space<vmem_shared>>
      %dma_wait3A_197 = arith.constant 0 : i32
      %dma_wait3A_198 = arith.constant 0 : i32
      %dma_wait3A_199 = tpu.memref_slice %arg8[%dma_wait3A_197, %dma_wait3A_198] : memref<128x80xf32, #tpu.memory_space<vmem>> -> memref<125x80xf32, #tpu.memory_space<vmem>>
      tpu.wait_dma2 semaphore(%run_scoped3A_179 : memref<!tpu.dma_semaphore, #tpu.memory_space<semaphore_mem>>) src(%dma_wait3A_199 : memref<125x80xf32, #tpu.memory_space<vmem>>) dst(%dma_wait3A_196 : memref<125x80xf32, #tpu.memory_space<vmem_shared>>)
      tpu.yield
    }) : () -> ()
    %eq3A = arith.constant 0 : i32
    %eq3A_37 = arith.cmpi eq, %arg1, %eq3A : i32
    %convert_element_type3A = arith.extui %eq3A_37 : i1 to i32
    %cond3A = arith.constant 0 : i32
    %cond3A_38 = arith.cmpi ne, %convert_element_type3A, %cond3A : i32
    scf.if %cond3A_38 {
      "tpu.region"() ({
        %run_scoped3A_179 = tpu.sem_alloc : memref<!tpu.dma_semaphore, #tpu.memory_space<semaphore_mem>>
        %dma_start3A_180 = arith.constant 0 : i32
        %dma_start3A_181 = arith.constant 0 : i32
        %dma_start3A_182 = tpu.memref_slice %arg8[%dma_start3A_180, %dma_start3A_181] : memref<128x80xf32, #tpu.memory_space<vmem>> -> memref<128x80xf32, #tpu.memory_space<vmem>>
        %dma_start3A_183 = arith.constant 10000 : i32
        %dma_start3A_184 = arith.constant 0 : i32
        %dma_start3A_185 = tpu.memref_slice %arg7[%dma_start3A_183, %dma_start3A_184] : memref<10128x80xf32, #tpu.memory_space<vmem_shared>> -> memref<128x80xf32, #tpu.memory_space<vmem_shared>>
        %dma_start3A_186 = arith.constant 10000 : i32
        %dma_start3A_187 = arith.constant 0 : i32
        %dma_start3A_188 = tpu.memref_slice %arg7[%dma_start3A_186, %dma_start3A_187] : memref<10128x80xf32, #tpu.memory_space<vmem_shared>> -> memref<128x80xf32, #tpu.memory_space<vmem_shared>>
        %dma_start3A_189 = arith.constant 0 : i32
        %dma_start3A_190 = arith.constant 0 : i32
        %dma_start3A_191 = tpu.memref_slice %arg8[%dma_start3A_189, %dma_start3A_190] : memref<128x80xf32, #tpu.memory_space<vmem>> -> memref<128x80xf32, #tpu.memory_space<vmem>>
        tpu.enqueue_dma source(%dma_start3A_191 : memref<128x80xf32, #tpu.memory_space<vmem>>) target(%dma_start3A_188 : memref<128x80xf32, #tpu.memory_space<vmem_shared>>) target_semaphore(%run_scoped3A_179 : memref<!tpu.dma_semaphore, #tpu.memory_space<semaphore_mem>>)
        %dma_wait3A_192 = arith.constant 0 : i32
        %dma_wait3A_193 = arith.constant 0 : i32
        %dma_wait3A_194 = tpu.memref_slice %arg8[%dma_wait3A_192, %dma_wait3A_193] : memref<128x80xf32, #tpu.memory_space<vmem>> -> memref<128x80xf32, #tpu.memory_space<vmem>>
        %dma_wait3A_195 = arith.constant 10000 : i32
        %dma_wait3A_196 = arith.constant 0 : i32
        %dma_wait3A_197 = tpu.memref_slice %arg7[%dma_wait3A_195, %dma_wait3A_196] : memref<10128x80xf32, #tpu.memory_space<vmem_shared>> -> memref<128x80xf32, #tpu.memory_space<vmem_shared>>
        %dma_wait3A_198 = arith.constant 10000 : i32
        %dma_wait3A_199 = arith.constant 0 : i32
        %dma_wait3A_200 = tpu.memref_slice %arg7[%dma_wait3A_198, %dma_wait3A_199] : memref<10128x80xf32, #tpu.memory_space<vmem_shared>> -> memref<128x80xf32, #tpu.memory_space<vmem_shared>>
        %dma_wait3A_201 = arith.constant 0 : i32
        %dma_wait3A_202 = arith.constant 0 : i32
        %dma_wait3A_203 = tpu.memref_slice %arg8[%dma_wait3A_201, %dma_wait3A_202] : memref<128x80xf32, #tpu.memory_space<vmem>> -> memref<128x80xf32, #tpu.memory_space<vmem>>
        tpu.wait_dma2 semaphore(%run_scoped3A_179 : memref<!tpu.dma_semaphore, #tpu.memory_space<semaphore_mem>>) src(%dma_wait3A_203 : memref<128x80xf32, #tpu.memory_space<vmem>>) dst(%dma_wait3A_200 : memref<128x80xf32, #tpu.memory_space<vmem_shared>>)
        tpu.yield
      }) : () -> ()
    } else {
    }
    "tpu.region"() ({
      %run_scoped3A_179 = tpu.sem_alloc : memref<!tpu.dma_semaphore, #tpu.memory_space<semaphore_mem>>
      tpu.enqueue_dma source(%arg5 : memref<64xf32, #tpu.memory_space<hbm>>) target(%arg15 : memref<64xf32, #tpu.memory_space<vmem>>) target_semaphore(%run_scoped3A_179 : memref<!tpu.dma_semaphore, #tpu.memory_space<semaphore_mem>>)
      tpu.wait_dma2 semaphore(%run_scoped3A_179 : memref<!tpu.dma_semaphore, #tpu.memory_space<semaphore_mem>>) src(%arg5 : memref<64xf32, #tpu.memory_space<hbm>>) dst(%arg15 : memref<64xf32, #tpu.memory_space<vmem>>)
      tpu.yield
    }) : () -> ()
    %get3A = arith.constant 0 : index
    %get3A_39 = tpu.vector_load %arg15[%get3A] {strides = array<i32>} : memref<64xf32, #tpu.memory_space<vmem>>, vector<16xf32>,
    %get3A_40 = arith.constant 16 : index
    %get3A_41 = tpu.vector_load %arg15[%get3A_40] {strides = array<i32>} : memref<64xf32, #tpu.memory_space<vmem>>, vector<16xf32>,
    %get3A_42 = arith.constant 32 : index
    %get3A_43 = tpu.vector_load %arg15[%get3A_42] {strides = array<i32>} : memref<64xf32, #tpu.memory_space<vmem>>, vector<16xf32>,
    %get3A_44 = arith.constant 48 : index
    %get3A_45 = tpu.vector_load %arg15[%get3A_44] {strides = array<i32>} : memref<64xf32, #tpu.memory_space<vmem>>, vector<16xf32>,
    %dma_wait3A = arith.constant 0 : i32
    %dma_wait3A_46 = arith.constant 0 : i32
    %dma_wait3A_47 = tpu.memref_slice %arg3[%dma_wait3A, %dma_wait3A_46] : memref<2560x128xi32, #tpu.memory_space<hbm>> -> memref<80x128xi32, #tpu.memory_space<hbm>>
    %dma_wait3A_48 = arith.constant 0 : i32
    %dma_wait3A_49 = arith.constant 0 : i32
    %dma_wait3A_50 = tpu.memref_slice %arg3[%dma_wait3A_48, %dma_wait3A_49] : memref<2560x128xi32, #tpu.memory_space<hbm>> -> memref<80x128xi32, #tpu.memory_space<hbm>>
    tpu.wait_dma2 semaphore(%arg18 : memref<!tpu.dma_semaphore, #tpu.memory_space<semaphore_mem>>) src(%dma_wait3A_50 : memref<80x128xi32, #tpu.memory_space<hbm>>) dst(%arg9 : memref<80x128xi32, #tpu.memory_space<vmem>>)
    %dma_wait3A_51 = arith.constant 0 : i32
    %dma_wait3A_52 = arith.constant 0 : i32
    %dma_wait3A_53 = tpu.memref_slice %arg3[%dma_wait3A_51, %dma_wait3A_52] : memref<2560x128xi32, #tpu.memory_space<hbm>> -> memref<80x128xi32, #tpu.memory_space<hbm>>
    %dma_wait3A_54 = arith.constant 0 : i32
    %dma_wait3A_55 = arith.constant 0 : i32
    %dma_wait3A_56 = tpu.memref_slice %arg3[%dma_wait3A_54, %dma_wait3A_55] : memref<2560x128xi32, #tpu.memory_space<hbm>> -> memref<80x128xi32, #tpu.memory_space<hbm>>
    tpu.wait_dma2 semaphore(%arg18 : memref<!tpu.dma_semaphore, #tpu.memory_space<semaphore_mem>>) src(%dma_wait3A_56 : memref<80x128xi32, #tpu.memory_space<hbm>>) dst(%arg9 : memref<80x128xi32, #tpu.memory_space<vmem>>)
    %dma_start3A_57 = arith.constant 0 : i32
    %dma_start3A_58 = arith.constant 0 : i32
    %dma_start3A_59 = arith.constant 0 : i32
    %dma_start3A_60 = tpu.memref_slice %arg11[%dma_start3A_58, %dma_start3A_59] : memref<128x64xf32, #tpu.memory_space<vmem>> -> memref<128x64xf32, #tpu.memory_space<vmem>>
    %dma_start3A_61 = arith.constant 0 : i32
    %dma_start3A_62 = tpu.memref_slice %arg9[%dma_start3A_57, %dma_start3A_61] : memref<80x128xi32, #tpu.memory_space<vmem>> -> memref<1x128xi32, #tpu.memory_space<vmem>>
    %dma_start3A_63 = tpu.memref_squeeze %dma_start3A_62 : memref<1x128xi32, #tpu.memory_space<vmem>> -> memref<128xi32, #tpu.memory_space<vmem>>
    %dma_start3A_64 = arith.constant 0 : i32
    %dma_start3A_65 = arith.constant 0 : i32
    %dma_start3A_66 = tpu.memref_slice %arg2[%dma_start3A_64, %dma_start3A_65] : memref<10000x64xf32, #tpu.memory_space<hbm>> -> memref<10000x64xf32, #tpu.memory_space<hbm>>
    tpu.enqueue_indirect_dma source(%dma_start3A_66 : memref<10000x64xf32, #tpu.memory_space<hbm>>) target(%dma_start3A_60 : memref<128x64xf32, #tpu.memory_space<vmem>>) offsets(%dma_start3A_63 : memref<128xi32, #tpu.memory_space<vmem>>) semaphore(%arg16 : memref<!tpu.dma_semaphore, #tpu.memory_space<semaphore_mem>>)
    %dma_start3A_67 = arith.constant 0 : i32
    %dma_start3A_68 = arith.constant 0 : i32
    %dma_start3A_69 = arith.constant 0 : i32
    %dma_start3A_70 = tpu.memref_slice %arg13[%dma_start3A_68, %dma_start3A_69] : memref<128x64xf32, #tpu.memory_space<vmem>> -> memref<128x64xf32, #tpu.memory_space<vmem>>
    %dma_start3A_71 = arith.constant 0 : i32
    %dma_start3A_72 = tpu.memref_slice %arg10[%dma_start3A_67, %dma_start3A_71] : memref<80x128xi32, #tpu.memory_space<vmem>> -> memref<1x128xi32, #tpu.memory_space<vmem>>
    %dma_start3A_73 = tpu.memref_squeeze %dma_start3A_72 : memref<1x128xi32, #tpu.memory_space<vmem>> -> memref<128xi32, #tpu.memory_space<vmem>>
    %dma_start3A_74 = arith.constant 0 : i32
    %dma_start3A_75 = arith.constant 0 : i32
    %dma_start3A_76 = tpu.memref_slice %arg2[%dma_start3A_74, %dma_start3A_75] : memref<10000x64xf32, #tpu.memory_space<hbm>> -> memref<10000x64xf32, #tpu.memory_space<hbm>>
    tpu.enqueue_indirect_dma source(%dma_start3A_76 : memref<10000x64xf32, #tpu.memory_space<hbm>>) target(%dma_start3A_70 : memref<128x64xf32, #tpu.memory_space<vmem>>) offsets(%dma_start3A_73 : memref<128xi32, #tpu.memory_space<vmem>>) semaphore(%arg16 : memref<!tpu.dma_semaphore, #tpu.memory_space<semaphore_mem>>)
    %dma_start3A_77 = arith.constant 1 : i32
    %dma_start3A_78 = arith.constant 0 : i32
    %dma_start3A_79 = arith.constant 0 : i32
    %dma_start3A_80 = tpu.memref_slice %arg12[%dma_start3A_78, %dma_start3A_79] : memref<128x64xf32, #tpu.memory_space<vmem>> -> memref<128x64xf32, #tpu.memory_space<vmem>>
    %dma_start3A_81 = arith.constant 0 : i32
    %dma_start3A_82 = tpu.memref_slice %arg9[%dma_start3A_77, %dma_start3A_81] : memref<80x128xi32, #tpu.memory_space<vmem>> -> memref<1x128xi32, #tpu.memory_space<vmem>>
    %dma_start3A_83 = tpu.memref_squeeze %dma_start3A_82 : memref<1x128xi32, #tpu.memory_space<vmem>> -> memref<128xi32, #tpu.memory_space<vmem>>
    %dma_start3A_84 = arith.constant 0 : i32
    %dma_start3A_85 = arith.constant 0 : i32
    %dma_start3A_86 = tpu.memref_slice %arg2[%dma_start3A_84, %dma_start3A_85] : memref<10000x64xf32, #tpu.memory_space<hbm>> -> memref<10000x64xf32, #tpu.memory_space<hbm>>
    tpu.enqueue_indirect_dma source(%dma_start3A_86 : memref<10000x64xf32, #tpu.memory_space<hbm>>) target(%dma_start3A_80 : memref<128x64xf32, #tpu.memory_space<vmem>>) offsets(%dma_start3A_83 : memref<128xi32, #tpu.memory_space<vmem>>) semaphore(%arg17 : memref<!tpu.dma_semaphore, #tpu.memory_space<semaphore_mem>>)
    %dma_start3A_87 = arith.constant 1 : i32
    %dma_start3A_88 = arith.constant 0 : i32
    %dma_start3A_89 = arith.constant 0 : i32
    %dma_start3A_90 = tpu.memref_slice %arg14[%dma_start3A_88, %dma_start3A_89] : memref<128x64xf32, #tpu.memory_space<vmem>> -> memref<128x64xf32, #tpu.memory_space<vmem>>
    %dma_start3A_91 = arith.constant 0 : i32
    %dma_start3A_92 = tpu.memref_slice %arg10[%dma_start3A_87, %dma_start3A_91] : memref<80x128xi32, #tpu.memory_space<vmem>> -> memref<1x128xi32, #tpu.memory_space<vmem>>
    %dma_start3A_93 = tpu.memref_squeeze %dma_start3A_92 : memref<1x128xi32, #tpu.memory_space<vmem>> -> memref<128xi32, #tpu.memory_space<vmem>>
    %dma_start3A_94 = arith.constant 0 : i32
    %dma_start3A_95 = arith.constant 0 : i32
    %dma_start3A_96 = tpu.memref_slice %arg2[%dma_start3A_94, %dma_start3A_95] : memref<10000x64xf32, #tpu.memory_space<hbm>> -> memref<10000x64xf32, #tpu.memory_space<hbm>>
    tpu.enqueue_indirect_dma source(%dma_start3A_96 : memref<10000x64xf32, #tpu.memory_space<hbm>>) target(%dma_start3A_90 : memref<128x64xf32, #tpu.memory_space<vmem>>) offsets(%dma_start3A_93 : memref<128xi32, #tpu.memory_space<vmem>>) semaphore(%arg17 : memref<!tpu.dma_semaphore, #tpu.memory_space<semaphore_mem>>)
    %barrier3A = arith.constant 0 : index
    tpu.barrier barrier_id(%barrier3A)
    %scan3A_97 = arith.constant 0 : i32
    %scan3A_98 = arith.constant 0 : i32
    %scan3A_99 = arith.constant 39 : i32
    %scan3A_100 = arith.addi %scan3A_98, %scan3A_99 : i32
    %scan3A_101 = arith.constant 1 : i32
    %scan3A_102 = scf.for %scan3A_179 = %scan3A_98 to %scan3A_100 step %scan3A_101 iter_args(%scan3A_180 = %scan3A_97) -> (i32)  : i32 {
      %mul3A_181 = arith.constant 2 : i32
      %mul3A_182 = arith.muli %scan3A_179, %mul3A_181 : i32
      %add3A_183 = arith.constant 0 : i32
      %add3A_184 = arith.addi %mul3A_182, %add3A_183 : i32
      %dma_wait3A_185 = arith.constant 0 : i32
      %dma_wait3A_186 = arith.constant 0 : i32
      %dma_wait3A_187 = tpu.memref_slice %arg11[%dma_wait3A_185, %dma_wait3A_186] : memref<128x64xf32, #tpu.memory_space<vmem>> -> memref<128x64xf32, #tpu.memory_space<vmem>>
      %dma_wait3A_188 = arith.constant 0 : i32
      %dma_wait3A_189 = arith.constant 0 : i32
      %dma_wait3A_190 = tpu.memref_slice %arg2[%dma_wait3A_188, %dma_wait3A_189] : memref<10000x64xf32, #tpu.memory_space<hbm>> -> memref<128x64xf32, #tpu.memory_space<hbm>>
      %dma_wait3A_191 = arith.constant 0 : i32
      %dma_wait3A_192 = arith.constant 0 : i32
      %dma_wait3A_193 = tpu.memref_slice %arg11[%dma_wait3A_191, %dma_wait3A_192] : memref<128x64xf32, #tpu.memory_space<vmem>> -> memref<128x64xf32, #tpu.memory_space<vmem>>
      %dma_wait3A_194 = arith.constant 0 : i32
      %dma_wait3A_195 = arith.constant 0 : i32
      %dma_wait3A_196 = tpu.memref_slice %arg2[%dma_wait3A_194, %dma_wait3A_195] : memref<10000x64xf32, #tpu.memory_space<hbm>> -> memref<128x64xf32, #tpu.memory_space<hbm>>
      tpu.wait_dma2 semaphore(%arg16 : memref<!tpu.dma_semaphore, #tpu.memory_space<semaphore_mem>>) src(%dma_wait3A_196 : memref<128x64xf32, #tpu.memory_space<hbm>>) dst(%dma_wait3A_193 : memref<128x64xf32, #tpu.memory_space<vmem>>)
      %dma_wait3A_197 = arith.constant 0 : i32
      %dma_wait3A_198 = arith.constant 0 : i32
      %dma_wait3A_199 = tpu.memref_slice %arg11[%dma_wait3A_197, %dma_wait3A_198] : memref<128x64xf32, #tpu.memory_space<vmem>> -> memref<128x64xf32, #tpu.memory_space<vmem>>
      %dma_wait3A_200 = arith.constant 0 : i32
      %dma_wait3A_201 = arith.constant 0 : i32
      %dma_wait3A_202 = tpu.memref_slice %arg2[%dma_wait3A_200, %dma_wait3A_201] : memref<10000x64xf32, #tpu.memory_space<hbm>> -> memref<128x64xf32, #tpu.memory_space<hbm>>
      %dma_wait3A_203 = arith.constant 0 : i32
      %dma_wait3A_204 = arith.constant 0 : i32
      %dma_wait3A_205 = tpu.memref_slice %arg11[%dma_wait3A_203, %dma_wait3A_204] : memref<128x64xf32, #tpu.memory_space<vmem>> -> memref<128x64xf32, #tpu.memory_space<vmem>>
      %dma_wait3A_206 = arith.constant 0 : i32
      %dma_wait3A_207 = arith.constant 0 : i32
      %dma_wait3A_208 = tpu.memref_slice %arg2[%dma_wait3A_206, %dma_wait3A_207] : memref<10000x64xf32, #tpu.memory_space<hbm>> -> memref<128x64xf32, #tpu.memory_space<hbm>>
      tpu.wait_dma2 semaphore(%arg16 : memref<!tpu.dma_semaphore, #tpu.memory_space<semaphore_mem>>) src(%dma_wait3A_208 : memref<128x64xf32, #tpu.memory_space<hbm>>) dst(%dma_wait3A_205 : memref<128x64xf32, #tpu.memory_space<vmem>>)
      %parallel_loop3A_209 = arith.constant 0 : i32
      %parallel_loop3A_210 = arith.constant 128 : i32
      %parallel_loop3A_211 = arith.constant 1 : i32
      scf.for %parallel_loop3A_308 = %parallel_loop3A_209 to %parallel_loop3A_210 step %parallel_loop3A_211  : i32 {
        %parallel_loop3A_309 = arith.index_cast %parallel_loop3A_308 : i32 to index
        %parallel_loop3A_310 = arith.constant 0 : index
        %parallel_loop3A_311 = tpu.vector_load %arg11[%parallel_loop3A_309, %parallel_loop3A_310] {strides = array<i32>} : memref<128x64xf32, #tpu.memory_space<vmem>>, vector<16xf32>,
        %parallel_loop3A_312 = arith.index_cast %parallel_loop3A_308 : i32 to index
        %parallel_loop3A_313 = arith.constant 0 : index
        %parallel_loop3A_314 = tpu.vector_load %arg13[%parallel_loop3A_312, %parallel_loop3A_313] {strides = array<i32>} : memref<128x64xf32, #tpu.memory_space<vmem>>, vector<16xf32>,
        %parallel_loop3A_315 = arith.addf %parallel_loop3A_311, %parallel_loop3A_314 : vector<16xf32>
        %parallel_loop3A_316 = arith.constant 2.000000e-01 : f32
        %parallel_loop3A_317 = vector.broadcast %parallel_loop3A_316 : f32 to vector<16xf32>
        %parallel_loop3A_318 = arith.mulf %parallel_loop3A_315, %parallel_loop3A_317 : vector<16xf32>
        %parallel_loop3A_319 = arith.maximumf %parallel_loop3A_315, %parallel_loop3A_318 : vector<16xf32>
        %parallel_loop3A_320 = arith.mulf %get3A_39, %parallel_loop3A_319 : vector<16xf32>
        %parallel_loop3A_321 = arith.index_cast %parallel_loop3A_308 : i32 to index
        %parallel_loop3A_322 = arith.constant 16 : index
        %parallel_loop3A_323 = tpu.vector_load %arg11[%parallel_loop3A_321, %parallel_loop3A_322] {strides = array<i32>} : memref<128x64xf32, #tpu.memory_space<vmem>>, vector<16xf32>,
        %parallel_loop3A_324 = arith.index_cast %parallel_loop3A_308 : i32 to index
        %parallel_loop3A_325 = arith.constant 16 : index
        %parallel_loop3A_326 = tpu.vector_load %arg13[%parallel_loop3A_324, %parallel_loop3A_325] {strides = array<i32>} : memref<128x64xf32, #tpu.memory_space<vmem>>, vector<16xf32>,
        %parallel_loop3A_327 = arith.addf %parallel_loop3A_323, %parallel_loop3A_326 : vector<16xf32>
        %parallel_loop3A_328 = arith.constant 2.000000e-01 : f32
        %parallel_loop3A_329 = vector.broadcast %parallel_loop3A_328 : f32 to vector<16xf32>
        %parallel_loop3A_330 = arith.mulf %parallel_loop3A_327, %parallel_loop3A_329 : vector<16xf32>
        %parallel_loop3A_331 = arith.maximumf %parallel_loop3A_327, %parallel_loop3A_330 : vector<16xf32>
        %parallel_loop3A_332 = arith.mulf %get3A_41, %parallel_loop3A_331 : vector<16xf32>
        %parallel_loop3A_333 = arith.addf %parallel_loop3A_320, %parallel_loop3A_332 : vector<16xf32>
        %parallel_loop3A_334 = arith.index_cast %parallel_loop3A_308 : i32 to index
        %parallel_loop3A_335 = arith.constant 32 : index
        %parallel_loop3A_336 = tpu.vector_load %arg11[%parallel_loop3A_334, %parallel_loop3A_335] {strides = array<i32>} : memref<128x64xf32, #tpu.memory_space<vmem>>, vector<16xf32>,
        %parallel_loop3A_337 = arith.index_cast %parallel_loop3A_308 : i32 to index
        %parallel_loop3A_338 = arith.constant 32 : index
        %parallel_loop3A_339 = tpu.vector_load %arg13[%parallel_loop3A_337, %parallel_loop3A_338] {strides = array<i32>} : memref<128x64xf32, #tpu.memory_space<vmem>>, vector<16xf32>,
        %parallel_loop3A_340 = arith.addf %parallel_loop3A_336, %parallel_loop3A_339 : vector<16xf32>
        %parallel_loop3A_341 = arith.constant 2.000000e-01 : f32
        %parallel_loop3A_342 = vector.broadcast %parallel_loop3A_341 : f32 to vector<16xf32>
        %parallel_loop3A_343 = arith.mulf %parallel_loop3A_340, %parallel_loop3A_342 : vector<16xf32>
        %parallel_loop3A_344 = arith.maximumf %parallel_loop3A_340, %parallel_loop3A_343 : vector<16xf32>
        %parallel_loop3A_345 = arith.mulf %get3A_43, %parallel_loop3A_344 : vector<16xf32>
        %parallel_loop3A_346 = arith.addf %parallel_loop3A_333, %parallel_loop3A_345 : vector<16xf32>
        %parallel_loop3A_347 = arith.index_cast %parallel_loop3A_308 : i32 to index
        %parallel_loop3A_348 = arith.constant 48 : index
        %parallel_loop3A_349 = tpu.vector_load %arg11[%parallel_loop3A_347, %parallel_loop3A_348] {strides = array<i32>} : memref<128x64xf32, #tpu.memory_space<vmem>>, vector<16xf32>,
        %parallel_loop3A_350 = arith.index_cast %parallel_loop3A_308 : i32 to index
        %parallel_loop3A_351 = arith.constant 48 : index
        %parallel_loop3A_352 = tpu.vector_load %arg13[%parallel_loop3A_350, %parallel_loop3A_351] {strides = array<i32>} : memref<128x64xf32, #tpu.memory_space<vmem>>, vector<16xf32>,
        %parallel_loop3A_353 = arith.addf %parallel_loop3A_349, %parallel_loop3A_352 : vector<16xf32>
        %parallel_loop3A_354 = arith.constant 2.000000e-01 : f32
        %parallel_loop3A_355 = vector.broadcast %parallel_loop3A_354 : f32 to vector<16xf32>
        %parallel_loop3A_356 = arith.mulf %parallel_loop3A_353, %parallel_loop3A_355 : vector<16xf32>
        %parallel_loop3A_357 = arith.maximumf %parallel_loop3A_353, %parallel_loop3A_356 : vector<16xf32>
        %parallel_loop3A_358 = arith.mulf %get3A_45, %parallel_loop3A_357 : vector<16xf32>
        %parallel_loop3A_359 = arith.addf %parallel_loop3A_346, %parallel_loop3A_358 : vector<16xf32>
        %parallel_loop3A_360 = tpu.iota {dimensions = array<i32: 0>} : vector<16xi32>
        %parallel_loop3A_361 = arith.constant 8 : i32
        %parallel_loop3A_362 = vector.broadcast %parallel_loop3A_361 : i32 to vector<16xi32>
        %parallel_loop3A_363 = arith.xori %parallel_loop3A_360, %parallel_loop3A_362 : vector<16xi32>
        %parallel_loop3A_364 = vector.shape_cast %parallel_loop3A_363 : vector<16xi32> to vector<16x1xi32>
        %parallel_loop3A_365 = vector.shape_cast %parallel_loop3A_364 : vector<16x1xi32> to vector<16xi32>
        %parallel_loop3A_366 = tpu.dynamic_gather %parallel_loop3A_359[%parallel_loop3A_365] in [0] : vector<16xf32>, vector<16xi32> -> vector<16xf32>
        %parallel_loop3A_367 = arith.addf %parallel_loop3A_359, %parallel_loop3A_366 : vector<16xf32>
        %parallel_loop3A_368 = math.exp %parallel_loop3A_367 : vector<16xf32>
        %parallel_loop3A_369 = arith.mulf %parallel_loop3A_368, %parallel_loop3A_311 : vector<16xf32>
        %parallel_loop3A_370 = arith.index_cast %parallel_loop3A_308 : i32 to index
        %parallel_loop3A_371 = arith.constant 0 : index
        %parallel_loop3A_372 = tpu.vector_load %arg8[%parallel_loop3A_370, %parallel_loop3A_371] {strides = array<i32>} : memref<128x80xf32, #tpu.memory_space<vmem>>, vector<16xf32>,
        tpu.vector_store %arg8[%parallel_loop3A_370, %parallel_loop3A_371], %parallel_loop3A_369 {strides = array<i32>} : memref<128x80xf32, #tpu.memory_space<vmem>>, vector<16xf32>,
        %parallel_loop3A_373 = arith.mulf %parallel_loop3A_368, %parallel_loop3A_323 : vector<16xf32>
        %parallel_loop3A_374 = arith.index_cast %parallel_loop3A_308 : i32 to index
        %parallel_loop3A_375 = arith.constant 16 : index
        %parallel_loop3A_376 = tpu.vector_load %arg8[%parallel_loop3A_374, %parallel_loop3A_375] {strides = array<i32>} : memref<128x80xf32, #tpu.memory_space<vmem>>, vector<16xf32>,
        tpu.vector_store %arg8[%parallel_loop3A_374, %parallel_loop3A_375], %parallel_loop3A_373 {strides = array<i32>} : memref<128x80xf32, #tpu.memory_space<vmem>>, vector<16xf32>,
        %parallel_loop3A_377 = arith.mulf %parallel_loop3A_368, %parallel_loop3A_336 : vector<16xf32>
        %parallel_loop3A_378 = arith.index_cast %parallel_loop3A_308 : i32 to index
        %parallel_loop3A_379 = arith.constant 32 : index
        %parallel_loop3A_380 = tpu.vector_load %arg8[%parallel_loop3A_378, %parallel_loop3A_379] {strides = array<i32>} : memref<128x80xf32, #tpu.memory_space<vmem>>, vector<16xf32>,
        tpu.vector_store %arg8[%parallel_loop3A_378, %parallel_loop3A_379], %parallel_loop3A_377 {strides = array<i32>} : memref<128x80xf32, #tpu.memory_space<vmem>>, vector<16xf32>,
        %parallel_loop3A_381 = arith.mulf %parallel_loop3A_368, %parallel_loop3A_349 : vector<16xf32>
        %parallel_loop3A_382 = arith.index_cast %parallel_loop3A_308 : i32 to index
        %parallel_loop3A_383 = arith.constant 48 : index
        %parallel_loop3A_384 = tpu.vector_load %arg8[%parallel_loop3A_382, %parallel_loop3A_383] {strides = array<i32>} : memref<128x80xf32, #tpu.memory_space<vmem>>, vector<16xf32>,
        tpu.vector_store %arg8[%parallel_loop3A_382, %parallel_loop3A_383], %parallel_loop3A_381 {strides = array<i32>} : memref<128x80xf32, #tpu.memory_space<vmem>>, vector<16xf32>,
        %parallel_loop3A_385 = arith.index_cast %parallel_loop3A_308 : i32 to index
        %parallel_loop3A_386 = arith.constant 64 : index
        %parallel_loop3A_387 = tpu.vector_load %arg8[%parallel_loop3A_385, %parallel_loop3A_386] {strides = array<i32>} : memref<128x80xf32, #tpu.memory_space<vmem>>, vector<16xf32>,
        tpu.vector_store %arg8[%parallel_loop3A_385, %parallel_loop3A_386], %parallel_loop3A_368 {strides = array<i32>} : memref<128x80xf32, #tpu.memory_space<vmem>>, vector<16xf32>,
      } {sc.loop_unroll_factor = 4 : i64, sc.parallel_access}
      %mul3A_212 = arith.constant 1 : i32
      %mul3A_213 = arith.muli %add3A_184, %mul3A_212 : i32
      %add3A_214 = arith.constant 0 : i32
      %add3A_215 = arith.addi %mul3A_213, %add3A_214 : i32
      "tpu.region"() ({
        %run_scoped3A_308 = tpu.sem_alloc : memref<!tpu.dma_semaphore, #tpu.memory_space<semaphore_mem>>
        %dma_start3A_309 = arith.constant 0 : i32
        %dma_start3A_310 = arith.constant 0 : i32
        %dma_start3A_311 = tpu.memref_slice %arg8[%dma_start3A_309, %dma_start3A_310] : memref<128x80xf32, #tpu.memory_space<vmem>> -> memref<128x80xf32, #tpu.memory_space<vmem>>
        %dma_start3A_312 = arith.constant 0 : i32
        %dma_start3A_313 = tpu.memref_slice %arg10[%add3A_215, %dma_start3A_312] : memref<80x128xi32, #tpu.memory_space<vmem>> -> memref<1x128xi32, #tpu.memory_space<vmem>>
        %dma_start3A_314 = tpu.memref_squeeze %dma_start3A_313 : memref<1x128xi32, #tpu.memory_space<vmem>> -> memref<128xi32, #tpu.memory_space<vmem>>
        %dma_start3A_315 = arith.constant 0 : i32
        %dma_start3A_316 = arith.constant 0 : i32
        %dma_start3A_317 = tpu.memref_slice %arg7[%dma_start3A_315, %dma_start3A_316] : memref<10128x80xf32, #tpu.memory_space<vmem_shared>> -> memref<10128x80xf32, #tpu.memory_space<vmem_shared>>
        tpu.enqueue_indirect_dma source(%dma_start3A_311 : memref<128x80xf32, #tpu.memory_space<vmem>>) target(%dma_start3A_317 : memref<10128x80xf32, #tpu.memory_space<vmem_shared>>) offsets(%dma_start3A_314 : memref<128xi32, #tpu.memory_space<vmem>>) semaphore(%run_scoped3A_308 : memref<!tpu.dma_semaphore, #tpu.memory_space<semaphore_mem>>) {add = true}
        %dma_wait3A_318 = arith.constant 0 : i32
        %dma_wait3A_319 = arith.constant 0 : i32
        %dma_wait3A_320 = tpu.memref_slice %arg8[%dma_wait3A_318, %dma_wait3A_319] : memref<128x80xf32, #tpu.memory_space<vmem>> -> memref<128x80xf32, #tpu.memory_space<vmem>>
        %dma_wait3A_321 = arith.constant 0 : i32
        %dma_wait3A_322 = tpu.memref_slice %arg10[%add3A_215, %dma_wait3A_321] : memref<80x128xi32, #tpu.memory_space<vmem>> -> memref<1x128xi32, #tpu.memory_space<vmem>>
        %dma_wait3A_323 = tpu.memref_squeeze %dma_wait3A_322 : memref<1x128xi32, #tpu.memory_space<vmem>> -> memref<128xi32, #tpu.memory_space<vmem>>
        %dma_wait3A_324 = arith.constant 0 : i32
        %dma_wait3A_325 = arith.constant 0 : i32
        %dma_wait3A_326 = tpu.memref_slice %arg7[%dma_wait3A_324, %dma_wait3A_325] : memref<10128x80xf32, #tpu.memory_space<vmem_shared>> -> memref<10128x80xf32, #tpu.memory_space<vmem_shared>>
        tpu.wait_indirect_dma semaphore(%run_scoped3A_308 : memref<!tpu.dma_semaphore, #tpu.memory_space<semaphore_mem>>) src(%dma_wait3A_320 : memref<128x80xf32, #tpu.memory_space<vmem>>) dst(%dma_wait3A_326 : memref<10128x80xf32, #tpu.memory_space<vmem_shared>>)
        tpu.yield
      }) : () -> ()
      %add3A_216 = arith.constant 2 : i32
      %add3A_217 = arith.addi %add3A_184, %add3A_216 : i32
      %mul3A_218 = arith.constant 1 : i32
      %mul3A_219 = arith.muli %add3A_217, %mul3A_218 : i32
      %add3A_220 = arith.constant 0 : i32
      %add3A_221 = arith.addi %mul3A_219, %add3A_220 : i32
      %dma_start3A_222 = arith.constant 0 : i32
      %dma_start3A_223 = arith.constant 0 : i32
      %dma_start3A_224 = tpu.memref_slice %arg11[%dma_start3A_222, %dma_start3A_223] : memref<128x64xf32, #tpu.memory_space<vmem>> -> memref<128x64xf32, #tpu.memory_space<vmem>>
      %dma_start3A_225 = arith.constant 0 : i32
      %dma_start3A_226 = tpu.memref_slice %arg9[%add3A_221, %dma_start3A_225] : memref<80x128xi32, #tpu.memory_space<vmem>> -> memref<1x128xi32, #tpu.memory_space<vmem>>
      %dma_start3A_227 = tpu.memref_squeeze %dma_start3A_226 : memref<1x128xi32, #tpu.memory_space<vmem>> -> memref<128xi32, #tpu.memory_space<vmem>>
      %dma_start3A_228 = arith.constant 0 : i32
      %dma_start3A_229 = arith.constant 0 : i32
      %dma_start3A_230 = tpu.memref_slice %arg2[%dma_start3A_228, %dma_start3A_229] : memref<10000x64xf32, #tpu.memory_space<hbm>> -> memref<10000x64xf32, #tpu.memory_space<hbm>>
      tpu.enqueue_indirect_dma source(%dma_start3A_230 : memref<10000x64xf32, #tpu.memory_space<hbm>>) target(%dma_start3A_224 : memref<128x64xf32, #tpu.memory_space<vmem>>) offsets(%dma_start3A_227 : memref<128xi32, #tpu.memory_space<vmem>>) semaphore(%arg16 : memref<!tpu.dma_semaphore, #tpu.memory_space<semaphore_mem>>)
      %mul3A_231 = arith.constant 1 : i32
      %mul3A_232 = arith.muli %add3A_217, %mul3A_231 : i32
      %add3A_233 = arith.constant 0 : i32
      %add3A_234 = arith.addi %mul3A_232, %add3A_233 : i32
      %dma_start3A_235 = arith.constant 0 : i32
      %dma_start3A_236 = arith.constant 0 : i32
      %dma_start3A_237 = tpu.memref_slice %arg13[%dma_start3A_235, %dma_start3A_236] : memref<128x64xf32, #tpu.memory_space<vmem>> -> memref<128x64xf32, #tpu.memory_space<vmem>>
      %dma_start3A_238 = arith.constant 0 : i32
      %dma_start3A_239 = tpu.memref_slice %arg10[%add3A_234, %dma_start3A_238] : memref<80x128xi32, #tpu.memory_space<vmem>> -> memref<1x128xi32, #tpu.memory_space<vmem>>
      %dma_start3A_240 = tpu.memref_squeeze %dma_start3A_239 : memref<1x128xi32, #tpu.memory_space<vmem>> -> memref<128xi32, #tpu.memory_space<vmem>>
      %dma_start3A_241 = arith.constant 0 : i32
      %dma_start3A_242 = arith.constant 0 : i32
      %dma_start3A_243 = tpu.memref_slice %arg2[%dma_start3A_241, %dma_start3A_242] : memref<10000x64xf32, #tpu.memory_space<hbm>> -> memref<10000x64xf32, #tpu.memory_space<hbm>>
      tpu.enqueue_indirect_dma source(%dma_start3A_243 : memref<10000x64xf32, #tpu.memory_space<hbm>>) target(%dma_start3A_237 : memref<128x64xf32, #tpu.memory_space<vmem>>) offsets(%dma_start3A_240 : memref<128xi32, #tpu.memory_space<vmem>>) semaphore(%arg16 : memref<!tpu.dma_semaphore, #tpu.memory_space<semaphore_mem>>)
      %mul3A_244 = arith.constant 2 : i32
      %mul3A_245 = arith.muli %scan3A_179, %mul3A_244 : i32
      %add3A_246 = arith.constant 1 : i32
      %add3A_247 = arith.addi %mul3A_245, %add3A_246 : i32
      %dma_wait3A_248 = arith.constant 0 : i32
      %dma_wait3A_249 = arith.constant 0 : i32
      %dma_wait3A_250 = tpu.memref_slice %arg12[%dma_wait3A_248, %dma_wait3A_249] : memref<128x64xf32, #tpu.memory_space<vmem>> -> memref<128x64xf32, #tpu.memory_space<vmem>>
      %dma_wait3A_251 = arith.constant 0 : i32
      %dma_wait3A_252 = arith.constant 0 : i32
      %dma_wait3A_253 = tpu.memref_slice %arg2[%dma_wait3A_251, %dma_wait3A_252] : memref<10000x64xf32, #tpu.memory_space<hbm>> -> memref<128x64xf32, #tpu.memory_space<hbm>>
      %dma_wait3A_254 = arith.constant 0 : i32
      %dma_wait3A_255 = arith.constant 0 : i32
      %dma_wait3A_256 = tpu.memref_slice %arg12[%dma_wait3A_254, %dma_wait3A_255] : memref<128x64xf32, #tpu.memory_space<vmem>> -> memref<128x64xf32, #tpu.memory_space<vmem>>
      %dma_wait3A_257 = arith.constant 0 : i32
      %dma_wait3A_258 = arith.constant 0 : i32
      %dma_wait3A_259 = tpu.memref_slice %arg2[%dma_wait3A_257, %dma_wait3A_258] : memref<10000x64xf32, #tpu.memory_space<hbm>> -> memref<128x64xf32, #tpu.memory_space<hbm>>
      tpu.wait_dma2 semaphore(%arg17 : memref<!tpu.dma_semaphore, #tpu.memory_space<semaphore_mem>>) src(%dma_wait3A_259 : memref<128x64xf32, #tpu.memory_space<hbm>>) dst(%dma_wait3A_256 : memref<128x64xf32, #tpu.memory_space<vmem>>)
      %dma_wait3A_260 = arith.constant 0 : i32
      %dma_wait3A_261 = arith.constant 0 : i32
      %dma_wait3A_262 = tpu.memref_slice %arg12[%dma_wait3A_260, %dma_wait3A_261] : memref<128x64xf32, #tpu.memory_space<vmem>> -> memref<128x64xf32, #tpu.memory_space<vmem>>
      %dma_wait3A_263 = arith.constant 0 : i32
      %dma_wait3A_264 = arith.constant 0 : i32
      %dma_wait3A_265 = tpu.memref_slice %arg2[%dma_wait3A_263, %dma_wait3A_264] : memref<10000x64xf32, #tpu.memory_space<hbm>> -> memref<128x64xf32, #tpu.memory_space<hbm>>
      %dma_wait3A_266 = arith.constant 0 : i32
      %dma_wait3A_267 = arith.constant 0 : i32
      %dma_wait3A_268 = tpu.memref_slice %arg12[%dma_wait3A_266, %dma_wait3A_267] : memref<128x64xf32, #tpu.memory_space<vmem>> -> memref<128x64xf32, #tpu.memory_space<vmem>>
      %dma_wait3A_269 = arith.constant 0 : i32
      %dma_wait3A_270 = arith.constant 0 : i32
      %dma_wait3A_271 = tpu.memref_slice %arg2[%dma_wait3A_269, %dma_wait3A_270] : memref<10000x64xf32, #tpu.memory_space<hbm>> -> memref<128x64xf32, #tpu.memory_space<hbm>>
      tpu.wait_dma2 semaphore(%arg17 : memref<!tpu.dma_semaphore, #tpu.memory_space<semaphore_mem>>) src(%dma_wait3A_271 : memref<128x64xf32, #tpu.memory_space<hbm>>) dst(%dma_wait3A_268 : memref<128x64xf32, #tpu.memory_space<vmem>>)
      %parallel_loop3A_272 = arith.constant 0 : i32
      %parallel_loop3A_273 = arith.constant 128 : i32
      %parallel_loop3A_274 = arith.constant 1 : i32
      scf.for %parallel_loop3A_308 = %parallel_loop3A_272 to %parallel_loop3A_273 step %parallel_loop3A_274  : i32 {
        %parallel_loop3A_309 = arith.index_cast %parallel_loop3A_308 : i32 to index
        %parallel_loop3A_310 = arith.constant 0 : index
        %parallel_loop3A_311 = tpu.vector_load %arg12[%parallel_loop3A_309, %parallel_loop3A_310] {strides = array<i32>} : memref<128x64xf32, #tpu.memory_space<vmem>>, vector<16xf32>,
        %parallel_loop3A_312 = arith.index_cast %parallel_loop3A_308 : i32 to index
        %parallel_loop3A_313 = arith.constant 0 : index
        %parallel_loop3A_314 = tpu.vector_load %arg14[%parallel_loop3A_312, %parallel_loop3A_313] {strides = array<i32>} : memref<128x64xf32, #tpu.memory_space<vmem>>, vector<16xf32>,
        %parallel_loop3A_315 = arith.addf %parallel_loop3A_311, %parallel_loop3A_314 : vector<16xf32>
        %parallel_loop3A_316 = arith.constant 2.000000e-01 : f32
        %parallel_loop3A_317 = vector.broadcast %parallel_loop3A_316 : f32 to vector<16xf32>
        %parallel_loop3A_318 = arith.mulf %parallel_loop3A_315, %parallel_loop3A_317 : vector<16xf32>
        %parallel_loop3A_319 = arith.maximumf %parallel_loop3A_315, %parallel_loop3A_318 : vector<16xf32>
        %parallel_loop3A_320 = arith.mulf %get3A_39, %parallel_loop3A_319 : vector<16xf32>
        %parallel_loop3A_321 = arith.index_cast %parallel_loop3A_308 : i32 to index
        %parallel_loop3A_322 = arith.constant 16 : index
        %parallel_loop3A_323 = tpu.vector_load %arg12[%parallel_loop3A_321, %parallel_loop3A_322] {strides = array<i32>} : memref<128x64xf32, #tpu.memory_space<vmem>>, vector<16xf32>,
        %parallel_loop3A_324 = arith.index_cast %parallel_loop3A_308 : i32 to index
        %parallel_loop3A_325 = arith.constant 16 : index
        %parallel_loop3A_326 = tpu.vector_load %arg14[%parallel_loop3A_324, %parallel_loop3A_325] {strides = array<i32>} : memref<128x64xf32, #tpu.memory_space<vmem>>, vector<16xf32>,
        %parallel_loop3A_327 = arith.addf %parallel_loop3A_323, %parallel_loop3A_326 : vector<16xf32>
        %parallel_loop3A_328 = arith.constant 2.000000e-01 : f32
        %parallel_loop3A_329 = vector.broadcast %parallel_loop3A_328 : f32 to vector<16xf32>
        %parallel_loop3A_330 = arith.mulf %parallel_loop3A_327, %parallel_loop3A_329 : vector<16xf32>
        %parallel_loop3A_331 = arith.maximumf %parallel_loop3A_327, %parallel_loop3A_330 : vector<16xf32>
        %parallel_loop3A_332 = arith.mulf %get3A_41, %parallel_loop3A_331 : vector<16xf32>
        %parallel_loop3A_333 = arith.addf %parallel_loop3A_320, %parallel_loop3A_332 : vector<16xf32>
        %parallel_loop3A_334 = arith.index_cast %parallel_loop3A_308 : i32 to index
        %parallel_loop3A_335 = arith.constant 32 : index
        %parallel_loop3A_336 = tpu.vector_load %arg12[%parallel_loop3A_334, %parallel_loop3A_335] {strides = array<i32>} : memref<128x64xf32, #tpu.memory_space<vmem>>, vector<16xf32>,
        %parallel_loop3A_337 = arith.index_cast %parallel_loop3A_308 : i32 to index
        %parallel_loop3A_338 = arith.constant 32 : index
        %parallel_loop3A_339 = tpu.vector_load %arg14[%parallel_loop3A_337, %parallel_loop3A_338] {strides = array<i32>} : memref<128x64xf32, #tpu.memory_space<vmem>>, vector<16xf32>,
        %parallel_loop3A_340 = arith.addf %parallel_loop3A_336, %parallel_loop3A_339 : vector<16xf32>
        %parallel_loop3A_341 = arith.constant 2.000000e-01 : f32
        %parallel_loop3A_342 = vector.broadcast %parallel_loop3A_341 : f32 to vector<16xf32>
        %parallel_loop3A_343 = arith.mulf %parallel_loop3A_340, %parallel_loop3A_342 : vector<16xf32>
        %parallel_loop3A_344 = arith.maximumf %parallel_loop3A_340, %parallel_loop3A_343 : vector<16xf32>
        %parallel_loop3A_345 = arith.mulf %get3A_43, %parallel_loop3A_344 : vector<16xf32>
        %parallel_loop3A_346 = arith.addf %parallel_loop3A_333, %parallel_loop3A_345 : vector<16xf32>
        %parallel_loop3A_347 = arith.index_cast %parallel_loop3A_308 : i32 to index
        %parallel_loop3A_348 = arith.constant 48 : index
        %parallel_loop3A_349 = tpu.vector_load %arg12[%parallel_loop3A_347, %parallel_loop3A_348] {strides = array<i32>} : memref<128x64xf32, #tpu.memory_space<vmem>>, vector<16xf32>,
        %parallel_loop3A_350 = arith.index_cast %parallel_loop3A_308 : i32 to index
        %parallel_loop3A_351 = arith.constant 48 : index
        %parallel_loop3A_352 = tpu.vector_load %arg14[%parallel_loop3A_350, %parallel_loop3A_351] {strides = array<i32>} : memref<128x64xf32, #tpu.memory_space<vmem>>, vector<16xf32>,
        %parallel_loop3A_353 = arith.addf %parallel_loop3A_349, %parallel_loop3A_352 : vector<16xf32>
        %parallel_loop3A_354 = arith.constant 2.000000e-01 : f32
        %parallel_loop3A_355 = vector.broadcast %parallel_loop3A_354 : f32 to vector<16xf32>
        %parallel_loop3A_356 = arith.mulf %parallel_loop3A_353, %parallel_loop3A_355 : vector<16xf32>
        %parallel_loop3A_357 = arith.maximumf %parallel_loop3A_353, %parallel_loop3A_356 : vector<16xf32>
        %parallel_loop3A_358 = arith.mulf %get3A_45, %parallel_loop3A_357 : vector<16xf32>
        %parallel_loop3A_359 = arith.addf %parallel_loop3A_346, %parallel_loop3A_358 : vector<16xf32>
        %parallel_loop3A_360 = tpu.iota {dimensions = array<i32: 0>} : vector<16xi32>
        %parallel_loop3A_361 = arith.constant 8 : i32
        %parallel_loop3A_362 = vector.broadcast %parallel_loop3A_361 : i32 to vector<16xi32>
        %parallel_loop3A_363 = arith.xori %parallel_loop3A_360, %parallel_loop3A_362 : vector<16xi32>
        %parallel_loop3A_364 = vector.shape_cast %parallel_loop3A_363 : vector<16xi32> to vector<16x1xi32>
        %parallel_loop3A_365 = vector.shape_cast %parallel_loop3A_364 : vector<16x1xi32> to vector<16xi32>
        %parallel_loop3A_366 = tpu.dynamic_gather %parallel_loop3A_359[%parallel_loop3A_365] in [0] : vector<16xf32>, vector<16xi32> -> vector<16xf32>
        %parallel_loop3A_367 = arith.addf %parallel_loop3A_359, %parallel_loop3A_366 : vector<16xf32>
        %parallel_loop3A_368 = math.exp %parallel_loop3A_367 : vector<16xf32>
        %parallel_loop3A_369 = arith.mulf %parallel_loop3A_368, %parallel_loop3A_311 : vector<16xf32>
        %parallel_loop3A_370 = arith.index_cast %parallel_loop3A_308 : i32 to index
        %parallel_loop3A_371 = arith.constant 0 : index
        %parallel_loop3A_372 = tpu.vector_load %arg8[%parallel_loop3A_370, %parallel_loop3A_371] {strides = array<i32>} : memref<128x80xf32, #tpu.memory_space<vmem>>, vector<16xf32>,
        tpu.vector_store %arg8[%parallel_loop3A_370, %parallel_loop3A_371], %parallel_loop3A_369 {strides = array<i32>} : memref<128x80xf32, #tpu.memory_space<vmem>>, vector<16xf32>,
        %parallel_loop3A_373 = arith.mulf %parallel_loop3A_368, %parallel_loop3A_323 : vector<16xf32>
        %parallel_loop3A_374 = arith.index_cast %parallel_loop3A_308 : i32 to index
        %parallel_loop3A_375 = arith.constant 16 : index
        %parallel_loop3A_376 = tpu.vector_load %arg8[%parallel_loop3A_374, %parallel_loop3A_375] {strides = array<i32>} : memref<128x80xf32, #tpu.memory_space<vmem>>, vector<16xf32>,
        tpu.vector_store %arg8[%parallel_loop3A_374, %parallel_loop3A_375], %parallel_loop3A_373 {strides = array<i32>} : memref<128x80xf32, #tpu.memory_space<vmem>>, vector<16xf32>,
        %parallel_loop3A_377 = arith.mulf %parallel_loop3A_368, %parallel_loop3A_336 : vector<16xf32>
        %parallel_loop3A_378 = arith.index_cast %parallel_loop3A_308 : i32 to index
        %parallel_loop3A_379 = arith.constant 32 : index
        %parallel_loop3A_380 = tpu.vector_load %arg8[%parallel_loop3A_378, %parallel_loop3A_379] {strides = array<i32>} : memref<128x80xf32, #tpu.memory_space<vmem>>, vector<16xf32>,
        tpu.vector_store %arg8[%parallel_loop3A_378, %parallel_loop3A_379], %parallel_loop3A_377 {strides = array<i32>} : memref<128x80xf32, #tpu.memory_space<vmem>>, vector<16xf32>,
        %parallel_loop3A_381 = arith.mulf %parallel_loop3A_368, %parallel_loop3A_349 : vector<16xf32>
        %parallel_loop3A_382 = arith.index_cast %parallel_loop3A_308 : i32 to index
        %parallel_loop3A_383 = arith.constant 48 : index
        %parallel_loop3A_384 = tpu.vector_load %arg8[%parallel_loop3A_382, %parallel_loop3A_383] {strides = array<i32>} : memref<128x80xf32, #tpu.memory_space<vmem>>, vector<16xf32>,
        tpu.vector_store %arg8[%parallel_loop3A_382, %parallel_loop3A_383], %parallel_loop3A_381 {strides = array<i32>} : memref<128x80xf32, #tpu.memory_space<vmem>>, vector<16xf32>,
        %parallel_loop3A_385 = arith.index_cast %parallel_loop3A_308 : i32 to index
        %parallel_loop3A_386 = arith.constant 64 : index
        %parallel_loop3A_387 = tpu.vector_load %arg8[%parallel_loop3A_385, %parallel_loop3A_386] {strides = array<i32>} : memref<128x80xf32, #tpu.memory_space<vmem>>, vector<16xf32>,
        tpu.vector_store %arg8[%parallel_loop3A_385, %parallel_loop3A_386], %parallel_loop3A_368 {strides = array<i32>} : memref<128x80xf32, #tpu.memory_space<vmem>>, vector<16xf32>,
      } {sc.loop_unroll_factor = 4 : i64, sc.parallel_access}
      %mul3A_275 = arith.constant 1 : i32
      %mul3A_276 = arith.muli %add3A_247, %mul3A_275 : i32
      %add3A_277 = arith.constant 0 : i32
      %add3A_278 = arith.addi %mul3A_276, %add3A_277 : i32
      "tpu.region"() ({
        %run_scoped3A_308 = tpu.sem_alloc : memref<!tpu.dma_semaphore, #tpu.memory_space<semaphore_mem>>
        %dma_start3A_309 = arith.constant 0 : i32
        %dma_start3A_310 = arith.constant 0 : i32
        %dma_start3A_311 = tpu.memref_slice %arg8[%dma_start3A_309, %dma_start3A_310] : memref<128x80xf32, #tpu.memory_space<vmem>> -> memref<128x80xf32, #tpu.memory_space<vmem>>
        %dma_start3A_312 = arith.constant 0 : i32
        %dma_start3A_313 = tpu.memref_slice %arg10[%add3A_278, %dma_start3A_312] : memref<80x128xi32, #tpu.memory_space<vmem>> -> memref<1x128xi32, #tpu.memory_space<vmem>>
        %dma_start3A_314 = tpu.memref_squeeze %dma_start3A_313 : memref<1x128xi32, #tpu.memory_space<vmem>> -> memref<128xi32, #tpu.memory_space<vmem>>
        %dma_start3A_315 = arith.constant 0 : i32
        %dma_start3A_316 = arith.constant 0 : i32
        %dma_start3A_317 = tpu.memref_slice %arg7[%dma_start3A_315, %dma_start3A_316] : memref<10128x80xf32, #tpu.memory_space<vmem_shared>> -> memref<10128x80xf32, #tpu.memory_space<vmem_shared>>
        tpu.enqueue_indirect_dma source(%dma_start3A_311 : memref<128x80xf32, #tpu.memory_space<vmem>>) target(%dma_start3A_317 : memref<10128x80xf32, #tpu.memory_space<vmem_shared>>) offsets(%dma_start3A_314 : memref<128xi32, #tpu.memory_space<vmem>>) semaphore(%run_scoped3A_308 : memref<!tpu.dma_semaphore, #tpu.memory_space<semaphore_mem>>) {add = true}
        %dma_wait3A_318 = arith.constant 0 : i32
        %dma_wait3A_319 = arith.constant 0 : i32
        %dma_wait3A_320 = tpu.memref_slice %arg8[%dma_wait3A_318, %dma_wait3A_319] : memref<128x80xf32, #tpu.memory_space<vmem>> -> memref<128x80xf32, #tpu.memory_space<vmem>>
        %dma_wait3A_321 = arith.constant 0 : i32
        %dma_wait3A_322 = tpu.memref_slice %arg10[%add3A_278, %dma_wait3A_321] : memref<80x128xi32, #tpu.memory_space<vmem>> -> memref<1x128xi32, #tpu.memory_space<vmem>>
        %dma_wait3A_323 = tpu.memref_squeeze %dma_wait3A_322 : memref<1x128xi32, #tpu.memory_space<vmem>> -> memref<128xi32, #tpu.memory_space<vmem>>
        %dma_wait3A_324 = arith.constant 0 : i32
        %dma_wait3A_325 = arith.constant 0 : i32
        %dma_wait3A_326 = tpu.memref_slice %arg7[%dma_wait3A_324, %dma_wait3A_325] : memref<10128x80xf32, #tpu.memory_space<vmem_shared>> -> memref<10128x80xf32, #tpu.memory_space<vmem_shared>>
        tpu.wait_indirect_dma semaphore(%run_scoped3A_308 : memref<!tpu.dma_semaphore, #tpu.memory_space<semaphore_mem>>) src(%dma_wait3A_320 : memref<128x80xf32, #tpu.memory_space<vmem>>) dst(%dma_wait3A_326 : memref<10128x80xf32, #tpu.memory_space<vmem_shared>>)
        tpu.yield
      }) : () -> ()
      %add3A_279 = arith.constant 2 : i32
      %add3A_280 = arith.addi %add3A_247, %add3A_279 : i32
      %mul3A_281 = arith.constant 1 : i32
      %mul3A_282 = arith.muli %add3A_280, %mul3A_281 : i32
      %add3A_283 = arith.constant 0 : i32
      %add3A_284 = arith.addi %mul3A_282, %add3A_283 : i32
      %dma_start3A_285 = arith.constant 0 : i32
      %dma_start3A_286 = arith.constant 0 : i32
      %dma_start3A_287 = tpu.memref_slice %arg12[%dma_start3A_285, %dma_start3A_286] : memref<128x64xf32, #tpu.memory_space<vmem>> -> memref<128x64xf32, #tpu.memory_space<vmem>>
      %dma_start3A_288 = arith.constant 0 : i32
      %dma_start3A_289 = tpu.memref_slice %arg9[%add3A_284, %dma_start3A_288] : memref<80x128xi32, #tpu.memory_space<vmem>> -> memref<1x128xi32, #tpu.memory_space<vmem>>
      %dma_start3A_290 = tpu.memref_squeeze %dma_start3A_289 : memref<1x128xi32, #tpu.memory_space<vmem>> -> memref<128xi32, #tpu.memory_space<vmem>>
      %dma_start3A_291 = arith.constant 0 : i32
      %dma_start3A_292 = arith.constant 0 : i32
      %dma_start3A_293 = tpu.memref_slice %arg2[%dma_start3A_291, %dma_start3A_292] : memref<10000x64xf32, #tpu.memory_space<hbm>> -> memref<10000x64xf32, #tpu.memory_space<hbm>>
      tpu.enqueue_indirect_dma source(%dma_start3A_293 : memref<10000x64xf32, #tpu.memory_space<hbm>>) target(%dma_start3A_287 : memref<128x64xf32, #tpu.memory_space<vmem>>) offsets(%dma_start3A_290 : memref<128xi32, #tpu.memory_space<vmem>>) semaphore(%arg17 : memref<!tpu.dma_semaphore, #tpu.memory_space<semaphore_mem>>)
      %mul3A_294 = arith.constant 1 : i32
      %mul3A_295 = arith.muli %add3A_280, %mul3A_294 : i32
      %add3A_296 = arith.constant 0 : i32
      %add3A_297 = arith.addi %mul3A_295, %add3A_296 : i32
      %dma_start3A_298 = arith.constant 0 : i32
      %dma_start3A_299 = arith.constant 0 : i32
      %dma_start3A_300 = tpu.memref_slice %arg14[%dma_start3A_298, %dma_start3A_299] : memref<128x64xf32, #tpu.memory_space<vmem>> -> memref<128x64xf32, #tpu.memory_space<vmem>>
      %dma_start3A_301 = arith.constant 0 : i32
      %dma_start3A_302 = tpu.memref_slice %arg10[%add3A_297, %dma_start3A_301] : memref<80x128xi32, #tpu.memory_space<vmem>> -> memref<1x128xi32, #tpu.memory_space<vmem>>
      %dma_start3A_303 = tpu.memref_squeeze %dma_start3A_302 : memref<1x128xi32, #tpu.memory_space<vmem>> -> memref<128xi32, #tpu.memory_space<vmem>>
      %dma_start3A_304 = arith.constant 0 : i32
      %dma_start3A_305 = arith.constant 0 : i32
      %dma_start3A_306 = tpu.memref_slice %arg2[%dma_start3A_304, %dma_start3A_305] : memref<10000x64xf32, #tpu.memory_space<hbm>> -> memref<10000x64xf32, #tpu.memory_space<hbm>>
      tpu.enqueue_indirect_dma source(%dma_start3A_306 : memref<10000x64xf32, #tpu.memory_space<hbm>>) target(%dma_start3A_300 : memref<128x64xf32, #tpu.memory_space<vmem>>) offsets(%dma_start3A_303 : memref<128xi32, #tpu.memory_space<vmem>>) semaphore(%arg17 : memref<!tpu.dma_semaphore, #tpu.memory_space<semaphore_mem>>)
      %scan3A_307 = arith.constant 0 : i32
      scf.yield %scan3A_307 : i32
    }
    %scan3A_103 = arith.constant 39 : i32
    %dma_wait3A_104 = arith.constant 0 : i32
    %dma_wait3A_105 = arith.constant 0 : i32
    %dma_wait3A_106 = tpu.memref_slice %arg11[%dma_wait3A_104, %dma_wait3A_105] : memref<128x64xf32, #tpu.memory_space<vmem>> -> memref<128x64xf32, #tpu.memory_space<vmem>>
    %dma_wait3A_107 = arith.constant 0 : i32
    %dma_wait3A_108 = arith.constant 0 : i32
    %dma_wait3A_109 = tpu.memref_slice %arg2[%dma_wait3A_107, %dma_wait3A_108] : memref<10000x64xf32, #tpu.memory_space<hbm>> -> memref<128x64xf32, #tpu.memory_space<hbm>>
    %dma_wait3A_110 = arith.constant 0 : i32
    %dma_wait3A_111 = arith.constant 0 : i32
    %dma_wait3A_112 = tpu.memref_slice %arg11[%dma_wait3A_110, %dma_wait3A_111] : memref<128x64xf32, #tpu.memory_space<vmem>> -> memref<128x64xf32, #tpu.memory_space<vmem>>
    %dma_wait3A_113 = arith.constant 0 : i32
    %dma_wait3A_114 = arith.constant 0 : i32
    %dma_wait3A_115 = tpu.memref_slice %arg2[%dma_wait3A_113, %dma_wait3A_114] : memref<10000x64xf32, #tpu.memory_space<hbm>> -> memref<128x64xf32, #tpu.memory_space<hbm>>
    tpu.wait_dma2 semaphore(%arg16 : memref<!tpu.dma_semaphore, #tpu.memory_space<semaphore_mem>>) src(%dma_wait3A_115 : memref<128x64xf32, #tpu.memory_space<hbm>>) dst(%dma_wait3A_112 : memref<128x64xf32, #tpu.memory_space<vmem>>)
    %dma_wait3A_116 = arith.constant 0 : i32
    %dma_wait3A_117 = arith.constant 0 : i32
    %dma_wait3A_118 = tpu.memref_slice %arg11[%dma_wait3A_116, %dma_wait3A_117] : memref<128x64xf32, #tpu.memory_space<vmem>> -> memref<128x64xf32, #tpu.memory_space<vmem>>
    %dma_wait3A_119 = arith.constant 0 : i32
    %dma_wait3A_120 = arith.constant 0 : i32
    %dma_wait3A_121 = tpu.memref_slice %arg2[%dma_wait3A_119, %dma_wait3A_120] : memref<10000x64xf32, #tpu.memory_space<hbm>> -> memref<128x64xf32, #tpu.memory_space<hbm>>
    %dma_wait3A_122 = arith.constant 0 : i32
    %dma_wait3A_123 = arith.constant 0 : i32
    %dma_wait3A_124 = tpu.memref_slice %arg11[%dma_wait3A_122, %dma_wait3A_123] : memref<128x64xf32, #tpu.memory_space<vmem>> -> memref<128x64xf32, #tpu.memory_space<vmem>>
    %dma_wait3A_125 = arith.constant 0 : i32
    %dma_wait3A_126 = arith.constant 0 : i32
    %dma_wait3A_127 = tpu.memref_slice %arg2[%dma_wait3A_125, %dma_wait3A_126] : memref<10000x64xf32, #tpu.memory_space<hbm>> -> memref<128x64xf32, #tpu.memory_space<hbm>>
    tpu.wait_dma2 semaphore(%arg16 : memref<!tpu.dma_semaphore, #tpu.memory_space<semaphore_mem>>) src(%dma_wait3A_127 : memref<128x64xf32, #tpu.memory_space<hbm>>) dst(%dma_wait3A_124 : memref<128x64xf32, #tpu.memory_space<vmem>>)
    %parallel_loop3A = arith.constant 0 : i32
    %parallel_loop3A_128 = arith.constant 128 : i32
    %parallel_loop3A_129 = arith.constant 1 : i32
    scf.for %parallel_loop3A_179 = %parallel_loop3A to %parallel_loop3A_128 step %parallel_loop3A_129  : i32 {
      %parallel_loop3A_180 = arith.index_cast %parallel_loop3A_179 : i32 to index
      %parallel_loop3A_181 = arith.constant 0 : index
      %parallel_loop3A_182 = tpu.vector_load %arg11[%parallel_loop3A_180, %parallel_loop3A_181] {strides = array<i32>} : memref<128x64xf32, #tpu.memory_space<vmem>>, vector<16xf32>,
      %parallel_loop3A_183 = arith.index_cast %parallel_loop3A_179 : i32 to index
      %parallel_loop3A_184 = arith.constant 0 : index
      %parallel_loop3A_185 = tpu.vector_load %arg13[%parallel_loop3A_183, %parallel_loop3A_184] {strides = array<i32>} : memref<128x64xf32, #tpu.memory_space<vmem>>, vector<16xf32>,
      %parallel_loop3A_186 = arith.addf %parallel_loop3A_182, %parallel_loop3A_185 : vector<16xf32>
      %parallel_loop3A_187 = arith.constant 2.000000e-01 : f32
      %parallel_loop3A_188 = vector.broadcast %parallel_loop3A_187 : f32 to vector<16xf32>
      %parallel_loop3A_189 = arith.mulf %parallel_loop3A_186, %parallel_loop3A_188 : vector<16xf32>
      %parallel_loop3A_190 = arith.maximumf %parallel_loop3A_186, %parallel_loop3A_189 : vector<16xf32>
      %parallel_loop3A_191 = arith.mulf %get3A_39, %parallel_loop3A_190 : vector<16xf32>
      %parallel_loop3A_192 = arith.index_cast %parallel_loop3A_179 : i32 to index
      %parallel_loop3A_193 = arith.constant 16 : index
      %parallel_loop3A_194 = tpu.vector_load %arg11[%parallel_loop3A_192, %parallel_loop3A_193] {strides = array<i32>} : memref<128x64xf32, #tpu.memory_space<vmem>>, vector<16xf32>,
      %parallel_loop3A_195 = arith.index_cast %parallel_loop3A_179 : i32 to index
      %parallel_loop3A_196 = arith.constant 16 : index
      %parallel_loop3A_197 = tpu.vector_load %arg13[%parallel_loop3A_195, %parallel_loop3A_196] {strides = array<i32>} : memref<128x64xf32, #tpu.memory_space<vmem>>, vector<16xf32>,
      %parallel_loop3A_198 = arith.addf %parallel_loop3A_194, %parallel_loop3A_197 : vector<16xf32>
      %parallel_loop3A_199 = arith.constant 2.000000e-01 : f32
      %parallel_loop3A_200 = vector.broadcast %parallel_loop3A_199 : f32 to vector<16xf32>
      %parallel_loop3A_201 = arith.mulf %parallel_loop3A_198, %parallel_loop3A_200 : vector<16xf32>
      %parallel_loop3A_202 = arith.maximumf %parallel_loop3A_198, %parallel_loop3A_201 : vector<16xf32>
      %parallel_loop3A_203 = arith.mulf %get3A_41, %parallel_loop3A_202 : vector<16xf32>
      %parallel_loop3A_204 = arith.addf %parallel_loop3A_191, %parallel_loop3A_203 : vector<16xf32>
      %parallel_loop3A_205 = arith.index_cast %parallel_loop3A_179 : i32 to index
      %parallel_loop3A_206 = arith.constant 32 : index
      %parallel_loop3A_207 = tpu.vector_load %arg11[%parallel_loop3A_205, %parallel_loop3A_206] {strides = array<i32>} : memref<128x64xf32, #tpu.memory_space<vmem>>, vector<16xf32>,
      %parallel_loop3A_208 = arith.index_cast %parallel_loop3A_179 : i32 to index
      %parallel_loop3A_209 = arith.constant 32 : index
      %parallel_loop3A_210 = tpu.vector_load %arg13[%parallel_loop3A_208, %parallel_loop3A_209] {strides = array<i32>} : memref<128x64xf32, #tpu.memory_space<vmem>>, vector<16xf32>,
      %parallel_loop3A_211 = arith.addf %parallel_loop3A_207, %parallel_loop3A_210 : vector<16xf32>
      %parallel_loop3A_212 = arith.constant 2.000000e-01 : f32
      %parallel_loop3A_213 = vector.broadcast %parallel_loop3A_212 : f32 to vector<16xf32>
      %parallel_loop3A_214 = arith.mulf %parallel_loop3A_211, %parallel_loop3A_213 : vector<16xf32>
      %parallel_loop3A_215 = arith.maximumf %parallel_loop3A_211, %parallel_loop3A_214 : vector<16xf32>
      %parallel_loop3A_216 = arith.mulf %get3A_43, %parallel_loop3A_215 : vector<16xf32>
      %parallel_loop3A_217 = arith.addf %parallel_loop3A_204, %parallel_loop3A_216 : vector<16xf32>
      %parallel_loop3A_218 = arith.index_cast %parallel_loop3A_179 : i32 to index
      %parallel_loop3A_219 = arith.constant 48 : index
      %parallel_loop3A_220 = tpu.vector_load %arg11[%parallel_loop3A_218, %parallel_loop3A_219] {strides = array<i32>} : memref<128x64xf32, #tpu.memory_space<vmem>>, vector<16xf32>,
      %parallel_loop3A_221 = arith.index_cast %parallel_loop3A_179 : i32 to index
      %parallel_loop3A_222 = arith.constant 48 : index
      %parallel_loop3A_223 = tpu.vector_load %arg13[%parallel_loop3A_221, %parallel_loop3A_222] {strides = array<i32>} : memref<128x64xf32, #tpu.memory_space<vmem>>, vector<16xf32>,
      %parallel_loop3A_224 = arith.addf %parallel_loop3A_220, %parallel_loop3A_223 : vector<16xf32>
      %parallel_loop3A_225 = arith.constant 2.000000e-01 : f32
      %parallel_loop3A_226 = vector.broadcast %parallel_loop3A_225 : f32 to vector<16xf32>
      %parallel_loop3A_227 = arith.mulf %parallel_loop3A_224, %parallel_loop3A_226 : vector<16xf32>
      %parallel_loop3A_228 = arith.maximumf %parallel_loop3A_224, %parallel_loop3A_227 : vector<16xf32>
      %parallel_loop3A_229 = arith.mulf %get3A_45, %parallel_loop3A_228 : vector<16xf32>
      %parallel_loop3A_230 = arith.addf %parallel_loop3A_217, %parallel_loop3A_229 : vector<16xf32>
      %parallel_loop3A_231 = tpu.iota {dimensions = array<i32: 0>} : vector<16xi32>
      %parallel_loop3A_232 = arith.constant 8 : i32
      %parallel_loop3A_233 = vector.broadcast %parallel_loop3A_232 : i32 to vector<16xi32>
      %parallel_loop3A_234 = arith.xori %parallel_loop3A_231, %parallel_loop3A_233 : vector<16xi32>
      %parallel_loop3A_235 = vector.shape_cast %parallel_loop3A_234 : vector<16xi32> to vector<16x1xi32>
      %parallel_loop3A_236 = vector.shape_cast %parallel_loop3A_235 : vector<16x1xi32> to vector<16xi32>
      %parallel_loop3A_237 = tpu.dynamic_gather %parallel_loop3A_230[%parallel_loop3A_236] in [0] : vector<16xf32>, vector<16xi32> -> vector<16xf32>
      %parallel_loop3A_238 = arith.addf %parallel_loop3A_230, %parallel_loop3A_237 : vector<16xf32>
      %parallel_loop3A_239 = math.exp %parallel_loop3A_238 : vector<16xf32>
      %parallel_loop3A_240 = arith.mulf %parallel_loop3A_239, %parallel_loop3A_182 : vector<16xf32>
      %parallel_loop3A_241 = arith.index_cast %parallel_loop3A_179 : i32 to index
      %parallel_loop3A_242 = arith.constant 0 : index
      %parallel_loop3A_243 = tpu.vector_load %arg8[%parallel_loop3A_241, %parallel_loop3A_242] {strides = array<i32>} : memref<128x80xf32, #tpu.memory_space<vmem>>, vector<16xf32>,
      tpu.vector_store %arg8[%parallel_loop3A_241, %parallel_loop3A_242], %parallel_loop3A_240 {strides = array<i32>} : memref<128x80xf32, #tpu.memory_space<vmem>>, vector<16xf32>,
      %parallel_loop3A_244 = arith.mulf %parallel_loop3A_239, %parallel_loop3A_194 : vector<16xf32>
      %parallel_loop3A_245 = arith.index_cast %parallel_loop3A_179 : i32 to index
      %parallel_loop3A_246 = arith.constant 16 : index
      %parallel_loop3A_247 = tpu.vector_load %arg8[%parallel_loop3A_245, %parallel_loop3A_246] {strides = array<i32>} : memref<128x80xf32, #tpu.memory_space<vmem>>, vector<16xf32>,
      tpu.vector_store %arg8[%parallel_loop3A_245, %parallel_loop3A_246], %parallel_loop3A_244 {strides = array<i32>} : memref<128x80xf32, #tpu.memory_space<vmem>>, vector<16xf32>,
      %parallel_loop3A_248 = arith.mulf %parallel_loop3A_239, %parallel_loop3A_207 : vector<16xf32>
      %parallel_loop3A_249 = arith.index_cast %parallel_loop3A_179 : i32 to index
      %parallel_loop3A_250 = arith.constant 32 : index
      %parallel_loop3A_251 = tpu.vector_load %arg8[%parallel_loop3A_249, %parallel_loop3A_250] {strides = array<i32>} : memref<128x80xf32, #tpu.memory_space<vmem>>, vector<16xf32>,
      tpu.vector_store %arg8[%parallel_loop3A_249, %parallel_loop3A_250], %parallel_loop3A_248 {strides = array<i32>} : memref<128x80xf32, #tpu.memory_space<vmem>>, vector<16xf32>,
      %parallel_loop3A_252 = arith.mulf %parallel_loop3A_239, %parallel_loop3A_220 : vector<16xf32>
      %parallel_loop3A_253 = arith.index_cast %parallel_loop3A_179 : i32 to index
      %parallel_loop3A_254 = arith.constant 48 : index
      %parallel_loop3A_255 = tpu.vector_load %arg8[%parallel_loop3A_253, %parallel_loop3A_254] {strides = array<i32>} : memref<128x80xf32, #tpu.memory_space<vmem>>, vector<16xf32>,
      tpu.vector_store %arg8[%parallel_loop3A_253, %parallel_loop3A_254], %parallel_loop3A_252 {strides = array<i32>} : memref<128x80xf32, #tpu.memory_space<vmem>>, vector<16xf32>,
      %parallel_loop3A_256 = arith.index_cast %parallel_loop3A_179 : i32 to index
      %parallel_loop3A_257 = arith.constant 64 : index
      %parallel_loop3A_258 = tpu.vector_load %arg8[%parallel_loop3A_256, %parallel_loop3A_257] {strides = array<i32>} : memref<128x80xf32, #tpu.memory_space<vmem>>, vector<16xf32>,
      tpu.vector_store %arg8[%parallel_loop3A_256, %parallel_loop3A_257], %parallel_loop3A_239 {strides = array<i32>} : memref<128x80xf32, #tpu.memory_space<vmem>>, vector<16xf32>,
    } {sc.loop_unroll_factor = 4 : i64, sc.parallel_access}
    %run_scoped3A = arith.constant 78 : i32
    "tpu.region"() ({
      %run_scoped3A_179 = tpu.sem_alloc : memref<!tpu.dma_semaphore, #tpu.memory_space<semaphore_mem>>
      %dma_start3A_180 = arith.constant 0 : i32
      %dma_start3A_181 = arith.constant 0 : i32
      %dma_start3A_182 = tpu.memref_slice %arg8[%dma_start3A_180, %dma_start3A_181] : memref<128x80xf32, #tpu.memory_space<vmem>> -> memref<128x80xf32, #tpu.memory_space<vmem>>
      %dma_start3A_183 = arith.constant 0 : i32
      %dma_start3A_184 = tpu.memref_slice %arg10[%run_scoped3A, %dma_start3A_183] : memref<80x128xi32, #tpu.memory_space<vmem>> -> memref<1x128xi32, #tpu.memory_space<vmem>>
      %dma_start3A_185 = tpu.memref_squeeze %dma_start3A_184 : memref<1x128xi32, #tpu.memory_space<vmem>> -> memref<128xi32, #tpu.memory_space<vmem>>
      %dma_start3A_186 = arith.constant 0 : i32
      %dma_start3A_187 = arith.constant 0 : i32
      %dma_start3A_188 = tpu.memref_slice %arg7[%dma_start3A_186, %dma_start3A_187] : memref<10128x80xf32, #tpu.memory_space<vmem_shared>> -> memref<10128x80xf32, #tpu.memory_space<vmem_shared>>
      tpu.enqueue_indirect_dma source(%dma_start3A_182 : memref<128x80xf32, #tpu.memory_space<vmem>>) target(%dma_start3A_188 : memref<10128x80xf32, #tpu.memory_space<vmem_shared>>) offsets(%dma_start3A_185 : memref<128xi32, #tpu.memory_space<vmem>>) semaphore(%run_scoped3A_179 : memref<!tpu.dma_semaphore, #tpu.memory_space<semaphore_mem>>) {add = true}
      %dma_wait3A_189 = arith.constant 0 : i32
      %dma_wait3A_190 = arith.constant 0 : i32
      %dma_wait3A_191 = tpu.memref_slice %arg8[%dma_wait3A_189, %dma_wait3A_190] : memref<128x80xf32, #tpu.memory_space<vmem>> -> memref<128x80xf32, #tpu.memory_space<vmem>>
      %dma_wait3A_192 = arith.constant 0 : i32
      %dma_wait3A_193 = tpu.memref_slice %arg10[%run_scoped3A, %dma_wait3A_192] : memref<80x128xi32, #tpu.memory_space<vmem>> -> memref<1x128xi32, #tpu.memory_space<vmem>>
      %dma_wait3A_194 = tpu.memref_squeeze %dma_wait3A_193 : memref<1x128xi32, #tpu.memory_space<vmem>> -> memref<128xi32, #tpu.memory_space<vmem>>
      %dma_wait3A_195 = arith.constant 0 : i32
      %dma_wait3A_196 = arith.constant 0 : i32
      %dma_wait3A_197 = tpu.memref_slice %arg7[%dma_wait3A_195, %dma_wait3A_196] : memref<10128x80xf32, #tpu.memory_space<vmem_shared>> -> memref<10128x80xf32, #tpu.memory_space<vmem_shared>>
      tpu.wait_indirect_dma semaphore(%run_scoped3A_179 : memref<!tpu.dma_semaphore, #tpu.memory_space<semaphore_mem>>) src(%dma_wait3A_191 : memref<128x80xf32, #tpu.memory_space<vmem>>) dst(%dma_wait3A_197 : memref<10128x80xf32, #tpu.memory_space<vmem_shared>>)
      tpu.yield
    }) : () -> ()
    %dma_wait3A_130 = arith.constant 0 : i32
    %dma_wait3A_131 = arith.constant 0 : i32
    %dma_wait3A_132 = tpu.memref_slice %arg12[%dma_wait3A_130, %dma_wait3A_131] : memref<128x64xf32, #tpu.memory_space<vmem>> -> memref<128x64xf32, #tpu.memory_space<vmem>>
    %dma_wait3A_133 = arith.constant 0 : i32
    %dma_wait3A_134 = arith.constant 0 : i32
    %dma_wait3A_135 = tpu.memref_slice %arg2[%dma_wait3A_133, %dma_wait3A_134] : memref<10000x64xf32, #tpu.memory_space<hbm>> -> memref<128x64xf32, #tpu.memory_space<hbm>>
    %dma_wait3A_136 = arith.constant 0 : i32
    %dma_wait3A_137 = arith.constant 0 : i32
    %dma_wait3A_138 = tpu.memref_slice %arg12[%dma_wait3A_136, %dma_wait3A_137] : memref<128x64xf32, #tpu.memory_space<vmem>> -> memref<128x64xf32, #tpu.memory_space<vmem>>
    %dma_wait3A_139 = arith.constant 0 : i32
    %dma_wait3A_140 = arith.constant 0 : i32
    %dma_wait3A_141 = tpu.memref_slice %arg2[%dma_wait3A_139, %dma_wait3A_140] : memref<10000x64xf32, #tpu.memory_space<hbm>> -> memref<128x64xf32, #tpu.memory_space<hbm>>
    tpu.wait_dma2 semaphore(%arg17 : memref<!tpu.dma_semaphore, #tpu.memory_space<semaphore_mem>>) src(%dma_wait3A_141 : memref<128x64xf32, #tpu.memory_space<hbm>>) dst(%dma_wait3A_138 : memref<128x64xf32, #tpu.memory_space<vmem>>)
    %dma_wait3A_142 = arith.constant 0 : i32
    %dma_wait3A_143 = arith.constant 0 : i32
    %dma_wait3A_144 = tpu.memref_slice %arg12[%dma_wait3A_142, %dma_wait3A_143] : memref<128x64xf32, #tpu.memory_space<vmem>> -> memref<128x64xf32, #tpu.memory_space<vmem>>
    %dma_wait3A_145 = arith.constant 0 : i32
    %dma_wait3A_146 = arith.constant 0 : i32
    %dma_wait3A_147 = tpu.memref_slice %arg2[%dma_wait3A_145, %dma_wait3A_146] : memref<10000x64xf32, #tpu.memory_space<hbm>> -> memref<128x64xf32, #tpu.memory_space<hbm>>
    %dma_wait3A_148 = arith.constant 0 : i32
    %dma_wait3A_149 = arith.constant 0 : i32
    %dma_wait3A_150 = tpu.memref_slice %arg12[%dma_wait3A_148, %dma_wait3A_149] : memref<128x64xf32, #tpu.memory_space<vmem>> -> memref<128x64xf32, #tpu.memory_space<vmem>>
    %dma_wait3A_151 = arith.constant 0 : i32
    %dma_wait3A_152 = arith.constant 0 : i32
    %dma_wait3A_153 = tpu.memref_slice %arg2[%dma_wait3A_151, %dma_wait3A_152] : memref<10000x64xf32, #tpu.memory_space<hbm>> -> memref<128x64xf32, #tpu.memory_space<hbm>>
    tpu.wait_dma2 semaphore(%arg17 : memref<!tpu.dma_semaphore, #tpu.memory_space<semaphore_mem>>) src(%dma_wait3A_153 : memref<128x64xf32, #tpu.memory_space<hbm>>) dst(%dma_wait3A_150 : memref<128x64xf32, #tpu.memory_space<vmem>>)
    %parallel_loop3A_154 = arith.constant 0 : i32
    %parallel_loop3A_155 = arith.constant 128 : i32
    %parallel_loop3A_156 = arith.constant 1 : i32
    scf.for %parallel_loop3A_179 = %parallel_loop3A_154 to %parallel_loop3A_155 step %parallel_loop3A_156  : i32 {
      %parallel_loop3A_180 = arith.index_cast %parallel_loop3A_179 : i32 to index
      %parallel_loop3A_181 = arith.constant 0 : index
      %parallel_loop3A_182 = tpu.vector_load %arg12[%parallel_loop3A_180, %parallel_loop3A_181] {strides = array<i32>} : memref<128x64xf32, #tpu.memory_space<vmem>>, vector<16xf32>,
      %parallel_loop3A_183 = arith.index_cast %parallel_loop3A_179 : i32 to index
      %parallel_loop3A_184 = arith.constant 0 : index
      %parallel_loop3A_185 = tpu.vector_load %arg14[%parallel_loop3A_183, %parallel_loop3A_184] {strides = array<i32>} : memref<128x64xf32, #tpu.memory_space<vmem>>, vector<16xf32>,
      %parallel_loop3A_186 = arith.addf %parallel_loop3A_182, %parallel_loop3A_185 : vector<16xf32>
      %parallel_loop3A_187 = arith.constant 2.000000e-01 : f32
      %parallel_loop3A_188 = vector.broadcast %parallel_loop3A_187 : f32 to vector<16xf32>
      %parallel_loop3A_189 = arith.mulf %parallel_loop3A_186, %parallel_loop3A_188 : vector<16xf32>
      %parallel_loop3A_190 = arith.maximumf %parallel_loop3A_186, %parallel_loop3A_189 : vector<16xf32>
      %parallel_loop3A_191 = arith.mulf %get3A_39, %parallel_loop3A_190 : vector<16xf32>
      %parallel_loop3A_192 = arith.index_cast %parallel_loop3A_179 : i32 to index
      %parallel_loop3A_193 = arith.constant 16 : index
      %parallel_loop3A_194 = tpu.vector_load %arg12[%parallel_loop3A_192, %parallel_loop3A_193] {strides = array<i32>} : memref<128x64xf32, #tpu.memory_space<vmem>>, vector<16xf32>,
      %parallel_loop3A_195 = arith.index_cast %parallel_loop3A_179 : i32 to index
      %parallel_loop3A_196 = arith.constant 16 : index
      %parallel_loop3A_197 = tpu.vector_load %arg14[%parallel_loop3A_195, %parallel_loop3A_196] {strides = array<i32>} : memref<128x64xf32, #tpu.memory_space<vmem>>, vector<16xf32>,
      %parallel_loop3A_198 = arith.addf %parallel_loop3A_194, %parallel_loop3A_197 : vector<16xf32>
      %parallel_loop3A_199 = arith.constant 2.000000e-01 : f32
      %parallel_loop3A_200 = vector.broadcast %parallel_loop3A_199 : f32 to vector<16xf32>
      %parallel_loop3A_201 = arith.mulf %parallel_loop3A_198, %parallel_loop3A_200 : vector<16xf32>
      %parallel_loop3A_202 = arith.maximumf %parallel_loop3A_198, %parallel_loop3A_201 : vector<16xf32>
      %parallel_loop3A_203 = arith.mulf %get3A_41, %parallel_loop3A_202 : vector<16xf32>
      %parallel_loop3A_204 = arith.addf %parallel_loop3A_191, %parallel_loop3A_203 : vector<16xf32>
      %parallel_loop3A_205 = arith.index_cast %parallel_loop3A_179 : i32 to index
      %parallel_loop3A_206 = arith.constant 32 : index
      %parallel_loop3A_207 = tpu.vector_load %arg12[%parallel_loop3A_205, %parallel_loop3A_206] {strides = array<i32>} : memref<128x64xf32, #tpu.memory_space<vmem>>, vector<16xf32>,
      %parallel_loop3A_208 = arith.index_cast %parallel_loop3A_179 : i32 to index
      %parallel_loop3A_209 = arith.constant 32 : index
      %parallel_loop3A_210 = tpu.vector_load %arg14[%parallel_loop3A_208, %parallel_loop3A_209] {strides = array<i32>} : memref<128x64xf32, #tpu.memory_space<vmem>>, vector<16xf32>,
      %parallel_loop3A_211 = arith.addf %parallel_loop3A_207, %parallel_loop3A_210 : vector<16xf32>
      %parallel_loop3A_212 = arith.constant 2.000000e-01 : f32
      %parallel_loop3A_213 = vector.broadcast %parallel_loop3A_212 : f32 to vector<16xf32>
      %parallel_loop3A_214 = arith.mulf %parallel_loop3A_211, %parallel_loop3A_213 : vector<16xf32>
      %parallel_loop3A_215 = arith.maximumf %parallel_loop3A_211, %parallel_loop3A_214 : vector<16xf32>
      %parallel_loop3A_216 = arith.mulf %get3A_43, %parallel_loop3A_215 : vector<16xf32>
      %parallel_loop3A_217 = arith.addf %parallel_loop3A_204, %parallel_loop3A_216 : vector<16xf32>
      %parallel_loop3A_218 = arith.index_cast %parallel_loop3A_179 : i32 to index
      %parallel_loop3A_219 = arith.constant 48 : index
      %parallel_loop3A_220 = tpu.vector_load %arg12[%parallel_loop3A_218, %parallel_loop3A_219] {strides = array<i32>} : memref<128x64xf32, #tpu.memory_space<vmem>>, vector<16xf32>,
      %parallel_loop3A_221 = arith.index_cast %parallel_loop3A_179 : i32 to index
      %parallel_loop3A_222 = arith.constant 48 : index
      %parallel_loop3A_223 = tpu.vector_load %arg14[%parallel_loop3A_221, %parallel_loop3A_222] {strides = array<i32>} : memref<128x64xf32, #tpu.memory_space<vmem>>, vector<16xf32>,
      %parallel_loop3A_224 = arith.addf %parallel_loop3A_220, %parallel_loop3A_223 : vector<16xf32>
      %parallel_loop3A_225 = arith.constant 2.000000e-01 : f32
      %parallel_loop3A_226 = vector.broadcast %parallel_loop3A_225 : f32 to vector<16xf32>
      %parallel_loop3A_227 = arith.mulf %parallel_loop3A_224, %parallel_loop3A_226 : vector<16xf32>
      %parallel_loop3A_228 = arith.maximumf %parallel_loop3A_224, %parallel_loop3A_227 : vector<16xf32>
      %parallel_loop3A_229 = arith.mulf %get3A_45, %parallel_loop3A_228 : vector<16xf32>
      %parallel_loop3A_230 = arith.addf %parallel_loop3A_217, %parallel_loop3A_229 : vector<16xf32>
      %parallel_loop3A_231 = tpu.iota {dimensions = array<i32: 0>} : vector<16xi32>
      %parallel_loop3A_232 = arith.constant 8 : i32
      %parallel_loop3A_233 = vector.broadcast %parallel_loop3A_232 : i32 to vector<16xi32>
      %parallel_loop3A_234 = arith.xori %parallel_loop3A_231, %parallel_loop3A_233 : vector<16xi32>
      %parallel_loop3A_235 = vector.shape_cast %parallel_loop3A_234 : vector<16xi32> to vector<16x1xi32>
      %parallel_loop3A_236 = vector.shape_cast %parallel_loop3A_235 : vector<16x1xi32> to vector<16xi32>
      %parallel_loop3A_237 = tpu.dynamic_gather %parallel_loop3A_230[%parallel_loop3A_236] in [0] : vector<16xf32>, vector<16xi32> -> vector<16xf32>
      %parallel_loop3A_238 = arith.addf %parallel_loop3A_230, %parallel_loop3A_237 : vector<16xf32>
      %parallel_loop3A_239 = math.exp %parallel_loop3A_238 : vector<16xf32>
      %parallel_loop3A_240 = arith.mulf %parallel_loop3A_239, %parallel_loop3A_182 : vector<16xf32>
      %parallel_loop3A_241 = arith.index_cast %parallel_loop3A_179 : i32 to index
      %parallel_loop3A_242 = arith.constant 0 : index
      %parallel_loop3A_243 = tpu.vector_load %arg8[%parallel_loop3A_241, %parallel_loop3A_242] {strides = array<i32>} : memref<128x80xf32, #tpu.memory_space<vmem>>, vector<16xf32>,
      tpu.vector_store %arg8[%parallel_loop3A_241, %parallel_loop3A_242], %parallel_loop3A_240 {strides = array<i32>} : memref<128x80xf32, #tpu.memory_space<vmem>>, vector<16xf32>,
      %parallel_loop3A_244 = arith.mulf %parallel_loop3A_239, %parallel_loop3A_194 : vector<16xf32>
      %parallel_loop3A_245 = arith.index_cast %parallel_loop3A_179 : i32 to index
      %parallel_loop3A_246 = arith.constant 16 : index
      %parallel_loop3A_247 = tpu.vector_load %arg8[%parallel_loop3A_245, %parallel_loop3A_246] {strides = array<i32>} : memref<128x80xf32, #tpu.memory_space<vmem>>, vector<16xf32>,
      tpu.vector_store %arg8[%parallel_loop3A_245, %parallel_loop3A_246], %parallel_loop3A_244 {strides = array<i32>} : memref<128x80xf32, #tpu.memory_space<vmem>>, vector<16xf32>,
      %parallel_loop3A_248 = arith.mulf %parallel_loop3A_239, %parallel_loop3A_207 : vector<16xf32>
      %parallel_loop3A_249 = arith.index_cast %parallel_loop3A_179 : i32 to index
      %parallel_loop3A_250 = arith.constant 32 : index
      %parallel_loop3A_251 = tpu.vector_load %arg8[%parallel_loop3A_249, %parallel_loop3A_250] {strides = array<i32>} : memref<128x80xf32, #tpu.memory_space<vmem>>, vector<16xf32>,
      tpu.vector_store %arg8[%parallel_loop3A_249, %parallel_loop3A_250], %parallel_loop3A_248 {strides = array<i32>} : memref<128x80xf32, #tpu.memory_space<vmem>>, vector<16xf32>,
      %parallel_loop3A_252 = arith.mulf %parallel_loop3A_239, %parallel_loop3A_220 : vector<16xf32>
      %parallel_loop3A_253 = arith.index_cast %parallel_loop3A_179 : i32 to index
      %parallel_loop3A_254 = arith.constant 48 : index
      %parallel_loop3A_255 = tpu.vector_load %arg8[%parallel_loop3A_253, %parallel_loop3A_254] {strides = array<i32>} : memref<128x80xf32, #tpu.memory_space<vmem>>, vector<16xf32>,
      tpu.vector_store %arg8[%parallel_loop3A_253, %parallel_loop3A_254], %parallel_loop3A_252 {strides = array<i32>} : memref<128x80xf32, #tpu.memory_space<vmem>>, vector<16xf32>,
      %parallel_loop3A_256 = arith.index_cast %parallel_loop3A_179 : i32 to index
      %parallel_loop3A_257 = arith.constant 64 : index
      %parallel_loop3A_258 = tpu.vector_load %arg8[%parallel_loop3A_256, %parallel_loop3A_257] {strides = array<i32>} : memref<128x80xf32, #tpu.memory_space<vmem>>, vector<16xf32>,
      tpu.vector_store %arg8[%parallel_loop3A_256, %parallel_loop3A_257], %parallel_loop3A_239 {strides = array<i32>} : memref<128x80xf32, #tpu.memory_space<vmem>>, vector<16xf32>,
    } {sc.loop_unroll_factor = 4 : i64, sc.parallel_access}
    %run_scoped3A_157 = arith.constant 79 : i32
    "tpu.region"() ({
      %run_scoped3A_179 = tpu.sem_alloc : memref<!tpu.dma_semaphore, #tpu.memory_space<semaphore_mem>>
      %dma_start3A_180 = arith.constant 0 : i32
      %dma_start3A_181 = arith.constant 0 : i32
      %dma_start3A_182 = tpu.memref_slice %arg8[%dma_start3A_180, %dma_start3A_181] : memref<128x80xf32, #tpu.memory_space<vmem>> -> memref<128x80xf32, #tpu.memory_space<vmem>>
      %dma_start3A_183 = arith.constant 0 : i32
      %dma_start3A_184 = tpu.memref_slice %arg10[%run_scoped3A_157, %dma_start3A_183] : memref<80x128xi32, #tpu.memory_space<vmem>> -> memref<1x128xi32, #tpu.memory_space<vmem>>
      %dma_start3A_185 = tpu.memref_squeeze %dma_start3A_184 : memref<1x128xi32, #tpu.memory_space<vmem>> -> memref<128xi32, #tpu.memory_space<vmem>>
      %dma_start3A_186 = arith.constant 0 : i32
      %dma_start3A_187 = arith.constant 0 : i32
      %dma_start3A_188 = tpu.memref_slice %arg7[%dma_start3A_186, %dma_start3A_187] : memref<10128x80xf32, #tpu.memory_space<vmem_shared>> -> memref<10128x80xf32, #tpu.memory_space<vmem_shared>>
      tpu.enqueue_indirect_dma source(%dma_start3A_182 : memref<128x80xf32, #tpu.memory_space<vmem>>) target(%dma_start3A_188 : memref<10128x80xf32, #tpu.memory_space<vmem_shared>>) offsets(%dma_start3A_185 : memref<128xi32, #tpu.memory_space<vmem>>) semaphore(%run_scoped3A_179 : memref<!tpu.dma_semaphore, #tpu.memory_space<semaphore_mem>>) {add = true}
      %dma_wait3A_189 = arith.constant 0 : i32
      %dma_wait3A_190 = arith.constant 0 : i32
      %dma_wait3A_191 = tpu.memref_slice %arg8[%dma_wait3A_189, %dma_wait3A_190] : memref<128x80xf32, #tpu.memory_space<vmem>> -> memref<128x80xf32, #tpu.memory_space<vmem>>
      %dma_wait3A_192 = arith.constant 0 : i32
      %dma_wait3A_193 = tpu.memref_slice %arg10[%run_scoped3A_157, %dma_wait3A_192] : memref<80x128xi32, #tpu.memory_space<vmem>> -> memref<1x128xi32, #tpu.memory_space<vmem>>
      %dma_wait3A_194 = tpu.memref_squeeze %dma_wait3A_193 : memref<1x128xi32, #tpu.memory_space<vmem>> -> memref<128xi32, #tpu.memory_space<vmem>>
      %dma_wait3A_195 = arith.constant 0 : i32
      %dma_wait3A_196 = arith.constant 0 : i32
      %dma_wait3A_197 = tpu.memref_slice %arg7[%dma_wait3A_195, %dma_wait3A_196] : memref<10128x80xf32, #tpu.memory_space<vmem_shared>> -> memref<10128x80xf32, #tpu.memory_space<vmem_shared>>
      tpu.wait_indirect_dma semaphore(%run_scoped3A_179 : memref<!tpu.dma_semaphore, #tpu.memory_space<semaphore_mem>>) src(%dma_wait3A_191 : memref<128x80xf32, #tpu.memory_space<vmem>>) dst(%dma_wait3A_197 : memref<10128x80xf32, #tpu.memory_space<vmem_shared>>)
      tpu.yield
    }) : () -> ()
    %barrier3A_158 = arith.constant 0 : index
    tpu.barrier barrier_id(%barrier3A_158)
    %mul3A_159 = arith.constant 625 : i32
    %mul3A_160 = arith.muli %arg1, %mul3A_159 : i32
    %add3A_161 = arith.constant 0 : i32
    %add3A_162 = arith.addi %mul3A_160, %add3A_161 : i32
    "tpu.region"() ({
      %run_scoped3A_179 = tpu.sem_alloc : memref<!tpu.dma_semaphore, #tpu.memory_space<semaphore_mem>>
      %dma_start3A_180 = arith.constant 0 : i32
      %dma_start3A_181 = arith.constant 0 : i32
      %dma_start3A_182 = tpu.memref_slice %arg6[%arg0, %dma_start3A_180, %dma_start3A_181] : memref<2x10000x80xf32, #tpu.memory_space<hbm>> -> memref<1x10000x80xf32, #tpu.memory_space<hbm>>
      %dma_start3A_183 = tpu.memref_squeeze %dma_start3A_182 : memref<1x10000x80xf32, #tpu.memory_space<hbm>> -> memref<10000x80xf32, #tpu.memory_space<hbm>>
      %dma_start3A_184 = arith.constant 0 : i32
      %dma_start3A_185 = tpu.memref_slice %dma_start3A_183[%add3A_162, %dma_start3A_184] : memref<10000x80xf32, #tpu.memory_space<hbm>> -> memref<125x80xf32, #tpu.memory_space<hbm>>
      %dma_start3A_186 = arith.constant 0 : i32
      %dma_start3A_187 = tpu.memref_slice %arg7[%add3A_162, %dma_start3A_186] : memref<10128x80xf32, #tpu.memory_space<vmem_shared>> -> memref<125x80xf32, #tpu.memory_space<vmem_shared>>
      tpu.enqueue_dma source(%dma_start3A_187 : memref<125x80xf32, #tpu.memory_space<vmem_shared>>) target(%dma_start3A_185 : memref<125x80xf32, #tpu.memory_space<hbm>>) target_semaphore(%run_scoped3A_179 : memref<!tpu.dma_semaphore, #tpu.memory_space<semaphore_mem>>)
      %dma_wait3A_188 = arith.constant 0 : i32
      %dma_wait3A_189 = arith.constant 0 : i32
      %dma_wait3A_190 = tpu.memref_slice %arg6[%arg0, %dma_wait3A_188, %dma_wait3A_189] : memref<2x10000x80xf32, #tpu.memory_space<hbm>> -> memref<1x10000x80xf32, #tpu.memory_space<hbm>>
      %dma_wait3A_191 = tpu.memref_squeeze %dma_wait3A_190 : memref<1x10000x80xf32, #tpu.memory_space<hbm>> -> memref<10000x80xf32, #tpu.memory_space<hbm>>
      %dma_wait3A_192 = arith.constant 0 : i32
      %dma_wait3A_193 = tpu.memref_slice %dma_wait3A_191[%add3A_162, %dma_wait3A_192] : memref<10000x80xf32, #tpu.memory_space<hbm>> -> memref<125x80xf32, #tpu.memory_space<hbm>>
      %dma_wait3A_194 = arith.constant 0 : i32
      %dma_wait3A_195 = tpu.memref_slice %arg7[%add3A_162, %dma_wait3A_194] : memref<10128x80xf32, #tpu.memory_space<vmem_shared>> -> memref<125x80xf32, #tpu.memory_space<vmem_shared>>
      tpu.wait_dma2 semaphore(%run_scoped3A_179 : memref<!tpu.dma_semaphore, #tpu.memory_space<semaphore_mem>>) src(%dma_wait3A_195 : memref<125x80xf32, #tpu.memory_space<vmem_shared>>) dst(%dma_wait3A_193 : memref<125x80xf32, #tpu.memory_space<hbm>>)
      tpu.yield
    }) : () -> ()
    %mul3A_163 = arith.constant 625 : i32
    %mul3A_164 = arith.muli %arg1, %mul3A_163 : i32
    %add3A_165 = arith.constant 125 : i32
    %add3A_166 = arith.addi %mul3A_164, %add3A_165 : i32
    "tpu.region"() ({
      %run_scoped3A_179 = tpu.sem_alloc : memref<!tpu.dma_semaphore, #tpu.memory_space<semaphore_mem>>
      %dma_start3A_180 = arith.constant 0 : i32
      %dma_start3A_181 = arith.constant 0 : i32
      %dma_start3A_182 = tpu.memref_slice %arg6[%arg0, %dma_start3A_180, %dma_start3A_181] : memref<2x10000x80xf32, #tpu.memory_space<hbm>> -> memref<1x10000x80xf32, #tpu.memory_space<hbm>>
      %dma_start3A_183 = tpu.memref_squeeze %dma_start3A_182 : memref<1x10000x80xf32, #tpu.memory_space<hbm>> -> memref<10000x80xf32, #tpu.memory_space<hbm>>
      %dma_start3A_184 = arith.constant 0 : i32
      %dma_start3A_185 = tpu.memref_slice %dma_start3A_183[%add3A_166, %dma_start3A_184] : memref<10000x80xf32, #tpu.memory_space<hbm>> -> memref<125x80xf32, #tpu.memory_space<hbm>>
      %dma_start3A_186 = arith.constant 0 : i32
      %dma_start3A_187 = tpu.memref_slice %arg7[%add3A_166, %dma_start3A_186] : memref<10128x80xf32, #tpu.memory_space<vmem_shared>> -> memref<125x80xf32, #tpu.memory_space<vmem_shared>>
      tpu.enqueue_dma source(%dma_start3A_187 : memref<125x80xf32, #tpu.memory_space<vmem_shared>>) target(%dma_start3A_185 : memref<125x80xf32, #tpu.memory_space<hbm>>) target_semaphore(%run_scoped3A_179 : memref<!tpu.dma_semaphore, #tpu.memory_space<semaphore_mem>>)
      %dma_wait3A_188 = arith.constant 0 : i32
      %dma_wait3A_189 = arith.constant 0 : i32
      %dma_wait3A_190 = tpu.memref_slice %arg6[%arg0, %dma_wait3A_188, %dma_wait3A_189] : memref<2x10000x80xf32, #tpu.memory_space<hbm>> -> memref<1x10000x80xf32, #tpu.memory_space<hbm>>
      %dma_wait3A_191 = tpu.memref_squeeze %dma_wait3A_190 : memref<1x10000x80xf32, #tpu.memory_space<hbm>> -> memref<10000x80xf32, #tpu.memory_space<hbm>>
      %dma_wait3A_192 = arith.constant 0 : i32
      %dma_wait3A_193 = tpu.memref_slice %dma_wait3A_191[%add3A_166, %dma_wait3A_192] : memref<10000x80xf32, #tpu.memory_space<hbm>> -> memref<125x80xf32, #tpu.memory_space<hbm>>
      %dma_wait3A_194 = arith.constant 0 : i32
      %dma_wait3A_195 = tpu.memref_slice %arg7[%add3A_166, %dma_wait3A_194] : memref<10128x80xf32, #tpu.memory_space<vmem_shared>> -> memref<125x80xf32, #tpu.memory_space<vmem_shared>>
      tpu.wait_dma2 semaphore(%run_scoped3A_179 : memref<!tpu.dma_semaphore, #tpu.memory_space<semaphore_mem>>) src(%dma_wait3A_195 : memref<125x80xf32, #tpu.memory_space<vmem_shared>>) dst(%dma_wait3A_193 : memref<125x80xf32, #tpu.memory_space<hbm>>)
      tpu.yield
    }) : () -> ()
    %mul3A_167 = arith.constant 625 : i32
    %mul3A_168 = arith.muli %arg1, %mul3A_167 : i32
    %add3A_169 = arith.constant 250 : i32
    %add3A_170 = arith.addi %mul3A_168, %add3A_169 : i32
    "tpu.region"() ({
      %run_scoped3A_179 = tpu.sem_alloc : memref<!tpu.dma_semaphore, #tpu.memory_space<semaphore_mem>>
      %dma_start3A_180 = arith.constant 0 : i32
      %dma_start3A_181 = arith.constant 0 : i32
      %dma_start3A_182 = tpu.memref_slice %arg6[%arg0, %dma_start3A_180, %dma_start3A_181] : memref<2x10000x80xf32, #tpu.memory_space<hbm>> -> memref<1x10000x80xf32, #tpu.memory_space<hbm>>
      %dma_start3A_183 = tpu.memref_squeeze %dma_start3A_182 : memref<1x10000x80xf32, #tpu.memory_space<hbm>> -> memref<10000x80xf32, #tpu.memory_space<hbm>>
      %dma_start3A_184 = arith.constant 0 : i32
      %dma_start3A_185 = tpu.memref_slice %dma_start3A_183[%add3A_170, %dma_start3A_184] : memref<10000x80xf32, #tpu.memory_space<hbm>> -> memref<125x80xf32, #tpu.memory_space<hbm>>
      %dma_start3A_186 = arith.constant 0 : i32
      %dma_start3A_187 = tpu.memref_slice %arg7[%add3A_170, %dma_start3A_186] : memref<10128x80xf32, #tpu.memory_space<vmem_shared>> -> memref<125x80xf32, #tpu.memory_space<vmem_shared>>
      tpu.enqueue_dma source(%dma_start3A_187 : memref<125x80xf32, #tpu.memory_space<vmem_shared>>) target(%dma_start3A_185 : memref<125x80xf32, #tpu.memory_space<hbm>>) target_semaphore(%run_scoped3A_179 : memref<!tpu.dma_semaphore, #tpu.memory_space<semaphore_mem>>)
      %dma_wait3A_188 = arith.constant 0 : i32
      %dma_wait3A_189 = arith.constant 0 : i32
      %dma_wait3A_190 = tpu.memref_slice %arg6[%arg0, %dma_wait3A_188, %dma_wait3A_189] : memref<2x10000x80xf32, #tpu.memory_space<hbm>> -> memref<1x10000x80xf32, #tpu.memory_space<hbm>>
      %dma_wait3A_191 = tpu.memref_squeeze %dma_wait3A_190 : memref<1x10000x80xf32, #tpu.memory_space<hbm>> -> memref<10000x80xf32, #tpu.memory_space<hbm>>
      %dma_wait3A_192 = arith.constant 0 : i32
      %dma_wait3A_193 = tpu.memref_slice %dma_wait3A_191[%add3A_170, %dma_wait3A_192] : memref<10000x80xf32, #tpu.memory_space<hbm>> -> memref<125x80xf32, #tpu.memory_space<hbm>>
      %dma_wait3A_194 = arith.constant 0 : i32
      %dma_wait3A_195 = tpu.memref_slice %arg7[%add3A_170, %dma_wait3A_194] : memref<10128x80xf32, #tpu.memory_space<vmem_shared>> -> memref<125x80xf32, #tpu.memory_space<vmem_shared>>
      tpu.wait_dma2 semaphore(%run_scoped3A_179 : memref<!tpu.dma_semaphore, #tpu.memory_space<semaphore_mem>>) src(%dma_wait3A_195 : memref<125x80xf32, #tpu.memory_space<vmem_shared>>) dst(%dma_wait3A_193 : memref<125x80xf32, #tpu.memory_space<hbm>>)
      tpu.yield
    }) : () -> ()
    %mul3A_171 = arith.constant 625 : i32
    %mul3A_172 = arith.muli %arg1, %mul3A_171 : i32
    %add3A_173 = arith.constant 375 : i32
    %add3A_174 = arith.addi %mul3A_172, %add3A_173 : i32
    "tpu.region"() ({
      %run_scoped3A_179 = tpu.sem_alloc : memref<!tpu.dma_semaphore, #tpu.memory_space<semaphore_mem>>
      %dma_start3A_180 = arith.constant 0 : i32
      %dma_start3A_181 = arith.constant 0 : i32
      %dma_start3A_182 = tpu.memref_slice %arg6[%arg0, %dma_start3A_180, %dma_start3A_181] : memref<2x10000x80xf32, #tpu.memory_space<hbm>> -> memref<1x10000x80xf32, #tpu.memory_space<hbm>>
      %dma_start3A_183 = tpu.memref_squeeze %dma_start3A_182 : memref<1x10000x80xf32, #tpu.memory_space<hbm>> -> memref<10000x80xf32, #tpu.memory_space<hbm>>
      %dma_start3A_184 = arith.constant 0 : i32
      %dma_start3A_185 = tpu.memref_slice %dma_start3A_183[%add3A_174, %dma_start3A_184] : memref<10000x80xf32, #tpu.memory_space<hbm>> -> memref<125x80xf32, #tpu.memory_space<hbm>>
      %dma_start3A_186 = arith.constant 0 : i32
      %dma_start3A_187 = tpu.memref_slice %arg7[%add3A_174, %dma_start3A_186] : memref<10128x80xf32, #tpu.memory_space<vmem_shared>> -> memref<125x80xf32, #tpu.memory_space<vmem_shared>>
      tpu.enqueue_dma source(%dma_start3A_187 : memref<125x80xf32, #tpu.memory_space<vmem_shared>>) target(%dma_start3A_185 : memref<125x80xf32, #tpu.memory_space<hbm>>) target_semaphore(%run_scoped3A_179 : memref<!tpu.dma_semaphore, #tpu.memory_space<semaphore_mem>>)
      %dma_wait3A_188 = arith.constant 0 : i32
      %dma_wait3A_189 = arith.constant 0 : i32
      %dma_wait3A_190 = tpu.memref_slice %arg6[%arg0, %dma_wait3A_188, %dma_wait3A_189] : memref<2x10000x80xf32, #tpu.memory_space<hbm>> -> memref<1x10000x80xf32, #tpu.memory_space<hbm>>
      %dma_wait3A_191 = tpu.memref_squeeze %dma_wait3A_190 : memref<1x10000x80xf32, #tpu.memory_space<hbm>> -> memref<10000x80xf32, #tpu.memory_space<hbm>>
      %dma_wait3A_192 = arith.constant 0 : i32
      %dma_wait3A_193 = tpu.memref_slice %dma_wait3A_191[%add3A_174, %dma_wait3A_192] : memref<10000x80xf32, #tpu.memory_space<hbm>> -> memref<125x80xf32, #tpu.memory_space<hbm>>
      %dma_wait3A_194 = arith.constant 0 : i32
      %dma_wait3A_195 = tpu.memref_slice %arg7[%add3A_174, %dma_wait3A_194] : memref<10128x80xf32, #tpu.memory_space<vmem_shared>> -> memref<125x80xf32, #tpu.memory_space<vmem_shared>>
      tpu.wait_dma2 semaphore(%run_scoped3A_179 : memref<!tpu.dma_semaphore, #tpu.memory_space<semaphore_mem>>) src(%dma_wait3A_195 : memref<125x80xf32, #tpu.memory_space<vmem_shared>>) dst(%dma_wait3A_193 : memref<125x80xf32, #tpu.memory_space<hbm>>)
      tpu.yield
    }) : () -> ()
    %mul3A_175 = arith.constant 625 : i32
    %mul3A_176 = arith.muli %arg1, %mul3A_175 : i32
    %add3A_177 = arith.constant 500 : i32
    %add3A_178 = arith.addi %mul3A_176, %add3A_177 : i32
    "tpu.region"() ({
      %run_scoped3A_179 = tpu.sem_alloc : memref<!tpu.dma_semaphore, #tpu.memory_space<semaphore_mem>>
      %dma_start3A_180 = arith.constant 0 : i32
      %dma_start3A_181 = arith.constant 0 : i32
      %dma_start3A_182 = tpu.memref_slice %arg6[%arg0, %dma_start3A_180, %dma_start3A_181] : memref<2x10000x80xf32, #tpu.memory_space<hbm>> -> memref<1x10000x80xf32, #tpu.memory_space<hbm>>
      %dma_start3A_183 = tpu.memref_squeeze %dma_start3A_182 : memref<1x10000x80xf32, #tpu.memory_space<hbm>> -> memref<10000x80xf32, #tpu.memory_space<hbm>>
      %dma_start3A_184 = arith.constant 0 : i32
      %dma_start3A_185 = tpu.memref_slice %dma_start3A_183[%add3A_178, %dma_start3A_184] : memref<10000x80xf32, #tpu.memory_space<hbm>> -> memref<125x80xf32, #tpu.memory_space<hbm>>
      %dma_start3A_186 = arith.constant 0 : i32
      %dma_start3A_187 = tpu.memref_slice %arg7[%add3A_178, %dma_start3A_186] : memref<10128x80xf32, #tpu.memory_space<vmem_shared>> -> memref<125x80xf32, #tpu.memory_space<vmem_shared>>
      tpu.enqueue_dma source(%dma_start3A_187 : memref<125x80xf32, #tpu.memory_space<vmem_shared>>) target(%dma_start3A_185 : memref<125x80xf32, #tpu.memory_space<hbm>>) target_semaphore(%run_scoped3A_179 : memref<!tpu.dma_semaphore, #tpu.memory_space<semaphore_mem>>)
      %dma_wait3A_188 = arith.constant 0 : i32
      %dma_wait3A_189 = arith.constant 0 : i32
      %dma_wait3A_190 = tpu.memref_slice %arg6[%arg0, %dma_wait3A_188, %dma_wait3A_189] : memref<2x10000x80xf32, #tpu.memory_space<hbm>> -> memref<1x10000x80xf32, #tpu.memory_space<hbm>>
      %dma_wait3A_191 = tpu.memref_squeeze %dma_wait3A_190 : memref<1x10000x80xf32, #tpu.memory_space<hbm>> -> memref<10000x80xf32, #tpu.memory_space<hbm>>
      %dma_wait3A_192 = arith.constant 0 : i32
      %dma_wait3A_193 = tpu.memref_slice %dma_wait3A_191[%add3A_178, %dma_wait3A_192] : memref<10000x80xf32, #tpu.memory_space<hbm>> -> memref<125x80xf32, #tpu.memory_space<hbm>>
      %dma_wait3A_194 = arith.constant 0 : i32
      %dma_wait3A_195 = tpu.memref_slice %arg7[%add3A_178, %dma_wait3A_194] : memref<10128x80xf32, #tpu.memory_space<vmem_shared>> -> memref<125x80xf32, #tpu.memory_space<vmem_shared>>
      tpu.wait_dma2 semaphore(%run_scoped3A_179 : memref<!tpu.dma_semaphore, #tpu.memory_space<semaphore_mem>>) src(%dma_wait3A_195 : memref<125x80xf32, #tpu.memory_space<vmem_shared>>) dst(%dma_wait3A_193 : memref<125x80xf32, #tpu.memory_space<hbm>>)
      tpu.yield
    }) : () -> ()
    return
  }
}

#map = affine_map<(d0, d1) -> (0, 0)>
#map1 = affine_map<(d0, d1) -> (0)>
module attributes {stable_mosaic.version = 14 : i64} {
  func.func @k(%arg0: i32, %arg1: i32, %arg2: memref<10000x32xf32, #tpu.memory_space<hbm>>, %arg3: memref<10000x32xf32, #tpu.memory_space<hbm>>, %arg4: memref<1024xi32, #tpu.memory_space<hbm>>, %arg5: memref<1024x16xf32, #tpu.memory_space<hbm>>, %arg6: memref<32xi32, #tpu.memory_space<vmem>>, %arg7: memref<32x32xf32, #tpu.memory_space<vmem>>, %arg8: memref<32x32xf32, #tpu.memory_space<vmem>>, %arg9: memref<32x16xf32, #tpu.memory_space<vmem>>, %arg10: memref<!tpu.dma_semaphore, #tpu.memory_space<semaphore_mem>>) attributes {dimension_semantics = [#tpu.dimension_semantics<core_parallel>, #tpu.dimension_semantics<subcore_parallel>], iteration_bounds = array<i64: 2, 16>, scalar_prefetch = 0 : i64, scratch_operands = 5 : i64, tpu.core_type = #tpu.core_type<sc_vector_subcore>, window_params = [{transform_indices = #map}, {transform_indices = #map}, {transform_indices = #map1}, {transform_indices = #map}]} {
    %mul3A = arith.constant 2 : i32
    %mul3A_0 = arith.muli %arg1, %mul3A : i32
    %add3A = arith.addi %mul3A_0, %arg0 : i32
    %mul3A_1 = arith.constant 32 : i32
    %mul3A_2 = arith.muli %add3A, %mul3A_1 : i32
    "tpu.region"() ({
      %run_scoped3A = tpu.sem_alloc : memref<!tpu.dma_semaphore, #tpu.memory_space<semaphore_mem>>
      %dma_start3A_19 = tpu.memref_slice %arg4[%mul3A_2] : memref<1024xi32, #tpu.memory_space<hbm>> -> memref<32xi32, #tpu.memory_space<hbm>>
      %dma_start3A_20 = tpu.memref_slice %arg4[%mul3A_2] : memref<1024xi32, #tpu.memory_space<hbm>> -> memref<32xi32, #tpu.memory_space<hbm>>
      tpu.enqueue_dma source(%dma_start3A_20 : memref<32xi32, #tpu.memory_space<hbm>>) target(%arg6 : memref<32xi32, #tpu.memory_space<vmem>>) target_semaphore(%run_scoped3A : memref<!tpu.dma_semaphore, #tpu.memory_space<semaphore_mem>>)
      %dma_wait3A_21 = tpu.memref_slice %arg4[%mul3A_2] : memref<1024xi32, #tpu.memory_space<hbm>> -> memref<32xi32, #tpu.memory_space<hbm>>
      %dma_wait3A_22 = tpu.memref_slice %arg4[%mul3A_2] : memref<1024xi32, #tpu.memory_space<hbm>> -> memref<32xi32, #tpu.memory_space<hbm>>
      tpu.wait_dma2 semaphore(%run_scoped3A : memref<!tpu.dma_semaphore, #tpu.memory_space<semaphore_mem>>) src(%dma_wait3A_22 : memref<32xi32, #tpu.memory_space<hbm>>) dst(%arg6 : memref<32xi32, #tpu.memory_space<vmem>>)
      tpu.yield
    }) : () -> ()
    %dma_start3A = arith.constant 0 : i32
    %dma_start3A_3 = arith.constant 0 : i32
    %dma_start3A_4 = tpu.memref_slice %arg2[%dma_start3A, %dma_start3A_3] : memref<10000x32xf32, #tpu.memory_space<hbm>> -> memref<10000x32xf32, #tpu.memory_space<hbm>>
    tpu.enqueue_indirect_dma source(%dma_start3A_4 : memref<10000x32xf32, #tpu.memory_space<hbm>>) target(%arg7 : memref<32x32xf32, #tpu.memory_space<vmem>>) offsets(%arg6 : memref<32xi32, #tpu.memory_space<vmem>>) semaphore(%arg10 : memref<!tpu.dma_semaphore, #tpu.memory_space<semaphore_mem>>)
    %dma_wait3A = arith.constant 0 : i32
    %dma_wait3A_5 = arith.constant 0 : i32
    %dma_wait3A_6 = tpu.memref_slice %arg2[%dma_wait3A, %dma_wait3A_5] : memref<10000x32xf32, #tpu.memory_space<hbm>> -> memref<10000x32xf32, #tpu.memory_space<hbm>>
    tpu.wait_indirect_dma semaphore(%arg10 : memref<!tpu.dma_semaphore, #tpu.memory_space<semaphore_mem>>) src(%dma_wait3A_6 : memref<10000x32xf32, #tpu.memory_space<hbm>>) dst(%arg7 : memref<32x32xf32, #tpu.memory_space<vmem>>)
    %dma_start3A_7 = arith.constant 0 : i32
    %dma_start3A_8 = arith.constant 0 : i32
    %dma_start3A_9 = tpu.memref_slice %arg3[%dma_start3A_7, %dma_start3A_8] : memref<10000x32xf32, #tpu.memory_space<hbm>> -> memref<10000x32xf32, #tpu.memory_space<hbm>>
    tpu.enqueue_indirect_dma source(%dma_start3A_9 : memref<10000x32xf32, #tpu.memory_space<hbm>>) target(%arg8 : memref<32x32xf32, #tpu.memory_space<vmem>>) offsets(%arg6 : memref<32xi32, #tpu.memory_space<vmem>>) semaphore(%arg10 : memref<!tpu.dma_semaphore, #tpu.memory_space<semaphore_mem>>)
    %dma_wait3A_10 = arith.constant 0 : i32
    %dma_wait3A_11 = arith.constant 0 : i32
    %dma_wait3A_12 = tpu.memref_slice %arg3[%dma_wait3A_10, %dma_wait3A_11] : memref<10000x32xf32, #tpu.memory_space<hbm>> -> memref<10000x32xf32, #tpu.memory_space<hbm>>
    tpu.wait_indirect_dma semaphore(%arg10 : memref<!tpu.dma_semaphore, #tpu.memory_space<semaphore_mem>>) src(%dma_wait3A_12 : memref<10000x32xf32, #tpu.memory_space<hbm>>) dst(%arg8 : memref<32x32xf32, #tpu.memory_space<vmem>>)
    %scan3A = arith.constant 0 : i32
    %scan3A_13 = arith.constant 0 : i32
    %scan3A_14 = arith.constant 32 : i32
    %scan3A_15 = arith.addi %scan3A_13, %scan3A_14 : i32
    %scan3A_16 = arith.constant 1 : i32
    %scan3A_17 = scf.for %scan3A_19 = %scan3A_13 to %scan3A_15 step %scan3A_16 iter_args(%scan3A_20 = %scan3A) -> (i32)  : i32 {
      %get3A = arith.index_cast %scan3A_19 : i32 to index
      %get3A_21 = arith.constant 0 : index
      %get3A_22 = tpu.vector_load %arg7[%get3A, %get3A_21] {strides = array<i32>} : memref<32x32xf32, #tpu.memory_space<vmem>>, vector<1x16xf32>,
      %get3A_23 = vector.shape_cast %get3A_22 : vector<1x16xf32> to vector<16xf32>
      %get3A_24 = arith.index_cast %scan3A_19 : i32 to index
      %get3A_25 = arith.constant 0 : index
      %get3A_26 = tpu.vector_load %arg8[%get3A_24, %get3A_25] {strides = array<i32>} : memref<32x32xf32, #tpu.memory_space<vmem>>, vector<1x16xf32>,
      %get3A_27 = vector.shape_cast %get3A_26 : vector<1x16xf32> to vector<16xf32>
      %add3A_28 = arith.addf %get3A_23, %get3A_27 : vector<16xf32>
      %get3A_29 = arith.index_cast %scan3A_19 : i32 to index
      %get3A_30 = arith.constant 16 : index
      %get3A_31 = tpu.vector_load %arg7[%get3A_29, %get3A_30] {strides = array<i32>} : memref<32x32xf32, #tpu.memory_space<vmem>>, vector<1x16xf32>,
      %get3A_32 = vector.shape_cast %get3A_31 : vector<1x16xf32> to vector<16xf32>
      %get3A_33 = arith.index_cast %scan3A_19 : i32 to index
      %get3A_34 = arith.constant 16 : index
      %get3A_35 = tpu.vector_load %arg8[%get3A_33, %get3A_34] {strides = array<i32>} : memref<32x32xf32, #tpu.memory_space<vmem>>, vector<1x16xf32>,
      %get3A_36 = vector.shape_cast %get3A_35 : vector<1x16xf32> to vector<16xf32>
      %add3A_37 = arith.addf %get3A_32, %get3A_36 : vector<16xf32>
      %add3A_38 = arith.constant 9.99999971E-10 : f32
      %add3A_39 = vector.broadcast %add3A_38 : f32 to vector<16xf32>
      %add3A_40 = arith.addf %add3A_37, %add3A_39 : vector<16xf32>
      %div3A = arith.divf %add3A_28, %add3A_40 : vector<16xf32>
      %swap3A = arith.index_cast %scan3A_19 : i32 to index
      %swap3A_41 = arith.constant 0 : index
      %swap3A_42 = tpu.vector_load %arg9[%swap3A, %swap3A_41] {strides = array<i32>} : memref<32x16xf32, #tpu.memory_space<vmem>>, vector<1x16xf32>,
      %swap3A_43 = vector.shape_cast %swap3A_42 : vector<1x16xf32> to vector<16xf32>
      %swap3A_44 = vector.shape_cast %div3A : vector<16xf32> to vector<1x16xf32>
      tpu.vector_store %arg9[%swap3A, %swap3A_41], %swap3A_44 {strides = array<i32>} : memref<32x16xf32, #tpu.memory_space<vmem>>, vector<1x16xf32>,
      %scan3A_45 = arith.constant 0 : i32
      scf.yield %scan3A_45 : i32
    }
    %scan3A_18 = arith.constant 32 : i32
    "tpu.region"() ({
      %run_scoped3A = tpu.sem_alloc : memref<!tpu.dma_semaphore, #tpu.memory_space<semaphore_mem>>
      %dma_start3A_19 = arith.constant 0 : i32
      %dma_start3A_20 = tpu.memref_slice %arg5[%mul3A_2, %dma_start3A_19] : memref<1024x16xf32, #tpu.memory_space<hbm>> -> memref<32x16xf32, #tpu.memory_space<hbm>>
      %dma_start3A_21 = arith.constant 0 : i32
      %dma_start3A_22 = tpu.memref_slice %arg5[%mul3A_2, %dma_start3A_21] : memref<1024x16xf32, #tpu.memory_space<hbm>> -> memref<32x16xf32, #tpu.memory_space<hbm>>
      tpu.enqueue_dma source(%arg9 : memref<32x16xf32, #tpu.memory_space<vmem>>) target(%dma_start3A_22 : memref<32x16xf32, #tpu.memory_space<hbm>>) target_semaphore(%run_scoped3A : memref<!tpu.dma_semaphore, #tpu.memory_space<semaphore_mem>>)
      %dma_wait3A_23 = arith.constant 0 : i32
      %dma_wait3A_24 = tpu.memref_slice %arg5[%mul3A_2, %dma_wait3A_23] : memref<1024x16xf32, #tpu.memory_space<hbm>> -> memref<32x16xf32, #tpu.memory_space<hbm>>
      %dma_wait3A_25 = arith.constant 0 : i32
      %dma_wait3A_26 = tpu.memref_slice %arg5[%mul3A_2, %dma_wait3A_25] : memref<1024x16xf32, #tpu.memory_space<hbm>> -> memref<32x16xf32, #tpu.memory_space<hbm>>
      tpu.wait_dma2 semaphore(%run_scoped3A : memref<!tpu.dma_semaphore, #tpu.memory_space<semaphore_mem>>) src(%arg9 : memref<32x16xf32, #tpu.memory_space<vmem>>) dst(%dma_wait3A_26 : memref<32x16xf32, #tpu.memory_space<hbm>>)
      tpu.yield
    }) : () -> ()
    return
  }
}

#map = affine_map<(d0, d1) -> (0, 0)>
#map1 = affine_map<(d0, d1) -> (0)>
#map2 = affine_map<(d0, d1) -> (0, 0, 0)>
module attributes {stable_mosaic.version = 14 : i64} {
  func.func @k(%arg0: i32, %arg1: i32, %arg2: memref<10000x16xf32, #tpu.memory_space<hbm>>, %arg3: memref<2560x128xi32, #tpu.memory_space<hbm>>, %arg4: memref<2560x128xi32, #tpu.memory_space<hbm>>, %arg5: memref<16xf32, #tpu.memory_space<hbm>>, %arg6: memref<2x10000x32xf32, #tpu.memory_space<hbm>>, %arg7: memref<10128x32xf32, #tpu.memory_space<vmem_shared>>, %arg8: memref<256x32xf32, #tpu.memory_space<vmem>>, %arg9: memref<80x128xi32, #tpu.memory_space<vmem>>, %arg10: memref<80x128xi32, #tpu.memory_space<vmem>>, %arg11: memref<256x16xf32, #tpu.memory_space<vmem>>, %arg12: memref<256x16xf32, #tpu.memory_space<vmem>>, %arg13: memref<256x16xf32, #tpu.memory_space<vmem>>, %arg14: memref<256x16xf32, #tpu.memory_space<vmem>>, %arg15: memref<16xf32, #tpu.memory_space<vmem>>, %arg16: memref<!tpu.dma_semaphore, #tpu.memory_space<semaphore_mem>>, %arg17: memref<!tpu.dma_semaphore, #tpu.memory_space<semaphore_mem>>, %arg18: memref<!tpu.dma_semaphore, #tpu.memory_space<semaphore_mem>>) attributes {dimension_semantics = [#tpu.dimension_semantics<core_parallel>, #tpu.dimension_semantics<subcore_parallel>], iteration_bounds = array<i64: 2, 16>, scalar_prefetch = 0 : i64, scratch_operands = 12 : i64, tpu.core_type = #tpu.core_type<sc_vector_subcore>, window_params = [{transform_indices = #map}, {transform_indices = #map}, {transform_indices = #map}, {transform_indices = #map1}, {transform_indices = #map2}]} {
    %mul3A = arith.constant 2 : i32
    %mul3A_0 = arith.muli %arg1, %mul3A : i32
    %add3A = arith.addi %mul3A_0, %arg0 : i32
    %mul3A_1 = arith.constant 80 : i32
    %mul3A_2 = arith.muli %add3A, %mul3A_1 : i32
    %dma_start3A = arith.constant 0 : i32
    %dma_start3A_3 = tpu.memref_slice %arg3[%mul3A_2, %dma_start3A] : memref<2560x128xi32, #tpu.memory_space<hbm>> -> memref<80x128xi32, #tpu.memory_space<hbm>>
    %dma_start3A_4 = arith.constant 0 : i32
    %dma_start3A_5 = tpu.memref_slice %arg3[%mul3A_2, %dma_start3A_4] : memref<2560x128xi32, #tpu.memory_space<hbm>> -> memref<80x128xi32, #tpu.memory_space<hbm>>
    tpu.enqueue_dma source(%dma_start3A_5 : memref<80x128xi32, #tpu.memory_space<hbm>>) target(%arg9 : memref<80x128xi32, #tpu.memory_space<vmem>>) target_semaphore(%arg18 : memref<!tpu.dma_semaphore, #tpu.memory_space<semaphore_mem>>)
    %dma_start3A_6 = arith.constant 0 : i32
    %dma_start3A_7 = tpu.memref_slice %arg4[%mul3A_2, %dma_start3A_6] : memref<2560x128xi32, #tpu.memory_space<hbm>> -> memref<80x128xi32, #tpu.memory_space<hbm>>
    %dma_start3A_8 = arith.constant 0 : i32
    %dma_start3A_9 = tpu.memref_slice %arg4[%mul3A_2, %dma_start3A_8] : memref<2560x128xi32, #tpu.memory_space<hbm>> -> memref<80x128xi32, #tpu.memory_space<hbm>>
    tpu.enqueue_dma source(%dma_start3A_9 : memref<80x128xi32, #tpu.memory_space<hbm>>) target(%arg10 : memref<80x128xi32, #tpu.memory_space<vmem>>) target_semaphore(%arg18 : memref<!tpu.dma_semaphore, #tpu.memory_space<semaphore_mem>>)
    %broadcast_in_dim3A = arith.constant 0.000000e+00 : f32
    %broadcast_in_dim3A_10 = vector.broadcast %broadcast_in_dim3A : f32 to vector<16xf32>
    %scan3A = arith.constant 0 : i32
    %scan3A_11 = arith.constant 0 : i32
    %scan3A_12 = arith.constant 128 : i32
    %scan3A_13 = arith.addi %scan3A_11, %scan3A_12 : i32
    %scan3A_14 = arith.constant 1 : i32
    %scan3A_15 = scf.for %scan3A_263 = %scan3A_11 to %scan3A_13 step %scan3A_14 iter_args(%scan3A_264 = %scan3A) -> (i32)  : i32 {
      %swap3A = arith.index_cast %scan3A_263 : i32 to index
      %swap3A_265 = arith.constant 0 : index
      %swap3A_266 = tpu.vector_load %arg8[%swap3A, %swap3A_265] {strides = array<i32>} : memref<256x32xf32, #tpu.memory_space<vmem>>, vector<16xf32>,
      tpu.vector_store %arg8[%swap3A, %swap3A_265], %broadcast_in_dim3A_10 {strides = array<i32>} : memref<256x32xf32, #tpu.memory_space<vmem>>, vector<16xf32>,
      %swap3A_267 = arith.index_cast %scan3A_263 : i32 to index
      %swap3A_268 = arith.constant 16 : index
      %swap3A_269 = tpu.vector_load %arg8[%swap3A_267, %swap3A_268] {strides = array<i32>} : memref<256x32xf32, #tpu.memory_space<vmem>>, vector<16xf32>,
      tpu.vector_store %arg8[%swap3A_267, %swap3A_268], %broadcast_in_dim3A_10 {strides = array<i32>} : memref<256x32xf32, #tpu.memory_space<vmem>>, vector<16xf32>,
      %scan3A_270 = arith.constant 0 : i32
      scf.yield %scan3A_270 : i32
    }
    %scan3A_16 = arith.constant 128 : i32
    %mul3A_17 = arith.constant 625 : i32
    %mul3A_18 = arith.muli %arg1, %mul3A_17 : i32
    %add3A_19 = arith.constant 0 : i32
    %add3A_20 = arith.addi %mul3A_18, %add3A_19 : i32
    "tpu.region"() ({
      %run_scoped3A_263 = tpu.sem_alloc : memref<!tpu.dma_semaphore, #tpu.memory_space<semaphore_mem>>
      %dma_start3A_264 = arith.constant 0 : i32
      %dma_start3A_265 = arith.constant 0 : i32
      %dma_start3A_266 = tpu.memref_slice %arg8[%dma_start3A_264, %dma_start3A_265] : memref<256x32xf32, #tpu.memory_space<vmem>> -> memref<125x32xf32, #tpu.memory_space<vmem>>
      %dma_start3A_267 = arith.constant 0 : i32
      %dma_start3A_268 = tpu.memref_slice %arg7[%add3A_20, %dma_start3A_267] : memref<10128x32xf32, #tpu.memory_space<vmem_shared>> -> memref<125x32xf32, #tpu.memory_space<vmem_shared>>
      %dma_start3A_269 = arith.constant 0 : i32
      %dma_start3A_270 = tpu.memref_slice %arg7[%add3A_20, %dma_start3A_269] : memref<10128x32xf32, #tpu.memory_space<vmem_shared>> -> memref<125x32xf32, #tpu.memory_space<vmem_shared>>
      %dma_start3A_271 = arith.constant 0 : i32
      %dma_start3A_272 = arith.constant 0 : i32
      %dma_start3A_273 = tpu.memref_slice %arg8[%dma_start3A_271, %dma_start3A_272] : memref<256x32xf32, #tpu.memory_space<vmem>> -> memref<125x32xf32, #tpu.memory_space<vmem>>
      tpu.enqueue_dma source(%dma_start3A_273 : memref<125x32xf32, #tpu.memory_space<vmem>>) target(%dma_start3A_270 : memref<125x32xf32, #tpu.memory_space<vmem_shared>>) target_semaphore(%run_scoped3A_263 : memref<!tpu.dma_semaphore, #tpu.memory_space<semaphore_mem>>)
      %dma_wait3A_274 = arith.constant 0 : i32
      %dma_wait3A_275 = arith.constant 0 : i32
      %dma_wait3A_276 = tpu.memref_slice %arg8[%dma_wait3A_274, %dma_wait3A_275] : memref<256x32xf32, #tpu.memory_space<vmem>> -> memref<125x32xf32, #tpu.memory_space<vmem>>
      %dma_wait3A_277 = arith.constant 0 : i32
      %dma_wait3A_278 = tpu.memref_slice %arg7[%add3A_20, %dma_wait3A_277] : memref<10128x32xf32, #tpu.memory_space<vmem_shared>> -> memref<125x32xf32, #tpu.memory_space<vmem_shared>>
      %dma_wait3A_279 = arith.constant 0 : i32
      %dma_wait3A_280 = tpu.memref_slice %arg7[%add3A_20, %dma_wait3A_279] : memref<10128x32xf32, #tpu.memory_space<vmem_shared>> -> memref<125x32xf32, #tpu.memory_space<vmem_shared>>
      %dma_wait3A_281 = arith.constant 0 : i32
      %dma_wait3A_282 = arith.constant 0 : i32
      %dma_wait3A_283 = tpu.memref_slice %arg8[%dma_wait3A_281, %dma_wait3A_282] : memref<256x32xf32, #tpu.memory_space<vmem>> -> memref<125x32xf32, #tpu.memory_space<vmem>>
      tpu.wait_dma2 semaphore(%run_scoped3A_263 : memref<!tpu.dma_semaphore, #tpu.memory_space<semaphore_mem>>) src(%dma_wait3A_283 : memref<125x32xf32, #tpu.memory_space<vmem>>) dst(%dma_wait3A_280 : memref<125x32xf32, #tpu.memory_space<vmem_shared>>)
      tpu.yield
    }) : () -> ()
    %mul3A_21 = arith.constant 625 : i32
    %mul3A_22 = arith.muli %arg1, %mul3A_21 : i32
    %add3A_23 = arith.constant 125 : i32
    %add3A_24 = arith.addi %mul3A_22, %add3A_23 : i32
    "tpu.region"() ({
      %run_scoped3A_263 = tpu.sem_alloc : memref<!tpu.dma_semaphore, #tpu.memory_space<semaphore_mem>>
      %dma_start3A_264 = arith.constant 0 : i32
      %dma_start3A_265 = arith.constant 0 : i32
      %dma_start3A_266 = tpu.memref_slice %arg8[%dma_start3A_264, %dma_start3A_265] : memref<256x32xf32, #tpu.memory_space<vmem>> -> memref<125x32xf32, #tpu.memory_space<vmem>>
      %dma_start3A_267 = arith.constant 0 : i32
      %dma_start3A_268 = tpu.memref_slice %arg7[%add3A_24, %dma_start3A_267] : memref<10128x32xf32, #tpu.memory_space<vmem_shared>> -> memref<125x32xf32, #tpu.memory_space<vmem_shared>>
      %dma_start3A_269 = arith.constant 0 : i32
      %dma_start3A_270 = tpu.memref_slice %arg7[%add3A_24, %dma_start3A_269] : memref<10128x32xf32, #tpu.memory_space<vmem_shared>> -> memref<125x32xf32, #tpu.memory_space<vmem_shared>>
      %dma_start3A_271 = arith.constant 0 : i32
      %dma_start3A_272 = arith.constant 0 : i32
      %dma_start3A_273 = tpu.memref_slice %arg8[%dma_start3A_271, %dma_start3A_272] : memref<256x32xf32, #tpu.memory_space<vmem>> -> memref<125x32xf32, #tpu.memory_space<vmem>>
      tpu.enqueue_dma source(%dma_start3A_273 : memref<125x32xf32, #tpu.memory_space<vmem>>) target(%dma_start3A_270 : memref<125x32xf32, #tpu.memory_space<vmem_shared>>) target_semaphore(%run_scoped3A_263 : memref<!tpu.dma_semaphore, #tpu.memory_space<semaphore_mem>>)
      %dma_wait3A_274 = arith.constant 0 : i32
      %dma_wait3A_275 = arith.constant 0 : i32
      %dma_wait3A_276 = tpu.memref_slice %arg8[%dma_wait3A_274, %dma_wait3A_275] : memref<256x32xf32, #tpu.memory_space<vmem>> -> memref<125x32xf32, #tpu.memory_space<vmem>>
      %dma_wait3A_277 = arith.constant 0 : i32
      %dma_wait3A_278 = tpu.memref_slice %arg7[%add3A_24, %dma_wait3A_277] : memref<10128x32xf32, #tpu.memory_space<vmem_shared>> -> memref<125x32xf32, #tpu.memory_space<vmem_shared>>
      %dma_wait3A_279 = arith.constant 0 : i32
      %dma_wait3A_280 = tpu.memref_slice %arg7[%add3A_24, %dma_wait3A_279] : memref<10128x32xf32, #tpu.memory_space<vmem_shared>> -> memref<125x32xf32, #tpu.memory_space<vmem_shared>>
      %dma_wait3A_281 = arith.constant 0 : i32
      %dma_wait3A_282 = arith.constant 0 : i32
      %dma_wait3A_283 = tpu.memref_slice %arg8[%dma_wait3A_281, %dma_wait3A_282] : memref<256x32xf32, #tpu.memory_space<vmem>> -> memref<125x32xf32, #tpu.memory_space<vmem>>
      tpu.wait_dma2 semaphore(%run_scoped3A_263 : memref<!tpu.dma_semaphore, #tpu.memory_space<semaphore_mem>>) src(%dma_wait3A_283 : memref<125x32xf32, #tpu.memory_space<vmem>>) dst(%dma_wait3A_280 : memref<125x32xf32, #tpu.memory_space<vmem_shared>>)
      tpu.yield
    }) : () -> ()
    %mul3A_25 = arith.constant 625 : i32
    %mul3A_26 = arith.muli %arg1, %mul3A_25 : i32
    %add3A_27 = arith.constant 250 : i32
    %add3A_28 = arith.addi %mul3A_26, %add3A_27 : i32
    "tpu.region"() ({
      %run_scoped3A_263 = tpu.sem_alloc : memref<!tpu.dma_semaphore, #tpu.memory_space<semaphore_mem>>
      %dma_start3A_264 = arith.constant 0 : i32
      %dma_start3A_265 = arith.constant 0 : i32
      %dma_start3A_266 = tpu.memref_slice %arg8[%dma_start3A_264, %dma_start3A_265] : memref<256x32xf32, #tpu.memory_space<vmem>> -> memref<125x32xf32, #tpu.memory_space<vmem>>
      %dma_start3A_267 = arith.constant 0 : i32
      %dma_start3A_268 = tpu.memref_slice %arg7[%add3A_28, %dma_start3A_267] : memref<10128x32xf32, #tpu.memory_space<vmem_shared>> -> memref<125x32xf32, #tpu.memory_space<vmem_shared>>
      %dma_start3A_269 = arith.constant 0 : i32
      %dma_start3A_270 = tpu.memref_slice %arg7[%add3A_28, %dma_start3A_269] : memref<10128x32xf32, #tpu.memory_space<vmem_shared>> -> memref<125x32xf32, #tpu.memory_space<vmem_shared>>
      %dma_start3A_271 = arith.constant 0 : i32
      %dma_start3A_272 = arith.constant 0 : i32
      %dma_start3A_273 = tpu.memref_slice %arg8[%dma_start3A_271, %dma_start3A_272] : memref<256x32xf32, #tpu.memory_space<vmem>> -> memref<125x32xf32, #tpu.memory_space<vmem>>
      tpu.enqueue_dma source(%dma_start3A_273 : memref<125x32xf32, #tpu.memory_space<vmem>>) target(%dma_start3A_270 : memref<125x32xf32, #tpu.memory_space<vmem_shared>>) target_semaphore(%run_scoped3A_263 : memref<!tpu.dma_semaphore, #tpu.memory_space<semaphore_mem>>)
      %dma_wait3A_274 = arith.constant 0 : i32
      %dma_wait3A_275 = arith.constant 0 : i32
      %dma_wait3A_276 = tpu.memref_slice %arg8[%dma_wait3A_274, %dma_wait3A_275] : memref<256x32xf32, #tpu.memory_space<vmem>> -> memref<125x32xf32, #tpu.memory_space<vmem>>
      %dma_wait3A_277 = arith.constant 0 : i32
      %dma_wait3A_278 = tpu.memref_slice %arg7[%add3A_28, %dma_wait3A_277] : memref<10128x32xf32, #tpu.memory_space<vmem_shared>> -> memref<125x32xf32, #tpu.memory_space<vmem_shared>>
      %dma_wait3A_279 = arith.constant 0 : i32
      %dma_wait3A_280 = tpu.memref_slice %arg7[%add3A_28, %dma_wait3A_279] : memref<10128x32xf32, #tpu.memory_space<vmem_shared>> -> memref<125x32xf32, #tpu.memory_space<vmem_shared>>
      %dma_wait3A_281 = arith.constant 0 : i32
      %dma_wait3A_282 = arith.constant 0 : i32
      %dma_wait3A_283 = tpu.memref_slice %arg8[%dma_wait3A_281, %dma_wait3A_282] : memref<256x32xf32, #tpu.memory_space<vmem>> -> memref<125x32xf32, #tpu.memory_space<vmem>>
      tpu.wait_dma2 semaphore(%run_scoped3A_263 : memref<!tpu.dma_semaphore, #tpu.memory_space<semaphore_mem>>) src(%dma_wait3A_283 : memref<125x32xf32, #tpu.memory_space<vmem>>) dst(%dma_wait3A_280 : memref<125x32xf32, #tpu.memory_space<vmem_shared>>)
      tpu.yield
    }) : () -> ()
    %mul3A_29 = arith.constant 625 : i32
    %mul3A_30 = arith.muli %arg1, %mul3A_29 : i32
    %add3A_31 = arith.constant 375 : i32
    %add3A_32 = arith.addi %mul3A_30, %add3A_31 : i32
    "tpu.region"() ({
      %run_scoped3A_263 = tpu.sem_alloc : memref<!tpu.dma_semaphore, #tpu.memory_space<semaphore_mem>>
      %dma_start3A_264 = arith.constant 0 : i32
      %dma_start3A_265 = arith.constant 0 : i32
      %dma_start3A_266 = tpu.memref_slice %arg8[%dma_start3A_264, %dma_start3A_265] : memref<256x32xf32, #tpu.memory_space<vmem>> -> memref<125x32xf32, #tpu.memory_space<vmem>>
      %dma_start3A_267 = arith.constant 0 : i32
      %dma_start3A_268 = tpu.memref_slice %arg7[%add3A_32, %dma_start3A_267] : memref<10128x32xf32, #tpu.memory_space<vmem_shared>> -> memref<125x32xf32, #tpu.memory_space<vmem_shared>>
      %dma_start3A_269 = arith.constant 0 : i32
      %dma_start3A_270 = tpu.memref_slice %arg7[%add3A_32, %dma_start3A_269] : memref<10128x32xf32, #tpu.memory_space<vmem_shared>> -> memref<125x32xf32, #tpu.memory_space<vmem_shared>>
      %dma_start3A_271 = arith.constant 0 : i32
      %dma_start3A_272 = arith.constant 0 : i32
      %dma_start3A_273 = tpu.memref_slice %arg8[%dma_start3A_271, %dma_start3A_272] : memref<256x32xf32, #tpu.memory_space<vmem>> -> memref<125x32xf32, #tpu.memory_space<vmem>>
      tpu.enqueue_dma source(%dma_start3A_273 : memref<125x32xf32, #tpu.memory_space<vmem>>) target(%dma_start3A_270 : memref<125x32xf32, #tpu.memory_space<vmem_shared>>) target_semaphore(%run_scoped3A_263 : memref<!tpu.dma_semaphore, #tpu.memory_space<semaphore_mem>>)
      %dma_wait3A_274 = arith.constant 0 : i32
      %dma_wait3A_275 = arith.constant 0 : i32
      %dma_wait3A_276 = tpu.memref_slice %arg8[%dma_wait3A_274, %dma_wait3A_275] : memref<256x32xf32, #tpu.memory_space<vmem>> -> memref<125x32xf32, #tpu.memory_space<vmem>>
      %dma_wait3A_277 = arith.constant 0 : i32
      %dma_wait3A_278 = tpu.memref_slice %arg7[%add3A_32, %dma_wait3A_277] : memref<10128x32xf32, #tpu.memory_space<vmem_shared>> -> memref<125x32xf32, #tpu.memory_space<vmem_shared>>
      %dma_wait3A_279 = arith.constant 0 : i32
      %dma_wait3A_280 = tpu.memref_slice %arg7[%add3A_32, %dma_wait3A_279] : memref<10128x32xf32, #tpu.memory_space<vmem_shared>> -> memref<125x32xf32, #tpu.memory_space<vmem_shared>>
      %dma_wait3A_281 = arith.constant 0 : i32
      %dma_wait3A_282 = arith.constant 0 : i32
      %dma_wait3A_283 = tpu.memref_slice %arg8[%dma_wait3A_281, %dma_wait3A_282] : memref<256x32xf32, #tpu.memory_space<vmem>> -> memref<125x32xf32, #tpu.memory_space<vmem>>
      tpu.wait_dma2 semaphore(%run_scoped3A_263 : memref<!tpu.dma_semaphore, #tpu.memory_space<semaphore_mem>>) src(%dma_wait3A_283 : memref<125x32xf32, #tpu.memory_space<vmem>>) dst(%dma_wait3A_280 : memref<125x32xf32, #tpu.memory_space<vmem_shared>>)
      tpu.yield
    }) : () -> ()
    %mul3A_33 = arith.constant 625 : i32
    %mul3A_34 = arith.muli %arg1, %mul3A_33 : i32
    %add3A_35 = arith.constant 500 : i32
    %add3A_36 = arith.addi %mul3A_34, %add3A_35 : i32
    "tpu.region"() ({
      %run_scoped3A_263 = tpu.sem_alloc : memref<!tpu.dma_semaphore, #tpu.memory_space<semaphore_mem>>
      %dma_start3A_264 = arith.constant 0 : i32
      %dma_start3A_265 = arith.constant 0 : i32
      %dma_start3A_266 = tpu.memref_slice %arg8[%dma_start3A_264, %dma_start3A_265] : memref<256x32xf32, #tpu.memory_space<vmem>> -> memref<125x32xf32, #tpu.memory_space<vmem>>
      %dma_start3A_267 = arith.constant 0 : i32
      %dma_start3A_268 = tpu.memref_slice %arg7[%add3A_36, %dma_start3A_267] : memref<10128x32xf32, #tpu.memory_space<vmem_shared>> -> memref<125x32xf32, #tpu.memory_space<vmem_shared>>
      %dma_start3A_269 = arith.constant 0 : i32
      %dma_start3A_270 = tpu.memref_slice %arg7[%add3A_36, %dma_start3A_269] : memref<10128x32xf32, #tpu.memory_space<vmem_shared>> -> memref<125x32xf32, #tpu.memory_space<vmem_shared>>
      %dma_start3A_271 = arith.constant 0 : i32
      %dma_start3A_272 = arith.constant 0 : i32
      %dma_start3A_273 = tpu.memref_slice %arg8[%dma_start3A_271, %dma_start3A_272] : memref<256x32xf32, #tpu.memory_space<vmem>> -> memref<125x32xf32, #tpu.memory_space<vmem>>
      tpu.enqueue_dma source(%dma_start3A_273 : memref<125x32xf32, #tpu.memory_space<vmem>>) target(%dma_start3A_270 : memref<125x32xf32, #tpu.memory_space<vmem_shared>>) target_semaphore(%run_scoped3A_263 : memref<!tpu.dma_semaphore, #tpu.memory_space<semaphore_mem>>)
      %dma_wait3A_274 = arith.constant 0 : i32
      %dma_wait3A_275 = arith.constant 0 : i32
      %dma_wait3A_276 = tpu.memref_slice %arg8[%dma_wait3A_274, %dma_wait3A_275] : memref<256x32xf32, #tpu.memory_space<vmem>> -> memref<125x32xf32, #tpu.memory_space<vmem>>
      %dma_wait3A_277 = arith.constant 0 : i32
      %dma_wait3A_278 = tpu.memref_slice %arg7[%add3A_36, %dma_wait3A_277] : memref<10128x32xf32, #tpu.memory_space<vmem_shared>> -> memref<125x32xf32, #tpu.memory_space<vmem_shared>>
      %dma_wait3A_279 = arith.constant 0 : i32
      %dma_wait3A_280 = tpu.memref_slice %arg7[%add3A_36, %dma_wait3A_279] : memref<10128x32xf32, #tpu.memory_space<vmem_shared>> -> memref<125x32xf32, #tpu.memory_space<vmem_shared>>
      %dma_wait3A_281 = arith.constant 0 : i32
      %dma_wait3A_282 = arith.constant 0 : i32
      %dma_wait3A_283 = tpu.memref_slice %arg8[%dma_wait3A_281, %dma_wait3A_282] : memref<256x32xf32, #tpu.memory_space<vmem>> -> memref<125x32xf32, #tpu.memory_space<vmem>>
      tpu.wait_dma2 semaphore(%run_scoped3A_263 : memref<!tpu.dma_semaphore, #tpu.memory_space<semaphore_mem>>) src(%dma_wait3A_283 : memref<125x32xf32, #tpu.memory_space<vmem>>) dst(%dma_wait3A_280 : memref<125x32xf32, #tpu.memory_space<vmem_shared>>)
      tpu.yield
    }) : () -> ()
    %eq3A = arith.constant 0 : i32
    %eq3A_37 = arith.cmpi eq, %arg1, %eq3A : i32
    %convert_element_type3A = arith.extui %eq3A_37 : i1 to i32
    %cond3A = arith.constant 0 : i32
    %cond3A_38 = arith.cmpi ne, %convert_element_type3A, %cond3A : i32
    scf.if %cond3A_38 {
      "tpu.region"() ({
        %run_scoped3A_263 = tpu.sem_alloc : memref<!tpu.dma_semaphore, #tpu.memory_space<semaphore_mem>>
        %dma_start3A_264 = arith.constant 0 : i32
        %dma_start3A_265 = arith.constant 0 : i32
        %dma_start3A_266 = tpu.memref_slice %arg8[%dma_start3A_264, %dma_start3A_265] : memref<256x32xf32, #tpu.memory_space<vmem>> -> memref<128x32xf32, #tpu.memory_space<vmem>>
        %dma_start3A_267 = arith.constant 10000 : i32
        %dma_start3A_268 = arith.constant 0 : i32
        %dma_start3A_269 = tpu.memref_slice %arg7[%dma_start3A_267, %dma_start3A_268] : memref<10128x32xf32, #tpu.memory_space<vmem_shared>> -> memref<128x32xf32, #tpu.memory_space<vmem_shared>>
        %dma_start3A_270 = arith.constant 10000 : i32
        %dma_start3A_271 = arith.constant 0 : i32
        %dma_start3A_272 = tpu.memref_slice %arg7[%dma_start3A_270, %dma_start3A_271] : memref<10128x32xf32, #tpu.memory_space<vmem_shared>> -> memref<128x32xf32, #tpu.memory_space<vmem_shared>>
        %dma_start3A_273 = arith.constant 0 : i32
        %dma_start3A_274 = arith.constant 0 : i32
        %dma_start3A_275 = tpu.memref_slice %arg8[%dma_start3A_273, %dma_start3A_274] : memref<256x32xf32, #tpu.memory_space<vmem>> -> memref<128x32xf32, #tpu.memory_space<vmem>>
        tpu.enqueue_dma source(%dma_start3A_275 : memref<128x32xf32, #tpu.memory_space<vmem>>) target(%dma_start3A_272 : memref<128x32xf32, #tpu.memory_space<vmem_shared>>) target_semaphore(%run_scoped3A_263 : memref<!tpu.dma_semaphore, #tpu.memory_space<semaphore_mem>>)
        %dma_wait3A_276 = arith.constant 0 : i32
        %dma_wait3A_277 = arith.constant 0 : i32
        %dma_wait3A_278 = tpu.memref_slice %arg8[%dma_wait3A_276, %dma_wait3A_277] : memref<256x32xf32, #tpu.memory_space<vmem>> -> memref<128x32xf32, #tpu.memory_space<vmem>>
        %dma_wait3A_279 = arith.constant 10000 : i32
        %dma_wait3A_280 = arith.constant 0 : i32
        %dma_wait3A_281 = tpu.memref_slice %arg7[%dma_wait3A_279, %dma_wait3A_280] : memref<10128x32xf32, #tpu.memory_space<vmem_shared>> -> memref<128x32xf32, #tpu.memory_space<vmem_shared>>
        %dma_wait3A_282 = arith.constant 10000 : i32
        %dma_wait3A_283 = arith.constant 0 : i32
        %dma_wait3A_284 = tpu.memref_slice %arg7[%dma_wait3A_282, %dma_wait3A_283] : memref<10128x32xf32, #tpu.memory_space<vmem_shared>> -> memref<128x32xf32, #tpu.memory_space<vmem_shared>>
        %dma_wait3A_285 = arith.constant 0 : i32
        %dma_wait3A_286 = arith.constant 0 : i32
        %dma_wait3A_287 = tpu.memref_slice %arg8[%dma_wait3A_285, %dma_wait3A_286] : memref<256x32xf32, #tpu.memory_space<vmem>> -> memref<128x32xf32, #tpu.memory_space<vmem>>
        tpu.wait_dma2 semaphore(%run_scoped3A_263 : memref<!tpu.dma_semaphore, #tpu.memory_space<semaphore_mem>>) src(%dma_wait3A_287 : memref<128x32xf32, #tpu.memory_space<vmem>>) dst(%dma_wait3A_284 : memref<128x32xf32, #tpu.memory_space<vmem_shared>>)
        tpu.yield
      }) : () -> ()
    } else {
    }
    "tpu.region"() ({
      %run_scoped3A_263 = tpu.sem_alloc : memref<!tpu.dma_semaphore, #tpu.memory_space<semaphore_mem>>
      tpu.enqueue_dma source(%arg5 : memref<16xf32, #tpu.memory_space<hbm>>) target(%arg15 : memref<16xf32, #tpu.memory_space<vmem>>) target_semaphore(%run_scoped3A_263 : memref<!tpu.dma_semaphore, #tpu.memory_space<semaphore_mem>>)
      tpu.wait_dma2 semaphore(%run_scoped3A_263 : memref<!tpu.dma_semaphore, #tpu.memory_space<semaphore_mem>>) src(%arg5 : memref<16xf32, #tpu.memory_space<hbm>>) dst(%arg15 : memref<16xf32, #tpu.memory_space<vmem>>)
      tpu.yield
    }) : () -> ()
    %get3A = arith.constant 0 : index
    %get3A_39 = tpu.vector_load %arg15[%get3A] {strides = array<i32>} : memref<16xf32, #tpu.memory_space<vmem>>, vector<16xf32>,
    %dma_wait3A = arith.constant 0 : i32
    %dma_wait3A_40 = arith.constant 0 : i32
    %dma_wait3A_41 = tpu.memref_slice %arg3[%dma_wait3A, %dma_wait3A_40] : memref<2560x128xi32, #tpu.memory_space<hbm>> -> memref<80x128xi32, #tpu.memory_space<hbm>>
    %dma_wait3A_42 = arith.constant 0 : i32
    %dma_wait3A_43 = arith.constant 0 : i32
    %dma_wait3A_44 = tpu.memref_slice %arg3[%dma_wait3A_42, %dma_wait3A_43] : memref<2560x128xi32, #tpu.memory_space<hbm>> -> memref<80x128xi32, #tpu.memory_space<hbm>>
    tpu.wait_dma2 semaphore(%arg18 : memref<!tpu.dma_semaphore, #tpu.memory_space<semaphore_mem>>) src(%dma_wait3A_44 : memref<80x128xi32, #tpu.memory_space<hbm>>) dst(%arg9 : memref<80x128xi32, #tpu.memory_space<vmem>>)
    %dma_wait3A_45 = arith.constant 0 : i32
    %dma_wait3A_46 = arith.constant 0 : i32
    %dma_wait3A_47 = tpu.memref_slice %arg3[%dma_wait3A_45, %dma_wait3A_46] : memref<2560x128xi32, #tpu.memory_space<hbm>> -> memref<80x128xi32, #tpu.memory_space<hbm>>
    %dma_wait3A_48 = arith.constant 0 : i32
    %dma_wait3A_49 = arith.constant 0 : i32
    %dma_wait3A_50 = tpu.memref_slice %arg3[%dma_wait3A_48, %dma_wait3A_49] : memref<2560x128xi32, #tpu.memory_space<hbm>> -> memref<80x128xi32, #tpu.memory_space<hbm>>
    tpu.wait_dma2 semaphore(%arg18 : memref<!tpu.dma_semaphore, #tpu.memory_space<semaphore_mem>>) src(%dma_wait3A_50 : memref<80x128xi32, #tpu.memory_space<hbm>>) dst(%arg9 : memref<80x128xi32, #tpu.memory_space<vmem>>)
    %dma_start3A_51 = arith.constant 0 : i32
    %dma_start3A_52 = arith.constant 0 : i32
    %dma_start3A_53 = arith.constant 0 : i32
    %dma_start3A_54 = tpu.memref_slice %arg11[%dma_start3A_52, %dma_start3A_53] : memref<256x16xf32, #tpu.memory_space<vmem>> -> memref<128x16xf32, #tpu.memory_space<vmem>>
    %dma_start3A_55 = arith.constant 0 : i32
    %dma_start3A_56 = tpu.memref_slice %arg9[%dma_start3A_51, %dma_start3A_55] : memref<80x128xi32, #tpu.memory_space<vmem>> -> memref<1x128xi32, #tpu.memory_space<vmem>>
    %dma_start3A_57 = tpu.memref_squeeze %dma_start3A_56 : memref<1x128xi32, #tpu.memory_space<vmem>> -> memref<128xi32, #tpu.memory_space<vmem>>
    %dma_start3A_58 = arith.constant 0 : i32
    %dma_start3A_59 = arith.constant 0 : i32
    %dma_start3A_60 = tpu.memref_slice %arg2[%dma_start3A_58, %dma_start3A_59] : memref<10000x16xf32, #tpu.memory_space<hbm>> -> memref<10000x16xf32, #tpu.memory_space<hbm>>
    tpu.enqueue_indirect_dma source(%dma_start3A_60 : memref<10000x16xf32, #tpu.memory_space<hbm>>) target(%dma_start3A_54 : memref<128x16xf32, #tpu.memory_space<vmem>>) offsets(%dma_start3A_57 : memref<128xi32, #tpu.memory_space<vmem>>) semaphore(%arg16 : memref<!tpu.dma_semaphore, #tpu.memory_space<semaphore_mem>>)
    %dma_start3A_61 = arith.constant 0 : i32
    %dma_start3A_62 = arith.constant 0 : i32
    %dma_start3A_63 = arith.constant 0 : i32
    %dma_start3A_64 = tpu.memref_slice %arg13[%dma_start3A_62, %dma_start3A_63] : memref<256x16xf32, #tpu.memory_space<vmem>> -> memref<128x16xf32, #tpu.memory_space<vmem>>
    %dma_start3A_65 = arith.constant 0 : i32
    %dma_start3A_66 = tpu.memref_slice %arg10[%dma_start3A_61, %dma_start3A_65] : memref<80x128xi32, #tpu.memory_space<vmem>> -> memref<1x128xi32, #tpu.memory_space<vmem>>
    %dma_start3A_67 = tpu.memref_squeeze %dma_start3A_66 : memref<1x128xi32, #tpu.memory_space<vmem>> -> memref<128xi32, #tpu.memory_space<vmem>>
    %dma_start3A_68 = arith.constant 0 : i32
    %dma_start3A_69 = arith.constant 0 : i32
    %dma_start3A_70 = tpu.memref_slice %arg2[%dma_start3A_68, %dma_start3A_69] : memref<10000x16xf32, #tpu.memory_space<hbm>> -> memref<10000x16xf32, #tpu.memory_space<hbm>>
    tpu.enqueue_indirect_dma source(%dma_start3A_70 : memref<10000x16xf32, #tpu.memory_space<hbm>>) target(%dma_start3A_64 : memref<128x16xf32, #tpu.memory_space<vmem>>) offsets(%dma_start3A_67 : memref<128xi32, #tpu.memory_space<vmem>>) semaphore(%arg16 : memref<!tpu.dma_semaphore, #tpu.memory_space<semaphore_mem>>)
    %dma_start3A_71 = arith.constant 1 : i32
    %dma_start3A_72 = arith.constant 128 : i32
    %dma_start3A_73 = arith.constant 0 : i32
    %dma_start3A_74 = tpu.memref_slice %arg11[%dma_start3A_72, %dma_start3A_73] : memref<256x16xf32, #tpu.memory_space<vmem>> -> memref<128x16xf32, #tpu.memory_space<vmem>>
    %dma_start3A_75 = arith.constant 0 : i32
    %dma_start3A_76 = tpu.memref_slice %arg9[%dma_start3A_71, %dma_start3A_75] : memref<80x128xi32, #tpu.memory_space<vmem>> -> memref<1x128xi32, #tpu.memory_space<vmem>>
    %dma_start3A_77 = tpu.memref_squeeze %dma_start3A_76 : memref<1x128xi32, #tpu.memory_space<vmem>> -> memref<128xi32, #tpu.memory_space<vmem>>
    %dma_start3A_78 = arith.constant 0 : i32
    %dma_start3A_79 = arith.constant 0 : i32
    %dma_start3A_80 = tpu.memref_slice %arg2[%dma_start3A_78, %dma_start3A_79] : memref<10000x16xf32, #tpu.memory_space<hbm>> -> memref<10000x16xf32, #tpu.memory_space<hbm>>
    tpu.enqueue_indirect_dma source(%dma_start3A_80 : memref<10000x16xf32, #tpu.memory_space<hbm>>) target(%dma_start3A_74 : memref<128x16xf32, #tpu.memory_space<vmem>>) offsets(%dma_start3A_77 : memref<128xi32, #tpu.memory_space<vmem>>) semaphore(%arg16 : memref<!tpu.dma_semaphore, #tpu.memory_space<semaphore_mem>>)
    %dma_start3A_81 = arith.constant 1 : i32
    %dma_start3A_82 = arith.constant 128 : i32
    %dma_start3A_83 = arith.constant 0 : i32
    %dma_start3A_84 = tpu.memref_slice %arg13[%dma_start3A_82, %dma_start3A_83] : memref<256x16xf32, #tpu.memory_space<vmem>> -> memref<128x16xf32, #tpu.memory_space<vmem>>
    %dma_start3A_85 = arith.constant 0 : i32
    %dma_start3A_86 = tpu.memref_slice %arg10[%dma_start3A_81, %dma_start3A_85] : memref<80x128xi32, #tpu.memory_space<vmem>> -> memref<1x128xi32, #tpu.memory_space<vmem>>
    %dma_start3A_87 = tpu.memref_squeeze %dma_start3A_86 : memref<1x128xi32, #tpu.memory_space<vmem>> -> memref<128xi32, #tpu.memory_space<vmem>>
    %dma_start3A_88 = arith.constant 0 : i32
    %dma_start3A_89 = arith.constant 0 : i32
    %dma_start3A_90 = tpu.memref_slice %arg2[%dma_start3A_88, %dma_start3A_89] : memref<10000x16xf32, #tpu.memory_space<hbm>> -> memref<10000x16xf32, #tpu.memory_space<hbm>>
    tpu.enqueue_indirect_dma source(%dma_start3A_90 : memref<10000x16xf32, #tpu.memory_space<hbm>>) target(%dma_start3A_84 : memref<128x16xf32, #tpu.memory_space<vmem>>) offsets(%dma_start3A_87 : memref<128xi32, #tpu.memory_space<vmem>>) semaphore(%arg16 : memref<!tpu.dma_semaphore, #tpu.memory_space<semaphore_mem>>)
    %dma_start3A_91 = arith.constant 2 : i32
    %dma_start3A_92 = arith.constant 0 : i32
    %dma_start3A_93 = arith.constant 0 : i32
    %dma_start3A_94 = tpu.memref_slice %arg12[%dma_start3A_92, %dma_start3A_93] : memref<256x16xf32, #tpu.memory_space<vmem>> -> memref<128x16xf32, #tpu.memory_space<vmem>>
    %dma_start3A_95 = arith.constant 0 : i32
    %dma_start3A_96 = tpu.memref_slice %arg9[%dma_start3A_91, %dma_start3A_95] : memref<80x128xi32, #tpu.memory_space<vmem>> -> memref<1x128xi32, #tpu.memory_space<vmem>>
    %dma_start3A_97 = tpu.memref_squeeze %dma_start3A_96 : memref<1x128xi32, #tpu.memory_space<vmem>> -> memref<128xi32, #tpu.memory_space<vmem>>
    %dma_start3A_98 = arith.constant 0 : i32
    %dma_start3A_99 = arith.constant 0 : i32
    %dma_start3A_100 = tpu.memref_slice %arg2[%dma_start3A_98, %dma_start3A_99] : memref<10000x16xf32, #tpu.memory_space<hbm>> -> memref<10000x16xf32, #tpu.memory_space<hbm>>
    tpu.enqueue_indirect_dma source(%dma_start3A_100 : memref<10000x16xf32, #tpu.memory_space<hbm>>) target(%dma_start3A_94 : memref<128x16xf32, #tpu.memory_space<vmem>>) offsets(%dma_start3A_97 : memref<128xi32, #tpu.memory_space<vmem>>) semaphore(%arg17 : memref<!tpu.dma_semaphore, #tpu.memory_space<semaphore_mem>>)
    %dma_start3A_101 = arith.constant 2 : i32
    %dma_start3A_102 = arith.constant 0 : i32
    %dma_start3A_103 = arith.constant 0 : i32
    %dma_start3A_104 = tpu.memref_slice %arg14[%dma_start3A_102, %dma_start3A_103] : memref<256x16xf32, #tpu.memory_space<vmem>> -> memref<128x16xf32, #tpu.memory_space<vmem>>
    %dma_start3A_105 = arith.constant 0 : i32
    %dma_start3A_106 = tpu.memref_slice %arg10[%dma_start3A_101, %dma_start3A_105] : memref<80x128xi32, #tpu.memory_space<vmem>> -> memref<1x128xi32, #tpu.memory_space<vmem>>
    %dma_start3A_107 = tpu.memref_squeeze %dma_start3A_106 : memref<1x128xi32, #tpu.memory_space<vmem>> -> memref<128xi32, #tpu.memory_space<vmem>>
    %dma_start3A_108 = arith.constant 0 : i32
    %dma_start3A_109 = arith.constant 0 : i32
    %dma_start3A_110 = tpu.memref_slice %arg2[%dma_start3A_108, %dma_start3A_109] : memref<10000x16xf32, #tpu.memory_space<hbm>> -> memref<10000x16xf32, #tpu.memory_space<hbm>>
    tpu.enqueue_indirect_dma source(%dma_start3A_110 : memref<10000x16xf32, #tpu.memory_space<hbm>>) target(%dma_start3A_104 : memref<128x16xf32, #tpu.memory_space<vmem>>) offsets(%dma_start3A_107 : memref<128xi32, #tpu.memory_space<vmem>>) semaphore(%arg17 : memref<!tpu.dma_semaphore, #tpu.memory_space<semaphore_mem>>)
    %dma_start3A_111 = arith.constant 3 : i32
    %dma_start3A_112 = arith.constant 128 : i32
    %dma_start3A_113 = arith.constant 0 : i32
    %dma_start3A_114 = tpu.memref_slice %arg12[%dma_start3A_112, %dma_start3A_113] : memref<256x16xf32, #tpu.memory_space<vmem>> -> memref<128x16xf32, #tpu.memory_space<vmem>>
    %dma_start3A_115 = arith.constant 0 : i32
    %dma_start3A_116 = tpu.memref_slice %arg9[%dma_start3A_111, %dma_start3A_115] : memref<80x128xi32, #tpu.memory_space<vmem>> -> memref<1x128xi32, #tpu.memory_space<vmem>>
    %dma_start3A_117 = tpu.memref_squeeze %dma_start3A_116 : memref<1x128xi32, #tpu.memory_space<vmem>> -> memref<128xi32, #tpu.memory_space<vmem>>
    %dma_start3A_118 = arith.constant 0 : i32
    %dma_start3A_119 = arith.constant 0 : i32
    %dma_start3A_120 = tpu.memref_slice %arg2[%dma_start3A_118, %dma_start3A_119] : memref<10000x16xf32, #tpu.memory_space<hbm>> -> memref<10000x16xf32, #tpu.memory_space<hbm>>
    tpu.enqueue_indirect_dma source(%dma_start3A_120 : memref<10000x16xf32, #tpu.memory_space<hbm>>) target(%dma_start3A_114 : memref<128x16xf32, #tpu.memory_space<vmem>>) offsets(%dma_start3A_117 : memref<128xi32, #tpu.memory_space<vmem>>) semaphore(%arg17 : memref<!tpu.dma_semaphore, #tpu.memory_space<semaphore_mem>>)
    %dma_start3A_121 = arith.constant 3 : i32
    %dma_start3A_122 = arith.constant 128 : i32
    %dma_start3A_123 = arith.constant 0 : i32
    %dma_start3A_124 = tpu.memref_slice %arg14[%dma_start3A_122, %dma_start3A_123] : memref<256x16xf32, #tpu.memory_space<vmem>> -> memref<128x16xf32, #tpu.memory_space<vmem>>
    %dma_start3A_125 = arith.constant 0 : i32
    %dma_start3A_126 = tpu.memref_slice %arg10[%dma_start3A_121, %dma_start3A_125] : memref<80x128xi32, #tpu.memory_space<vmem>> -> memref<1x128xi32, #tpu.memory_space<vmem>>
    %dma_start3A_127 = tpu.memref_squeeze %dma_start3A_126 : memref<1x128xi32, #tpu.memory_space<vmem>> -> memref<128xi32, #tpu.memory_space<vmem>>
    %dma_start3A_128 = arith.constant 0 : i32
    %dma_start3A_129 = arith.constant 0 : i32
    %dma_start3A_130 = tpu.memref_slice %arg2[%dma_start3A_128, %dma_start3A_129] : memref<10000x16xf32, #tpu.memory_space<hbm>> -> memref<10000x16xf32, #tpu.memory_space<hbm>>
    tpu.enqueue_indirect_dma source(%dma_start3A_130 : memref<10000x16xf32, #tpu.memory_space<hbm>>) target(%dma_start3A_124 : memref<128x16xf32, #tpu.memory_space<vmem>>) offsets(%dma_start3A_127 : memref<128xi32, #tpu.memory_space<vmem>>) semaphore(%arg17 : memref<!tpu.dma_semaphore, #tpu.memory_space<semaphore_mem>>)
    %barrier3A = arith.constant 0 : index
    tpu.barrier barrier_id(%barrier3A)
    %scan3A_131 = arith.constant 0 : i32
    %scan3A_132 = arith.constant 0 : i32
    %scan3A_133 = arith.constant 19 : i32
    %scan3A_134 = arith.addi %scan3A_132, %scan3A_133 : i32
    %scan3A_135 = arith.constant 1 : i32
    %scan3A_136 = scf.for %scan3A_263 = %scan3A_132 to %scan3A_134 step %scan3A_135 iter_args(%scan3A_264 = %scan3A_131) -> (i32)  : i32 {
      %mul3A_265 = arith.constant 2 : i32
      %mul3A_266 = arith.muli %scan3A_263, %mul3A_265 : i32
      %add3A_267 = arith.constant 0 : i32
      %add3A_268 = arith.addi %mul3A_266, %add3A_267 : i32
      %dma_wait3A_269 = arith.constant 0 : i32
      %dma_wait3A_270 = arith.constant 0 : i32
      %dma_wait3A_271 = tpu.memref_slice %arg11[%dma_wait3A_269, %dma_wait3A_270] : memref<256x16xf32, #tpu.memory_space<vmem>> -> memref<128x16xf32, #tpu.memory_space<vmem>>
      %dma_wait3A_272 = arith.constant 0 : i32
      %dma_wait3A_273 = arith.constant 0 : i32
      %dma_wait3A_274 = tpu.memref_slice %arg2[%dma_wait3A_272, %dma_wait3A_273] : memref<10000x16xf32, #tpu.memory_space<hbm>> -> memref<128x16xf32, #tpu.memory_space<hbm>>
      %dma_wait3A_275 = arith.constant 0 : i32
      %dma_wait3A_276 = arith.constant 0 : i32
      %dma_wait3A_277 = tpu.memref_slice %arg11[%dma_wait3A_275, %dma_wait3A_276] : memref<256x16xf32, #tpu.memory_space<vmem>> -> memref<128x16xf32, #tpu.memory_space<vmem>>
      %dma_wait3A_278 = arith.constant 0 : i32
      %dma_wait3A_279 = arith.constant 0 : i32
      %dma_wait3A_280 = tpu.memref_slice %arg2[%dma_wait3A_278, %dma_wait3A_279] : memref<10000x16xf32, #tpu.memory_space<hbm>> -> memref<128x16xf32, #tpu.memory_space<hbm>>
      tpu.wait_dma2 semaphore(%arg16 : memref<!tpu.dma_semaphore, #tpu.memory_space<semaphore_mem>>) src(%dma_wait3A_280 : memref<128x16xf32, #tpu.memory_space<hbm>>) dst(%dma_wait3A_277 : memref<128x16xf32, #tpu.memory_space<vmem>>)
      %dma_wait3A_281 = arith.constant 0 : i32
      %dma_wait3A_282 = arith.constant 0 : i32
      %dma_wait3A_283 = tpu.memref_slice %arg11[%dma_wait3A_281, %dma_wait3A_282] : memref<256x16xf32, #tpu.memory_space<vmem>> -> memref<128x16xf32, #tpu.memory_space<vmem>>
      %dma_wait3A_284 = arith.constant 0 : i32
      %dma_wait3A_285 = arith.constant 0 : i32
      %dma_wait3A_286 = tpu.memref_slice %arg2[%dma_wait3A_284, %dma_wait3A_285] : memref<10000x16xf32, #tpu.memory_space<hbm>> -> memref<128x16xf32, #tpu.memory_space<hbm>>
      %dma_wait3A_287 = arith.constant 0 : i32
      %dma_wait3A_288 = arith.constant 0 : i32
      %dma_wait3A_289 = tpu.memref_slice %arg11[%dma_wait3A_287, %dma_wait3A_288] : memref<256x16xf32, #tpu.memory_space<vmem>> -> memref<128x16xf32, #tpu.memory_space<vmem>>
      %dma_wait3A_290 = arith.constant 0 : i32
      %dma_wait3A_291 = arith.constant 0 : i32
      %dma_wait3A_292 = tpu.memref_slice %arg2[%dma_wait3A_290, %dma_wait3A_291] : memref<10000x16xf32, #tpu.memory_space<hbm>> -> memref<128x16xf32, #tpu.memory_space<hbm>>
      tpu.wait_dma2 semaphore(%arg16 : memref<!tpu.dma_semaphore, #tpu.memory_space<semaphore_mem>>) src(%dma_wait3A_292 : memref<128x16xf32, #tpu.memory_space<hbm>>) dst(%dma_wait3A_289 : memref<128x16xf32, #tpu.memory_space<vmem>>)
      %dma_wait3A_293 = arith.constant 0 : i32
      %dma_wait3A_294 = arith.constant 0 : i32
      %dma_wait3A_295 = tpu.memref_slice %arg11[%dma_wait3A_293, %dma_wait3A_294] : memref<256x16xf32, #tpu.memory_space<vmem>> -> memref<128x16xf32, #tpu.memory_space<vmem>>
      %dma_wait3A_296 = arith.constant 0 : i32
      %dma_wait3A_297 = arith.constant 0 : i32
      %dma_wait3A_298 = tpu.memref_slice %arg2[%dma_wait3A_296, %dma_wait3A_297] : memref<10000x16xf32, #tpu.memory_space<hbm>> -> memref<128x16xf32, #tpu.memory_space<hbm>>
      %dma_wait3A_299 = arith.constant 0 : i32
      %dma_wait3A_300 = arith.constant 0 : i32
      %dma_wait3A_301 = tpu.memref_slice %arg11[%dma_wait3A_299, %dma_wait3A_300] : memref<256x16xf32, #tpu.memory_space<vmem>> -> memref<128x16xf32, #tpu.memory_space<vmem>>
      %dma_wait3A_302 = arith.constant 0 : i32
      %dma_wait3A_303 = arith.constant 0 : i32
      %dma_wait3A_304 = tpu.memref_slice %arg2[%dma_wait3A_302, %dma_wait3A_303] : memref<10000x16xf32, #tpu.memory_space<hbm>> -> memref<128x16xf32, #tpu.memory_space<hbm>>
      tpu.wait_dma2 semaphore(%arg16 : memref<!tpu.dma_semaphore, #tpu.memory_space<semaphore_mem>>) src(%dma_wait3A_304 : memref<128x16xf32, #tpu.memory_space<hbm>>) dst(%dma_wait3A_301 : memref<128x16xf32, #tpu.memory_space<vmem>>)
      %dma_wait3A_305 = arith.constant 0 : i32
      %dma_wait3A_306 = arith.constant 0 : i32
      %dma_wait3A_307 = tpu.memref_slice %arg11[%dma_wait3A_305, %dma_wait3A_306] : memref<256x16xf32, #tpu.memory_space<vmem>> -> memref<128x16xf32, #tpu.memory_space<vmem>>
      %dma_wait3A_308 = arith.constant 0 : i32
      %dma_wait3A_309 = arith.constant 0 : i32
      %dma_wait3A_310 = tpu.memref_slice %arg2[%dma_wait3A_308, %dma_wait3A_309] : memref<10000x16xf32, #tpu.memory_space<hbm>> -> memref<128x16xf32, #tpu.memory_space<hbm>>
      %dma_wait3A_311 = arith.constant 0 : i32
      %dma_wait3A_312 = arith.constant 0 : i32
      %dma_wait3A_313 = tpu.memref_slice %arg11[%dma_wait3A_311, %dma_wait3A_312] : memref<256x16xf32, #tpu.memory_space<vmem>> -> memref<128x16xf32, #tpu.memory_space<vmem>>
      %dma_wait3A_314 = arith.constant 0 : i32
      %dma_wait3A_315 = arith.constant 0 : i32
      %dma_wait3A_316 = tpu.memref_slice %arg2[%dma_wait3A_314, %dma_wait3A_315] : memref<10000x16xf32, #tpu.memory_space<hbm>> -> memref<128x16xf32, #tpu.memory_space<hbm>>
      tpu.wait_dma2 semaphore(%arg16 : memref<!tpu.dma_semaphore, #tpu.memory_space<semaphore_mem>>) src(%dma_wait3A_316 : memref<128x16xf32, #tpu.memory_space<hbm>>) dst(%dma_wait3A_313 : memref<128x16xf32, #tpu.memory_space<vmem>>)
      %parallel_loop3A_317 = arith.constant 0 : i32
      %parallel_loop3A_318 = arith.constant 256 : i32
      %parallel_loop3A_319 = arith.constant 1 : i32
      scf.for %parallel_loop3A_500 = %parallel_loop3A_317 to %parallel_loop3A_318 step %parallel_loop3A_319  : i32 {
        %parallel_loop3A_501 = arith.index_cast %parallel_loop3A_500 : i32 to index
        %parallel_loop3A_502 = arith.constant 0 : index
        %parallel_loop3A_503 = tpu.vector_load %arg11[%parallel_loop3A_501, %parallel_loop3A_502] {strides = array<i32>} : memref<256x16xf32, #tpu.memory_space<vmem>>, vector<16xf32>,
        %parallel_loop3A_504 = arith.index_cast %parallel_loop3A_500 : i32 to index
        %parallel_loop3A_505 = arith.constant 0 : index
        %parallel_loop3A_506 = tpu.vector_load %arg13[%parallel_loop3A_504, %parallel_loop3A_505] {strides = array<i32>} : memref<256x16xf32, #tpu.memory_space<vmem>>, vector<16xf32>,
        %parallel_loop3A_507 = arith.addf %parallel_loop3A_503, %parallel_loop3A_506 : vector<16xf32>
        %parallel_loop3A_508 = arith.constant 2.000000e-01 : f32
        %parallel_loop3A_509 = vector.broadcast %parallel_loop3A_508 : f32 to vector<16xf32>
        %parallel_loop3A_510 = arith.mulf %parallel_loop3A_507, %parallel_loop3A_509 : vector<16xf32>
        %parallel_loop3A_511 = arith.maximumf %parallel_loop3A_507, %parallel_loop3A_510 : vector<16xf32>
        %parallel_loop3A_512 = arith.mulf %get3A_39, %parallel_loop3A_511 : vector<16xf32>
        %parallel_loop3A_513 = tpu.iota {dimensions = array<i32: 0>} : vector<16xi32>
        %parallel_loop3A_514 = arith.constant 8 : i32
        %parallel_loop3A_515 = vector.broadcast %parallel_loop3A_514 : i32 to vector<16xi32>
        %parallel_loop3A_516 = arith.xori %parallel_loop3A_513, %parallel_loop3A_515 : vector<16xi32>
        %parallel_loop3A_517 = vector.shape_cast %parallel_loop3A_516 : vector<16xi32> to vector<16x1xi32>
        %parallel_loop3A_518 = vector.shape_cast %parallel_loop3A_517 : vector<16x1xi32> to vector<16xi32>
        %parallel_loop3A_519 = tpu.dynamic_gather %parallel_loop3A_512[%parallel_loop3A_518] in [0] : vector<16xf32>, vector<16xi32> -> vector<16xf32>
        %parallel_loop3A_520 = arith.addf %parallel_loop3A_512, %parallel_loop3A_519 : vector<16xf32>
        %parallel_loop3A_521 = tpu.iota {dimensions = array<i32: 0>} : vector<16xi32>
        %parallel_loop3A_522 = arith.constant 4 : i32
        %parallel_loop3A_523 = vector.broadcast %parallel_loop3A_522 : i32 to vector<16xi32>
        %parallel_loop3A_524 = arith.xori %parallel_loop3A_521, %parallel_loop3A_523 : vector<16xi32>
        %parallel_loop3A_525 = vector.shape_cast %parallel_loop3A_524 : vector<16xi32> to vector<16x1xi32>
        %parallel_loop3A_526 = vector.shape_cast %parallel_loop3A_525 : vector<16x1xi32> to vector<16xi32>
        %parallel_loop3A_527 = tpu.dynamic_gather %parallel_loop3A_520[%parallel_loop3A_526] in [0] : vector<16xf32>, vector<16xi32> -> vector<16xf32>
        %parallel_loop3A_528 = arith.addf %parallel_loop3A_520, %parallel_loop3A_527 : vector<16xf32>
        %parallel_loop3A_529 = tpu.iota {dimensions = array<i32: 0>} : vector<16xi32>
        %parallel_loop3A_530 = arith.constant 2 : i32
        %parallel_loop3A_531 = vector.broadcast %parallel_loop3A_530 : i32 to vector<16xi32>
        %parallel_loop3A_532 = arith.xori %parallel_loop3A_529, %parallel_loop3A_531 : vector<16xi32>
        %parallel_loop3A_533 = vector.shape_cast %parallel_loop3A_532 : vector<16xi32> to vector<16x1xi32>
        %parallel_loop3A_534 = vector.shape_cast %parallel_loop3A_533 : vector<16x1xi32> to vector<16xi32>
        %parallel_loop3A_535 = tpu.dynamic_gather %parallel_loop3A_528[%parallel_loop3A_534] in [0] : vector<16xf32>, vector<16xi32> -> vector<16xf32>
        %parallel_loop3A_536 = arith.addf %parallel_loop3A_528, %parallel_loop3A_535 : vector<16xf32>
        %parallel_loop3A_537 = tpu.iota {dimensions = array<i32: 0>} : vector<16xi32>
        %parallel_loop3A_538 = arith.constant 1 : i32
        %parallel_loop3A_539 = vector.broadcast %parallel_loop3A_538 : i32 to vector<16xi32>
        %parallel_loop3A_540 = arith.xori %parallel_loop3A_537, %parallel_loop3A_539 : vector<16xi32>
        %parallel_loop3A_541 = vector.shape_cast %parallel_loop3A_540 : vector<16xi32> to vector<16x1xi32>
        %parallel_loop3A_542 = vector.shape_cast %parallel_loop3A_541 : vector<16x1xi32> to vector<16xi32>
        %parallel_loop3A_543 = tpu.dynamic_gather %parallel_loop3A_536[%parallel_loop3A_542] in [0] : vector<16xf32>, vector<16xi32> -> vector<16xf32>
        %parallel_loop3A_544 = arith.addf %parallel_loop3A_536, %parallel_loop3A_543 : vector<16xf32>
        %parallel_loop3A_545 = math.exp %parallel_loop3A_544 : vector<16xf32>
        %parallel_loop3A_546 = arith.mulf %parallel_loop3A_545, %parallel_loop3A_503 : vector<16xf32>
        %parallel_loop3A_547 = arith.index_cast %parallel_loop3A_500 : i32 to index
        %parallel_loop3A_548 = arith.constant 0 : index
        %parallel_loop3A_549 = tpu.vector_load %arg8[%parallel_loop3A_547, %parallel_loop3A_548] {strides = array<i32>} : memref<256x32xf32, #tpu.memory_space<vmem>>, vector<16xf32>,
        tpu.vector_store %arg8[%parallel_loop3A_547, %parallel_loop3A_548], %parallel_loop3A_546 {strides = array<i32>} : memref<256x32xf32, #tpu.memory_space<vmem>>, vector<16xf32>,
        %parallel_loop3A_550 = arith.index_cast %parallel_loop3A_500 : i32 to index
        %parallel_loop3A_551 = arith.constant 16 : index
        %parallel_loop3A_552 = tpu.vector_load %arg8[%parallel_loop3A_550, %parallel_loop3A_551] {strides = array<i32>} : memref<256x32xf32, #tpu.memory_space<vmem>>, vector<16xf32>,
        tpu.vector_store %arg8[%parallel_loop3A_550, %parallel_loop3A_551], %parallel_loop3A_545 {strides = array<i32>} : memref<256x32xf32, #tpu.memory_space<vmem>>, vector<16xf32>,
      } {sc.loop_unroll_factor = 4 : i64, sc.parallel_access}
      %mul3A_320 = arith.constant 2 : i32
      %mul3A_321 = arith.muli %add3A_268, %mul3A_320 : i32
      %add3A_322 = arith.constant 0 : i32
      %add3A_323 = arith.addi %mul3A_321, %add3A_322 : i32
      "tpu.region"() ({
        %run_scoped3A_500 = tpu.sem_alloc : memref<!tpu.dma_semaphore, #tpu.memory_space<semaphore_mem>>
        %dma_start3A_501 = arith.constant 0 : i32
        %dma_start3A_502 = arith.constant 0 : i32
        %dma_start3A_503 = tpu.memref_slice %arg8[%dma_start3A_501, %dma_start3A_502] : memref<256x32xf32, #tpu.memory_space<vmem>> -> memref<128x32xf32, #tpu.memory_space<vmem>>
        %dma_start3A_504 = arith.constant 0 : i32
        %dma_start3A_505 = tpu.memref_slice %arg10[%add3A_323, %dma_start3A_504] : memref<80x128xi32, #tpu.memory_space<vmem>> -> memref<1x128xi32, #tpu.memory_space<vmem>>
        %dma_start3A_506 = tpu.memref_squeeze %dma_start3A_505 : memref<1x128xi32, #tpu.memory_space<vmem>> -> memref<128xi32, #tpu.memory_space<vmem>>
        %dma_start3A_507 = arith.constant 0 : i32
        %dma_start3A_508 = arith.constant 0 : i32
        %dma_start3A_509 = tpu.memref_slice %arg7[%dma_start3A_507, %dma_start3A_508] : memref<10128x32xf32, #tpu.memory_space<vmem_shared>> -> memref<10128x32xf32, #tpu.memory_space<vmem_shared>>
        tpu.enqueue_indirect_dma source(%dma_start3A_503 : memref<128x32xf32, #tpu.memory_space<vmem>>) target(%dma_start3A_509 : memref<10128x32xf32, #tpu.memory_space<vmem_shared>>) offsets(%dma_start3A_506 : memref<128xi32, #tpu.memory_space<vmem>>) semaphore(%run_scoped3A_500 : memref<!tpu.dma_semaphore, #tpu.memory_space<semaphore_mem>>) {add = true}
        %dma_wait3A_510 = arith.constant 0 : i32
        %dma_wait3A_511 = arith.constant 0 : i32
        %dma_wait3A_512 = tpu.memref_slice %arg8[%dma_wait3A_510, %dma_wait3A_511] : memref<256x32xf32, #tpu.memory_space<vmem>> -> memref<128x32xf32, #tpu.memory_space<vmem>>
        %dma_wait3A_513 = arith.constant 0 : i32
        %dma_wait3A_514 = tpu.memref_slice %arg10[%add3A_323, %dma_wait3A_513] : memref<80x128xi32, #tpu.memory_space<vmem>> -> memref<1x128xi32, #tpu.memory_space<vmem>>
        %dma_wait3A_515 = tpu.memref_squeeze %dma_wait3A_514 : memref<1x128xi32, #tpu.memory_space<vmem>> -> memref<128xi32, #tpu.memory_space<vmem>>
        %dma_wait3A_516 = arith.constant 0 : i32
        %dma_wait3A_517 = arith.constant 0 : i32
        %dma_wait3A_518 = tpu.memref_slice %arg7[%dma_wait3A_516, %dma_wait3A_517] : memref<10128x32xf32, #tpu.memory_space<vmem_shared>> -> memref<10128x32xf32, #tpu.memory_space<vmem_shared>>
        tpu.wait_indirect_dma semaphore(%run_scoped3A_500 : memref<!tpu.dma_semaphore, #tpu.memory_space<semaphore_mem>>) src(%dma_wait3A_512 : memref<128x32xf32, #tpu.memory_space<vmem>>) dst(%dma_wait3A_518 : memref<10128x32xf32, #tpu.memory_space<vmem_shared>>)
        tpu.yield
      }) : () -> ()
      %mul3A_324 = arith.constant 2 : i32
      %mul3A_325 = arith.muli %add3A_268, %mul3A_324 : i32
      %add3A_326 = arith.constant 1 : i32
      %add3A_327 = arith.addi %mul3A_325, %add3A_326 : i32
      "tpu.region"() ({
        %run_scoped3A_500 = tpu.sem_alloc : memref<!tpu.dma_semaphore, #tpu.memory_space<semaphore_mem>>
        %dma_start3A_501 = arith.constant 128 : i32
        %dma_start3A_502 = arith.constant 0 : i32
        %dma_start3A_503 = tpu.memref_slice %arg8[%dma_start3A_501, %dma_start3A_502] : memref<256x32xf32, #tpu.memory_space<vmem>> -> memref<128x32xf32, #tpu.memory_space<vmem>>
        %dma_start3A_504 = arith.constant 0 : i32
        %dma_start3A_505 = tpu.memref_slice %arg10[%add3A_327, %dma_start3A_504] : memref<80x128xi32, #tpu.memory_space<vmem>> -> memref<1x128xi32, #tpu.memory_space<vmem>>
        %dma_start3A_506 = tpu.memref_squeeze %dma_start3A_505 : memref<1x128xi32, #tpu.memory_space<vmem>> -> memref<128xi32, #tpu.memory_space<vmem>>
        %dma_start3A_507 = arith.constant 0 : i32
        %dma_start3A_508 = arith.constant 0 : i32
        %dma_start3A_509 = tpu.memref_slice %arg7[%dma_start3A_507, %dma_start3A_508] : memref<10128x32xf32, #tpu.memory_space<vmem_shared>> -> memref<10128x32xf32, #tpu.memory_space<vmem_shared>>
        tpu.enqueue_indirect_dma source(%dma_start3A_503 : memref<128x32xf32, #tpu.memory_space<vmem>>) target(%dma_start3A_509 : memref<10128x32xf32, #tpu.memory_space<vmem_shared>>) offsets(%dma_start3A_506 : memref<128xi32, #tpu.memory_space<vmem>>) semaphore(%run_scoped3A_500 : memref<!tpu.dma_semaphore, #tpu.memory_space<semaphore_mem>>) {add = true}
        %dma_wait3A_510 = arith.constant 128 : i32
        %dma_wait3A_511 = arith.constant 0 : i32
        %dma_wait3A_512 = tpu.memref_slice %arg8[%dma_wait3A_510, %dma_wait3A_511] : memref<256x32xf32, #tpu.memory_space<vmem>> -> memref<128x32xf32, #tpu.memory_space<vmem>>
        %dma_wait3A_513 = arith.constant 0 : i32
        %dma_wait3A_514 = tpu.memref_slice %arg10[%add3A_327, %dma_wait3A_513] : memref<80x128xi32, #tpu.memory_space<vmem>> -> memref<1x128xi32, #tpu.memory_space<vmem>>
        %dma_wait3A_515 = tpu.memref_squeeze %dma_wait3A_514 : memref<1x128xi32, #tpu.memory_space<vmem>> -> memref<128xi32, #tpu.memory_space<vmem>>
        %dma_wait3A_516 = arith.constant 0 : i32
        %dma_wait3A_517 = arith.constant 0 : i32
        %dma_wait3A_518 = tpu.memref_slice %arg7[%dma_wait3A_516, %dma_wait3A_517] : memref<10128x32xf32, #tpu.memory_space<vmem_shared>> -> memref<10128x32xf32, #tpu.memory_space<vmem_shared>>
        tpu.wait_indirect_dma semaphore(%run_scoped3A_500 : memref<!tpu.dma_semaphore, #tpu.memory_space<semaphore_mem>>) src(%dma_wait3A_512 : memref<128x32xf32, #tpu.memory_space<vmem>>) dst(%dma_wait3A_518 : memref<10128x32xf32, #tpu.memory_space<vmem_shared>>)
        tpu.yield
      }) : () -> ()
      %add3A_328 = arith.constant 2 : i32
      %add3A_329 = arith.addi %add3A_268, %add3A_328 : i32
      %mul3A_330 = arith.constant 2 : i32
      %mul3A_331 = arith.muli %add3A_329, %mul3A_330 : i32
      %add3A_332 = arith.constant 0 : i32
      %add3A_333 = arith.addi %mul3A_331, %add3A_332 : i32
      %dma_start3A_334 = arith.constant 0 : i32
      %dma_start3A_335 = arith.constant 0 : i32
      %dma_start3A_336 = tpu.memref_slice %arg11[%dma_start3A_334, %dma_start3A_335] : memref<256x16xf32, #tpu.memory_space<vmem>> -> memref<128x16xf32, #tpu.memory_space<vmem>>
      %dma_start3A_337 = arith.constant 0 : i32
      %dma_start3A_338 = tpu.memref_slice %arg9[%add3A_333, %dma_start3A_337] : memref<80x128xi32, #tpu.memory_space<vmem>> -> memref<1x128xi32, #tpu.memory_space<vmem>>
      %dma_start3A_339 = tpu.memref_squeeze %dma_start3A_338 : memref<1x128xi32, #tpu.memory_space<vmem>> -> memref<128xi32, #tpu.memory_space<vmem>>
      %dma_start3A_340 = arith.constant 0 : i32
      %dma_start3A_341 = arith.constant 0 : i32
      %dma_start3A_342 = tpu.memref_slice %arg2[%dma_start3A_340, %dma_start3A_341] : memref<10000x16xf32, #tpu.memory_space<hbm>> -> memref<10000x16xf32, #tpu.memory_space<hbm>>
      tpu.enqueue_indirect_dma source(%dma_start3A_342 : memref<10000x16xf32, #tpu.memory_space<hbm>>) target(%dma_start3A_336 : memref<128x16xf32, #tpu.memory_space<vmem>>) offsets(%dma_start3A_339 : memref<128xi32, #tpu.memory_space<vmem>>) semaphore(%arg16 : memref<!tpu.dma_semaphore, #tpu.memory_space<semaphore_mem>>)
      %mul3A_343 = arith.constant 2 : i32
      %mul3A_344 = arith.muli %add3A_329, %mul3A_343 : i32
      %add3A_345 = arith.constant 0 : i32
      %add3A_346 = arith.addi %mul3A_344, %add3A_345 : i32
      %dma_start3A_347 = arith.constant 0 : i32
      %dma_start3A_348 = arith.constant 0 : i32
      %dma_start3A_349 = tpu.memref_slice %arg13[%dma_start3A_347, %dma_start3A_348] : memref<256x16xf32, #tpu.memory_space<vmem>> -> memref<128x16xf32, #tpu.memory_space<vmem>>
      %dma_start3A_350 = arith.constant 0 : i32
      %dma_start3A_351 = tpu.memref_slice %arg10[%add3A_346, %dma_start3A_350] : memref<80x128xi32, #tpu.memory_space<vmem>> -> memref<1x128xi32, #tpu.memory_space<vmem>>
      %dma_start3A_352 = tpu.memref_squeeze %dma_start3A_351 : memref<1x128xi32, #tpu.memory_space<vmem>> -> memref<128xi32, #tpu.memory_space<vmem>>
      %dma_start3A_353 = arith.constant 0 : i32
      %dma_start3A_354 = arith.constant 0 : i32
      %dma_start3A_355 = tpu.memref_slice %arg2[%dma_start3A_353, %dma_start3A_354] : memref<10000x16xf32, #tpu.memory_space<hbm>> -> memref<10000x16xf32, #tpu.memory_space<hbm>>
      tpu.enqueue_indirect_dma source(%dma_start3A_355 : memref<10000x16xf32, #tpu.memory_space<hbm>>) target(%dma_start3A_349 : memref<128x16xf32, #tpu.memory_space<vmem>>) offsets(%dma_start3A_352 : memref<128xi32, #tpu.memory_space<vmem>>) semaphore(%arg16 : memref<!tpu.dma_semaphore, #tpu.memory_space<semaphore_mem>>)
      %mul3A_356 = arith.constant 2 : i32
      %mul3A_357 = arith.muli %add3A_329, %mul3A_356 : i32
      %add3A_358 = arith.constant 1 : i32
      %add3A_359 = arith.addi %mul3A_357, %add3A_358 : i32
      %dma_start3A_360 = arith.constant 128 : i32
      %dma_start3A_361 = arith.constant 0 : i32
      %dma_start3A_362 = tpu.memref_slice %arg11[%dma_start3A_360, %dma_start3A_361] : memref<256x16xf32, #tpu.memory_space<vmem>> -> memref<128x16xf32, #tpu.memory_space<vmem>>
      %dma_start3A_363 = arith.constant 0 : i32
      %dma_start3A_364 = tpu.memref_slice %arg9[%add3A_359, %dma_start3A_363] : memref<80x128xi32, #tpu.memory_space<vmem>> -> memref<1x128xi32, #tpu.memory_space<vmem>>
      %dma_start3A_365 = tpu.memref_squeeze %dma_start3A_364 : memref<1x128xi32, #tpu.memory_space<vmem>> -> memref<128xi32, #tpu.memory_space<vmem>>
      %dma_start3A_366 = arith.constant 0 : i32
      %dma_start3A_367 = arith.constant 0 : i32
      %dma_start3A_368 = tpu.memref_slice %arg2[%dma_start3A_366, %dma_start3A_367] : memref<10000x16xf32, #tpu.memory_space<hbm>> -> memref<10000x16xf32, #tpu.memory_space<hbm>>
      tpu.enqueue_indirect_dma source(%dma_start3A_368 : memref<10000x16xf32, #tpu.memory_space<hbm>>) target(%dma_start3A_362 : memref<128x16xf32, #tpu.memory_space<vmem>>) offsets(%dma_start3A_365 : memref<128xi32, #tpu.memory_space<vmem>>) semaphore(%arg16 : memref<!tpu.dma_semaphore, #tpu.memory_space<semaphore_mem>>)
      %mul3A_369 = arith.constant 2 : i32
      %mul3A_370 = arith.muli %add3A_329, %mul3A_369 : i32
      %add3A_371 = arith.constant 1 : i32
      %add3A_372 = arith.addi %mul3A_370, %add3A_371 : i32
      %dma_start3A_373 = arith.constant 128 : i32
      %dma_start3A_374 = arith.constant 0 : i32
      %dma_start3A_375 = tpu.memref_slice %arg13[%dma_start3A_373, %dma_start3A_374] : memref<256x16xf32, #tpu.memory_space<vmem>> -> memref<128x16xf32, #tpu.memory_space<vmem>>
      %dma_start3A_376 = arith.constant 0 : i32
      %dma_start3A_377 = tpu.memref_slice %arg10[%add3A_372, %dma_start3A_376] : memref<80x128xi32, #tpu.memory_space<vmem>> -> memref<1x128xi32, #tpu.memory_space<vmem>>
      %dma_start3A_378 = tpu.memref_squeeze %dma_start3A_377 : memref<1x128xi32, #tpu.memory_space<vmem>> -> memref<128xi32, #tpu.memory_space<vmem>>
      %dma_start3A_379 = arith.constant 0 : i32
      %dma_start3A_380 = arith.constant 0 : i32
      %dma_start3A_381 = tpu.memref_slice %arg2[%dma_start3A_379, %dma_start3A_380] : memref<10000x16xf32, #tpu.memory_space<hbm>> -> memref<10000x16xf32, #tpu.memory_space<hbm>>
      tpu.enqueue_indirect_dma source(%dma_start3A_381 : memref<10000x16xf32, #tpu.memory_space<hbm>>) target(%dma_start3A_375 : memref<128x16xf32, #tpu.memory_space<vmem>>) offsets(%dma_start3A_378 : memref<128xi32, #tpu.memory_space<vmem>>) semaphore(%arg16 : memref<!tpu.dma_semaphore, #tpu.memory_space<semaphore_mem>>)
      %mul3A_382 = arith.constant 2 : i32
      %mul3A_383 = arith.muli %scan3A_263, %mul3A_382 : i32
      %add3A_384 = arith.constant 1 : i32
      %add3A_385 = arith.addi %mul3A_383, %add3A_384 : i32
      %dma_wait3A_386 = arith.constant 0 : i32
      %dma_wait3A_387 = arith.constant 0 : i32
      %dma_wait3A_388 = tpu.memref_slice %arg12[%dma_wait3A_386, %dma_wait3A_387] : memref<256x16xf32, #tpu.memory_space<vmem>> -> memref<128x16xf32, #tpu.memory_space<vmem>>
      %dma_wait3A_389 = arith.constant 0 : i32
      %dma_wait3A_390 = arith.constant 0 : i32
      %dma_wait3A_391 = tpu.memref_slice %arg2[%dma_wait3A_389, %dma_wait3A_390] : memref<10000x16xf32, #tpu.memory_space<hbm>> -> memref<128x16xf32, #tpu.memory_space<hbm>>
      %dma_wait3A_392 = arith.constant 0 : i32
      %dma_wait3A_393 = arith.constant 0 : i32
      %dma_wait3A_394 = tpu.memref_slice %arg12[%dma_wait3A_392, %dma_wait3A_393] : memref<256x16xf32, #tpu.memory_space<vmem>> -> memref<128x16xf32, #tpu.memory_space<vmem>>
      %dma_wait3A_395 = arith.constant 0 : i32
      %dma_wait3A_396 = arith.constant 0 : i32
      %dma_wait3A_397 = tpu.memref_slice %arg2[%dma_wait3A_395, %dma_wait3A_396] : memref<10000x16xf32, #tpu.memory_space<hbm>> -> memref<128x16xf32, #tpu.memory_space<hbm>>
      tpu.wait_dma2 semaphore(%arg17 : memref<!tpu.dma_semaphore, #tpu.memory_space<semaphore_mem>>) src(%dma_wait3A_397 : memref<128x16xf32, #tpu.memory_space<hbm>>) dst(%dma_wait3A_394 : memref<128x16xf32, #tpu.memory_space<vmem>>)
      %dma_wait3A_398 = arith.constant 0 : i32
      %dma_wait3A_399 = arith.constant 0 : i32
      %dma_wait3A_400 = tpu.memref_slice %arg12[%dma_wait3A_398, %dma_wait3A_399] : memref<256x16xf32, #tpu.memory_space<vmem>> -> memref<128x16xf32, #tpu.memory_space<vmem>>
      %dma_wait3A_401 = arith.constant 0 : i32
      %dma_wait3A_402 = arith.constant 0 : i32
      %dma_wait3A_403 = tpu.memref_slice %arg2[%dma_wait3A_401, %dma_wait3A_402] : memref<10000x16xf32, #tpu.memory_space<hbm>> -> memref<128x16xf32, #tpu.memory_space<hbm>>
      %dma_wait3A_404 = arith.constant 0 : i32
      %dma_wait3A_405 = arith.constant 0 : i32
      %dma_wait3A_406 = tpu.memref_slice %arg12[%dma_wait3A_404, %dma_wait3A_405] : memref<256x16xf32, #tpu.memory_space<vmem>> -> memref<128x16xf32, #tpu.memory_space<vmem>>
      %dma_wait3A_407 = arith.constant 0 : i32
      %dma_wait3A_408 = arith.constant 0 : i32
      %dma_wait3A_409 = tpu.memref_slice %arg2[%dma_wait3A_407, %dma_wait3A_408] : memref<10000x16xf32, #tpu.memory_space<hbm>> -> memref<128x16xf32, #tpu.memory_space<hbm>>
      tpu.wait_dma2 semaphore(%arg17 : memref<!tpu.dma_semaphore, #tpu.memory_space<semaphore_mem>>) src(%dma_wait3A_409 : memref<128x16xf32, #tpu.memory_space<hbm>>) dst(%dma_wait3A_406 : memref<128x16xf32, #tpu.memory_space<vmem>>)
      %dma_wait3A_410 = arith.constant 0 : i32
      %dma_wait3A_411 = arith.constant 0 : i32
      %dma_wait3A_412 = tpu.memref_slice %arg12[%dma_wait3A_410, %dma_wait3A_411] : memref<256x16xf32, #tpu.memory_space<vmem>> -> memref<128x16xf32, #tpu.memory_space<vmem>>
      %dma_wait3A_413 = arith.constant 0 : i32
      %dma_wait3A_414 = arith.constant 0 : i32
      %dma_wait3A_415 = tpu.memref_slice %arg2[%dma_wait3A_413, %dma_wait3A_414] : memref<10000x16xf32, #tpu.memory_space<hbm>> -> memref<128x16xf32, #tpu.memory_space<hbm>>
      %dma_wait3A_416 = arith.constant 0 : i32
      %dma_wait3A_417 = arith.constant 0 : i32
      %dma_wait3A_418 = tpu.memref_slice %arg12[%dma_wait3A_416, %dma_wait3A_417] : memref<256x16xf32, #tpu.memory_space<vmem>> -> memref<128x16xf32, #tpu.memory_space<vmem>>
      %dma_wait3A_419 = arith.constant 0 : i32
      %dma_wait3A_420 = arith.constant 0 : i32
      %dma_wait3A_421 = tpu.memref_slice %arg2[%dma_wait3A_419, %dma_wait3A_420] : memref<10000x16xf32, #tpu.memory_space<hbm>> -> memref<128x16xf32, #tpu.memory_space<hbm>>
      tpu.wait_dma2 semaphore(%arg17 : memref<!tpu.dma_semaphore, #tpu.memory_space<semaphore_mem>>) src(%dma_wait3A_421 : memref<128x16xf32, #tpu.memory_space<hbm>>) dst(%dma_wait3A_418 : memref<128x16xf32, #tpu.memory_space<vmem>>)
      %dma_wait3A_422 = arith.constant 0 : i32
      %dma_wait3A_423 = arith.constant 0 : i32
      %dma_wait3A_424 = tpu.memref_slice %arg12[%dma_wait3A_422, %dma_wait3A_423] : memref<256x16xf32, #tpu.memory_space<vmem>> -> memref<128x16xf32, #tpu.memory_space<vmem>>
      %dma_wait3A_425 = arith.constant 0 : i32
      %dma_wait3A_426 = arith.constant 0 : i32
      %dma_wait3A_427 = tpu.memref_slice %arg2[%dma_wait3A_425, %dma_wait3A_426] : memref<10000x16xf32, #tpu.memory_space<hbm>> -> memref<128x16xf32, #tpu.memory_space<hbm>>
      %dma_wait3A_428 = arith.constant 0 : i32
      %dma_wait3A_429 = arith.constant 0 : i32
      %dma_wait3A_430 = tpu.memref_slice %arg12[%dma_wait3A_428, %dma_wait3A_429] : memref<256x16xf32, #tpu.memory_space<vmem>> -> memref<128x16xf32, #tpu.memory_space<vmem>>
      %dma_wait3A_431 = arith.constant 0 : i32
      %dma_wait3A_432 = arith.constant 0 : i32
      %dma_wait3A_433 = tpu.memref_slice %arg2[%dma_wait3A_431, %dma_wait3A_432] : memref<10000x16xf32, #tpu.memory_space<hbm>> -> memref<128x16xf32, #tpu.memory_space<hbm>>
      tpu.wait_dma2 semaphore(%arg17 : memref<!tpu.dma_semaphore, #tpu.memory_space<semaphore_mem>>) src(%dma_wait3A_433 : memref<128x16xf32, #tpu.memory_space<hbm>>) dst(%dma_wait3A_430 : memref<128x16xf32, #tpu.memory_space<vmem>>)
      %parallel_loop3A_434 = arith.constant 0 : i32
      %parallel_loop3A_435 = arith.constant 256 : i32
      %parallel_loop3A_436 = arith.constant 1 : i32
      scf.for %parallel_loop3A_500 = %parallel_loop3A_434 to %parallel_loop3A_435 step %parallel_loop3A_436  : i32 {
        %parallel_loop3A_501 = arith.index_cast %parallel_loop3A_500 : i32 to index
        %parallel_loop3A_502 = arith.constant 0 : index
        %parallel_loop3A_503 = tpu.vector_load %arg12[%parallel_loop3A_501, %parallel_loop3A_502] {strides = array<i32>} : memref<256x16xf32, #tpu.memory_space<vmem>>, vector<16xf32>,
        %parallel_loop3A_504 = arith.index_cast %parallel_loop3A_500 : i32 to index
        %parallel_loop3A_505 = arith.constant 0 : index
        %parallel_loop3A_506 = tpu.vector_load %arg14[%parallel_loop3A_504, %parallel_loop3A_505] {strides = array<i32>} : memref<256x16xf32, #tpu.memory_space<vmem>>, vector<16xf32>,
        %parallel_loop3A_507 = arith.addf %parallel_loop3A_503, %parallel_loop3A_506 : vector<16xf32>
        %parallel_loop3A_508 = arith.constant 2.000000e-01 : f32
        %parallel_loop3A_509 = vector.broadcast %parallel_loop3A_508 : f32 to vector<16xf32>
        %parallel_loop3A_510 = arith.mulf %parallel_loop3A_507, %parallel_loop3A_509 : vector<16xf32>
        %parallel_loop3A_511 = arith.maximumf %parallel_loop3A_507, %parallel_loop3A_510 : vector<16xf32>
        %parallel_loop3A_512 = arith.mulf %get3A_39, %parallel_loop3A_511 : vector<16xf32>
        %parallel_loop3A_513 = tpu.iota {dimensions = array<i32: 0>} : vector<16xi32>
        %parallel_loop3A_514 = arith.constant 8 : i32
        %parallel_loop3A_515 = vector.broadcast %parallel_loop3A_514 : i32 to vector<16xi32>
        %parallel_loop3A_516 = arith.xori %parallel_loop3A_513, %parallel_loop3A_515 : vector<16xi32>
        %parallel_loop3A_517 = vector.shape_cast %parallel_loop3A_516 : vector<16xi32> to vector<16x1xi32>
        %parallel_loop3A_518 = vector.shape_cast %parallel_loop3A_517 : vector<16x1xi32> to vector<16xi32>
        %parallel_loop3A_519 = tpu.dynamic_gather %parallel_loop3A_512[%parallel_loop3A_518] in [0] : vector<16xf32>, vector<16xi32> -> vector<16xf32>
        %parallel_loop3A_520 = arith.addf %parallel_loop3A_512, %parallel_loop3A_519 : vector<16xf32>
        %parallel_loop3A_521 = tpu.iota {dimensions = array<i32: 0>} : vector<16xi32>
        %parallel_loop3A_522 = arith.constant 4 : i32
        %parallel_loop3A_523 = vector.broadcast %parallel_loop3A_522 : i32 to vector<16xi32>
        %parallel_loop3A_524 = arith.xori %parallel_loop3A_521, %parallel_loop3A_523 : vector<16xi32>
        %parallel_loop3A_525 = vector.shape_cast %parallel_loop3A_524 : vector<16xi32> to vector<16x1xi32>
        %parallel_loop3A_526 = vector.shape_cast %parallel_loop3A_525 : vector<16x1xi32> to vector<16xi32>
        %parallel_loop3A_527 = tpu.dynamic_gather %parallel_loop3A_520[%parallel_loop3A_526] in [0] : vector<16xf32>, vector<16xi32> -> vector<16xf32>
        %parallel_loop3A_528 = arith.addf %parallel_loop3A_520, %parallel_loop3A_527 : vector<16xf32>
        %parallel_loop3A_529 = tpu.iota {dimensions = array<i32: 0>} : vector<16xi32>
        %parallel_loop3A_530 = arith.constant 2 : i32
        %parallel_loop3A_531 = vector.broadcast %parallel_loop3A_530 : i32 to vector<16xi32>
        %parallel_loop3A_532 = arith.xori %parallel_loop3A_529, %parallel_loop3A_531 : vector<16xi32>
        %parallel_loop3A_533 = vector.shape_cast %parallel_loop3A_532 : vector<16xi32> to vector<16x1xi32>
        %parallel_loop3A_534 = vector.shape_cast %parallel_loop3A_533 : vector<16x1xi32> to vector<16xi32>
        %parallel_loop3A_535 = tpu.dynamic_gather %parallel_loop3A_528[%parallel_loop3A_534] in [0] : vector<16xf32>, vector<16xi32> -> vector<16xf32>
        %parallel_loop3A_536 = arith.addf %parallel_loop3A_528, %parallel_loop3A_535 : vector<16xf32>
        %parallel_loop3A_537 = tpu.iota {dimensions = array<i32: 0>} : vector<16xi32>
        %parallel_loop3A_538 = arith.constant 1 : i32
        %parallel_loop3A_539 = vector.broadcast %parallel_loop3A_538 : i32 to vector<16xi32>
        %parallel_loop3A_540 = arith.xori %parallel_loop3A_537, %parallel_loop3A_539 : vector<16xi32>
        %parallel_loop3A_541 = vector.shape_cast %parallel_loop3A_540 : vector<16xi32> to vector<16x1xi32>
        %parallel_loop3A_542 = vector.shape_cast %parallel_loop3A_541 : vector<16x1xi32> to vector<16xi32>
        %parallel_loop3A_543 = tpu.dynamic_gather %parallel_loop3A_536[%parallel_loop3A_542] in [0] : vector<16xf32>, vector<16xi32> -> vector<16xf32>
        %parallel_loop3A_544 = arith.addf %parallel_loop3A_536, %parallel_loop3A_543 : vector<16xf32>
        %parallel_loop3A_545 = math.exp %parallel_loop3A_544 : vector<16xf32>
        %parallel_loop3A_546 = arith.mulf %parallel_loop3A_545, %parallel_loop3A_503 : vector<16xf32>
        %parallel_loop3A_547 = arith.index_cast %parallel_loop3A_500 : i32 to index
        %parallel_loop3A_548 = arith.constant 0 : index
        %parallel_loop3A_549 = tpu.vector_load %arg8[%parallel_loop3A_547, %parallel_loop3A_548] {strides = array<i32>} : memref<256x32xf32, #tpu.memory_space<vmem>>, vector<16xf32>,
        tpu.vector_store %arg8[%parallel_loop3A_547, %parallel_loop3A_548], %parallel_loop3A_546 {strides = array<i32>} : memref<256x32xf32, #tpu.memory_space<vmem>>, vector<16xf32>,
        %parallel_loop3A_550 = arith.index_cast %parallel_loop3A_500 : i32 to index
        %parallel_loop3A_551 = arith.constant 16 : index
        %parallel_loop3A_552 = tpu.vector_load %arg8[%parallel_loop3A_550, %parallel_loop3A_551] {strides = array<i32>} : memref<256x32xf32, #tpu.memory_space<vmem>>, vector<16xf32>,
        tpu.vector_store %arg8[%parallel_loop3A_550, %parallel_loop3A_551], %parallel_loop3A_545 {strides = array<i32>} : memref<256x32xf32, #tpu.memory_space<vmem>>, vector<16xf32>,
      } {sc.loop_unroll_factor = 4 : i64, sc.parallel_access}
      %mul3A_437 = arith.constant 2 : i32
      %mul3A_438 = arith.muli %add3A_385, %mul3A_437 : i32
      %add3A_439 = arith.constant 0 : i32
      %add3A_440 = arith.addi %mul3A_438, %add3A_439 : i32
      "tpu.region"() ({
        %run_scoped3A_500 = tpu.sem_alloc : memref<!tpu.dma_semaphore, #tpu.memory_space<semaphore_mem>>
        %dma_start3A_501 = arith.constant 0 : i32
        %dma_start3A_502 = arith.constant 0 : i32
        %dma_start3A_503 = tpu.memref_slice %arg8[%dma_start3A_501, %dma_start3A_502] : memref<256x32xf32, #tpu.memory_space<vmem>> -> memref<128x32xf32, #tpu.memory_space<vmem>>
        %dma_start3A_504 = arith.constant 0 : i32
        %dma_start3A_505 = tpu.memref_slice %arg10[%add3A_440, %dma_start3A_504] : memref<80x128xi32, #tpu.memory_space<vmem>> -> memref<1x128xi32, #tpu.memory_space<vmem>>
        %dma_start3A_506 = tpu.memref_squeeze %dma_start3A_505 : memref<1x128xi32, #tpu.memory_space<vmem>> -> memref<128xi32, #tpu.memory_space<vmem>>
        %dma_start3A_507 = arith.constant 0 : i32
        %dma_start3A_508 = arith.constant 0 : i32
        %dma_start3A_509 = tpu.memref_slice %arg7[%dma_start3A_507, %dma_start3A_508] : memref<10128x32xf32, #tpu.memory_space<vmem_shared>> -> memref<10128x32xf32, #tpu.memory_space<vmem_shared>>
        tpu.enqueue_indirect_dma source(%dma_start3A_503 : memref<128x32xf32, #tpu.memory_space<vmem>>) target(%dma_start3A_509 : memref<10128x32xf32, #tpu.memory_space<vmem_shared>>) offsets(%dma_start3A_506 : memref<128xi32, #tpu.memory_space<vmem>>) semaphore(%run_scoped3A_500 : memref<!tpu.dma_semaphore, #tpu.memory_space<semaphore_mem>>) {add = true}
        %dma_wait3A_510 = arith.constant 0 : i32
        %dma_wait3A_511 = arith.constant 0 : i32
        %dma_wait3A_512 = tpu.memref_slice %arg8[%dma_wait3A_510, %dma_wait3A_511] : memref<256x32xf32, #tpu.memory_space<vmem>> -> memref<128x32xf32, #tpu.memory_space<vmem>>
        %dma_wait3A_513 = arith.constant 0 : i32
        %dma_wait3A_514 = tpu.memref_slice %arg10[%add3A_440, %dma_wait3A_513] : memref<80x128xi32, #tpu.memory_space<vmem>> -> memref<1x128xi32, #tpu.memory_space<vmem>>
        %dma_wait3A_515 = tpu.memref_squeeze %dma_wait3A_514 : memref<1x128xi32, #tpu.memory_space<vmem>> -> memref<128xi32, #tpu.memory_space<vmem>>
        %dma_wait3A_516 = arith.constant 0 : i32
        %dma_wait3A_517 = arith.constant 0 : i32
        %dma_wait3A_518 = tpu.memref_slice %arg7[%dma_wait3A_516, %dma_wait3A_517] : memref<10128x32xf32, #tpu.memory_space<vmem_shared>> -> memref<10128x32xf32, #tpu.memory_space<vmem_shared>>
        tpu.wait_indirect_dma semaphore(%run_scoped3A_500 : memref<!tpu.dma_semaphore, #tpu.memory_space<semaphore_mem>>) src(%dma_wait3A_512 : memref<128x32xf32, #tpu.memory_space<vmem>>) dst(%dma_wait3A_518 : memref<10128x32xf32, #tpu.memory_space<vmem_shared>>)
        tpu.yield
      }) : () -> ()
      %mul3A_441 = arith.constant 2 : i32
      %mul3A_442 = arith.muli %add3A_385, %mul3A_441 : i32
      %add3A_443 = arith.constant 1 : i32
      %add3A_444 = arith.addi %mul3A_442, %add3A_443 : i32
      "tpu.region"() ({
        %run_scoped3A_500 = tpu.sem_alloc : memref<!tpu.dma_semaphore, #tpu.memory_space<semaphore_mem>>
        %dma_start3A_501 = arith.constant 128 : i32
        %dma_start3A_502 = arith.constant 0 : i32
        %dma_start3A_503 = tpu.memref_slice %arg8[%dma_start3A_501, %dma_start3A_502] : memref<256x32xf32, #tpu.memory_space<vmem>> -> memref<128x32xf32, #tpu.memory_space<vmem>>
        %dma_start3A_504 = arith.constant 0 : i32
        %dma_start3A_505 = tpu.memref_slice %arg10[%add3A_444, %dma_start3A_504] : memref<80x128xi32, #tpu.memory_space<vmem>> -> memref<1x128xi32, #tpu.memory_space<vmem>>
        %dma_start3A_506 = tpu.memref_squeeze %dma_start3A_505 : memref<1x128xi32, #tpu.memory_space<vmem>> -> memref<128xi32, #tpu.memory_space<vmem>>
        %dma_start3A_507 = arith.constant 0 : i32
        %dma_start3A_508 = arith.constant 0 : i32
        %dma_start3A_509 = tpu.memref_slice %arg7[%dma_start3A_507, %dma_start3A_508] : memref<10128x32xf32, #tpu.memory_space<vmem_shared>> -> memref<10128x32xf32, #tpu.memory_space<vmem_shared>>
        tpu.enqueue_indirect_dma source(%dma_start3A_503 : memref<128x32xf32, #tpu.memory_space<vmem>>) target(%dma_start3A_509 : memref<10128x32xf32, #tpu.memory_space<vmem_shared>>) offsets(%dma_start3A_506 : memref<128xi32, #tpu.memory_space<vmem>>) semaphore(%run_scoped3A_500 : memref<!tpu.dma_semaphore, #tpu.memory_space<semaphore_mem>>) {add = true}
        %dma_wait3A_510 = arith.constant 128 : i32
        %dma_wait3A_511 = arith.constant 0 : i32
        %dma_wait3A_512 = tpu.memref_slice %arg8[%dma_wait3A_510, %dma_wait3A_511] : memref<256x32xf32, #tpu.memory_space<vmem>> -> memref<128x32xf32, #tpu.memory_space<vmem>>
        %dma_wait3A_513 = arith.constant 0 : i32
        %dma_wait3A_514 = tpu.memref_slice %arg10[%add3A_444, %dma_wait3A_513] : memref<80x128xi32, #tpu.memory_space<vmem>> -> memref<1x128xi32, #tpu.memory_space<vmem>>
        %dma_wait3A_515 = tpu.memref_squeeze %dma_wait3A_514 : memref<1x128xi32, #tpu.memory_space<vmem>> -> memref<128xi32, #tpu.memory_space<vmem>>
        %dma_wait3A_516 = arith.constant 0 : i32
        %dma_wait3A_517 = arith.constant 0 : i32
        %dma_wait3A_518 = tpu.memref_slice %arg7[%dma_wait3A_516, %dma_wait3A_517] : memref<10128x32xf32, #tpu.memory_space<vmem_shared>> -> memref<10128x32xf32, #tpu.memory_space<vmem_shared>>
        tpu.wait_indirect_dma semaphore(%run_scoped3A_500 : memref<!tpu.dma_semaphore, #tpu.memory_space<semaphore_mem>>) src(%dma_wait3A_512 : memref<128x32xf32, #tpu.memory_space<vmem>>) dst(%dma_wait3A_518 : memref<10128x32xf32, #tpu.memory_space<vmem_shared>>)
        tpu.yield
      }) : () -> ()
      %add3A_445 = arith.constant 2 : i32
      %add3A_446 = arith.addi %add3A_385, %add3A_445 : i32
      %mul3A_447 = arith.constant 2 : i32
      %mul3A_448 = arith.muli %add3A_446, %mul3A_447 : i32
      %add3A_449 = arith.constant 0 : i32
      %add3A_450 = arith.addi %mul3A_448, %add3A_449 : i32
      %dma_start3A_451 = arith.constant 0 : i32
      %dma_start3A_452 = arith.constant 0 : i32
      %dma_start3A_453 = tpu.memref_slice %arg12[%dma_start3A_451, %dma_start3A_452] : memref<256x16xf32, #tpu.memory_space<vmem>> -> memref<128x16xf32, #tpu.memory_space<vmem>>
      %dma_start3A_454 = arith.constant 0 : i32
      %dma_start3A_455 = tpu.memref_slice %arg9[%add3A_450, %dma_start3A_454] : memref<80x128xi32, #tpu.memory_space<vmem>> -> memref<1x128xi32, #tpu.memory_space<vmem>>
      %dma_start3A_456 = tpu.memref_squeeze %dma_start3A_455 : memref<1x128xi32, #tpu.memory_space<vmem>> -> memref<128xi32, #tpu.memory_space<vmem>>
      %dma_start3A_457 = arith.constant 0 : i32
      %dma_start3A_458 = arith.constant 0 : i32
      %dma_start3A_459 = tpu.memref_slice %arg2[%dma_start3A_457, %dma_start3A_458] : memref<10000x16xf32, #tpu.memory_space<hbm>> -> memref<10000x16xf32, #tpu.memory_space<hbm>>
      tpu.enqueue_indirect_dma source(%dma_start3A_459 : memref<10000x16xf32, #tpu.memory_space<hbm>>) target(%dma_start3A_453 : memref<128x16xf32, #tpu.memory_space<vmem>>) offsets(%dma_start3A_456 : memref<128xi32, #tpu.memory_space<vmem>>) semaphore(%arg17 : memref<!tpu.dma_semaphore, #tpu.memory_space<semaphore_mem>>)
      %mul3A_460 = arith.constant 2 : i32
      %mul3A_461 = arith.muli %add3A_446, %mul3A_460 : i32
      %add3A_462 = arith.constant 0 : i32
      %add3A_463 = arith.addi %mul3A_461, %add3A_462 : i32
      %dma_start3A_464 = arith.constant 0 : i32
      %dma_start3A_465 = arith.constant 0 : i32
      %dma_start3A_466 = tpu.memref_slice %arg14[%dma_start3A_464, %dma_start3A_465] : memref<256x16xf32, #tpu.memory_space<vmem>> -> memref<128x16xf32, #tpu.memory_space<vmem>>
      %dma_start3A_467 = arith.constant 0 : i32
      %dma_start3A_468 = tpu.memref_slice %arg10[%add3A_463, %dma_start3A_467] : memref<80x128xi32, #tpu.memory_space<vmem>> -> memref<1x128xi32, #tpu.memory_space<vmem>>
      %dma_start3A_469 = tpu.memref_squeeze %dma_start3A_468 : memref<1x128xi32, #tpu.memory_space<vmem>> -> memref<128xi32, #tpu.memory_space<vmem>>
      %dma_start3A_470 = arith.constant 0 : i32
      %dma_start3A_471 = arith.constant 0 : i32
      %dma_start3A_472 = tpu.memref_slice %arg2[%dma_start3A_470, %dma_start3A_471] : memref<10000x16xf32, #tpu.memory_space<hbm>> -> memref<10000x16xf32, #tpu.memory_space<hbm>>
      tpu.enqueue_indirect_dma source(%dma_start3A_472 : memref<10000x16xf32, #tpu.memory_space<hbm>>) target(%dma_start3A_466 : memref<128x16xf32, #tpu.memory_space<vmem>>) offsets(%dma_start3A_469 : memref<128xi32, #tpu.memory_space<vmem>>) semaphore(%arg17 : memref<!tpu.dma_semaphore, #tpu.memory_space<semaphore_mem>>)
      %mul3A_473 = arith.constant 2 : i32
      %mul3A_474 = arith.muli %add3A_446, %mul3A_473 : i32
      %add3A_475 = arith.constant 1 : i32
      %add3A_476 = arith.addi %mul3A_474, %add3A_475 : i32
      %dma_start3A_477 = arith.constant 128 : i32
      %dma_start3A_478 = arith.constant 0 : i32
      %dma_start3A_479 = tpu.memref_slice %arg12[%dma_start3A_477, %dma_start3A_478] : memref<256x16xf32, #tpu.memory_space<vmem>> -> memref<128x16xf32, #tpu.memory_space<vmem>>
      %dma_start3A_480 = arith.constant 0 : i32
      %dma_start3A_481 = tpu.memref_slice %arg9[%add3A_476, %dma_start3A_480] : memref<80x128xi32, #tpu.memory_space<vmem>> -> memref<1x128xi32, #tpu.memory_space<vmem>>
      %dma_start3A_482 = tpu.memref_squeeze %dma_start3A_481 : memref<1x128xi32, #tpu.memory_space<vmem>> -> memref<128xi32, #tpu.memory_space<vmem>>
      %dma_start3A_483 = arith.constant 0 : i32
      %dma_start3A_484 = arith.constant 0 : i32
      %dma_start3A_485 = tpu.memref_slice %arg2[%dma_start3A_483, %dma_start3A_484] : memref<10000x16xf32, #tpu.memory_space<hbm>> -> memref<10000x16xf32, #tpu.memory_space<hbm>>
      tpu.enqueue_indirect_dma source(%dma_start3A_485 : memref<10000x16xf32, #tpu.memory_space<hbm>>) target(%dma_start3A_479 : memref<128x16xf32, #tpu.memory_space<vmem>>) offsets(%dma_start3A_482 : memref<128xi32, #tpu.memory_space<vmem>>) semaphore(%arg17 : memref<!tpu.dma_semaphore, #tpu.memory_space<semaphore_mem>>)
      %mul3A_486 = arith.constant 2 : i32
      %mul3A_487 = arith.muli %add3A_446, %mul3A_486 : i32
      %add3A_488 = arith.constant 1 : i32
      %add3A_489 = arith.addi %mul3A_487, %add3A_488 : i32
      %dma_start3A_490 = arith.constant 128 : i32
      %dma_start3A_491 = arith.constant 0 : i32
      %dma_start3A_492 = tpu.memref_slice %arg14[%dma_start3A_490, %dma_start3A_491] : memref<256x16xf32, #tpu.memory_space<vmem>> -> memref<128x16xf32, #tpu.memory_space<vmem>>
      %dma_start3A_493 = arith.constant 0 : i32
      %dma_start3A_494 = tpu.memref_slice %arg10[%add3A_489, %dma_start3A_493] : memref<80x128xi32, #tpu.memory_space<vmem>> -> memref<1x128xi32, #tpu.memory_space<vmem>>
      %dma_start3A_495 = tpu.memref_squeeze %dma_start3A_494 : memref<1x128xi32, #tpu.memory_space<vmem>> -> memref<128xi32, #tpu.memory_space<vmem>>
      %dma_start3A_496 = arith.constant 0 : i32
      %dma_start3A_497 = arith.constant 0 : i32
      %dma_start3A_498 = tpu.memref_slice %arg2[%dma_start3A_496, %dma_start3A_497] : memref<10000x16xf32, #tpu.memory_space<hbm>> -> memref<10000x16xf32, #tpu.memory_space<hbm>>
      tpu.enqueue_indirect_dma source(%dma_start3A_498 : memref<10000x16xf32, #tpu.memory_space<hbm>>) target(%dma_start3A_492 : memref<128x16xf32, #tpu.memory_space<vmem>>) offsets(%dma_start3A_495 : memref<128xi32, #tpu.memory_space<vmem>>) semaphore(%arg17 : memref<!tpu.dma_semaphore, #tpu.memory_space<semaphore_mem>>)
      %scan3A_499 = arith.constant 0 : i32
      scf.yield %scan3A_499 : i32
    }
    %scan3A_137 = arith.constant 19 : i32
    %dma_wait3A_138 = arith.constant 0 : i32
    %dma_wait3A_139 = arith.constant 0 : i32
    %dma_wait3A_140 = tpu.memref_slice %arg11[%dma_wait3A_138, %dma_wait3A_139] : memref<256x16xf32, #tpu.memory_space<vmem>> -> memref<128x16xf32, #tpu.memory_space<vmem>>
    %dma_wait3A_141 = arith.constant 0 : i32
    %dma_wait3A_142 = arith.constant 0 : i32
    %dma_wait3A_143 = tpu.memref_slice %arg2[%dma_wait3A_141, %dma_wait3A_142] : memref<10000x16xf32, #tpu.memory_space<hbm>> -> memref<128x16xf32, #tpu.memory_space<hbm>>
    %dma_wait3A_144 = arith.constant 0 : i32
    %dma_wait3A_145 = arith.constant 0 : i32
    %dma_wait3A_146 = tpu.memref_slice %arg11[%dma_wait3A_144, %dma_wait3A_145] : memref<256x16xf32, #tpu.memory_space<vmem>> -> memref<128x16xf32, #tpu.memory_space<vmem>>
    %dma_wait3A_147 = arith.constant 0 : i32
    %dma_wait3A_148 = arith.constant 0 : i32
    %dma_wait3A_149 = tpu.memref_slice %arg2[%dma_wait3A_147, %dma_wait3A_148] : memref<10000x16xf32, #tpu.memory_space<hbm>> -> memref<128x16xf32, #tpu.memory_space<hbm>>
    tpu.wait_dma2 semaphore(%arg16 : memref<!tpu.dma_semaphore, #tpu.memory_space<semaphore_mem>>) src(%dma_wait3A_149 : memref<128x16xf32, #tpu.memory_space<hbm>>) dst(%dma_wait3A_146 : memref<128x16xf32, #tpu.memory_space<vmem>>)
    %dma_wait3A_150 = arith.constant 0 : i32
    %dma_wait3A_151 = arith.constant 0 : i32
    %dma_wait3A_152 = tpu.memref_slice %arg11[%dma_wait3A_150, %dma_wait3A_151] : memref<256x16xf32, #tpu.memory_space<vmem>> -> memref<128x16xf32, #tpu.memory_space<vmem>>
    %dma_wait3A_153 = arith.constant 0 : i32
    %dma_wait3A_154 = arith.constant 0 : i32
    %dma_wait3A_155 = tpu.memref_slice %arg2[%dma_wait3A_153, %dma_wait3A_154] : memref<10000x16xf32, #tpu.memory_space<hbm>> -> memref<128x16xf32, #tpu.memory_space<hbm>>
    %dma_wait3A_156 = arith.constant 0 : i32
    %dma_wait3A_157 = arith.constant 0 : i32
    %dma_wait3A_158 = tpu.memref_slice %arg11[%dma_wait3A_156, %dma_wait3A_157] : memref<256x16xf32, #tpu.memory_space<vmem>> -> memref<128x16xf32, #tpu.memory_space<vmem>>
    %dma_wait3A_159 = arith.constant 0 : i32
    %dma_wait3A_160 = arith.constant 0 : i32
    %dma_wait3A_161 = tpu.memref_slice %arg2[%dma_wait3A_159, %dma_wait3A_160] : memref<10000x16xf32, #tpu.memory_space<hbm>> -> memref<128x16xf32, #tpu.memory_space<hbm>>
    tpu.wait_dma2 semaphore(%arg16 : memref<!tpu.dma_semaphore, #tpu.memory_space<semaphore_mem>>) src(%dma_wait3A_161 : memref<128x16xf32, #tpu.memory_space<hbm>>) dst(%dma_wait3A_158 : memref<128x16xf32, #tpu.memory_space<vmem>>)
    %dma_wait3A_162 = arith.constant 0 : i32
    %dma_wait3A_163 = arith.constant 0 : i32
    %dma_wait3A_164 = tpu.memref_slice %arg11[%dma_wait3A_162, %dma_wait3A_163] : memref<256x16xf32, #tpu.memory_space<vmem>> -> memref<128x16xf32, #tpu.memory_space<vmem>>
    %dma_wait3A_165 = arith.constant 0 : i32
    %dma_wait3A_166 = arith.constant 0 : i32
    %dma_wait3A_167 = tpu.memref_slice %arg2[%dma_wait3A_165, %dma_wait3A_166] : memref<10000x16xf32, #tpu.memory_space<hbm>> -> memref<128x16xf32, #tpu.memory_space<hbm>>
    %dma_wait3A_168 = arith.constant 0 : i32
    %dma_wait3A_169 = arith.constant 0 : i32
    %dma_wait3A_170 = tpu.memref_slice %arg11[%dma_wait3A_168, %dma_wait3A_169] : memref<256x16xf32, #tpu.memory_space<vmem>> -> memref<128x16xf32, #tpu.memory_space<vmem>>
    %dma_wait3A_171 = arith.constant 0 : i32
    %dma_wait3A_172 = arith.constant 0 : i32
    %dma_wait3A_173 = tpu.memref_slice %arg2[%dma_wait3A_171, %dma_wait3A_172] : memref<10000x16xf32, #tpu.memory_space<hbm>> -> memref<128x16xf32, #tpu.memory_space<hbm>>
    tpu.wait_dma2 semaphore(%arg16 : memref<!tpu.dma_semaphore, #tpu.memory_space<semaphore_mem>>) src(%dma_wait3A_173 : memref<128x16xf32, #tpu.memory_space<hbm>>) dst(%dma_wait3A_170 : memref<128x16xf32, #tpu.memory_space<vmem>>)
    %dma_wait3A_174 = arith.constant 0 : i32
    %dma_wait3A_175 = arith.constant 0 : i32
    %dma_wait3A_176 = tpu.memref_slice %arg11[%dma_wait3A_174, %dma_wait3A_175] : memref<256x16xf32, #tpu.memory_space<vmem>> -> memref<128x16xf32, #tpu.memory_space<vmem>>
    %dma_wait3A_177 = arith.constant 0 : i32
    %dma_wait3A_178 = arith.constant 0 : i32
    %dma_wait3A_179 = tpu.memref_slice %arg2[%dma_wait3A_177, %dma_wait3A_178] : memref<10000x16xf32, #tpu.memory_space<hbm>> -> memref<128x16xf32, #tpu.memory_space<hbm>>
    %dma_wait3A_180 = arith.constant 0 : i32
    %dma_wait3A_181 = arith.constant 0 : i32
    %dma_wait3A_182 = tpu.memref_slice %arg11[%dma_wait3A_180, %dma_wait3A_181] : memref<256x16xf32, #tpu.memory_space<vmem>> -> memref<128x16xf32, #tpu.memory_space<vmem>>
    %dma_wait3A_183 = arith.constant 0 : i32
    %dma_wait3A_184 = arith.constant 0 : i32
    %dma_wait3A_185 = tpu.memref_slice %arg2[%dma_wait3A_183, %dma_wait3A_184] : memref<10000x16xf32, #tpu.memory_space<hbm>> -> memref<128x16xf32, #tpu.memory_space<hbm>>
    tpu.wait_dma2 semaphore(%arg16 : memref<!tpu.dma_semaphore, #tpu.memory_space<semaphore_mem>>) src(%dma_wait3A_185 : memref<128x16xf32, #tpu.memory_space<hbm>>) dst(%dma_wait3A_182 : memref<128x16xf32, #tpu.memory_space<vmem>>)
    %parallel_loop3A = arith.constant 0 : i32
    %parallel_loop3A_186 = arith.constant 256 : i32
    %parallel_loop3A_187 = arith.constant 1 : i32
    scf.for %parallel_loop3A_263 = %parallel_loop3A to %parallel_loop3A_186 step %parallel_loop3A_187  : i32 {
      %parallel_loop3A_264 = arith.index_cast %parallel_loop3A_263 : i32 to index
      %parallel_loop3A_265 = arith.constant 0 : index
      %parallel_loop3A_266 = tpu.vector_load %arg11[%parallel_loop3A_264, %parallel_loop3A_265] {strides = array<i32>} : memref<256x16xf32, #tpu.memory_space<vmem>>, vector<16xf32>,
      %parallel_loop3A_267 = arith.index_cast %parallel_loop3A_263 : i32 to index
      %parallel_loop3A_268 = arith.constant 0 : index
      %parallel_loop3A_269 = tpu.vector_load %arg13[%parallel_loop3A_267, %parallel_loop3A_268] {strides = array<i32>} : memref<256x16xf32, #tpu.memory_space<vmem>>, vector<16xf32>,
      %parallel_loop3A_270 = arith.addf %parallel_loop3A_266, %parallel_loop3A_269 : vector<16xf32>
      %parallel_loop3A_271 = arith.constant 2.000000e-01 : f32
      %parallel_loop3A_272 = vector.broadcast %parallel_loop3A_271 : f32 to vector<16xf32>
      %parallel_loop3A_273 = arith.mulf %parallel_loop3A_270, %parallel_loop3A_272 : vector<16xf32>
      %parallel_loop3A_274 = arith.maximumf %parallel_loop3A_270, %parallel_loop3A_273 : vector<16xf32>
      %parallel_loop3A_275 = arith.mulf %get3A_39, %parallel_loop3A_274 : vector<16xf32>
      %parallel_loop3A_276 = tpu.iota {dimensions = array<i32: 0>} : vector<16xi32>
      %parallel_loop3A_277 = arith.constant 8 : i32
      %parallel_loop3A_278 = vector.broadcast %parallel_loop3A_277 : i32 to vector<16xi32>
      %parallel_loop3A_279 = arith.xori %parallel_loop3A_276, %parallel_loop3A_278 : vector<16xi32>
      %parallel_loop3A_280 = vector.shape_cast %parallel_loop3A_279 : vector<16xi32> to vector<16x1xi32>
      %parallel_loop3A_281 = vector.shape_cast %parallel_loop3A_280 : vector<16x1xi32> to vector<16xi32>
      %parallel_loop3A_282 = tpu.dynamic_gather %parallel_loop3A_275[%parallel_loop3A_281] in [0] : vector<16xf32>, vector<16xi32> -> vector<16xf32>
      %parallel_loop3A_283 = arith.addf %parallel_loop3A_275, %parallel_loop3A_282 : vector<16xf32>
      %parallel_loop3A_284 = tpu.iota {dimensions = array<i32: 0>} : vector<16xi32>
      %parallel_loop3A_285 = arith.constant 4 : i32
      %parallel_loop3A_286 = vector.broadcast %parallel_loop3A_285 : i32 to vector<16xi32>
      %parallel_loop3A_287 = arith.xori %parallel_loop3A_284, %parallel_loop3A_286 : vector<16xi32>
      %parallel_loop3A_288 = vector.shape_cast %parallel_loop3A_287 : vector<16xi32> to vector<16x1xi32>
      %parallel_loop3A_289 = vector.shape_cast %parallel_loop3A_288 : vector<16x1xi32> to vector<16xi32>
      %parallel_loop3A_290 = tpu.dynamic_gather %parallel_loop3A_283[%parallel_loop3A_289] in [0] : vector<16xf32>, vector<16xi32> -> vector<16xf32>
      %parallel_loop3A_291 = arith.addf %parallel_loop3A_283, %parallel_loop3A_290 : vector<16xf32>
      %parallel_loop3A_292 = tpu.iota {dimensions = array<i32: 0>} : vector<16xi32>
      %parallel_loop3A_293 = arith.constant 2 : i32
      %parallel_loop3A_294 = vector.broadcast %parallel_loop3A_293 : i32 to vector<16xi32>
      %parallel_loop3A_295 = arith.xori %parallel_loop3A_292, %parallel_loop3A_294 : vector<16xi32>
      %parallel_loop3A_296 = vector.shape_cast %parallel_loop3A_295 : vector<16xi32> to vector<16x1xi32>
      %parallel_loop3A_297 = vector.shape_cast %parallel_loop3A_296 : vector<16x1xi32> to vector<16xi32>
      %parallel_loop3A_298 = tpu.dynamic_gather %parallel_loop3A_291[%parallel_loop3A_297] in [0] : vector<16xf32>, vector<16xi32> -> vector<16xf32>
      %parallel_loop3A_299 = arith.addf %parallel_loop3A_291, %parallel_loop3A_298 : vector<16xf32>
      %parallel_loop3A_300 = tpu.iota {dimensions = array<i32: 0>} : vector<16xi32>
      %parallel_loop3A_301 = arith.constant 1 : i32
      %parallel_loop3A_302 = vector.broadcast %parallel_loop3A_301 : i32 to vector<16xi32>
      %parallel_loop3A_303 = arith.xori %parallel_loop3A_300, %parallel_loop3A_302 : vector<16xi32>
      %parallel_loop3A_304 = vector.shape_cast %parallel_loop3A_303 : vector<16xi32> to vector<16x1xi32>
      %parallel_loop3A_305 = vector.shape_cast %parallel_loop3A_304 : vector<16x1xi32> to vector<16xi32>
      %parallel_loop3A_306 = tpu.dynamic_gather %parallel_loop3A_299[%parallel_loop3A_305] in [0] : vector<16xf32>, vector<16xi32> -> vector<16xf32>
      %parallel_loop3A_307 = arith.addf %parallel_loop3A_299, %parallel_loop3A_306 : vector<16xf32>
      %parallel_loop3A_308 = math.exp %parallel_loop3A_307 : vector<16xf32>
      %parallel_loop3A_309 = arith.mulf %parallel_loop3A_308, %parallel_loop3A_266 : vector<16xf32>
      %parallel_loop3A_310 = arith.index_cast %parallel_loop3A_263 : i32 to index
      %parallel_loop3A_311 = arith.constant 0 : index
      %parallel_loop3A_312 = tpu.vector_load %arg8[%parallel_loop3A_310, %parallel_loop3A_311] {strides = array<i32>} : memref<256x32xf32, #tpu.memory_space<vmem>>, vector<16xf32>,
      tpu.vector_store %arg8[%parallel_loop3A_310, %parallel_loop3A_311], %parallel_loop3A_309 {strides = array<i32>} : memref<256x32xf32, #tpu.memory_space<vmem>>, vector<16xf32>,
      %parallel_loop3A_313 = arith.index_cast %parallel_loop3A_263 : i32 to index
      %parallel_loop3A_314 = arith.constant 16 : index
      %parallel_loop3A_315 = tpu.vector_load %arg8[%parallel_loop3A_313, %parallel_loop3A_314] {strides = array<i32>} : memref<256x32xf32, #tpu.memory_space<vmem>>, vector<16xf32>,
      tpu.vector_store %arg8[%parallel_loop3A_313, %parallel_loop3A_314], %parallel_loop3A_308 {strides = array<i32>} : memref<256x32xf32, #tpu.memory_space<vmem>>, vector<16xf32>,
    } {sc.loop_unroll_factor = 4 : i64, sc.parallel_access}
    %run_scoped3A = arith.constant 76 : i32
    "tpu.region"() ({
      %run_scoped3A_263 = tpu.sem_alloc : memref<!tpu.dma_semaphore, #tpu.memory_space<semaphore_mem>>
      %dma_start3A_264 = arith.constant 0 : i32
      %dma_start3A_265 = arith.constant 0 : i32
      %dma_start3A_266 = tpu.memref_slice %arg8[%dma_start3A_264, %dma_start3A_265] : memref<256x32xf32, #tpu.memory_space<vmem>> -> memref<128x32xf32, #tpu.memory_space<vmem>>
      %dma_start3A_267 = arith.constant 0 : i32
      %dma_start3A_268 = tpu.memref_slice %arg10[%run_scoped3A, %dma_start3A_267] : memref<80x128xi32, #tpu.memory_space<vmem>> -> memref<1x128xi32, #tpu.memory_space<vmem>>
      %dma_start3A_269 = tpu.memref_squeeze %dma_start3A_268 : memref<1x128xi32, #tpu.memory_space<vmem>> -> memref<128xi32, #tpu.memory_space<vmem>>
      %dma_start3A_270 = arith.constant 0 : i32
      %dma_start3A_271 = arith.constant 0 : i32
      %dma_start3A_272 = tpu.memref_slice %arg7[%dma_start3A_270, %dma_start3A_271] : memref<10128x32xf32, #tpu.memory_space<vmem_shared>> -> memref<10128x32xf32, #tpu.memory_space<vmem_shared>>
      tpu.enqueue_indirect_dma source(%dma_start3A_266 : memref<128x32xf32, #tpu.memory_space<vmem>>) target(%dma_start3A_272 : memref<10128x32xf32, #tpu.memory_space<vmem_shared>>) offsets(%dma_start3A_269 : memref<128xi32, #tpu.memory_space<vmem>>) semaphore(%run_scoped3A_263 : memref<!tpu.dma_semaphore, #tpu.memory_space<semaphore_mem>>) {add = true}
      %dma_wait3A_273 = arith.constant 0 : i32
      %dma_wait3A_274 = arith.constant 0 : i32
      %dma_wait3A_275 = tpu.memref_slice %arg8[%dma_wait3A_273, %dma_wait3A_274] : memref<256x32xf32, #tpu.memory_space<vmem>> -> memref<128x32xf32, #tpu.memory_space<vmem>>
      %dma_wait3A_276 = arith.constant 0 : i32
      %dma_wait3A_277 = tpu.memref_slice %arg10[%run_scoped3A, %dma_wait3A_276] : memref<80x128xi32, #tpu.memory_space<vmem>> -> memref<1x128xi32, #tpu.memory_space<vmem>>
      %dma_wait3A_278 = tpu.memref_squeeze %dma_wait3A_277 : memref<1x128xi32, #tpu.memory_space<vmem>> -> memref<128xi32, #tpu.memory_space<vmem>>
      %dma_wait3A_279 = arith.constant 0 : i32
      %dma_wait3A_280 = arith.constant 0 : i32
      %dma_wait3A_281 = tpu.memref_slice %arg7[%dma_wait3A_279, %dma_wait3A_280] : memref<10128x32xf32, #tpu.memory_space<vmem_shared>> -> memref<10128x32xf32, #tpu.memory_space<vmem_shared>>
      tpu.wait_indirect_dma semaphore(%run_scoped3A_263 : memref<!tpu.dma_semaphore, #tpu.memory_space<semaphore_mem>>) src(%dma_wait3A_275 : memref<128x32xf32, #tpu.memory_space<vmem>>) dst(%dma_wait3A_281 : memref<10128x32xf32, #tpu.memory_space<vmem_shared>>)
      tpu.yield
    }) : () -> ()
    %run_scoped3A_188 = arith.constant 77 : i32
    "tpu.region"() ({
      %run_scoped3A_263 = tpu.sem_alloc : memref<!tpu.dma_semaphore, #tpu.memory_space<semaphore_mem>>
      %dma_start3A_264 = arith.constant 128 : i32
      %dma_start3A_265 = arith.constant 0 : i32
      %dma_start3A_266 = tpu.memref_slice %arg8[%dma_start3A_264, %dma_start3A_265] : memref<256x32xf32, #tpu.memory_space<vmem>> -> memref<128x32xf32, #tpu.memory_space<vmem>>
      %dma_start3A_267 = arith.constant 0 : i32
      %dma_start3A_268 = tpu.memref_slice %arg10[%run_scoped3A_188, %dma_start3A_267] : memref<80x128xi32, #tpu.memory_space<vmem>> -> memref<1x128xi32, #tpu.memory_space<vmem>>
      %dma_start3A_269 = tpu.memref_squeeze %dma_start3A_268 : memref<1x128xi32, #tpu.memory_space<vmem>> -> memref<128xi32, #tpu.memory_space<vmem>>
      %dma_start3A_270 = arith.constant 0 : i32
      %dma_start3A_271 = arith.constant 0 : i32
      %dma_start3A_272 = tpu.memref_slice %arg7[%dma_start3A_270, %dma_start3A_271] : memref<10128x32xf32, #tpu.memory_space<vmem_shared>> -> memref<10128x32xf32, #tpu.memory_space<vmem_shared>>
      tpu.enqueue_indirect_dma source(%dma_start3A_266 : memref<128x32xf32, #tpu.memory_space<vmem>>) target(%dma_start3A_272 : memref<10128x32xf32, #tpu.memory_space<vmem_shared>>) offsets(%dma_start3A_269 : memref<128xi32, #tpu.memory_space<vmem>>) semaphore(%run_scoped3A_263 : memref<!tpu.dma_semaphore, #tpu.memory_space<semaphore_mem>>) {add = true}
      %dma_wait3A_273 = arith.constant 128 : i32
      %dma_wait3A_274 = arith.constant 0 : i32
      %dma_wait3A_275 = tpu.memref_slice %arg8[%dma_wait3A_273, %dma_wait3A_274] : memref<256x32xf32, #tpu.memory_space<vmem>> -> memref<128x32xf32, #tpu.memory_space<vmem>>
      %dma_wait3A_276 = arith.constant 0 : i32
      %dma_wait3A_277 = tpu.memref_slice %arg10[%run_scoped3A_188, %dma_wait3A_276] : memref<80x128xi32, #tpu.memory_space<vmem>> -> memref<1x128xi32, #tpu.memory_space<vmem>>
      %dma_wait3A_278 = tpu.memref_squeeze %dma_wait3A_277 : memref<1x128xi32, #tpu.memory_space<vmem>> -> memref<128xi32, #tpu.memory_space<vmem>>
      %dma_wait3A_279 = arith.constant 0 : i32
      %dma_wait3A_280 = arith.constant 0 : i32
      %dma_wait3A_281 = tpu.memref_slice %arg7[%dma_wait3A_279, %dma_wait3A_280] : memref<10128x32xf32, #tpu.memory_space<vmem_shared>> -> memref<10128x32xf32, #tpu.memory_space<vmem_shared>>
      tpu.wait_indirect_dma semaphore(%run_scoped3A_263 : memref<!tpu.dma_semaphore, #tpu.memory_space<semaphore_mem>>) src(%dma_wait3A_275 : memref<128x32xf32, #tpu.memory_space<vmem>>) dst(%dma_wait3A_281 : memref<10128x32xf32, #tpu.memory_space<vmem_shared>>)
      tpu.yield
    }) : () -> ()
    %dma_wait3A_189 = arith.constant 0 : i32
    %dma_wait3A_190 = arith.constant 0 : i32
    %dma_wait3A_191 = tpu.memref_slice %arg12[%dma_wait3A_189, %dma_wait3A_190] : memref<256x16xf32, #tpu.memory_space<vmem>> -> memref<128x16xf32, #tpu.memory_space<vmem>>
    %dma_wait3A_192 = arith.constant 0 : i32
    %dma_wait3A_193 = arith.constant 0 : i32
    %dma_wait3A_194 = tpu.memref_slice %arg2[%dma_wait3A_192, %dma_wait3A_193] : memref<10000x16xf32, #tpu.memory_space<hbm>> -> memref<128x16xf32, #tpu.memory_space<hbm>>
    %dma_wait3A_195 = arith.constant 0 : i32
    %dma_wait3A_196 = arith.constant 0 : i32
    %dma_wait3A_197 = tpu.memref_slice %arg12[%dma_wait3A_195, %dma_wait3A_196] : memref<256x16xf32, #tpu.memory_space<vmem>> -> memref<128x16xf32, #tpu.memory_space<vmem>>
    %dma_wait3A_198 = arith.constant 0 : i32
    %dma_wait3A_199 = arith.constant 0 : i32
    %dma_wait3A_200 = tpu.memref_slice %arg2[%dma_wait3A_198, %dma_wait3A_199] : memref<10000x16xf32, #tpu.memory_space<hbm>> -> memref<128x16xf32, #tpu.memory_space<hbm>>
    tpu.wait_dma2 semaphore(%arg17 : memref<!tpu.dma_semaphore, #tpu.memory_space<semaphore_mem>>) src(%dma_wait3A_200 : memref<128x16xf32, #tpu.memory_space<hbm>>) dst(%dma_wait3A_197 : memref<128x16xf32, #tpu.memory_space<vmem>>)
    %dma_wait3A_201 = arith.constant 0 : i32
    %dma_wait3A_202 = arith.constant 0 : i32
    %dma_wait3A_203 = tpu.memref_slice %arg12[%dma_wait3A_201, %dma_wait3A_202] : memref<256x16xf32, #tpu.memory_space<vmem>> -> memref<128x16xf32, #tpu.memory_space<vmem>>
    %dma_wait3A_204 = arith.constant 0 : i32
    %dma_wait3A_205 = arith.constant 0 : i32
    %dma_wait3A_206 = tpu.memref_slice %arg2[%dma_wait3A_204, %dma_wait3A_205] : memref<10000x16xf32, #tpu.memory_space<hbm>> -> memref<128x16xf32, #tpu.memory_space<hbm>>
    %dma_wait3A_207 = arith.constant 0 : i32
    %dma_wait3A_208 = arith.constant 0 : i32
    %dma_wait3A_209 = tpu.memref_slice %arg12[%dma_wait3A_207, %dma_wait3A_208] : memref<256x16xf32, #tpu.memory_space<vmem>> -> memref<128x16xf32, #tpu.memory_space<vmem>>
    %dma_wait3A_210 = arith.constant 0 : i32
    %dma_wait3A_211 = arith.constant 0 : i32
    %dma_wait3A_212 = tpu.memref_slice %arg2[%dma_wait3A_210, %dma_wait3A_211] : memref<10000x16xf32, #tpu.memory_space<hbm>> -> memref<128x16xf32, #tpu.memory_space<hbm>>
    tpu.wait_dma2 semaphore(%arg17 : memref<!tpu.dma_semaphore, #tpu.memory_space<semaphore_mem>>) src(%dma_wait3A_212 : memref<128x16xf32, #tpu.memory_space<hbm>>) dst(%dma_wait3A_209 : memref<128x16xf32, #tpu.memory_space<vmem>>)
    %dma_wait3A_213 = arith.constant 0 : i32
    %dma_wait3A_214 = arith.constant 0 : i32
    %dma_wait3A_215 = tpu.memref_slice %arg12[%dma_wait3A_213, %dma_wait3A_214] : memref<256x16xf32, #tpu.memory_space<vmem>> -> memref<128x16xf32, #tpu.memory_space<vmem>>
    %dma_wait3A_216 = arith.constant 0 : i32
    %dma_wait3A_217 = arith.constant 0 : i32
    %dma_wait3A_218 = tpu.memref_slice %arg2[%dma_wait3A_216, %dma_wait3A_217] : memref<10000x16xf32, #tpu.memory_space<hbm>> -> memref<128x16xf32, #tpu.memory_space<hbm>>
    %dma_wait3A_219 = arith.constant 0 : i32
    %dma_wait3A_220 = arith.constant 0 : i32
    %dma_wait3A_221 = tpu.memref_slice %arg12[%dma_wait3A_219, %dma_wait3A_220] : memref<256x16xf32, #tpu.memory_space<vmem>> -> memref<128x16xf32, #tpu.memory_space<vmem>>
    %dma_wait3A_222 = arith.constant 0 : i32
    %dma_wait3A_223 = arith.constant 0 : i32
    %dma_wait3A_224 = tpu.memref_slice %arg2[%dma_wait3A_222, %dma_wait3A_223] : memref<10000x16xf32, #tpu.memory_space<hbm>> -> memref<128x16xf32, #tpu.memory_space<hbm>>
    tpu.wait_dma2 semaphore(%arg17 : memref<!tpu.dma_semaphore, #tpu.memory_space<semaphore_mem>>) src(%dma_wait3A_224 : memref<128x16xf32, #tpu.memory_space<hbm>>) dst(%dma_wait3A_221 : memref<128x16xf32, #tpu.memory_space<vmem>>)
    %dma_wait3A_225 = arith.constant 0 : i32
    %dma_wait3A_226 = arith.constant 0 : i32
    %dma_wait3A_227 = tpu.memref_slice %arg12[%dma_wait3A_225, %dma_wait3A_226] : memref<256x16xf32, #tpu.memory_space<vmem>> -> memref<128x16xf32, #tpu.memory_space<vmem>>
    %dma_wait3A_228 = arith.constant 0 : i32
    %dma_wait3A_229 = arith.constant 0 : i32
    %dma_wait3A_230 = tpu.memref_slice %arg2[%dma_wait3A_228, %dma_wait3A_229] : memref<10000x16xf32, #tpu.memory_space<hbm>> -> memref<128x16xf32, #tpu.memory_space<hbm>>
    %dma_wait3A_231 = arith.constant 0 : i32
    %dma_wait3A_232 = arith.constant 0 : i32
    %dma_wait3A_233 = tpu.memref_slice %arg12[%dma_wait3A_231, %dma_wait3A_232] : memref<256x16xf32, #tpu.memory_space<vmem>> -> memref<128x16xf32, #tpu.memory_space<vmem>>
    %dma_wait3A_234 = arith.constant 0 : i32
    %dma_wait3A_235 = arith.constant 0 : i32
    %dma_wait3A_236 = tpu.memref_slice %arg2[%dma_wait3A_234, %dma_wait3A_235] : memref<10000x16xf32, #tpu.memory_space<hbm>> -> memref<128x16xf32, #tpu.memory_space<hbm>>
    tpu.wait_dma2 semaphore(%arg17 : memref<!tpu.dma_semaphore, #tpu.memory_space<semaphore_mem>>) src(%dma_wait3A_236 : memref<128x16xf32, #tpu.memory_space<hbm>>) dst(%dma_wait3A_233 : memref<128x16xf32, #tpu.memory_space<vmem>>)
    %parallel_loop3A_237 = arith.constant 0 : i32
    %parallel_loop3A_238 = arith.constant 256 : i32
    %parallel_loop3A_239 = arith.constant 1 : i32
    scf.for %parallel_loop3A_263 = %parallel_loop3A_237 to %parallel_loop3A_238 step %parallel_loop3A_239  : i32 {
      %parallel_loop3A_264 = arith.index_cast %parallel_loop3A_263 : i32 to index
      %parallel_loop3A_265 = arith.constant 0 : index
      %parallel_loop3A_266 = tpu.vector_load %arg12[%parallel_loop3A_264, %parallel_loop3A_265] {strides = array<i32>} : memref<256x16xf32, #tpu.memory_space<vmem>>, vector<16xf32>,
      %parallel_loop3A_267 = arith.index_cast %parallel_loop3A_263 : i32 to index
      %parallel_loop3A_268 = arith.constant 0 : index
      %parallel_loop3A_269 = tpu.vector_load %arg14[%parallel_loop3A_267, %parallel_loop3A_268] {strides = array<i32>} : memref<256x16xf32, #tpu.memory_space<vmem>>, vector<16xf32>,
      %parallel_loop3A_270 = arith.addf %parallel_loop3A_266, %parallel_loop3A_269 : vector<16xf32>
      %parallel_loop3A_271 = arith.constant 2.000000e-01 : f32
      %parallel_loop3A_272 = vector.broadcast %parallel_loop3A_271 : f32 to vector<16xf32>
      %parallel_loop3A_273 = arith.mulf %parallel_loop3A_270, %parallel_loop3A_272 : vector<16xf32>
      %parallel_loop3A_274 = arith.maximumf %parallel_loop3A_270, %parallel_loop3A_273 : vector<16xf32>
      %parallel_loop3A_275 = arith.mulf %get3A_39, %parallel_loop3A_274 : vector<16xf32>
      %parallel_loop3A_276 = tpu.iota {dimensions = array<i32: 0>} : vector<16xi32>
      %parallel_loop3A_277 = arith.constant 8 : i32
      %parallel_loop3A_278 = vector.broadcast %parallel_loop3A_277 : i32 to vector<16xi32>
      %parallel_loop3A_279 = arith.xori %parallel_loop3A_276, %parallel_loop3A_278 : vector<16xi32>
      %parallel_loop3A_280 = vector.shape_cast %parallel_loop3A_279 : vector<16xi32> to vector<16x1xi32>
      %parallel_loop3A_281 = vector.shape_cast %parallel_loop3A_280 : vector<16x1xi32> to vector<16xi32>
      %parallel_loop3A_282 = tpu.dynamic_gather %parallel_loop3A_275[%parallel_loop3A_281] in [0] : vector<16xf32>, vector<16xi32> -> vector<16xf32>
      %parallel_loop3A_283 = arith.addf %parallel_loop3A_275, %parallel_loop3A_282 : vector<16xf32>
      %parallel_loop3A_284 = tpu.iota {dimensions = array<i32: 0>} : vector<16xi32>
      %parallel_loop3A_285 = arith.constant 4 : i32
      %parallel_loop3A_286 = vector.broadcast %parallel_loop3A_285 : i32 to vector<16xi32>
      %parallel_loop3A_287 = arith.xori %parallel_loop3A_284, %parallel_loop3A_286 : vector<16xi32>
      %parallel_loop3A_288 = vector.shape_cast %parallel_loop3A_287 : vector<16xi32> to vector<16x1xi32>
      %parallel_loop3A_289 = vector.shape_cast %parallel_loop3A_288 : vector<16x1xi32> to vector<16xi32>
      %parallel_loop3A_290 = tpu.dynamic_gather %parallel_loop3A_283[%parallel_loop3A_289] in [0] : vector<16xf32>, vector<16xi32> -> vector<16xf32>
      %parallel_loop3A_291 = arith.addf %parallel_loop3A_283, %parallel_loop3A_290 : vector<16xf32>
      %parallel_loop3A_292 = tpu.iota {dimensions = array<i32: 0>} : vector<16xi32>
      %parallel_loop3A_293 = arith.constant 2 : i32
      %parallel_loop3A_294 = vector.broadcast %parallel_loop3A_293 : i32 to vector<16xi32>
      %parallel_loop3A_295 = arith.xori %parallel_loop3A_292, %parallel_loop3A_294 : vector<16xi32>
      %parallel_loop3A_296 = vector.shape_cast %parallel_loop3A_295 : vector<16xi32> to vector<16x1xi32>
      %parallel_loop3A_297 = vector.shape_cast %parallel_loop3A_296 : vector<16x1xi32> to vector<16xi32>
      %parallel_loop3A_298 = tpu.dynamic_gather %parallel_loop3A_291[%parallel_loop3A_297] in [0] : vector<16xf32>, vector<16xi32> -> vector<16xf32>
      %parallel_loop3A_299 = arith.addf %parallel_loop3A_291, %parallel_loop3A_298 : vector<16xf32>
      %parallel_loop3A_300 = tpu.iota {dimensions = array<i32: 0>} : vector<16xi32>
      %parallel_loop3A_301 = arith.constant 1 : i32
      %parallel_loop3A_302 = vector.broadcast %parallel_loop3A_301 : i32 to vector<16xi32>
      %parallel_loop3A_303 = arith.xori %parallel_loop3A_300, %parallel_loop3A_302 : vector<16xi32>
      %parallel_loop3A_304 = vector.shape_cast %parallel_loop3A_303 : vector<16xi32> to vector<16x1xi32>
      %parallel_loop3A_305 = vector.shape_cast %parallel_loop3A_304 : vector<16x1xi32> to vector<16xi32>
      %parallel_loop3A_306 = tpu.dynamic_gather %parallel_loop3A_299[%parallel_loop3A_305] in [0] : vector<16xf32>, vector<16xi32> -> vector<16xf32>
      %parallel_loop3A_307 = arith.addf %parallel_loop3A_299, %parallel_loop3A_306 : vector<16xf32>
      %parallel_loop3A_308 = math.exp %parallel_loop3A_307 : vector<16xf32>
      %parallel_loop3A_309 = arith.mulf %parallel_loop3A_308, %parallel_loop3A_266 : vector<16xf32>
      %parallel_loop3A_310 = arith.index_cast %parallel_loop3A_263 : i32 to index
      %parallel_loop3A_311 = arith.constant 0 : index
      %parallel_loop3A_312 = tpu.vector_load %arg8[%parallel_loop3A_310, %parallel_loop3A_311] {strides = array<i32>} : memref<256x32xf32, #tpu.memory_space<vmem>>, vector<16xf32>,
      tpu.vector_store %arg8[%parallel_loop3A_310, %parallel_loop3A_311], %parallel_loop3A_309 {strides = array<i32>} : memref<256x32xf32, #tpu.memory_space<vmem>>, vector<16xf32>,
      %parallel_loop3A_313 = arith.index_cast %parallel_loop3A_263 : i32 to index
      %parallel_loop3A_314 = arith.constant 16 : index
      %parallel_loop3A_315 = tpu.vector_load %arg8[%parallel_loop3A_313, %parallel_loop3A_314] {strides = array<i32>} : memref<256x32xf32, #tpu.memory_space<vmem>>, vector<16xf32>,
      tpu.vector_store %arg8[%parallel_loop3A_313, %parallel_loop3A_314], %parallel_loop3A_308 {strides = array<i32>} : memref<256x32xf32, #tpu.memory_space<vmem>>, vector<16xf32>,
    } {sc.loop_unroll_factor = 4 : i64, sc.parallel_access}
    %run_scoped3A_240 = arith.constant 78 : i32
    "tpu.region"() ({
      %run_scoped3A_263 = tpu.sem_alloc : memref<!tpu.dma_semaphore, #tpu.memory_space<semaphore_mem>>
      %dma_start3A_264 = arith.constant 0 : i32
      %dma_start3A_265 = arith.constant 0 : i32
      %dma_start3A_266 = tpu.memref_slice %arg8[%dma_start3A_264, %dma_start3A_265] : memref<256x32xf32, #tpu.memory_space<vmem>> -> memref<128x32xf32, #tpu.memory_space<vmem>>
      %dma_start3A_267 = arith.constant 0 : i32
      %dma_start3A_268 = tpu.memref_slice %arg10[%run_scoped3A_240, %dma_start3A_267] : memref<80x128xi32, #tpu.memory_space<vmem>> -> memref<1x128xi32, #tpu.memory_space<vmem>>
      %dma_start3A_269 = tpu.memref_squeeze %dma_start3A_268 : memref<1x128xi32, #tpu.memory_space<vmem>> -> memref<128xi32, #tpu.memory_space<vmem>>
      %dma_start3A_270 = arith.constant 0 : i32
      %dma_start3A_271 = arith.constant 0 : i32
      %dma_start3A_272 = tpu.memref_slice %arg7[%dma_start3A_270, %dma_start3A_271] : memref<10128x32xf32, #tpu.memory_space<vmem_shared>> -> memref<10128x32xf32, #tpu.memory_space<vmem_shared>>
      tpu.enqueue_indirect_dma source(%dma_start3A_266 : memref<128x32xf32, #tpu.memory_space<vmem>>) target(%dma_start3A_272 : memref<10128x32xf32, #tpu.memory_space<vmem_shared>>) offsets(%dma_start3A_269 : memref<128xi32, #tpu.memory_space<vmem>>) semaphore(%run_scoped3A_263 : memref<!tpu.dma_semaphore, #tpu.memory_space<semaphore_mem>>) {add = true}
      %dma_wait3A_273 = arith.constant 0 : i32
      %dma_wait3A_274 = arith.constant 0 : i32
      %dma_wait3A_275 = tpu.memref_slice %arg8[%dma_wait3A_273, %dma_wait3A_274] : memref<256x32xf32, #tpu.memory_space<vmem>> -> memref<128x32xf32, #tpu.memory_space<vmem>>
      %dma_wait3A_276 = arith.constant 0 : i32
      %dma_wait3A_277 = tpu.memref_slice %arg10[%run_scoped3A_240, %dma_wait3A_276] : memref<80x128xi32, #tpu.memory_space<vmem>> -> memref<1x128xi32, #tpu.memory_space<vmem>>
      %dma_wait3A_278 = tpu.memref_squeeze %dma_wait3A_277 : memref<1x128xi32, #tpu.memory_space<vmem>> -> memref<128xi32, #tpu.memory_space<vmem>>
      %dma_wait3A_279 = arith.constant 0 : i32
      %dma_wait3A_280 = arith.constant 0 : i32
      %dma_wait3A_281 = tpu.memref_slice %arg7[%dma_wait3A_279, %dma_wait3A_280] : memref<10128x32xf32, #tpu.memory_space<vmem_shared>> -> memref<10128x32xf32, #tpu.memory_space<vmem_shared>>
      tpu.wait_indirect_dma semaphore(%run_scoped3A_263 : memref<!tpu.dma_semaphore, #tpu.memory_space<semaphore_mem>>) src(%dma_wait3A_275 : memref<128x32xf32, #tpu.memory_space<vmem>>) dst(%dma_wait3A_281 : memref<10128x32xf32, #tpu.memory_space<vmem_shared>>)
      tpu.yield
    }) : () -> ()
    %run_scoped3A_241 = arith.constant 79 : i32
    "tpu.region"() ({
      %run_scoped3A_263 = tpu.sem_alloc : memref<!tpu.dma_semaphore, #tpu.memory_space<semaphore_mem>>
      %dma_start3A_264 = arith.constant 128 : i32
      %dma_start3A_265 = arith.constant 0 : i32
      %dma_start3A_266 = tpu.memref_slice %arg8[%dma_start3A_264, %dma_start3A_265] : memref<256x32xf32, #tpu.memory_space<vmem>> -> memref<128x32xf32, #tpu.memory_space<vmem>>
      %dma_start3A_267 = arith.constant 0 : i32
      %dma_start3A_268 = tpu.memref_slice %arg10[%run_scoped3A_241, %dma_start3A_267] : memref<80x128xi32, #tpu.memory_space<vmem>> -> memref<1x128xi32, #tpu.memory_space<vmem>>
      %dma_start3A_269 = tpu.memref_squeeze %dma_start3A_268 : memref<1x128xi32, #tpu.memory_space<vmem>> -> memref<128xi32, #tpu.memory_space<vmem>>
      %dma_start3A_270 = arith.constant 0 : i32
      %dma_start3A_271 = arith.constant 0 : i32
      %dma_start3A_272 = tpu.memref_slice %arg7[%dma_start3A_270, %dma_start3A_271] : memref<10128x32xf32, #tpu.memory_space<vmem_shared>> -> memref<10128x32xf32, #tpu.memory_space<vmem_shared>>
      tpu.enqueue_indirect_dma source(%dma_start3A_266 : memref<128x32xf32, #tpu.memory_space<vmem>>) target(%dma_start3A_272 : memref<10128x32xf32, #tpu.memory_space<vmem_shared>>) offsets(%dma_start3A_269 : memref<128xi32, #tpu.memory_space<vmem>>) semaphore(%run_scoped3A_263 : memref<!tpu.dma_semaphore, #tpu.memory_space<semaphore_mem>>) {add = true}
      %dma_wait3A_273 = arith.constant 128 : i32
      %dma_wait3A_274 = arith.constant 0 : i32
      %dma_wait3A_275 = tpu.memref_slice %arg8[%dma_wait3A_273, %dma_wait3A_274] : memref<256x32xf32, #tpu.memory_space<vmem>> -> memref<128x32xf32, #tpu.memory_space<vmem>>
      %dma_wait3A_276 = arith.constant 0 : i32
      %dma_wait3A_277 = tpu.memref_slice %arg10[%run_scoped3A_241, %dma_wait3A_276] : memref<80x128xi32, #tpu.memory_space<vmem>> -> memref<1x128xi32, #tpu.memory_space<vmem>>
      %dma_wait3A_278 = tpu.memref_squeeze %dma_wait3A_277 : memref<1x128xi32, #tpu.memory_space<vmem>> -> memref<128xi32, #tpu.memory_space<vmem>>
      %dma_wait3A_279 = arith.constant 0 : i32
      %dma_wait3A_280 = arith.constant 0 : i32
      %dma_wait3A_281 = tpu.memref_slice %arg7[%dma_wait3A_279, %dma_wait3A_280] : memref<10128x32xf32, #tpu.memory_space<vmem_shared>> -> memref<10128x32xf32, #tpu.memory_space<vmem_shared>>
      tpu.wait_indirect_dma semaphore(%run_scoped3A_263 : memref<!tpu.dma_semaphore, #tpu.memory_space<semaphore_mem>>) src(%dma_wait3A_275 : memref<128x32xf32, #tpu.memory_space<vmem>>) dst(%dma_wait3A_281 : memref<10128x32xf32, #tpu.memory_space<vmem_shared>>)
      tpu.yield
    }) : () -> ()
    %barrier3A_242 = arith.constant 0 : index
    tpu.barrier barrier_id(%barrier3A_242)
    %mul3A_243 = arith.constant 625 : i32
    %mul3A_244 = arith.muli %arg1, %mul3A_243 : i32
    %add3A_245 = arith.constant 0 : i32
    %add3A_246 = arith.addi %mul3A_244, %add3A_245 : i32
    "tpu.region"() ({
      %run_scoped3A_263 = tpu.sem_alloc : memref<!tpu.dma_semaphore, #tpu.memory_space<semaphore_mem>>
      %dma_start3A_264 = arith.constant 0 : i32
      %dma_start3A_265 = arith.constant 0 : i32
      %dma_start3A_266 = tpu.memref_slice %arg6[%arg0, %dma_start3A_264, %dma_start3A_265] : memref<2x10000x32xf32, #tpu.memory_space<hbm>> -> memref<1x10000x32xf32, #tpu.memory_space<hbm>>
      %dma_start3A_267 = tpu.memref_squeeze %dma_start3A_266 : memref<1x10000x32xf32, #tpu.memory_space<hbm>> -> memref<10000x32xf32, #tpu.memory_space<hbm>>
      %dma_start3A_268 = arith.constant 0 : i32
      %dma_start3A_269 = tpu.memref_slice %dma_start3A_267[%add3A_246, %dma_start3A_268] : memref<10000x32xf32, #tpu.memory_space<hbm>> -> memref<125x32xf32, #tpu.memory_space<hbm>>
      %dma_start3A_270 = arith.constant 0 : i32
      %dma_start3A_271 = tpu.memref_slice %arg7[%add3A_246, %dma_start3A_270] : memref<10128x32xf32, #tpu.memory_space<vmem_shared>> -> memref<125x32xf32, #tpu.memory_space<vmem_shared>>
      tpu.enqueue_dma source(%dma_start3A_271 : memref<125x32xf32, #tpu.memory_space<vmem_shared>>) target(%dma_start3A_269 : memref<125x32xf32, #tpu.memory_space<hbm>>) target_semaphore(%run_scoped3A_263 : memref<!tpu.dma_semaphore, #tpu.memory_space<semaphore_mem>>)
      %dma_wait3A_272 = arith.constant 0 : i32
      %dma_wait3A_273 = arith.constant 0 : i32
      %dma_wait3A_274 = tpu.memref_slice %arg6[%arg0, %dma_wait3A_272, %dma_wait3A_273] : memref<2x10000x32xf32, #tpu.memory_space<hbm>> -> memref<1x10000x32xf32, #tpu.memory_space<hbm>>
      %dma_wait3A_275 = tpu.memref_squeeze %dma_wait3A_274 : memref<1x10000x32xf32, #tpu.memory_space<hbm>> -> memref<10000x32xf32, #tpu.memory_space<hbm>>
      %dma_wait3A_276 = arith.constant 0 : i32
      %dma_wait3A_277 = tpu.memref_slice %dma_wait3A_275[%add3A_246, %dma_wait3A_276] : memref<10000x32xf32, #tpu.memory_space<hbm>> -> memref<125x32xf32, #tpu.memory_space<hbm>>
      %dma_wait3A_278 = arith.constant 0 : i32
      %dma_wait3A_279 = tpu.memref_slice %arg7[%add3A_246, %dma_wait3A_278] : memref<10128x32xf32, #tpu.memory_space<vmem_shared>> -> memref<125x32xf32, #tpu.memory_space<vmem_shared>>
      tpu.wait_dma2 semaphore(%run_scoped3A_263 : memref<!tpu.dma_semaphore, #tpu.memory_space<semaphore_mem>>) src(%dma_wait3A_279 : memref<125x32xf32, #tpu.memory_space<vmem_shared>>) dst(%dma_wait3A_277 : memref<125x32xf32, #tpu.memory_space<hbm>>)
      tpu.yield
    }) : () -> ()
    %mul3A_247 = arith.constant 625 : i32
    %mul3A_248 = arith.muli %arg1, %mul3A_247 : i32
    %add3A_249 = arith.constant 125 : i32
    %add3A_250 = arith.addi %mul3A_248, %add3A_249 : i32
    "tpu.region"() ({
      %run_scoped3A_263 = tpu.sem_alloc : memref<!tpu.dma_semaphore, #tpu.memory_space<semaphore_mem>>
      %dma_start3A_264 = arith.constant 0 : i32
      %dma_start3A_265 = arith.constant 0 : i32
      %dma_start3A_266 = tpu.memref_slice %arg6[%arg0, %dma_start3A_264, %dma_start3A_265] : memref<2x10000x32xf32, #tpu.memory_space<hbm>> -> memref<1x10000x32xf32, #tpu.memory_space<hbm>>
      %dma_start3A_267 = tpu.memref_squeeze %dma_start3A_266 : memref<1x10000x32xf32, #tpu.memory_space<hbm>> -> memref<10000x32xf32, #tpu.memory_space<hbm>>
      %dma_start3A_268 = arith.constant 0 : i32
      %dma_start3A_269 = tpu.memref_slice %dma_start3A_267[%add3A_250, %dma_start3A_268] : memref<10000x32xf32, #tpu.memory_space<hbm>> -> memref<125x32xf32, #tpu.memory_space<hbm>>
      %dma_start3A_270 = arith.constant 0 : i32
      %dma_start3A_271 = tpu.memref_slice %arg7[%add3A_250, %dma_start3A_270] : memref<10128x32xf32, #tpu.memory_space<vmem_shared>> -> memref<125x32xf32, #tpu.memory_space<vmem_shared>>
      tpu.enqueue_dma source(%dma_start3A_271 : memref<125x32xf32, #tpu.memory_space<vmem_shared>>) target(%dma_start3A_269 : memref<125x32xf32, #tpu.memory_space<hbm>>) target_semaphore(%run_scoped3A_263 : memref<!tpu.dma_semaphore, #tpu.memory_space<semaphore_mem>>)
      %dma_wait3A_272 = arith.constant 0 : i32
      %dma_wait3A_273 = arith.constant 0 : i32
      %dma_wait3A_274 = tpu.memref_slice %arg6[%arg0, %dma_wait3A_272, %dma_wait3A_273] : memref<2x10000x32xf32, #tpu.memory_space<hbm>> -> memref<1x10000x32xf32, #tpu.memory_space<hbm>>
      %dma_wait3A_275 = tpu.memref_squeeze %dma_wait3A_274 : memref<1x10000x32xf32, #tpu.memory_space<hbm>> -> memref<10000x32xf32, #tpu.memory_space<hbm>>
      %dma_wait3A_276 = arith.constant 0 : i32
      %dma_wait3A_277 = tpu.memref_slice %dma_wait3A_275[%add3A_250, %dma_wait3A_276] : memref<10000x32xf32, #tpu.memory_space<hbm>> -> memref<125x32xf32, #tpu.memory_space<hbm>>
      %dma_wait3A_278 = arith.constant 0 : i32
      %dma_wait3A_279 = tpu.memref_slice %arg7[%add3A_250, %dma_wait3A_278] : memref<10128x32xf32, #tpu.memory_space<vmem_shared>> -> memref<125x32xf32, #tpu.memory_space<vmem_shared>>
      tpu.wait_dma2 semaphore(%run_scoped3A_263 : memref<!tpu.dma_semaphore, #tpu.memory_space<semaphore_mem>>) src(%dma_wait3A_279 : memref<125x32xf32, #tpu.memory_space<vmem_shared>>) dst(%dma_wait3A_277 : memref<125x32xf32, #tpu.memory_space<hbm>>)
      tpu.yield
    }) : () -> ()
    %mul3A_251 = arith.constant 625 : i32
    %mul3A_252 = arith.muli %arg1, %mul3A_251 : i32
    %add3A_253 = arith.constant 250 : i32
    %add3A_254 = arith.addi %mul3A_252, %add3A_253 : i32
    "tpu.region"() ({
      %run_scoped3A_263 = tpu.sem_alloc : memref<!tpu.dma_semaphore, #tpu.memory_space<semaphore_mem>>
      %dma_start3A_264 = arith.constant 0 : i32
      %dma_start3A_265 = arith.constant 0 : i32
      %dma_start3A_266 = tpu.memref_slice %arg6[%arg0, %dma_start3A_264, %dma_start3A_265] : memref<2x10000x32xf32, #tpu.memory_space<hbm>> -> memref<1x10000x32xf32, #tpu.memory_space<hbm>>
      %dma_start3A_267 = tpu.memref_squeeze %dma_start3A_266 : memref<1x10000x32xf32, #tpu.memory_space<hbm>> -> memref<10000x32xf32, #tpu.memory_space<hbm>>
      %dma_start3A_268 = arith.constant 0 : i32
      %dma_start3A_269 = tpu.memref_slice %dma_start3A_267[%add3A_254, %dma_start3A_268] : memref<10000x32xf32, #tpu.memory_space<hbm>> -> memref<125x32xf32, #tpu.memory_space<hbm>>
      %dma_start3A_270 = arith.constant 0 : i32
      %dma_start3A_271 = tpu.memref_slice %arg7[%add3A_254, %dma_start3A_270] : memref<10128x32xf32, #tpu.memory_space<vmem_shared>> -> memref<125x32xf32, #tpu.memory_space<vmem_shared>>
      tpu.enqueue_dma source(%dma_start3A_271 : memref<125x32xf32, #tpu.memory_space<vmem_shared>>) target(%dma_start3A_269 : memref<125x32xf32, #tpu.memory_space<hbm>>) target_semaphore(%run_scoped3A_263 : memref<!tpu.dma_semaphore, #tpu.memory_space<semaphore_mem>>)
      %dma_wait3A_272 = arith.constant 0 : i32
      %dma_wait3A_273 = arith.constant 0 : i32
      %dma_wait3A_274 = tpu.memref_slice %arg6[%arg0, %dma_wait3A_272, %dma_wait3A_273] : memref<2x10000x32xf32, #tpu.memory_space<hbm>> -> memref<1x10000x32xf32, #tpu.memory_space<hbm>>
      %dma_wait3A_275 = tpu.memref_squeeze %dma_wait3A_274 : memref<1x10000x32xf32, #tpu.memory_space<hbm>> -> memref<10000x32xf32, #tpu.memory_space<hbm>>
      %dma_wait3A_276 = arith.constant 0 : i32
      %dma_wait3A_277 = tpu.memref_slice %dma_wait3A_275[%add3A_254, %dma_wait3A_276] : memref<10000x32xf32, #tpu.memory_space<hbm>> -> memref<125x32xf32, #tpu.memory_space<hbm>>
      %dma_wait3A_278 = arith.constant 0 : i32
      %dma_wait3A_279 = tpu.memref_slice %arg7[%add3A_254, %dma_wait3A_278] : memref<10128x32xf32, #tpu.memory_space<vmem_shared>> -> memref<125x32xf32, #tpu.memory_space<vmem_shared>>
      tpu.wait_dma2 semaphore(%run_scoped3A_263 : memref<!tpu.dma_semaphore, #tpu.memory_space<semaphore_mem>>) src(%dma_wait3A_279 : memref<125x32xf32, #tpu.memory_space<vmem_shared>>) dst(%dma_wait3A_277 : memref<125x32xf32, #tpu.memory_space<hbm>>)
      tpu.yield
    }) : () -> ()
    %mul3A_255 = arith.constant 625 : i32
    %mul3A_256 = arith.muli %arg1, %mul3A_255 : i32
    %add3A_257 = arith.constant 375 : i32
    %add3A_258 = arith.addi %mul3A_256, %add3A_257 : i32
    "tpu.region"() ({
      %run_scoped3A_263 = tpu.sem_alloc : memref<!tpu.dma_semaphore, #tpu.memory_space<semaphore_mem>>
      %dma_start3A_264 = arith.constant 0 : i32
      %dma_start3A_265 = arith.constant 0 : i32
      %dma_start3A_266 = tpu.memref_slice %arg6[%arg0, %dma_start3A_264, %dma_start3A_265] : memref<2x10000x32xf32, #tpu.memory_space<hbm>> -> memref<1x10000x32xf32, #tpu.memory_space<hbm>>
      %dma_start3A_267 = tpu.memref_squeeze %dma_start3A_266 : memref<1x10000x32xf32, #tpu.memory_space<hbm>> -> memref<10000x32xf32, #tpu.memory_space<hbm>>
      %dma_start3A_268 = arith.constant 0 : i32
      %dma_start3A_269 = tpu.memref_slice %dma_start3A_267[%add3A_258, %dma_start3A_268] : memref<10000x32xf32, #tpu.memory_space<hbm>> -> memref<125x32xf32, #tpu.memory_space<hbm>>
      %dma_start3A_270 = arith.constant 0 : i32
      %dma_start3A_271 = tpu.memref_slice %arg7[%add3A_258, %dma_start3A_270] : memref<10128x32xf32, #tpu.memory_space<vmem_shared>> -> memref<125x32xf32, #tpu.memory_space<vmem_shared>>
      tpu.enqueue_dma source(%dma_start3A_271 : memref<125x32xf32, #tpu.memory_space<vmem_shared>>) target(%dma_start3A_269 : memref<125x32xf32, #tpu.memory_space<hbm>>) target_semaphore(%run_scoped3A_263 : memref<!tpu.dma_semaphore, #tpu.memory_space<semaphore_mem>>)
      %dma_wait3A_272 = arith.constant 0 : i32
      %dma_wait3A_273 = arith.constant 0 : i32
      %dma_wait3A_274 = tpu.memref_slice %arg6[%arg0, %dma_wait3A_272, %dma_wait3A_273] : memref<2x10000x32xf32, #tpu.memory_space<hbm>> -> memref<1x10000x32xf32, #tpu.memory_space<hbm>>
      %dma_wait3A_275 = tpu.memref_squeeze %dma_wait3A_274 : memref<1x10000x32xf32, #tpu.memory_space<hbm>> -> memref<10000x32xf32, #tpu.memory_space<hbm>>
      %dma_wait3A_276 = arith.constant 0 : i32
      %dma_wait3A_277 = tpu.memref_slice %dma_wait3A_275[%add3A_258, %dma_wait3A_276] : memref<10000x32xf32, #tpu.memory_space<hbm>> -> memref<125x32xf32, #tpu.memory_space<hbm>>
      %dma_wait3A_278 = arith.constant 0 : i32
      %dma_wait3A_279 = tpu.memref_slice %arg7[%add3A_258, %dma_wait3A_278] : memref<10128x32xf32, #tpu.memory_space<vmem_shared>> -> memref<125x32xf32, #tpu.memory_space<vmem_shared>>
      tpu.wait_dma2 semaphore(%run_scoped3A_263 : memref<!tpu.dma_semaphore, #tpu.memory_space<semaphore_mem>>) src(%dma_wait3A_279 : memref<125x32xf32, #tpu.memory_space<vmem_shared>>) dst(%dma_wait3A_277 : memref<125x32xf32, #tpu.memory_space<hbm>>)
      tpu.yield
    }) : () -> ()
    %mul3A_259 = arith.constant 625 : i32
    %mul3A_260 = arith.muli %arg1, %mul3A_259 : i32
    %add3A_261 = arith.constant 500 : i32
    %add3A_262 = arith.addi %mul3A_260, %add3A_261 : i32
    "tpu.region"() ({
      %run_scoped3A_263 = tpu.sem_alloc : memref<!tpu.dma_semaphore, #tpu.memory_space<semaphore_mem>>
      %dma_start3A_264 = arith.constant 0 : i32
      %dma_start3A_265 = arith.constant 0 : i32
      %dma_start3A_266 = tpu.memref_slice %arg6[%arg0, %dma_start3A_264, %dma_start3A_265] : memref<2x10000x32xf32, #tpu.memory_space<hbm>> -> memref<1x10000x32xf32, #tpu.memory_space<hbm>>
      %dma_start3A_267 = tpu.memref_squeeze %dma_start3A_266 : memref<1x10000x32xf32, #tpu.memory_space<hbm>> -> memref<10000x32xf32, #tpu.memory_space<hbm>>
      %dma_start3A_268 = arith.constant 0 : i32
      %dma_start3A_269 = tpu.memref_slice %dma_start3A_267[%add3A_262, %dma_start3A_268] : memref<10000x32xf32, #tpu.memory_space<hbm>> -> memref<125x32xf32, #tpu.memory_space<hbm>>
      %dma_start3A_270 = arith.constant 0 : i32
      %dma_start3A_271 = tpu.memref_slice %arg7[%add3A_262, %dma_start3A_270] : memref<10128x32xf32, #tpu.memory_space<vmem_shared>> -> memref<125x32xf32, #tpu.memory_space<vmem_shared>>
      tpu.enqueue_dma source(%dma_start3A_271 : memref<125x32xf32, #tpu.memory_space<vmem_shared>>) target(%dma_start3A_269 : memref<125x32xf32, #tpu.memory_space<hbm>>) target_semaphore(%run_scoped3A_263 : memref<!tpu.dma_semaphore, #tpu.memory_space<semaphore_mem>>)
      %dma_wait3A_272 = arith.constant 0 : i32
      %dma_wait3A_273 = arith.constant 0 : i32
      %dma_wait3A_274 = tpu.memref_slice %arg6[%arg0, %dma_wait3A_272, %dma_wait3A_273] : memref<2x10000x32xf32, #tpu.memory_space<hbm>> -> memref<1x10000x32xf32, #tpu.memory_space<hbm>>
      %dma_wait3A_275 = tpu.memref_squeeze %dma_wait3A_274 : memref<1x10000x32xf32, #tpu.memory_space<hbm>> -> memref<10000x32xf32, #tpu.memory_space<hbm>>
      %dma_wait3A_276 = arith.constant 0 : i32
      %dma_wait3A_277 = tpu.memref_slice %dma_wait3A_275[%add3A_262, %dma_wait3A_276] : memref<10000x32xf32, #tpu.memory_space<hbm>> -> memref<125x32xf32, #tpu.memory_space<hbm>>
      %dma_wait3A_278 = arith.constant 0 : i32
      %dma_wait3A_279 = tpu.memref_slice %arg7[%add3A_262, %dma_wait3A_278] : memref<10128x32xf32, #tpu.memory_space<vmem_shared>> -> memref<125x32xf32, #tpu.memory_space<vmem_shared>>
      tpu.wait_dma2 semaphore(%run_scoped3A_263 : memref<!tpu.dma_semaphore, #tpu.memory_space<semaphore_mem>>) src(%dma_wait3A_279 : memref<125x32xf32, #tpu.memory_space<vmem_shared>>) dst(%dma_wait3A_277 : memref<125x32xf32, #tpu.memory_space<hbm>>)
      tpu.yield
    }) : () -> ()
    return
  }
}

module attributes {stable_mosaic.version = 14 : i64} {
  func.func @_mm_body(%arg0: i32, %arg1: memref<1000x128xf32, #tpu.memory_space<vmem>>, %arg2: memref<128x64xf32, #tpu.memory_space<vmem>>, %arg3: memref<1000x64xf32, #tpu.memory_space<vmem>>) attributes {dimension_semantics = [#tpu.dimension_semantics<arbitrary>], iteration_bounds = array<i64: 10>, scalar_prefetch = 0 : i64, scratch_operands = 0 : i64, tpu.core_type = #tpu.core_type<tc>, window_params = [{transform_indices = @transform_0, window_bounds = array<i64: 1000, 128>}, {pipeline_mode = #tpu.pipeline_mode<synchronous>, transform_indices = @transform_1, window_bounds = array<i64: 128, 64>}, {transform_indices = @transform_2, window_bounds = array<i64: 1000, 64>}]} {
    %get3A = arith.constant 0 : index
    %get3A_0 = arith.constant 0 : index
    %get3A_1 = vector.load %arg1[%get3A, %get3A_0] : memref<1000x128xf32, #tpu.memory_space<vmem>>, vector<1000x128xf32>
    %get3A_2 = arith.constant 0 : index
    %get3A_3 = arith.constant 0 : index
    %get3A_4 = vector.load %arg2[%get3A_2, %get3A_3] : memref<128x64xf32, #tpu.memory_space<vmem>>, vector<128x64xf32>
    %dot_general3A = arith.constant dense<0.000000e+00> : vector<1000x64xf32>
    %dot_general3A_5 = tpu.matmul %get3A_1, %get3A_4, %dot_general3A {dimension_numbers = #tpu.dot_dimension_numbers<[1], [0], [0], [1], [0, 0, 1, 1], [], []>, transpose_lhs_hint = false} : vector<1000x128xf32>, vector<128x64xf32>, vector<1000x64xf32> -> vector<1000x64xf32>
    %swap3A = arith.constant 0 : index
    %swap3A_6 = arith.constant 0 : index
    %swap3A_7 = vector.load %arg3[%swap3A, %swap3A_6] : memref<1000x64xf32, #tpu.memory_space<vmem>>, vector<1000x64xf32>
    tpu.vector_store %arg3[%swap3A, %swap3A_6], %dot_general3A_5 {strides = array<i32>} : memref<1000x64xf32, #tpu.memory_space<vmem>>, vector<1000x64xf32>,
    return
  }
  func.func @transform_0(%arg0: i32) -> (i32, i32) {
    %c0_i32 = arith.constant 0 : i32
    %c0_i32_0 = arith.constant 0 : i32
    return %arg0, %c0_i32 : i32, i32
  }
  func.func @transform_1(%arg0: i32) -> (i32, i32) {
    %c0_i32 = arith.constant 0 : i32
    %c0_i32_0 = arith.constant 0 : i32
    %c0_i32_1 = arith.constant 0 : i32
    return %c0_i32, %c0_i32_0 : i32, i32
  }
  func.func @transform_2(%arg0: i32) -> (i32, i32) {
    %c0_i32 = arith.constant 0 : i32
    %c0_i32_0 = arith.constant 0 : i32
    return %arg0, %c0_i32 : i32, i32
  }
}

module attributes {stable_mosaic.version = 14 : i64} {
  func.func @_mid_body(%arg0: i32, %arg1: memref<2x1000x80xf32, #tpu.memory_space<vmem>>, %arg2: memref<80x64xf32, #tpu.memory_space<vmem>>, %arg3: memref<80x64xf32, #tpu.memory_space<vmem>>, %arg4: memref<64x16xf32, #tpu.memory_space<vmem>>, %arg5: memref<1000x16xf32, #tpu.memory_space<vmem>>) attributes {dimension_semantics = [#tpu.dimension_semantics<arbitrary>], iteration_bounds = array<i64: 10>, scalar_prefetch = 0 : i64, scratch_operands = 0 : i64, tpu.core_type = #tpu.core_type<tc>, window_params = [{transform_indices = @transform_0, window_bounds = array<i64: 2, 1000, 80>}, {pipeline_mode = #tpu.pipeline_mode<synchronous>, transform_indices = @transform_1, window_bounds = array<i64: 80, 64>}, {pipeline_mode = #tpu.pipeline_mode<synchronous>, transform_indices = @transform_2, window_bounds = array<i64: 80, 64>}, {pipeline_mode = #tpu.pipeline_mode<synchronous>, transform_indices = @transform_3, window_bounds = array<i64: 64, 16>}, {transform_indices = @transform_4, window_bounds = array<i64: 1000, 16>}]} {
    %get3A = arith.constant 0 : index
    %get3A_0 = arith.constant 0 : index
    %get3A_1 = arith.constant 0 : index
    %get3A_2 = vector.load %arg1[%get3A, %get3A_0, %get3A_1] : memref<2x1000x80xf32, #tpu.memory_space<vmem>>, vector<1x1000x80xf32>
    %get3A_3 = vector.shape_cast %get3A_2 : vector<1x1000x80xf32> to vector<1000x80xf32>
    %get3A_4 = arith.constant 1 : index
    %get3A_5 = arith.constant 0 : index
    %get3A_6 = arith.constant 0 : index
    %get3A_7 = vector.load %arg1[%get3A_4, %get3A_5, %get3A_6] : memref<2x1000x80xf32, #tpu.memory_space<vmem>>, vector<1x1000x80xf32>
    %get3A_8 = vector.shape_cast %get3A_7 : vector<1x1000x80xf32> to vector<1000x80xf32>
    %add3A = arith.addf %get3A_3, %get3A_8 : vector<1000x80xf32>
    %get3A_9 = arith.constant 0 : index
    %get3A_10 = arith.constant 0 : index
    %get3A_11 = vector.load %arg2[%get3A_9, %get3A_10] : memref<80x64xf32, #tpu.memory_space<vmem>>, vector<80x64xf32>
    %dot_general3A = arith.constant dense<0.000000e+00> : vector<1000x64xf32>
    %dot_general3A_12 = tpu.matmul %add3A, %get3A_11, %dot_general3A {dimension_numbers = #tpu.dot_dimension_numbers<[1], [0], [0], [1], [0, 0, 1, 1], [], []>, transpose_lhs_hint = false} : vector<1000x80xf32>, vector<80x64xf32>, vector<1000x64xf32> -> vector<1000x64xf32>
    %get3A_13 = arith.constant 0 : index
    %get3A_14 = arith.constant 0 : index
    %get3A_15 = vector.load %arg3[%get3A_13, %get3A_14] : memref<80x64xf32, #tpu.memory_space<vmem>>, vector<80x64xf32>
    %dot_general3A_16 = arith.constant dense<0.000000e+00> : vector<1000x64xf32>
    %dot_general3A_17 = tpu.matmul %add3A, %get3A_15, %dot_general3A_16 {dimension_numbers = #tpu.dot_dimension_numbers<[1], [0], [0], [1], [0, 0, 1, 1], [], []>, transpose_lhs_hint = false} : vector<1000x80xf32>, vector<80x64xf32>, vector<1000x64xf32> -> vector<1000x64xf32>
    %add3A_18 = arith.constant 9.99999971E-10 : f32
    %add3A_19 = vector.broadcast %add3A_18 : f32 to vector<1000x64xf32>
    %add3A_20 = arith.addf %dot_general3A_17, %add3A_19 : vector<1000x64xf32>
    %div3A = arith.divf %dot_general3A_12, %add3A_20 : vector<1000x64xf32>
    %gt3A = arith.constant 0.000000e+00 : f32
    %gt3A_21 = vector.broadcast %gt3A : f32 to vector<1000x64xf32>
    %gt3A_22 = arith.cmpf ogt, %div3A, %gt3A_21 : vector<1000x64xf32>
    %exp3A = math.exp %div3A : vector<1000x64xf32>
    %sub3A = arith.constant 1.000000e+00 : f32
    %sub3A_23 = vector.broadcast %sub3A : f32 to vector<1000x64xf32>
    %sub3A_24 = arith.subf %exp3A, %sub3A_23 : vector<1000x64xf32>
    %select_n3A = arith.select %gt3A_22, %div3A, %sub3A_24 : vector<1000x64xi1>, vector<1000x64xf32>
    %get3A_25 = arith.constant 0 : index
    %get3A_26 = arith.constant 0 : index
    %get3A_27 = vector.load %arg4[%get3A_25, %get3A_26] : memref<64x16xf32, #tpu.memory_space<vmem>>, vector<64x16xf32>
    %dot_general3A_28 = arith.constant dense<0.000000e+00> : vector<1000x16xf32>
    %dot_general3A_29 = tpu.matmul %select_n3A, %get3A_27, %dot_general3A_28 {dimension_numbers = #tpu.dot_dimension_numbers<[1], [0], [0], [1], [0, 0, 1, 1], [], []>, transpose_lhs_hint = false} : vector<1000x64xf32>, vector<64x16xf32>, vector<1000x16xf32> -> vector<1000x16xf32>
    %swap3A = arith.constant 0 : index
    %swap3A_30 = arith.constant 0 : index
    %swap3A_31 = vector.load %arg5[%swap3A, %swap3A_30] : memref<1000x16xf32, #tpu.memory_space<vmem>>, vector<1000x16xf32>
    tpu.vector_store %arg5[%swap3A, %swap3A_30], %dot_general3A_29 {strides = array<i32>} : memref<1000x16xf32, #tpu.memory_space<vmem>>, vector<1000x16xf32>,
    return
  }
  func.func @transform_0(%arg0: i32) -> (i32, i32, i32) {
    %c0_i32 = arith.constant 0 : i32
    %c0_i32_0 = arith.constant 0 : i32
    %c0_i32_1 = arith.constant 0 : i32
    return %c0_i32, %arg0, %c0_i32_0 : i32, i32, i32
  }
  func.func @transform_1(%arg0: i32) -> (i32, i32) {
    %c0_i32 = arith.constant 0 : i32
    %c0_i32_0 = arith.constant 0 : i32
    %c0_i32_1 = arith.constant 0 : i32
    return %c0_i32, %c0_i32_0 : i32, i32
  }
  func.func @transform_2(%arg0: i32) -> (i32, i32) {
    %c0_i32 = arith.constant 0 : i32
    %c0_i32_0 = arith.constant 0 : i32
    %c0_i32_1 = arith.constant 0 : i32
    return %c0_i32, %c0_i32_0 : i32, i32
  }
  func.func @transform_3(%arg0: i32) -> (i32, i32) {
    %c0_i32 = arith.constant 0 : i32
    %c0_i32_0 = arith.constant 0 : i32
    %c0_i32_1 = arith.constant 0 : i32
    return %c0_i32, %c0_i32_0 : i32, i32
  }
  func.func @transform_4(%arg0: i32) -> (i32, i32) {
    %c0_i32 = arith.constant 0 : i32
    %c0_i32_0 = arith.constant 0 : i32
    return %arg0, %c0_i32 : i32, i32
  }
}

</mosaic_0001>

<sc_bundles>
// kernel: kernel.10.cloned.1.call-start
scs
__scs_entry_jumppad:
0x0: {  	(pc) =	sbr.rel $0x88, $3  }
0x1: {  	(tag) =	ssettag $0x0;
	lr =	simm.s32 $0x1  }
0x2: {  	[smem:$0x3F9A] =	sst lr;
	_ =	strace $0xD0000000  }
0x3: {  	_ = 	snop  }
0x4: {  	_ = 	snop  }
0x5: {  	_ = 	snop  }
0x6: {  	_ = 	snop  }
0x7: {  	_ = 	snop  }
__scs_overlays_trampoline_lowered:
0x8: {  	[smem:$0x3FA9] =	sst s0  }
0x9: {  	[smem:$0x3FAA] =	sst s1  }
0xa: {  	[smem:$0x3FAB] =	sst s2  }
0xb: {  	[smem:$0x3FAC] =	sst s3  }
0xc: {  	[smem:$0x3FAD] =	sst s4  }
0xd: {  	[smem:$0x3FAE] =	sst s5  }
0xe: {  	[smem:$0x3FAF] =	sst s6  }
0xf: {  	[smem:$0x3FB0] =	sst s7  }
0x10: {  	[smem:$0x3FB1] =	sst s8  }
0x11: {  	[smem:$0x3FB2] =	sst s9;
	s0 =	simm.s32 @!p0 $0x0  }
0x12: {  	s1 =	sld [smem:$0x3F98];
	s0 =	simm.s32 @p0 $0x1  }
0x13: {  	[smem:$0x3FB3] =	sst s0;
	s0 =	simm.s32 @!p1 $0x0  }
0x14: {  	s2 =	sld [smem:$0x3F97];
	s0 =	simm.s32 @p1 $0x1  }
0x15: {  	[smem:$0x3FB4] =	sst s0;
	s0 =	simm.s32 @!p2 $0x0  }
0x16: {  	s3 =	sld [smem:$0x3FDB];
	s0 =	simm.s32 @p2 $0x1  }
0x17: {  	s4 =	simm.s32 $0x1BF5;
	[smem:$0x3FB6] =	sst s0  }
0x18: {  	s0 =	sld [smem:$0x3F99];
	_ =	swait.ge [sflag:s4], $0x0  }
0x19: {  	s7 =	sld [smem:$0x3F9A]  }
0x1a: {  	s8 =	sadd.s32 $0xFFFFE003, lr  }
0x1b: {  	s9 =	sadd.s32 $0xFFFFFEF7, lr;
	s5 =	simm.s32 $0xFFFFFFFF;
	p2 =	slt.u32 s8, $0xFFFFF086  }
0x1c: {  	p1 =	slt.u32 s9, $0xF7A;
	s5 =	simm.s32 @!p2 $0x0  }
0x1d: {  	s5 =	simm.s32 @p1 $0x1;
	p0 =	seq.s32 s7, s2  }
0x1e: {  	s7 =	smul.u32 @!p0 $0xF7A, s2;
	p2 =	seq.s32 @!p0 s5, $0x0  }
0x1f: {  	s9 =	smul.u32 $0xF7A, s1;
	s8 =	simm.s32 @!p0 $0x1BF5;
	p2 =	por !p2, p0  }
0x20: {  	[sflag:s8] =	ssyncset.s32 @!p0 $0xFFFFF086;
	s6 =	sadd.s32 @!p0 s3, s7;
	s7 =	simm.s32 @!p0 $0x108  }
0x21: {  	s3 =	sadd.s32 s3, s9;
	s6 =	sadd.s32 @!p0 $0x88, s6;
	s7 =	simm.s32 @p2 $0x1082  }
0x22: {  	[simem:s7], [sflag:s8] =	dma.local @!p0 [hbm:s6], $0xF7A  }
0x23: {  	s9 =	sor.u32 $0xD0000000, s2;
	s6 =	simm.s32 $0x108;
	_ =	swait.ge @!p0 [sflag:s8], $0x0  }
0x24: {  	s3 =	sadd.s32 $0x88, s3;
	s6 =	simm.s32 @!p1 $0x1082;
	[sflag:s4] =	ssyncset.s32 $0xFFFFF086  }
0x25: {  	[simem:s6], [sflag:s4] =	dma.local [hbm:s3], $0xF7A  }
0x26: {  	[smem:$0x3F9A] =	sst s1;
	(tag) =	ssettag s2;
	_ =	strace s9  }
0x27: {  	s1 =	sld [smem:$0x3FAA]  }
0x28: {  	s2 =	sld [smem:$0x3FAB]  }
0x29: {  	s4 =	sld [smem:$0x3FAD]  }
0x2a: {  	p0 =	seq.s32 s5, $0x0;
	s5 =	sld [smem:$0x3FAE]  }
0x2b: {  	s6 =	sld [smem:$0x3FAF]  }
0x2c: {  	s7 =	sld [smem:$0x3FB0]  }
0x2d: {  	s3 =	simm.s32 $0x108;
	s8 =	sld [smem:$0x3FB1]  }
0x2e: {  	s3 =	simm.s32 @!p0 $0x1082;
	s9 =	sld [smem:$0x3FB2]  }
0x2f: {  	lr =	sadd.s32 s0, s3;
	s0 =	sld [smem:$0x3FA9]  }
0x30: {  	s3 =	sld [smem:$0x3FAC]  }
0x31: {  	[smem:$0x3FB5] =	sst s10  }
0x32: {  	s10 =	sld [smem:$0x3FB3];
	_ =	sdelay $0x3  }
0x33: {  	p0 =	seq.s32 s10, $0x1;
	s10 =	sld [smem:$0x3FB5];
	_ =	sdelay $0x3  }
0x34: {  	[smem:$0x3FB5] =	sst s10  }
0x35: {  	s10 =	sld [smem:$0x3FB4];
	_ =	sdelay $0x3  }
0x36: {  	p1 =	seq.s32 s10, $0x1;
	s10 =	sld [smem:$0x3FB5];
	_ =	sdelay $0x3  }
0x37: {  	[smem:$0x3FB5] =	sst s10  }
0x38: {  	s10 =	sld [smem:$0x3FB6]  }
0x39: {  	_ = 	snop;
	(pc) =	sbr.ind lr, $3  }
0x3a: {  	_ = 	snop  }
0x3b: {  	_ = 	snop  }
0x3c: {  	p2 =	seq.s32 s10, $0x1;
	s10 =	sld [smem:$0x3FB5]  }
0x3d: {  	_ =	shalt  }
0x3e: {  	_ =	shalt  }
0x3f: {  	_ =	shalt  }
0x40: {  	_ =	shalt  }
0x41: {  	_ =	shalt  }
0x42: {  	_ =	shalt  }
0x43: {  	_ =	shalt  }
0x44: {  	_ =	shalt  }
0x45: {  	_ =	shalt  }
0x46: {  	_ =	shalt  }
0x47: {  	_ =	shalt  }
0x48: {  	_ =	shalt  }
0x49: {  	_ =	shalt  }
0x4a: {  	_ =	shalt  }
0x4b: {  	_ =	shalt  }
0x4c: {  	_ =	shalt  }
0x4d: {  	_ =	shalt  }
0x4e: {  	_ =	shalt  }
0x4f: {  	_ =	shalt  }
0x50: {  	_ =	shalt  }
0x51: {  	_ =	shalt  }
0x52: {  	_ =	shalt  }
0x53: {  	_ =	shalt  }
0x54: {  	_ =	shalt  }
0x55: {  	_ =	shalt  }
0x56: {  	_ =	shalt  }
0x57: {  	_ =	shalt  }
0x58: {  	_ =	shalt  }
0x59: {  	_ =	shalt  }
0x5a: {  	_ =	shalt  }
0x5b: {  	_ =	shalt  }
0x5c: {  	_ =	shalt  }
0x5d: {  	_ =	shalt  }
0x5e: {  	_ =	shalt  }
0x5f: {  	_ =	shalt  }
0x60: {  	_ =	shalt  }
0x61: {  	_ =	shalt  }
0x62: {  	_ =	shalt  }
0x63: {  	_ =	shalt  }
0x64: {  	_ =	shalt  }
0x65: {  	_ =	shalt  }
0x66: {  	_ =	shalt  }
0x67: {  	_ =	shalt  }
0x68: {  	_ =	shalt  }
0x69: {  	_ =	shalt  }
0x6a: {  	_ =	shalt  }
0x6b: {  	_ =	shalt  }
0x6c: {  	_ =	shalt  }
0x6d: {  	_ =	shalt  }
0x6e: {  	_ =	shalt  }
0x6f: {  	_ =	shalt  }
0x70: {  	_ =	shalt  }
0x71: {  	_ =	shalt  }
0x72: {  	_ =	shalt  }
0x73: {  	_ =	shalt  }
0x74: {  	_ =	shalt  }
0x75: {  	_ =	shalt  }
0x76: {  	_ =	shalt  }
0x77: {  	_ =	shalt  }
0x78: {  	_ =	shalt  }
0x79: {  	_ =	shalt  }
0x7a: {  	_ =	shalt  }
0x7b: {  	_ =	shalt  }
0x7c: {  	_ =	shalt  }
0x7d: {  	_ =	shalt  }
0x7e: {  	_ =	shalt  }
0x7f: {  	_ =	shalt  }
0x80: {  	_ =	shalt  }
0x81: {  	_ =	shalt  }
0x82: {  	_ =	shalt  }
0x83: {  	_ =	shalt  }
0x84: {  	_ =	shalt  }
0x85: {  	_ =	shalt  }
0x86: {  	_ =	shalt  }
0x87: {  	_ =	shalt  }
.Lfunc_end0:
.L_simem_size_0:
called_computation.1_lowered:
.L_overlay_start_0:
0x88: {  	s2 =	sld [smem:$0x3FD9]  }
0x89: {  	s3 =	sld [smem:$0x3FFE];
	_ =	sdelay $0x1  }
0x8a: {  	s1 =	srdreg.scid  }
0x8b: {  	s0 =	sand.u32 $0x1, s1  }
0x8c: {  	s17 =	sshll.u32 s0, $0xA;
	s2 =	sadd.s32 s3, s2  }
0x8d: {  	s2 =	sadd.s32 s2, s17  }
0x8e: {  	[smem:$0x3FC1] =	sst s2  }
0x8f: {  	_ = 	snop  }
0x90: {  	s2 =	sld [smem:$0x3FC3];
	(tm) =	ssettm $0x1  }
0x91: {  	s18 =	sld [smem:$0x3FFB];
	_ =	sdelay $0x3  }
0x92: {  	_ =	strace s18  }
0x93: {  	s3 =	sld [smem:$0x3FFC];
	_ =	sdelay $0x3  }
0x94: {  	_ =	strace s3  }
0x95: {  	s3 =	sld [smem:$0x3FFD];
	_ =	sdelay $0x3  }
0x96: {  	_ =	strace s3  }
0x97: {  	_ =	strace $0x8FFFFFFF  }
0x98: {  	s19 =	sld [smem:$0x3FDB];
	_ =	sdelay $0x1  }
0x99: {  	s4 =	simm.s32 $_scs_section_size  }
0x9a: {  	s5 =	simm.s32 $_size__tile_overlayer_lowered;
	s6 =	simm.s32 $_tile_overlayer_lowered  }
0x9b: {  	s22 =	simm.s32 $0x1BFF;
	s21 =	sshll.u32 s6, $0x1;
	s3 =	sadd.s32 s4, s19  }
0x9c: {  	s7 =	simm.s32 $0x0;
	s20 =	sshll.u32 s5, $0x1;
	s5 =	sadd.s32 s21, s3  }
0x9d: {  	[timem:s7], [sflag:s22] =	dma.local [hbm:s5], s20  }
0x9e: {  	_ =	swait.ge [sflag:s22], s20  }
0x9f: {  	s4 =	ssub.s32 $0x0, s20;
	[sflag:s22] =	ssyncset.done $0x0  }
0xa0: {  	[sflag:s22] =	ssyncadd.s32 s4;
	_ =	sdelay $0x1  }
0xa1: {  	s23 =	simm.s32 $0x1B8B  }
0xa2: {  	_ =	swait.ge [sflag:s23], $0x1  }
0xa3: {  	[sflag:s23] =	ssyncset.done $0x0  }
0xa4: {  	s25 =	simm.s32 $0x1B8E;
	s24 =	sld [smem:$0x3FFE];
	[sflag:s23] =	ssyncadd.s32 $0xFFFFFFFF  }
0xa5: {  	s26 =	simm.s32 $execute0_lowered;
	[smem:$0x3FD2] =	sst s25  }
0xa6: {  	s5 =	sshll.u32 s26, $0x1;
	_ =	strace $0x80000049;
	[dreg:$0x1] =	wrdreg $0xFFFFFFFF  }
0xa7: {  	s28 =	simm.s32 $_size_execute0_lowered;
	s3 =	sadd.s32 s3, s5;
	[dreg:$0x0] =	wrdreg $0x0  }
0xa8: {  	s5 =	sshll.u32 s28, $0x1;
	[dreg:$0x2] =	wrdreg s3  }
0xa9: {  	[dreg:$0x3] =	wrdreg s5  }
0xaa: {  	[dreg:$0x4] =	wrdreg $0xC0  }
0xab: {  	_ =	task [dreg:s7], $0x5FFFF  }
0xac: {  	[dreg:$0x1] =	wrdreg $0xFFFFFFFF  }
0xad: {  	[dreg:$0x0] =	wrdreg $0x60  }
0xae: {  	[dreg:$0x2] =	wrdreg s24  }
0xaf: {  	[dreg:$0x3] =	wrdreg s2  }
0xb0: {  	[dreg:$0x4] =	wrdreg $0x0  }
0xb1: {  	[dreg:$0x5] =	wrdreg $0x9  }
0xb2: {  	_ =	task.clear_ibuf [dreg:s7], $0x6FFFF;
	_ =	strace $0x90000049  }
0xb3: {  	s29 =	simm.s32 $0x9;
	_ =	strace $0x8000004B  }
0xb4: {  	_ =	swait.ge [sflag:s29], $0x1  }
0xb5: {  	[sflag:s29] =	ssyncadd.s32 $0xFFFFFFFF  }
0xb6: {  	_ =	strace $0x9000004B  }
0xb7: {  	_ =	sfence  }
0xb8: {  	s30 =	sld [smem:$0x0];
	_ =	sdelay $0x2  }
0xb9: {  	s31 =	sshll.u32 s1, $0xD;
	s1 =	sshrl.u32 s1, $0x2  }
0xba: {  	s3 =	sand.u32 $0x4000, s31;
	s1 =	sadd.s32 s1, s30  }
0xbb: {  	s0 =	sor.u32 s3, s0;
	s1 =	sshll.u32 s1, $0x11  }
0xbc: {  	s0 =	sor.u32 s1, s0  }
0xbd: {  	s0 =	sadd.s32 $0x8F2B, s0  }
0xbe: {  	[sflag:s0] =	ssyncadd.remote.s32 $0x1  }
0xbf: {  	_ =	sfence.sel $0xFFFF  }
0xc0: {  	[dreg:$0x0] =	wrdreg $0xFFFFFFFF;
	(pc) =	sbr.abs _section_cstart, $3  }
0xc1: {  	[dreg:$0x1] =	wrdreg $0xFFFFFFFF  }
0xc2: {  	_ =	task.clear_ibuf [dreg:s7], $0x2FFFF;
	_ =	strace $0x9FFFFFFF  }
0xc3: {  	(tm) =	ssettm $0x7FFFFFFF  }
tec
execute0_lowered:
.L_overlay_start_1:
0x0: {  	(tag) =	ssettag $0x1  }
0x1: {  	s0 =	rddreg [dreg:$0x0];
	s1 =	srdreg.scid  }
0x2: {  	s13 =	stileid.u32;
	s3 =	rddreg [dreg:$0x2];
	s4 =	simm.s32 $0x0  }
0x3: {  	s24 =	simm.s32 $0x6F20;
	s17 =	simm.s32 $0x4F20;
	s18 =	simm.s32 $0x4  }
0x4: {  	s28 =	simm.s32 $0xBF20;
	s29 =	simm.s32 $0xDF20;
	s31 =	simm.s32 $0xC720  }
0x5: {  	s30 =	simm.s32 $0xCF20;
	s1 =	sand.u32 $0x1, s1;
	s2 =	sshll.u32 s13, $0x1  }
0x6: {  	[smem:$0x7FF] =	sst s4;
	s5 =	sadd.s32 $0x15A00, s0;
	s7 =	smul.u32 $0x4E20, s13  }
0x7: {  	p0 =	sne.s32 s13, $0x0;
	s2 =	sor.u32 s1, s2;
	s9 =	smul.u32 $0x9C40, s1  }
0x8: {  	_ =	strace $0x8000004A;
	s1 =	ssub.s32 $0x2, s1;
	s2 =	smul.u32 $0x500, s2  }
0x9: {  	s6 =	sshrl.u32 s1, $0x1;
	s11 =	sadd.s32 $0xFA0, s7;
	s14 =	sadd.s32 s7, s3  }
0xa: {  	s12 =	sadd.s32 $0x1F40, s7;
	s15 =	sadd.s32 $0x2EE0, s7;
	s8 =	sadd.s32 $0x3E80, s7  }
0xb: {  	s7 =	sshrl.u32 s7, $0x3;
	s1 =	ssub.s32 s1, s6;
	s20 =	sadd.s32 s11, s3  }
0xc: {  	s21 =	sadd.s32 s12, s3;
	s22 =	sadd.s32 s15, s3;
	s23 =	sadd.s32 s8, s3  }
0xd: {  	v0 =	vimm.s32 $0xFEDCBA98;
	v1 =	vimm.s32 $0x76543210;
	v2 =	vimm.s32 $0xBA98FEDC;
	s4 =	sshrl.u32 s12, $0x3;
	s6 =	sshrl.u32 s15, $0x3;
	s2 =	sadd.s32 s2, s0  }
0xe: {  	v3 =	vimm.s32 $0x32107654;
	v4 =	vimm.s32 $0xDCFE98BA;
	s0 =	sadd.s32 s9, s0;
	s9 =	sadd.s32 $0x4E200, s3;
	[dreg:$0x6] =	wrdreg s21  }
0xf: {  	v5 =	vimm.s32 $0x54761032;
	v6 =	vimm.s32 $0xEFCDAB89;
	v7 =	vimm.s32 $0x67452301;
	s8 =	sshrl.u32 s8, $0x3;
	s1 =	smax.u32 s1, $0x1;
	[dreg:$0x7] =	wrdreg s9  }
0x10: {  	v0 =	vunpack.c.l.s4.s8 v0;
	v1 =	vunpack.c.l.s4.s8 v1;
	v2 =	vunpack.c.l.s4.s8 v2;
	s15 =	simm.s32 $0x5F20;
	s10 =	sadd.s32 $0xBA00, s2;
	[dreg:$0x8] =	wrdreg s1  }
0x11: {  	v3 =	vunpack.c.l.s4.s8 v3;
	v4 =	vunpack.c.l.s4.s8 v4;
	v5 =	vunpack.c.l.s4.s8 v5;
	s2 =	sadd.s32 $0x1A00, s2;
	s0 =	sadd.s32 $0x1AA00, s0;
	[dreg:$0x4] =	wrdreg s10  }
0x12: {  	v6 =	vunpack.c.l.s4.s8 v6;
	v7 =	vunpack.c.l.s4.s8 v7;
	v0 =	vunpack.c.0.s8.s32 v0;
	s1 =	simm.s32 $0xD720;
	[dreg:$0x5] =	wrdreg s2;
	s16 =	sadd.s32 s7, s0  }
0x13: {  	v2 =	vunpack.c.0.s8.s32 v2;
	v3 =	vunpack.c.0.s8.s32 v3;
	v4 =	vunpack.c.0.s8.s32 v4;
	s2 =	sshrl.u32 s11, $0x3;
	s25 =	sadd.s32 s4, s0;
	[dreg:$0x9] =	wrdreg s16  }
0x14: {  	v5 =	vunpack.c.0.s8.s32 v5;
	v6 =	vunpack.c.0.s8.s32 v6;
	v7 =	vunpack.c.0.s8.s32 v7;
	s26 =	sadd.s32 s6, s0;
	s4 =	simm.s32 $0x1;
	[dreg:$0xb] =	wrdreg s25  }
0x15: {  	v1 =	vunpack.c.0.s8.s32 v1;
	v2 =	vcombine.low v3, v2;
	s6 =	simm.s32 $0x0;
	s19 =	sadd.s32 s2, s0;
	[dreg:$0xc] =	wrdreg s26  }
0x16: {  	v3 =	vcombine.low v5, v4;
	v4 =	vand.u32 $0xF, v0;
	v5 =	vcombine.low v7, v6;
	s0 =	sadd.s32 s8, s0;
	s25 =	simm.s32 $0x3;
	s26 =	simm.s32 $0x80  }
0x17: {  	v0 =	vimm.f32 $0.0e+00;
	v1 =	vcombine.low v4, v1;
	s2 =	simm.s32 $0xF720;
	s16 =	simm.s32 $0x2;
	[dreg:$0xa] =	wrdreg s19  }
0x18: {  	v2 =	vand.u32 $0xF, v2;
	v3 =	vand.u32 $0xF, v3;
	v4 =	vand.u32 $0xF, v5;
	[dreg:$0xd] =	wrdreg s0;
	s0 =	simm.s32 $0xE720;
	s19 =	simm.s32 $0xEF20  }
.LBB2_1:
0x19: {  	s7 =	simm.s32 $0x0;
	s8 =	rddreg [dreg:$0x4]  }
0x1a: {  	[tilespmem:s24], [sflag:$0x3] =	stream.linear.gather [hbm4b:s8+s7], $0x2800, $0x38;
	[tilespmem:$0xFF30] =	vst v63  }
0x1b: {  	s13 =	rddreg [dreg:$0x5];
	s9 =	simm.s32 $0x9720  }
0x1c: {  	[tilespmem:s9], [sflag:$0x3] =	stream.linear.gather [hbm4b:s13+s7], $0x2800, $0x38;
	[tilespmem:$0xFF30] =	vst v63  }
0x1d: {  	s8 =	simm.s32 $0x0;
	s7 =	simm.s32 $0x80  }
.LBB2_2:
0x1e: {  	p1 =	sne.s32 s7, $0x3F80;
	[tilespmem:s8+$0x4F20] =	vst v0;
	s13 =	smov.u32 s7;
	s7 =	sadd.s32 $0x80, s7  }
.Ltmp0:
0x1f: {  	[tilespmem:s8+$0x4F30] =	vst v0;
	(pc) =	sbr.rel @p1 .LBB2_2-.Ltmp0, $2  }
0x20: {  	_ =	sdelay $0x2  }
0x21: {  	s8 =	sshra.s32 s13, $0x2  }
0x22: {  	[tilespmem:s8+$0x4F20] =	vst v0  }
0x23: {  	[tilespmem:s8+$0x4F30] =	vst v0  }
0x24: {  	[spmem:s14] =	stream.linear.scatter [tilespmem:s17], [sflag:$0x4], $0xFA0, $0x38;
	[tilespmem:$0xFF30] =	vst v63  }
0x25: {  	_ =	swait.ge [sflag:s18], $0xFA0  }
0x26: {  	[sflag:s18] =	ssyncset.done $0x0  }
0x27: {  	[sflag:s18] =	ssyncadd.s32 $0xFFFFF060  }
0x28: {  	[spmem:s20] =	stream.linear.scatter [tilespmem:s17], [sflag:$0x4], $0xFA0, $0x38;
	[tilespmem:$0xFF30] =	vst v63  }
0x29: {  	_ =	swait.ge [sflag:s18], $0xFA0  }
0x2a: {  	[sflag:s18] =	ssyncset.done $0x0  }
0x2b: {  	[sflag:s18] =	ssyncadd.s32 $0xFFFFF060  }
0x2c: {  	[spmem:s21] =	stream.linear.scatter [tilespmem:s17], [sflag:$0x4], $0xFA0, $0x38;
	[tilespmem:$0xFF30] =	vst v63  }
0x2d: {  	_ =	swait.ge [sflag:s18], $0xFA0  }
0x2e: {  	[sflag:s18] =	ssyncset.done $0x0  }
0x2f: {  	[sflag:s18] =	ssyncadd.s32 $0xFFFFF060  }
0x30: {  	[spmem:s22] =	stream.linear.scatter [tilespmem:s17], [sflag:$0x4], $0xFA0, $0x38;
	[tilespmem:$0xFF30] =	vst v63  }
0x31: {  	_ =	swait.ge [sflag:s18], $0xFA0  }
0x32: {  	[sflag:s18] =	ssyncset.done $0x0  }
0x33: {  	[sflag:s18] =	ssyncadd.s32 $0xFFFFF060  }
0x34: {  	[spmem:s23] =	stream.linear.scatter [tilespmem:s17], [sflag:$0x4], $0xFA0, $0x38;
	[tilespmem:$0xFF30] =	vst v63  }
0x35: {  	_ =	swait.ge [sflag:s18], $0xFA0  }
0x36: {  	[sflag:s18] =	ssyncset.done $0x0  }
0x37: {  	s7 =	simm.s32 @!p0 $0x4F20;
	s8 =	rddreg [dreg:$0x7];
	[sflag:s18] =	ssyncadd.s32 $0xFFFFF060  }
0x38: {  	[spmem:s8] =	stream.linear.scatter @!p0 [tilespmem:s7], [sflag:$0x4], $0x1000, $0x38;
	[tilespmem:$0xFF30] =	vst v63  }
0x39: {  	s7 =	simm.s32 @!p0 $0x4  }
0x3a: {  	_ =	swait.ge @!p0 [sflag:s7], $0x1000  }
0x3b: {  	[sflag:s7] =	ssyncset.done @!p0 $0x0  }
0x3c: {  	s11 =	smov.u32 s23;
	[sflag:s7] =	ssyncadd.s32 @!p0 $0xFFFFF000  }
0x3d: {  	s13 =	simm.s32 $0xFF20;
	s7 =	simm.s32 $0x0;
	s23 =	rddreg [dreg:$0x1]  }
0x3e: {  	[tilespmem:s13], [sflag:$0x4] =	stream.linear.gather [hbm4b:s23+s7], $0x10, $0x38;
	[tilespmem:$0xFF30] =	vst v63  }
0x3f: {  	_ =	swait.ge [sflag:s18], $0x10  }
0x40: {  	[sflag:s18] =	ssyncset.done $0x0  }
0x41: {  	[sflag:s18] =	ssyncadd.s32 $0xFFFFFFF0  }
0x42: {  	v5 =	vld [tilespmem:$0xFF20];
	_ =	swait.ge [sflag:s25], $0x2800  }
0x43: {  	[sflag:s25] =	ssyncset.done $0x0  }
0x44: {  	[sflag:s25] =	ssyncadd.s32 $0xFFFFD800  }
0x45: {  	_ =	swait.ge [sflag:s25], $0x2800  }
0x46: {  	[sflag:s25] =	ssyncset.done $0x0  }
0x47: {  	[sflag:s25] =	ssyncadd.s32 $0xFFFFD800  }
0x48: {  	[tilespmem:s28], [sflag:$0x1] =	stream.indirect.gather [hbm4b:s5+s26], $0x10, s24, s26, $0xb8;
	[tilespmem:$0xFF30] =	vst v63  }
0x49: {  	s13 =	simm.s32 $0x9720  }
0x4a: {  	[tilespmem:s29], [sflag:$0x1] =	stream.indirect.gather [hbm4b:s5+s26], $0x10, s13, s26, $0xb8;
	[tilespmem:$0xFF30] =	vst v63  }
0x4b: {  	s9 =	smov.u32 s14;
	s14 =	simm.s32 $0x6FA0  }
0x4c: {  	[tilespmem:s31], [sflag:$0x1] =	stream.indirect.gather [hbm4b:s5+s26], $0x10, s14, s26, $0xb8;
	[tilespmem:$0xFF30] =	vst v63  }
0x4d: {  	s10 =	smov.u32 s20;
	s20 =	simm.s32 $0x97A0  }
0x4e: {  	[tilespmem:s0], [sflag:$0x1] =	stream.indirect.gather [hbm4b:s5+s26], $0x10, s20, s26, $0xb8;
	[tilespmem:$0xFF30] =	vst v63  }
0x4f: {  	s21 =	simm.s32 $0x7020  }
0x50: {  	[tilespmem:s30], [sflag:$0x2] =	stream.indirect.gather [hbm4b:s5+s26], $0x10, s21, s26, $0xb8;
	[tilespmem:$0xFF30] =	vst v63  }
0x51: {  	s12 =	smov.u32 s22;
	s22 =	simm.s32 $0x9820  }
0x52: {  	[tilespmem:s19], [sflag:$0x2] =	stream.indirect.gather [hbm4b:s5+s26], $0x10, s22, s26, $0xb8;
	[tilespmem:$0xFF30] =	vst v63  }
0x53: {  	s23 =	simm.s32 $0x70A0  }
0x54: {  	[tilespmem:s1], [sflag:$0x2] =	stream.indirect.gather [hbm4b:s5+s26], $0x10, s23, s26, $0xb8;
	[tilespmem:$0xFF30] =	vst v63  }
0x55: {  	s24 =	simm.s32 $0x98A0  }
0x56: {  	[tilespmem:s2], [sflag:$0x2] =	stream.indirect.gather [hbm4b:s5+s26], $0x10, s24, s26, $0xb8;
	[tilespmem:$0xFF30] =	vst v63  }
0x57: {  	[bflag:$0x0] =	sbarrier.arrive $0xFFFF  }
.LBB2_4:
0x58: {  	_ =	swait.ge [sflag:s4], $0x800  }
0x59: {  	[sflag:s4] =	ssyncset.done $0x0  }
0x5a: {  	[sflag:s4] =	ssyncadd.s32 $0xFFFFF800  }
0x5b: {  	_ =	swait.ge [sflag:s4], $0x800  }
0x5c: {  	[sflag:s4] =	ssyncset.done $0x0  }
0x5d: {  	[sflag:s4] =	ssyncadd.s32 $0xFFFFF800  }
0x5e: {  	_ =	swait.ge [sflag:s4], $0x800  }
0x5f: {  	[sflag:s4] =	ssyncset.done $0x0  }
0x60: {  	[sflag:s4] =	ssyncadd.s32 $0xFFFFF800  }
0x61: {  	_ =	swait.ge [sflag:s4], $0x800  }
0x62: {  	[sflag:s4] =	ssyncset.done $0x0  }
0x63: {  	s8 =	simm.s32 $0xDF40;
	[sflag:s4] =	ssyncadd.s32 $0xFFFFF800  }
0x64: {  	s13 =	simm.s32 $0xBF40;
	v6 =	vld [tilespmem:s8+$0x0]  }
0x65: {  	v13 =	vld [tilespmem:s13+$0x0];
	_ =	sdelay $0x4  }
0x66: {  	v7 =	vld [tilespmem:s8+$0xFFFFFFF0];
	v6 =	vadd.f32 v6, v13  }
0x67: {  	v8 =	vld [tilespmem:s8+$0xFFFFFFE0]  }
0x68: {  	v9 =	vld [tilespmem:s8+$0x10];
	v10 =	vmul.f32 $2.000000030e-01, v6  }
0x69: {  	v12 =	vld [tilespmem:s13+$0xFFFFFFF0]  }
0x6a: {  	v19 =	vld [tilespmem:s13+$0xFFFFFFE0];
	v6 =	vmax.f32 v6, v10  }
0x6b: {  	s20 =	simm.s32 $0xDF80;
	v18 =	vld [tilespmem:s13+$0x10];
	v6 =	vmul.f32 v6, v5  }
0x6c: {  	s21 =	simm.s32 $0xBF80;
	v11 =	vld [tilespmem:s20+$0x0]  }
0x6d: {  	v17 =	vld [tilespmem:s21+$0x0];
	v10 =	vperm.xlane v6, v1  }
0x6e: {  	v7 =	vadd.f32 v7, v12  }
0x6f: {  	v8 =	vadd.f32 v8, v19;
	v10 =	vadd.f32 v6, v10  }
0x70: {  	v15 =	vld [tilespmem:s20+$0xFFFFFFF0];
	v9 =	vadd.f32 v9, v18;
	v14 =	vmul.f32 $2.000000030e-01, v7  }
0x71: {  	v16 =	vmul.f32 $2.000000030e-01, v8;
	v6 =	vld [tilespmem:s21+$0xFFFFFFF0];
	v20 =	vperm.xlane v10, v2  }
0x72: {  	v11 =	vadd.f32 v11, v17;
	v21 =	vmul.f32 $2.000000030e-01, v9  }
0x73: {  	v7 =	vmax.f32 v7, v14;
	v8 =	vmax.f32 v8, v16;
	v16 =	vld [tilespmem:s20+$0x10];
	v10 =	vadd.f32 v10, v20  }
0x74: {  	v14 =	vmul.f32 v7, v5;
	v7 =	vld [tilespmem:s21+$0x10];
	v20 =	vmul.f32 v8, v5  }
0x75: {  	v23 =	vld [tilespmem:s20+$0xFFFFFFE0];
	v8 =	vmax.f32 v9, v21;
	v21 =	vmul.f32 $2.000000030e-01, v11;
	v9 =	vperm.xlane v10, v3  }
0x76: {  	v24 =	vmul.f32 v8, v5;
	v15 =	vadd.f32 v15, v6;
	v8 =	vld [tilespmem:s21+$0xFFFFFFE0]  }
0x77: {  	v25 =	vperm.xlane v20, v1;
	v9 =	vadd.f32 v10, v9;
	v10 =	vmax.f32 v11, v21  }
0x78: {  	v11 =	vmul.f32 $2.000000030e-01, v15;
	v10 =	vmul.f32 v10, v5  }
0x79: {  	v22 =	vperm.xlane v14, v1;
	v16 =	vadd.f32 v16, v7;
	v20 =	vadd.f32 v20, v25  }
0x7a: {  	v25 =	vperm.xlane v9, v4;
	v11 =	vmax.f32 v15, v11;
	v15 =	vperm.xlane v10, v1  }
0x7b: {  	v21 =	vperm.xlane v24, v1;
	v26 =	vperm.xlane v20, v2;
	v23 =	vadd.f32 v23, v8  }
0x7c: {  	v9 =	vadd.f32 v9, v25;
	v25 =	vmul.f32 v11, v5;
	v10 =	vadd.f32 v10, v15  }
0x7d: {  	v21 =	vadd.f32 v24, v21;
	v11 =	vmul.f32 $2.000000030e-01, v16;
	v15 =	vmul.f32 $2.000000030e-01, v23  }
0x7e: {  	s22 =	simm.s32 $0xDFC0;
	v14 =	vadd.f32 v14, v22;
	v9 =	vmul.f32 $1.442695020e+00, v9;
	v27 =	vperm.xlane v10, v2  }
0x7f: {  	s23 =	simm.s32 $0xBFC0;
	v24 =	vld [tilespmem:s22+$0x0];
	v20 =	vadd.f32 v20, v26;
	v29 =	vperm.xlane v21, v2;
	v26 =	vperm.xlane v25, v1  }
0x80: {  	(erf) = vpow2.f32 v9;
	v9 =	vmax.f32 v23, v15;
	v15 =	vld [tilespmem:s23+$0x0];
	v23 =	vadd.f32 v10, v27  }
0x81: {  	v22 =	vperm.xlane v20, v3;
	v10 =	vperm.xlane v14, v2  }
0x82: {  	v28 =	vld [tilespmem:s22+$0xFFFFFFF0];
	v11 =	vmax.f32 v16, v11;
	v27 =	vmul.f32 v9, v5;
	v30 =	vperm.xlane v23, v3  }
0x83: {  	v31 =	vmul.f32 v11, v5;
	v20 =	vadd.f32 v20, v22;
	v9 =	vld [tilespmem:s23+$0xFFFFFFF0];
	v14 =	vadd.f32 v14, v10  }
0x84: {  	v16 =	vld [tilespmem:s22+$0x10];
	v11 =	vadd.f32 v21, v29;
	v22 =	vperm.xlane v27, v1;
	v21 =	vadd.f32 v23, v30  }
0x85: {  	v10 =	vld [tilespmem:s23+$0x10];
	v23 =	vperm.xlane v20, v4;
	v29 =	vperm.xlane v14, v3;
	v24 =	vadd.f32 v24, v15  }
0x86: {  	v22 =	vadd.f32 v27, v22;
	v27 =	vperm.xlane v31, v1;
	v30 =	vperm.xlane v11, v3  }
0x87: {  	v25 =	vadd.f32 v25, v26;
	v32 =	vperm.xlane v21, v4;
	v35 =	vmul.f32 $2.000000030e-01, v24  }
0x88: {  	v28 =	vadd.f32 v28, v9;
	v20 =	vadd.f32 v20, v23;
	v23 =	vperm.xlane v22, v2  }
0x89: {  	v14 =	vadd.f32 v14, v29;
	v34 =	vpop (erf);
	v24 =	vmax.f32 v24, v35;
	v21 =	vadd.f32 v21, v32  }
0x8a: {  	v33 =	vld [tilespmem:s22+$0xFFFFFFE0];
	v36 =	vmul.f32 v34, v13;
	v13 =	vadd.f32 v16, v10;
	v16 =	vmul.f32 $2.000000030e-01, v28  }
0x8b: {  	v30 =	vadd.f32 v11, v30;
	v11 =	vld [tilespmem:s23+$0xFFFFFFE0];
	v29 =	vperm.xlane v14, v4;
	v24 =	vmul.f32 v24, v5  }
0x8c: {  	v21 =	vmul.f32 $1.442695020e+00, v21;
	v26 =	vmul.f32 $2.000000030e-01, v13;
	v16 =	vmax.f32 v28, v16  }
0x8d: {  	v27 =	vadd.f32 v31, v27;
	v28 =	vperm.xlane v30, v4;
	v54 =	vmul.f32 v16, v5  }
0x8e: {  	v14 =	vadd.f32 v14, v29;
	v16 =	vperm.xlane v24, v1;
	(erf) = vpow2.f32 v21  }
0x8f: {  	v13 =	vmax.f32 v13, v26;
	v26 =	vmul.f32 $1.442695020e+00, v20;
	v20 =	vadd.f32 v22, v23  }
0x90: {  	v56 =	vperm.xlane v27, v2;
	v22 =	vadd.f32 v33, v11;
	v28 =	vadd.f32 v30, v28  }
0x91: {  	s24 =	simm.s32 $0xE000;
	v30 =	vmul.f32 $1.442695020e+00, v14;
	v16 =	vadd.f32 v24, v16;
	v24 =	vperm.xlane v20, v3  }
0x92: {  	v55 =	vld [tilespmem:s24+$0x0];
	v33 =	vmul.f32 $2.000000030e-01, v22;
	(erf) = vpow2.f32 v26  }
0x93: {  	v37 =	vld [tilespmem:s24+$0x10];
	v28 =	vmul.f32 $1.442695020e+00, v28;
	v31 =	vperm.xlane v16, v2  }
0x94: {  	s14 =	simm.s32 $0xC000;
	v21 =	vld [tilespmem:s24+$0xFFFFFFF0];
	v22 =	vmax.f32 v22, v33;
	v29 =	vadd.f32 v20, v24;
	v24 =	vperm.xlane v25, v2  }
0x95: {  	v20 =	vmul.f32 v13, v5;
	v13 =	vld [tilespmem:s14+$0xFFFFFFF0];
	v31 =	vadd.f32 v16, v31;
	v22 =	vmul.f32 v22, v5  }
0x96: {  	v23 =	vperm.xlane v54, v1;
	(erf) = vpow2.f32 v28;
	v16 =	vld [tilespmem:s14+$0x0];
	v25 =	vadd.f32 v25, v24  }
0x97: {  	v14 =	vld [tilespmem:s14+$0x10];
	v26 =	vperm.xlane v31, v3;
	v24 =	vperm.xlane v22, v1  }
0x98: {  	v27 =	vadd.f32 v27, v56;
	v57 =	vperm.xlane v25, v3;
	v39 =	vpop (erf);
	(erf) = vpow2.f32 v30  }
0x99: {  	v26 =	vadd.f32 v31, v26;
	v31 =	vperm.xlane v29, v4;
	v38 =	vadd.f32 v22, v24  }
0x9a: {  	v24 =	vperm.xlane v20, v1;
	v22 =	vperm.xlane v27, v3;
	v21 =	vadd.f32 v21, v13  }
0x9b: {  	v30 =	vmul.f32 v39, v17;
	v31 =	vadd.f32 v29, v31;
	v29 =	vadd.f32 v55, v16  }
0x9c: {  	v37 =	vadd.f32 v37, v14;
	v28 =	vperm.xlane v26, v4;
	v59 =	vmul.f32 $2.000000030e-01, v21  }
0x9d: {  	s13 =	simm.s32 $0x4F60;
	v40 =	vld [tilespmem:s24+$0xFFFFFFE0];
	v25 =	vadd.f32 v25, v57;
	v22 =	vadd.f32 v27, v22;
	v27 =	vmul.f32 $2.000000030e-01, v29  }
0x9e: {  	s20 =	simm.s32 $0x4FE0;
	[tilespmem:s13+$0x10] =	vst v34;
	v17 =	vld [tilespmem:s14+$0xFFFFFFE0];
	v58 =	vperm.xlane v38, v2;
	v60 =	vadd.f32 v26, v28;
	v21 =	vmax.f32 v21, v59  }
0x9f: {  	[tilespmem:s20+$0x0] =	vst v30;
	v30 =	vpop (erf);
	v21 =	vmul.f32 v21, v5;
	v26 =	vmax.f32 v29, v27;
	v27 =	vmul.f32 $2.000000030e-01, v37  }
0xa0: {  	v23 =	vadd.f32 v54, v23;
	[tilespmem:s13+$0xFFFFFFD0] =	vst v30;
	v30 =	vmul.f32 v30, v19;
	v63 =	vpop (erf);
	v61 =	vmul.f32 v26, v5  }
0xa1: {  	[tilespmem:s13+$0x0] =	vst v36;
	v29 =	vperm.xlane v25, v4;
	v18 =	vmul.f32 v63, v18;
	v28 =	vmax.f32 v37, v27  }
0xa2: {  	[tilespmem:s20+$0x10] =	vst v39;
	v27 =	vmul.f32 $1.442695020e+00, v31;
	v31 =	vadd.f32 v38, v58;
	v62 =	vperm.xlane v61, v1  }
0xa3: {  	s21 =	simm.s32 $0xC;
	v33 =	vadd.f32 v40, v17;
	[tilespmem:s13+$0x30] =	vst v63;
	v35 =	vmul.f32 $1.442695020e+00, v60;
	v26 =	vperm.xlane v22, v4  }
0xa4: {  	s22 =	simm.s32 $0xE040;
	s23 =	simm.s32 $0xC040;
	s14 =	simm.s32 $0x4FE0;
	v19 =	vperm.xlane v21, v1;
	[tilespmem:s13+$0xFFFFFFC0] =	vst v30;
	v30 =	vpop (erf);
	v34 =	vperm.xlane v31, v3;
	v32 =	vadd.f32 v61, v62  }
.LBB2_5:
0xa5: {  	v36 =	vld [tilespmem:s22+$0xFFFFFFF0];
	s21 =	sadd.s32 $0x4, s21;
	v37 =	vmul.f32 $2.000000030e-01, v33;
	v24 =	vadd.f32 v20, v24;
	s20 =	sadd.s32 $0x80, s20;
	v12 =	vmul.f32 v30, v12;
	[tilespmem:s13+$0x20] =	vst v18;
	v18 =	vmovc v8  }
0xa6: {  	v25 =	vadd.f32 v25, v29;
	v8 =	vmovc v11;
	v38 =	vld [tilespmem:s22+$0xFFFFFFE0];
	p1 =	slt.u32 s21, $0xFC;
	v20 =	vperm.xlane v32, v2;
	(erf) = vpow2.f32 v35;
	[tilespmem:s13+$0xFFFFFFF0] =	vst v30  }
0xa7: {  	v31 =	vadd.f32 v31, v34;
	v29 =	vld [tilespmem:s22+$0x0];
	v30 =	vmax.f32 v33, v37;
	v33 =	vperm.xlane v23, v2;
	[tilespmem:s13+$0xFFFFFFE0] =	vst v12;
	s13 =	smov.u32 s14;
	s14 =	smov.u32 s20  }
0xa8: {  	v11 =	vmovc v17;
	v34 =	vld [tilespmem:s22+$0x10];
	v32 =	vadd.f32 v32, v20;
	v20 =	vmul.f32 v28, v5;
	v28 =	vperm.xlane v24, v2  }
0xa9: {  	v22 =	vadd.f32 v22, v26;
	v30 =	vmul.f32 v30, v5;
	v17 =	vld [tilespmem:s23+$0xFFFFFFE0];
	(erf) = vpow2.f32 v27;
	v12 =	vmovc v6;
	v6 =	vmovc v9  }
0xaa: {  	v35 =	vmovc v7;
	v25 =	vmul.f32 $1.442695020e+00, v25;
	v23 =	vadd.f32 v23, v33;
	v9 =	vmovc v13;
	v26 =	vld [tilespmem:s23+$0x0];
	v27 =	vperm.xlane v32, v3  }
0xab: {  	v7 =	vmovc v10;
	v10 =	vmovc v14;
	v22 =	vmul.f32 $1.442695020e+00, v22;
	v33 =	vperm.xlane v30, v1;
	v28 =	vadd.f32 v24, v28;
	v13 =	vld [tilespmem:s23+$0xFFFFFFF0]  }
0xac: {  	v37 =	vperm.xlane v23, v3;
	v14 =	vld [tilespmem:s23+$0x10];
	v27 =	vadd.f32 v32, v27;
	v32 =	vperm.xlane v31, v4  }
0xad: {  	v24 =	vperm.xlane v20, v1;
	v30 =	vadd.f32 v30, v33;
	(erf) = vpow2.f32 v22  }
0xae: {  	v22 =	vperm.xlane v28, v3;
	v33 =	vperm.xlane v27, v4;
	v31 =	vadd.f32 v31, v32  }
0xaf: {  	v32 =	vperm.xlane v30, v2;
	v29 =	vadd.f32 v29, v26;
	v39 =	vpop (erf);
	(erf) = vpow2.f32 v25  }
0xb0: {  	v22 =	vadd.f32 v28, v22;
	v36 =	vadd.f32 v36, v13;
	v40 =	vmul.f32 v39, v15;
	[tilespmem:s20+$0x10] =	vst v39  }
0xb1: {  	v25 =	vadd.f32 v23, v37;
	v15 =	vmovc v16;
	v16 =	vmovc v26;
	v28 =	vmul.f32 $2.000000030e-01, v29;
	v34 =	vadd.f32 v34, v14  }
0xb2: {  	v23 =	vadd.f32 v21, v19;
	v37 =	vadd.f32 v27, v33;
	v26 =	vmul.f32 $2.000000030e-01, v36;
	[tilespmem:s20+$0x0] =	vst v40;
	v19 =	vpop (erf)  }
0xb3: {  	v21 =	vmax.f32 v29, v28;
	v27 =	vmul.f32 $2.000000030e-01, v34;
	v29 =	vperm.xlane v25, v4;
	[tilespmem:s13+$0xFFFFFFD0] =	vst v19  }
.Ltmp1:
0xb4: {  	v28 =	vmax.f32 v36, v26;
	v36 =	vmul.f32 v21, v5;
	v26 =	vperm.xlane v22, v4;
	(pc) =	sbr.rel @p1 .LBB2_5-.Ltmp1, $4  }
0xb5: {  	v21 =	vmul.f32 v28, v5;
	v28 =	vmax.f32 v34, v27;
	v27 =	vmul.f32 $1.442695020e+00, v31  }
0xb6: {  	v39 =	vmul.f32 v19, v18;
	v31 =	vadd.f32 v30, v32;
	v34 =	vperm.xlane v36, v1;
	v32 =	vpop (erf)  }
0xb7: {  	v33 =	vadd.f32 v38, v17;
	v19 =	vperm.xlane v21, v1;
	v18 =	vmul.f32 v32, v35;
	[tilespmem:s13+$0x30] =	vst v32  }
0xb8: {  	s22 =	sadd.s32 $0x40, s22;
	s23 =	sadd.s32 $0x40, s23;
	v35 =	vmul.f32 $1.442695020e+00, v37;
	v32 =	vadd.f32 v36, v34;
	v34 =	vperm.xlane v31, v3;
	[tilespmem:s13+$0xFFFFFFC0] =	vst v39;
	v30 =	vpop (erf)  }
0xb9: {  	v36 =	vmul.f32 $2.000000030e-01, v33;
	v12 =	vmul.f32 v30, v12;
	v20 =	vadd.f32 v20, v24  }
0xba: {  	v25 =	vadd.f32 v25, v29;
	v44 =	vperm.xlane v23, v2;
	v28 =	vmul.f32 v28, v5  }
0xbb: {  	v22 =	vadd.f32 v22, v26;
	v24 =	vperm.xlane v32, v2;
	(erf) = vpow2.f32 v35  }
0xbc: {  	v29 =	vmax.f32 v33, v36;
	v45 =	vperm.xlane v20, v2;
	v23 =	vadd.f32 v23, v44  }
0xbd: {  	(erf) = vpow2.f32 v27;
	v25 =	vmul.f32 $1.442695020e+00, v25;
	v24 =	vadd.f32 v32, v24  }
0xbe: {  	v19 =	vadd.f32 v21, v19;
	v29 =	vmul.f32 v29, v5;
	v46 =	vperm.xlane v23, v3  }
0xbf: {  	v31 =	vadd.f32 v31, v34;
	v22 =	vmul.f32 $1.442695020e+00, v22;
	v26 =	vperm.xlane v24, v3  }
0xc0: {  	v20 =	vadd.f32 v20, v45;
	v27 =	vperm.xlane v29, v1;
	v23 =	vadd.f32 v23, v46  }
0xc1: {  	(erf) = vpow2.f32 v22;
	v24 =	vadd.f32 v24, v26;
	v26 =	vperm.xlane v31, v4  }
0xc2: {  	v27 =	vadd.f32 v29, v27;
	v29 =	vperm.xlane v28, v1;
	v21 =	vperm.xlane v23, v4  }
0xc3: {  	v22 =	vperm.xlane v24, v4;
	v26 =	vadd.f32 v31, v26;
	v31 =	vperm.xlane v20, v3  }
0xc4: {  	v47 =	vperm.xlane v27, v2;
	v48 =	vpop (erf);
	(erf) = vpow2.f32 v25;
	v25 =	vadd.f32 v28, v29  }
0xc5: {  	v29 =	vperm.xlane v19, v2;
	v15 =	vmul.f32 v48, v15;
	v20 =	vadd.f32 v20, v31  }
0xc6: {  	v22 =	vadd.f32 v24, v22;
	v27 =	vadd.f32 v27, v47;
	v24 =	vperm.xlane v25, v2  }
0xc7: {  	v21 =	vadd.f32 v23, v21;
	v26 =	vmul.f32 $1.442695020e+00, v26;
	v28 =	vperm.xlane v20, v4  }
0xc8: {  	v22 =	vmul.f32 $1.442695020e+00, v22;
	v24 =	vadd.f32 v25, v24;
	v25 =	vperm.xlane v27, v3  }
0xc9: {  	[tilespmem:s13+$0x20] =	vst v18;
	v19 =	vadd.f32 v19, v29;
	v21 =	vmul.f32 $1.442695020e+00, v21;
	v18 =	vadd.f32 v20, v28  }
0xca: {  	v23 =	vpop (erf);
	(erf) = vpow2.f32 v22;
	v20 =	vperm.xlane v24, v3;
	v22 =	vadd.f32 v27, v25  }
0xcb: {  	s8 =	sadd.s32 $0x80, s20;
	[tilespmem:s13+$0xFFFFFFE0] =	vst v12;
	v8 =	vmul.f32 v23, v8;
	v12 =	vmul.f32 $1.442695020e+00, v18  }
0xcc: {  	[tilespmem:s8+$0x0] =	vst v15;
	v15 =	vpop (erf);
	v18 =	vperm.xlane v19, v3;
	v20 =	vadd.f32 v24, v20;
	v24 =	vperm.xlane v22, v4  }
0xcd: {  	(erf) = vpow2.f32 v26;
	v7 =	vmul.f32 v15, v7  }
0xce: {  	[tilespmem:s13+$0xFFFFFFF0] =	vst v30;
	(erf) = vpow2.f32 v12;
	v12 =	vadd.f32 v19, v18;
	v19 =	vadd.f32 v22, v24  }
0xcf: {  	[tilespmem:s8+$0x10] =	vst v48;
	v18 =	vperm.xlane v20, v4;
	(erf) = vpow2.f32 v21  }
0xd0: {  	[tilespmem:s14+$0x30] =	vst v15;
	v15 =	vperm.xlane v12, v4;
	v19 =	vmul.f32 $1.442695020e+00, v19  }
0xd1: {  	[tilespmem:s14+$0xFFFFFFC0] =	vst v8;
	v8 =	vpop (erf);
	v18 =	vadd.f32 v20, v18  }
0xd2: {  	[tilespmem:s14+$0xFFFFFFD0] =	vst v23;
	v6 =	vmul.f32 v8, v6;
	v12 =	vadd.f32 v12, v15;
	(erf) = vpow2.f32 v19  }
0xd3: {  	[tilespmem:s14+$0x20] =	vst v7;
	v15 =	vmul.f32 $1.442695020e+00, v18  }
0xd4: {  	[tilespmem:s14+$0xFFFFFFE0] =	vst v6;
	v6 =	vmul.f32 $1.442695020e+00, v12  }
0xd5: {  	s20 =	sadd.s32 $0x80, s8;
	[tilespmem:s14+$0xFFFFFFF0] =	vst v8;
	v7 =	vpop (erf);
	(erf) = vpow2.f32 v15  }
0xd6: {  	v8 =	vmul.f32 v7, v16;
	[tilespmem:s20+$0x10] =	vst v7;
	v7 =	vpop (erf)  }
0xd7: {  	[tilespmem:s8+$0xFFFFFFD0] =	vst v7;
	(erf) = vpow2.f32 v6  }
0xd8: {  	v7 =	vmul.f32 v7, v11;
	[tilespmem:s20+$0x0] =	vst v8;
	v6 =	vpop (erf)  }
0xd9: {  	v8 =	vmul.f32 v6, v10;
	[tilespmem:s8+$0x30] =	vst v6;
	v6 =	vpop (erf)  }
0xda: {  	[tilespmem:s8+$0xFFFFFFC0] =	vst v7;
	v7 =	vmul.f32 v6, v9  }
0xdb: {  	[tilespmem:s8+$0xFFFFFFF0] =	vst v6;
	v6 =	vpop (erf)  }
0xdc: {  	[tilespmem:s20+$0xFFFFFFD0] =	vst v6;
	v6 =	vmul.f32 v6, v17  }
0xdd: {  	[tilespmem:s8+$0x20] =	vst v8  }
0xde: {  	[tilespmem:s8+$0xFFFFFFE0] =	vst v7;
	v7 =	vpop (erf)  }
0xdf: {  	v8 =	vmul.f32 v7, v14;
	[tilespmem:s20+$0x30] =	vst v7  }
0xe0: {  	[tilespmem:s20+$0xFFFFFFC0] =	vst v6;
	v6 =	vpop (erf)  }
0xe1: {  	s13 =	sshll.u32 s7, $0x9;
	[tilespmem:s20+$0x20] =	vst v8;
	v7 =	vmul.f32 v6, v13  }
0xe2: {  	s14 =	sand.u32 $0x3FFFFE00, s13;
	[tilespmem:s20+$0xFFFFFFF0] =	vst v6  }
0xe3: {  	s22 =	sadd.s32 $0x9720, s14;
	[tilespmem:s20+$0xFFFFFFE0] =	vst v7  }
0xe4: {  	[spmem:s3] =	stream.indirect.scatter.add.f32 [tilespmem:s17], [sflag:$0x4], $0x20, s22, s26, $0xb8;
	[tilespmem:$0xFF30] =	vst v63  }
0xe5: {  	_ =	swait.ge [sflag:s18], $0x1000  }
0xe6: {  	[sflag:s18] =	ssyncset.done $0x0  }
0xe7: {  	s23 =	sadd.s32 $0x97A0, s14;
	[sflag:s18] =	ssyncadd.s32 $0xFFFFF000  }
0xe8: {  	[spmem:s3] =	stream.indirect.scatter.add.f32 [tilespmem:s15], [sflag:$0x4], $0x20, s23, s26, $0xb8;
	[tilespmem:$0xFF30] =	vst v63  }
0xe9: {  	_ =	swait.ge [sflag:s18], $0x1000  }
0xea: {  	[sflag:s18] =	ssyncset.done $0x0  }
0xeb: {  	s24 =	sadd.s32 $0x7120, s13;
	[sflag:s18] =	ssyncadd.s32 $0xFFFFF000  }
0xec: {  	[tilespmem:s28], [sflag:$0x1] =	stream.indirect.gather [hbm4b:s5+s26], $0x10, s24, s26, $0xb8;
	[tilespmem:$0xFF30] =	vst v63  }
0xed: {  	s20 =	sadd.s32 $0x9920, s13  }
0xee: {  	[tilespmem:s29], [sflag:$0x1] =	stream.indirect.gather [hbm4b:s5+s26], $0x10, s20, s26, $0xb8;
	[tilespmem:$0xFF30] =	vst v63  }
0xef: {  	s21 =	sadd.s32 $0x71A0, s13  }
0xf0: {  	[tilespmem:s31], [sflag:$0x1] =	stream.indirect.gather [hbm4b:s5+s26], $0x10, s21, s26, $0xb8;
	[tilespmem:$0xFF30] =	vst v63  }
0xf1: {  	s22 =	sadd.s32 $0x99A0, s13  }
0xf2: {  	[tilespmem:s0], [sflag:$0x1] =	stream.indirect.gather [hbm4b:s5+s26], $0x10, s22, s26, $0xb8;
	[tilespmem:$0xFF30] =	vst v63  }
0xf3: {  	_ =	swait.ge [sflag:s16], $0x800  }
0xf4: {  	[sflag:s16] =	ssyncset.done $0x0  }
0xf5: {  	[sflag:s16] =	ssyncadd.s32 $0xFFFFF800  }
0xf6: {  	_ =	swait.ge [sflag:s16], $0x800  }
0xf7: {  	[sflag:s16] =	ssyncset.done $0x0  }
0xf8: {  	[sflag:s16] =	ssyncadd.s32 $0xFFFFF800  }
0xf9: {  	_ =	swait.ge [sflag:s16], $0x800  }
0xfa: {  	[sflag:s16] =	ssyncset.done $0x0  }
0xfb: {  	[sflag:s16] =	ssyncadd.s32 $0xFFFFF800  }
0xfc: {  	_ =	swait.ge [sflag:s16], $0x800  }
0xfd: {  	[sflag:s16] =	ssyncset.done $0x0  }
0xfe: {  	s23 =	simm.s32 $0xEF40;
	[sflag:s16] =	ssyncadd.s32 $0xFFFFF800  }
0xff: {  	s24 =	simm.s32 $0xCF40;
	v6 =	vld [tilespmem:s23+$0x0]  }
0x100: {  	v13 =	vld [tilespmem:s24+$0x0];
	_ =	sdelay $0x4  }
0x101: {  	v7 =	vld [tilespmem:s23+$0xFFFFFFF0];
	v6 =	vadd.f32 v6, v13  }
0x102: {  	v8 =	vld [tilespmem:s23+$0xFFFFFFE0]  }
0x103: {  	v9 =	vld [tilespmem:s23+$0x10];
	v10 =	vmul.f32 $2.000000030e-01, v6  }
0x104: {  	v12 =	vld [tilespmem:s24+$0xFFFFFFF0]  }
0x105: {  	v19 =	vld [tilespmem:s24+$0xFFFFFFE0];
	v6 =	vmax.f32 v6, v10  }
0x106: {  	s20 =	simm.s32 $0xEF80;
	v18 =	vld [tilespmem:s24+$0x10];
	v6 =	vmul.f32 v6, v5  }
0x107: {  	s21 =	simm.s32 $0xCF80;
	v11 =	vld [tilespmem:s20+$0x0]  }
0x108: {  	v17 =	vld [tilespmem:s21+$0x0];
	v10 =	vperm.xlane v6, v1  }
0x109: {  	v7 =	vadd.f32 v7, v12  }
0x10a: {  	v8 =	vadd.f32 v8, v19;
	v10 =	vadd.f32 v6, v10  }
0x10b: {  	v15 =	vld [tilespmem:s20+$0xFFFFFFF0];
	v9 =	vadd.f32 v9, v18;
	v14 =	vmul.f32 $2.000000030e-01, v7  }
0x10c: {  	v16 =	vmul.f32 $2.000000030e-01, v8;
	v6 =	vld [tilespmem:s21+$0xFFFFFFF0];
	v20 =	vperm.xlane v10, v2  }
0x10d: {  	v11 =	vadd.f32 v11, v17;
	v21 =	vmul.f32 $2.000000030e-01, v9  }
0x10e: {  	v7 =	vmax.f32 v7, v14;
	v8 =	vmax.f32 v8, v16;
	v16 =	vld [tilespmem:s20+$0x10];
	v10 =	vadd.f32 v10, v20  }
0x10f: {  	v14 =	vmul.f32 v7, v5;
	v7 =	vld [tilespmem:s21+$0x10];
	v20 =	vmul.f32 v8, v5  }
0x110: {  	v23 =	vld [tilespmem:s20+$0xFFFFFFE0];
	v8 =	vmax.f32 v9, v21;
	v21 =	vmul.f32 $2.000000030e-01, v11;
	v9 =	vperm.xlane v10, v3  }
0x111: {  	v24 =	vmul.f32 v8, v5;
	v15 =	vadd.f32 v15, v6;
	v8 =	vld [tilespmem:s21+$0xFFFFFFE0]  }
0x112: {  	v25 =	vperm.xlane v20, v1;
	v9 =	vadd.f32 v10, v9;
	v10 =	vmax.f32 v11, v21  }
0x113: {  	v11 =	vmul.f32 $2.000000030e-01, v15;
	v10 =	vmul.f32 v10, v5  }
0x114: {  	v22 =	vperm.xlane v14, v1;
	v16 =	vadd.f32 v16, v7;
	v20 =	vadd.f32 v20, v25  }
0x115: {  	v25 =	vperm.xlane v9, v4;
	v11 =	vmax.f32 v15, v11;
	v15 =	vperm.xlane v10, v1  }
0x116: {  	v21 =	vperm.xlane v24, v1;
	v26 =	vperm.xlane v20, v2;
	v23 =	vadd.f32 v23, v8  }
0x117: {  	v9 =	vadd.f32 v9, v25;
	v25 =	vmul.f32 v11, v5;
	v10 =	vadd.f32 v10, v15  }
0x118: {  	v21 =	vadd.f32 v24, v21;
	v11 =	vmul.f32 $2.000000030e-01, v16;
	v15 =	vmul.f32 $2.000000030e-01, v23  }
0x119: {  	s22 =	simm.s32 $0xEFC0;
	v14 =	vadd.f32 v14, v22;
	v9 =	vmul.f32 $1.442695020e+00, v9;
	v27 =	vperm.xlane v10, v2  }
0x11a: {  	s23 =	simm.s32 $0xCFC0;
	v24 =	vld [tilespmem:s22+$0x0];
	v20 =	vadd.f32 v20, v26;
	v29 =	vperm.xlane v21, v2;
	v26 =	vperm.xlane v25, v1  }
0x11b: {  	(erf) = vpow2.f32 v9;
	v9 =	vmax.f32 v23, v15;
	v15 =	vld [tilespmem:s23+$0x0];
	v23 =	vadd.f32 v10, v27  }
0x11c: {  	v22 =	vperm.xlane v20, v3;
	v10 =	vperm.xlane v14, v2  }
0x11d: {  	v28 =	vld [tilespmem:s22+$0xFFFFFFF0];
	v11 =	vmax.f32 v16, v11;
	v27 =	vmul.f32 v9, v5;
	v30 =	vperm.xlane v23, v3  }
0x11e: {  	v31 =	vmul.f32 v11, v5;
	v20 =	vadd.f32 v20, v22;
	v9 =	vld [tilespmem:s23+$0xFFFFFFF0];
	v14 =	vadd.f32 v14, v10  }
0x11f: {  	v16 =	vld [tilespmem:s22+$0x10];
	v11 =	vadd.f32 v21, v29;
	v22 =	vperm.xlane v27, v1;
	v21 =	vadd.f32 v23, v30  }
0x120: {  	v10 =	vld [tilespmem:s23+$0x10];
	v23 =	vperm.xlane v20, v4;
	v29 =	vperm.xlane v14, v3;
	v24 =	vadd.f32 v24, v15  }
0x121: {  	v22 =	vadd.f32 v27, v22;
	v27 =	vperm.xlane v31, v1;
	v30 =	vperm.xlane v11, v3  }
0x122: {  	v25 =	vadd.f32 v25, v26;
	v49 =	vperm.xlane v21, v4;
	v52 =	vmul.f32 $2.000000030e-01, v24  }
0x123: {  	v28 =	vadd.f32 v28, v9;
	v20 =	vadd.f32 v20, v23;
	v23 =	vperm.xlane v22, v2  }
0x124: {  	v14 =	vadd.f32 v14, v29;
	v51 =	vpop (erf);
	v24 =	vmax.f32 v24, v52;
	v21 =	vadd.f32 v21, v49  }
0x125: {  	v50 =	vld [tilespmem:s22+$0xFFFFFFE0];
	v53 =	vmul.f32 v51, v13;
	v13 =	vadd.f32 v16, v10;
	v16 =	vmul.f32 $2.000000030e-01, v28  }
0x126: {  	v30 =	vadd.f32 v11, v30;
	v11 =	vld [tilespmem:s23+$0xFFFFFFE0];
	v29 =	vperm.xlane v14, v4;
	v24 =	vmul.f32 v24, v5  }
0x127: {  	v21 =	vmul.f32 $1.442695020e+00, v21;
	v26 =	vmul.f32 $2.000000030e-01, v13;
	v16 =	vmax.f32 v28, v16  }
0x128: {  	v27 =	vadd.f32 v31, v27;
	v28 =	vperm.xlane v30, v4;
	v54 =	vmul.f32 v16, v5  }
0x129: {  	v14 =	vadd.f32 v14, v29;
	v16 =	vperm.xlane v24, v1;
	(erf) = vpow2.f32 v21  }
0x12a: {  	v13 =	vmax.f32 v13, v26;
	v26 =	vmul.f32 $1.442695020e+00, v20;
	v20 =	vadd.f32 v22, v23  }
0x12b: {  	v56 =	vperm.xlane v27, v2;
	v22 =	vadd.f32 v50, v11;
	v28 =	vadd.f32 v30, v28  }
0x12c: {  	s24 =	simm.s32 $0xF000;
	v30 =	vmul.f32 $1.442695020e+00, v14;
	v16 =	vadd.f32 v24, v16;
	v24 =	vperm.xlane v20, v3  }
0x12d: {  	v55 =	vld [tilespmem:s24+$0x0];
	v33 =	vmul.f32 $2.000000030e-01, v22;
	(erf) = vpow2.f32 v26  }
0x12e: {  	v37 =	vld [tilespmem:s24+$0x10];
	v28 =	vmul.f32 $1.442695020e+00, v28;
	v31 =	vperm.xlane v16, v2  }
0x12f: {  	s21 =	simm.s32 $0xD000;
	v21 =	vld [tilespmem:s24+$0xFFFFFFF0];
	v22 =	vmax.f32 v22, v33;
	v29 =	vadd.f32 v20, v24;
	v24 =	vperm.xlane v25, v2  }
0x130: {  	v20 =	vmul.f32 v13, v5;
	v13 =	vld [tilespmem:s21+$0xFFFFFFF0];
	v31 =	vadd.f32 v16, v31;
	v22 =	vmul.f32 v22, v5  }
0x131: {  	v23 =	vperm.xlane v54, v1;
	(erf) = vpow2.f32 v28;
	v16 =	vld [tilespmem:s21+$0x0];
	v25 =	vadd.f32 v25, v24  }
0x132: {  	v14 =	vld [tilespmem:s21+$0x10];
	v26 =	vperm.xlane v31, v3;
	v24 =	vperm.xlane v22, v1  }
0x133: {  	v27 =	vadd.f32 v27, v56;
	v57 =	vperm.xlane v25, v3;
	v39 =	vpop (erf);
	(erf) = vpow2.f32 v30  }
0x134: {  	v26 =	vadd.f32 v31, v26;
	v31 =	vperm.xlane v29, v4;
	v38 =	vadd.f32 v22, v24  }
0x135: {  	v24 =	vperm.xlane v20, v1;
	v22 =	vperm.xlane v27, v3;
	v21 =	vadd.f32 v21, v13  }
0x136: {  	v30 =	vmul.f32 v39, v17;
	v31 =	vadd.f32 v29, v31;
	v29 =	vadd.f32 v55, v16  }
0x137: {  	v37 =	vadd.f32 v37, v14;
	v28 =	vperm.xlane v26, v4;
	v59 =	vmul.f32 $2.000000030e-01, v21  }
0x138: {  	v40 =	vld [tilespmem:s24+$0xFFFFFFE0];
	s20 =	simm.s32 $0x4F60;
	v25 =	vadd.f32 v25, v57;
	v22 =	vadd.f32 v27, v22;
	v27 =	vmul.f32 $2.000000030e-01, v29  }
0x139: {  	s22 =	simm.s32 $0x4FE0;
	[tilespmem:s20+$0x10] =	vst v51;
	v17 =	vld [tilespmem:s21+$0xFFFFFFE0];
	v58 =	vperm.xlane v38, v2;
	v60 =	vadd.f32 v26, v28;
	v21 =	vmax.f32 v21, v59  }
0x13a: {  	[tilespmem:s22+$0x0] =	vst v30;
	v30 =	vpop (erf);
	v21 =	vmul.f32 v21, v5;
	v26 =	vmax.f32 v29, v27;
	v27 =	vmul.f32 $2.000000030e-01, v37  }
0x13b: {  	v23 =	vadd.f32 v54, v23;
	[tilespmem:s20+$0xFFFFFFD0] =	vst v30;
	v30 =	vmul.f32 v30, v19;
	v63 =	vpop (erf);
	v61 =	vmul.f32 v26, v5  }
0x13c: {  	[tilespmem:s20+$0x0] =	vst v53;
	v29 =	vperm.xlane v25, v4;
	v18 =	vmul.f32 v63, v18;
	v28 =	vmax.f32 v37, v27  }
0x13d: {  	[tilespmem:s22+$0x10] =	vst v39;
	v27 =	vmul.f32 $1.442695020e+00, v31;
	v31 =	vadd.f32 v38, v58;
	v62 =	vperm.xlane v61, v1  }
0x13e: {  	s8 =	simm.s32 $0xD040;
	v33 =	vadd.f32 v40, v17;
	[tilespmem:s20+$0x30] =	vst v63;
	v35 =	vmul.f32 $1.442695020e+00, v60;
	v26 =	vperm.xlane v22, v4  }
0x13f: {  	s23 =	simm.s32 $0xC;
	s24 =	simm.s32 $0xF040;
	s21 =	simm.s32 $0x4FE0;
	v19 =	vperm.xlane v21, v1;
	[tilespmem:s20+$0xFFFFFFC0] =	vst v30;
	v30 =	vpop (erf);
	v34 =	vperm.xlane v31, v3;
	v32 =	vadd.f32 v61, v62  }
.LBB2_7:
0x140: {  	v36 =	vld [tilespmem:s24+$0xFFFFFFF0];
	s23 =	sadd.s32 $0x4, s23;
	v37 =	vmul.f32 $2.000000030e-01, v33;
	v24 =	vadd.f32 v20, v24;
	s22 =	sadd.s32 $0x80, s22;
	v12 =	vmul.f32 v30, v12;
	[tilespmem:s20+$0x20] =	vst v18;
	v18 =	vmovc v8  }
0x141: {  	v25 =	vadd.f32 v25, v29;
	v8 =	vmovc v11;
	v38 =	vld [tilespmem:s24+$0xFFFFFFE0];
	p1 =	slt.u32 s23, $0xFC;
	v20 =	vperm.xlane v32, v2;
	(erf) = vpow2.f32 v35;
	[tilespmem:s20+$0xFFFFFFF0] =	vst v30  }
0x142: {  	v31 =	vadd.f32 v31, v34;
	v29 =	vld [tilespmem:s24+$0x0];
	v30 =	vmax.f32 v33, v37;
	v33 =	vperm.xlane v23, v2;
	[tilespmem:s20+$0xFFFFFFE0] =	vst v12;
	s20 =	smov.u32 s21;
	s21 =	smov.u32 s22  }
0x143: {  	v11 =	vmovc v17;
	v34 =	vld [tilespmem:s24+$0x10];
	v32 =	vadd.f32 v32, v20;
	v20 =	vmul.f32 v28, v5;
	v28 =	vperm.xlane v24, v2  }
0x144: {  	v22 =	vadd.f32 v22, v26;
	v30 =	vmul.f32 v30, v5;
	v17 =	vld [tilespmem:s8+$0xFFFFFFE0];
	(erf) = vpow2.f32 v27;
	v12 =	vmovc v6;
	v6 =	vmovc v9  }
0x145: {  	v35 =	vmovc v7;
	v25 =	vmul.f32 $1.442695020e+00, v25;
	v23 =	vadd.f32 v23, v33;
	v9 =	vmovc v13;
	v26 =	vld [tilespmem:s8+$0x0];
	v27 =	vperm.xlane v32, v3  }
0x146: {  	v7 =	vmovc v10;
	v10 =	vmovc v14;
	v22 =	vmul.f32 $1.442695020e+00, v22;
	v33 =	vperm.xlane v30, v1;
	v28 =	vadd.f32 v24, v28;
	v13 =	vld [tilespmem:s8+$0xFFFFFFF0]  }
0x147: {  	v37 =	vperm.xlane v23, v3;
	v14 =	vld [tilespmem:s8+$0x10];
	v27 =	vadd.f32 v32, v27;
	v32 =	vperm.xlane v31, v4  }
0x148: {  	v24 =	vperm.xlane v20, v1;
	v30 =	vadd.f32 v30, v33;
	(erf) = vpow2.f32 v22  }
0x149: {  	v22 =	vperm.xlane v28, v3;
	v33 =	vperm.xlane v27, v4;
	v31 =	vadd.f32 v31, v32  }
0x14a: {  	v32 =	vperm.xlane v30, v2;
	v29 =	vadd.f32 v29, v26;
	v39 =	vpop (erf);
	(erf) = vpow2.f32 v25  }
0x14b: {  	v22 =	vadd.f32 v28, v22;
	v36 =	vadd.f32 v36, v13;
	v40 =	vmul.f32 v39, v15;
	[tilespmem:s22+$0x10] =	vst v39  }
0x14c: {  	v25 =	vadd.f32 v23, v37;
	v15 =	vmovc v16;
	v16 =	vmovc v26;
	v28 =	vmul.f32 $2.000000030e-01, v29;
	v34 =	vadd.f32 v34, v14  }
0x14d: {  	v23 =	vadd.f32 v21, v19;
	v37 =	vadd.f32 v27, v33;
	v26 =	vmul.f32 $2.000000030e-01, v36;
	[tilespmem:s22+$0x0] =	vst v40;
	v19 =	vpop (erf)  }
0x14e: {  	v21 =	vmax.f32 v29, v28;
	v27 =	vmul.f32 $2.000000030e-01, v34;
	v29 =	vperm.xlane v25, v4;
	[tilespmem:s20+$0xFFFFFFD0] =	vst v19  }
.Ltmp2:
0x14f: {  	v28 =	vmax.f32 v36, v26;
	v36 =	vmul.f32 v21, v5;
	v26 =	vperm.xlane v22, v4;
	(pc) =	sbr.rel @p1 .LBB2_7-.Ltmp2, $4  }
0x150: {  	v21 =	vmul.f32 v28, v5;
	v28 =	vmax.f32 v34, v27;
	v27 =	vmul.f32 $1.442695020e+00, v31  }
0x151: {  	v39 =	vmul.f32 v19, v18;
	v31 =	vadd.f32 v30, v32;
	v34 =	vperm.xlane v36, v1;
	v32 =	vpop (erf)  }
0x152: {  	v33 =	vadd.f32 v38, v17;
	v19 =	vperm.xlane v21, v1;
	v18 =	vmul.f32 v32, v35;
	[tilespmem:s20+$0x30] =	vst v32  }
0x153: {  	s24 =	sadd.s32 $0x40, s24;
	s8 =	sadd.s32 $0x40, s8;
	v35 =	vmul.f32 $1.442695020e+00, v37;
	v32 =	vadd.f32 v36, v34;
	v34 =	vperm.xlane v31, v3;
	[tilespmem:s20+$0xFFFFFFC0] =	vst v39;
	v30 =	vpop (erf)  }
0x154: {  	v36 =	vmul.f32 $2.000000030e-01, v33;
	v12 =	vmul.f32 v30, v12;
	v20 =	vadd.f32 v20, v24  }
0x155: {  	v25 =	vadd.f32 v25, v29;
	v58 =	vperm.xlane v23, v2;
	v28 =	vmul.f32 v28, v5  }
0x156: {  	v22 =	vadd.f32 v22, v26;
	v19 =	vadd.f32 v21, v19;
	v56 =	vperm.xlane v32, v2  }
0x157: {  	(erf) = vpow2.f32 v35;
	v57 =	vmax.f32 v33, v36;
	v59 =	vperm.xlane v20, v2  }
0x158: {  	v31 =	vadd.f32 v31, v34;
	(erf) = vpow2.f32 v27;
	v29 =	vmul.f32 v57, v5  }
0x159: {  	v23 =	vadd.f32 v23, v58;
	v25 =	vmul.f32 $1.442695020e+00, v25;
	v22 =	vmul.f32 $1.442695020e+00, v22  }
0x15a: {  	v36 =	vperm.xlane v28, v1;
	v24 =	vadd.f32 v32, v56;
	v61 =	vperm.xlane v29, v1  }
0x15b: {  	v45 =	vperm.xlane v19, v2;
	v62 =	vperm.xlane v31, v4;
	v20 =	vadd.f32 v20, v59  }
0x15c: {  	v63 =	vperm.xlane v23, v3;
	v60 =	vperm.xlane v24, v3;
	v27 =	vadd.f32 v29, v61  }
0x15d: {  	(erf) = vpow2.f32 v22;
	v41 =	vadd.f32 v28, v36;
	v19 =	vadd.f32 v19, v45  }
0x15e: {  	v26 =	vadd.f32 v31, v62;
	v24 =	vadd.f32 v24, v60;
	v39 =	vperm.xlane v27, v2  }
0x15f: {  	v38 =	vperm.xlane v20, v3;
	v23 =	vadd.f32 v23, v63;
	v51 =	vperm.xlane v19, v3  }
0x160: {  	v43 =	vperm.xlane v41, v2;
	v37 =	vperm.xlane v24, v4;
	v27 =	vadd.f32 v27, v39  }
0x161: {  	v26 =	vmul.f32 $1.442695020e+00, v26;
	v20 =	vadd.f32 v20, v38;
	v55 =	vadd.f32 v19, v51  }
0x162: {  	v40 =	vpop (erf);
	(erf) = vpow2.f32 v25;
	v22 =	vadd.f32 v24, v37;
	v46 =	vperm.xlane v27, v3  }
0x163: {  	v42 =	vperm.xlane v23, v4;
	v44 =	vperm.xlane v20, v4;
	v24 =	vadd.f32 v41, v43  }
0x164: {  	v58 =	vperm.xlane v55, v4;
	v22 =	vmul.f32 $1.442695020e+00, v22;
	v49 =	vadd.f32 v27, v46  }
0x165: {  	[tilespmem:s20+$0x20] =	vst v18;
	v15 =	vmul.f32 v40, v15;
	v47 =	vadd.f32 v20, v44;
	v48 =	vperm.xlane v24, v3  }
0x166: {  	[tilespmem:s20+$0xFFFFFFF0] =	vst v30;
	v21 =	vadd.f32 v23, v42;
	(erf) = vpow2.f32 v22;
	v53 =	vperm.xlane v49, v4  }
0x167: {  	s8 =	sadd.s32 $0x80, s22;
	[tilespmem:s20+$0xFFFFFFE0] =	vst v12;
	v52 =	vpop (erf);
	v50 =	vmul.f32 $1.442695020e+00, v47;
	v20 =	vadd.f32 v24, v48;
	(erf) = vpow2.f32 v26  }
0x168: {  	[tilespmem:s8+$0x10] =	vst v40;
	v21 =	vmul.f32 $1.442695020e+00, v21;
	v8 =	vmul.f32 v52, v8;
	v57 =	vadd.f32 v49, v53  }
0x169: {  	[tilespmem:s21+$0xFFFFFFD0] =	vst v52;
	(erf) = vpow2.f32 v50;
	v56 =	vperm.xlane v20, v4  }
0x16a: {  	[tilespmem:s8+$0x0] =	vst v15;
	v54 =	vpop (erf);
	(erf) = vpow2.f32 v21;
	v19 =	vmul.f32 $1.442695020e+00, v57  }
0x16b: {  	v7 =	vmul.f32 v54, v7;
	[tilespmem:s21+$0x30] =	vst v54;
	v18 =	vadd.f32 v20, v56;
	v59 =	vpop (erf)  }
0x16c: {  	v12 =	vadd.f32 v55, v58;
	[tilespmem:s21+$0xFFFFFFC0] =	vst v8;
	v6 =	vmul.f32 v59, v6;
	(erf) = vpow2.f32 v19  }
0x16d: {  	[tilespmem:s21+$0x20] =	vst v7;
	v60 =	vmul.f32 $1.442695020e+00, v18  }
0x16e: {  	[tilespmem:s21+$0xFFFFFFE0] =	vst v6;
	v6 =	vmul.f32 $1.442695020e+00, v12  }
0x16f: {  	s23 =	sadd.s32 $0x80, s8;
	[tilespmem:s21+$0xFFFFFFF0] =	vst v59;
	v7 =	vpop (erf);
	(erf) = vpow2.f32 v60  }
0x170: {  	v61 =	vmul.f32 v7, v16;
	[tilespmem:s23+$0x10] =	vst v7;
	v7 =	vpop (erf)  }
0x171: {  	(erf) = vpow2.f32 v6;
	[tilespmem:s8+$0xFFFFFFD0] =	vst v7  }
0x172: {  	v6 =	vpop (erf);
	v7 =	vmul.f32 v7, v11;
	[tilespmem:s23+$0x0] =	vst v61  }
0x173: {  	v62 =	vmul.f32 v6, v10;
	[tilespmem:s8+$0x30] =	vst v6;
	v6 =	vpop (erf)  }
0x174: {  	[tilespmem:s8+$0xFFFFFFC0] =	vst v7;
	v7 =	vmul.f32 v6, v9  }
0x175: {  	[tilespmem:s8+$0xFFFFFFF0] =	vst v6;
	v6 =	vpop (erf)  }
0x176: {  	[tilespmem:s23+$0xFFFFFFD0] =	vst v6;
	v6 =	vmul.f32 v6, v17  }
0x177: {  	[tilespmem:s8+$0x20] =	vst v62  }
0x178: {  	[tilespmem:s8+$0xFFFFFFE0] =	vst v7;
	v7 =	vpop (erf)  }
0x179: {  	v63 =	vmul.f32 v7, v14;
	[tilespmem:s23+$0x30] =	vst v7  }
0x17a: {  	[tilespmem:s23+$0xFFFFFFC0] =	vst v6;
	v6 =	vpop (erf)  }
0x17b: {  	[tilespmem:s23+$0x20] =	vst v63;
	v7 =	vmul.f32 v6, v13  }
0x17c: {  	[tilespmem:s23+$0xFFFFFFF0] =	vst v6  }
0x17d: {  	s24 =	sadd.s32 $0x9820, s14;
	[tilespmem:s23+$0xFFFFFFE0] =	vst v7  }
0x17e: {  	[spmem:s3] =	stream.indirect.scatter.add.f32 [tilespmem:s17], [sflag:$0x4], $0x20, s24, s26, $0xb8;
	[tilespmem:$0xFF30] =	vst v63  }
0x17f: {  	_ =	swait.ge [sflag:s18], $0x1000  }
0x180: {  	[sflag:s18] =	ssyncset.done $0x0  }
0x181: {  	s20 =	sadd.s32 $0x98A0, s14;
	[sflag:s18] =	ssyncadd.s32 $0xFFFFF000  }
0x182: {  	[spmem:s3] =	stream.indirect.scatter.add.f32 [tilespmem:s15], [sflag:$0x4], $0x20, s20, s26, $0xb8;
	[tilespmem:$0xFF30] =	vst v63  }
0x183: {  	_ =	swait.ge [sflag:s18], $0x1000  }
0x184: {  	[sflag:s18] =	ssyncset.done $0x0  }
0x185: {  	s7 =	sadd.s32 $0x1, s7;
	s21 =	sadd.s32 $0x7220, s13;
	[sflag:s18] =	ssyncadd.s32 $0xFFFFF000  }
0x186: {  	[tilespmem:s30], [sflag:$0x2] =	stream.indirect.gather [hbm4b:s5+s26], $0x10, s21, s26, $0xb8;
	[tilespmem:$0xFF30] =	vst v63  }
0x187: {  	s22 =	sadd.s32 $0x9A20, s13;
	p1 =	sne.s32 s7, $0x13  }
0x188: {  	[tilespmem:s19], [sflag:$0x2] =	stream.indirect.gather [hbm4b:s5+s26], $0x10, s22, s26, $0xb8;
	[tilespmem:$0xFF30] =	vst v63  }
.Ltmp3:
0x189: {  	_ = 	snop;
	(pc) =	sbr.rel @p1 .LBB2_4-.Ltmp3, $4  }
0x18a: {  	s23 =	sadd.s32 $0x72A0, s13  }
0x18b: {  	[tilespmem:s1], [sflag:$0x2] =	stream.indirect.gather [hbm4b:s5+s26], $0x10, s23, s26, $0xb8;
	[tilespmem:$0xFF30] =	vst v63  }
0x18c: {  	s24 =	sadd.s32 $0x9AA0, s13  }
0x18d: {  	[tilespmem:s2], [sflag:$0x2] =	stream.indirect.gather [hbm4b:s5+s26], $0x10, s24, s26, $0xb8;
	[tilespmem:$0xFF30] =	vst v63  }
0x18e: {  	_ =	swait.ge [sflag:s4], $0x800  }
0x18f: {  	[sflag:s4] =	ssyncset.done $0x0  }
0x190: {  	[sflag:s4] =	ssyncadd.s32 $0xFFFFF800  }
0x191: {  	_ =	swait.ge [sflag:s4], $0x800  }
0x192: {  	[sflag:s4] =	ssyncset.done $0x0  }
0x193: {  	[sflag:s4] =	ssyncadd.s32 $0xFFFFF800  }
0x194: {  	_ =	swait.ge [sflag:s4], $0x800  }
0x195: {  	[sflag:s4] =	ssyncset.done $0x0  }
0x196: {  	[sflag:s4] =	ssyncadd.s32 $0xFFFFF800  }
0x197: {  	_ =	swait.ge [sflag:s4], $0x800  }
0x198: {  	[sflag:s4] =	ssyncset.done $0x0  }
0x199: {  	s7 =	simm.s32 $0xDF40;
	[sflag:s4] =	ssyncadd.s32 $0xFFFFF800  }
0x19a: {  	s8 =	simm.s32 $0xBF40;
	v6 =	vld [tilespmem:s7+$0x0]  }
0x19b: {  	v13 =	vld [tilespmem:s8+$0x0];
	_ =	sdelay $0x4  }
0x19c: {  	v7 =	vld [tilespmem:s7+$0xFFFFFFF0];
	v6 =	vadd.f32 v6, v13  }
0x19d: {  	v8 =	vld [tilespmem:s7+$0xFFFFFFE0]  }
0x19e: {  	v9 =	vld [tilespmem:s7+$0x10];
	v10 =	vmul.f32 $2.000000030e-01, v6  }
0x19f: {  	v12 =	vld [tilespmem:s8+$0xFFFFFFF0]  }
0x1a0: {  	v19 =	vld [tilespmem:s8+$0xFFFFFFE0];
	v6 =	vmax.f32 v6, v10  }
0x1a1: {  	s20 =	simm.s32 $0xDF80;
	v18 =	vld [tilespmem:s8+$0x10];
	v6 =	vmul.f32 v6, v5  }
0x1a2: {  	s21 =	simm.s32 $0xBF80;
	v11 =	vld [tilespmem:s20+$0x0]  }
0x1a3: {  	v17 =	vld [tilespmem:s21+$0x0];
	v10 =	vperm.xlane v6, v1  }
0x1a4: {  	v7 =	vadd.f32 v7, v12  }
0x1a5: {  	v8 =	vadd.f32 v8, v19;
	v10 =	vadd.f32 v6, v10  }
0x1a6: {  	v15 =	vld [tilespmem:s20+$0xFFFFFFF0];
	v9 =	vadd.f32 v9, v18;
	v14 =	vmul.f32 $2.000000030e-01, v7  }
0x1a7: {  	v16 =	vmul.f32 $2.000000030e-01, v8;
	v6 =	vld [tilespmem:s21+$0xFFFFFFF0];
	v20 =	vperm.xlane v10, v2  }
0x1a8: {  	v11 =	vadd.f32 v11, v17;
	v21 =	vmul.f32 $2.000000030e-01, v9  }
0x1a9: {  	v7 =	vmax.f32 v7, v14;
	v8 =	vmax.f32 v8, v16;
	v16 =	vld [tilespmem:s20+$0x10];
	v10 =	vadd.f32 v10, v20  }
0x1aa: {  	v14 =	vmul.f32 v7, v5;
	v7 =	vld [tilespmem:s21+$0x10];
	v20 =	vmul.f32 v8, v5  }
0x1ab: {  	v23 =	vld [tilespmem:s20+$0xFFFFFFE0];
	v8 =	vmax.f32 v9, v21;
	v21 =	vmul.f32 $2.000000030e-01, v11;
	v9 =	vperm.xlane v10, v3  }
0x1ac: {  	v24 =	vmul.f32 v8, v5;
	v15 =	vadd.f32 v15, v6;
	v8 =	vld [tilespmem:s21+$0xFFFFFFE0]  }
0x1ad: {  	v25 =	vperm.xlane v20, v1;
	v9 =	vadd.f32 v10, v9;
	v10 =	vmax.f32 v11, v21  }
0x1ae: {  	v11 =	vmul.f32 $2.000000030e-01, v15;
	v10 =	vmul.f32 v10, v5  }
0x1af: {  	v22 =	vperm.xlane v14, v1;
	v16 =	vadd.f32 v16, v7;
	v20 =	vadd.f32 v20, v25  }
0x1b0: {  	v25 =	vperm.xlane v9, v4;
	v11 =	vmax.f32 v15, v11;
	v15 =	vperm.xlane v10, v1  }
0x1b1: {  	v21 =	vperm.xlane v24, v1;
	v26 =	vperm.xlane v20, v2;
	v23 =	vadd.f32 v23, v8  }
0x1b2: {  	v9 =	vadd.f32 v9, v25;
	v25 =	vmul.f32 v11, v5;
	v10 =	vadd.f32 v10, v15  }
0x1b3: {  	v21 =	vadd.f32 v24, v21;
	v11 =	vmul.f32 $2.000000030e-01, v16;
	v15 =	vmul.f32 $2.000000030e-01, v23  }
0x1b4: {  	s22 =	simm.s32 $0xDFC0;
	v14 =	vadd.f32 v14, v22;
	v9 =	vmul.f32 $1.442695020e+00, v9;
	v27 =	vperm.xlane v10, v2  }
0x1b5: {  	s23 =	simm.s32 $0xBFC0;
	v24 =	vld [tilespmem:s22+$0x0];
	v20 =	vadd.f32 v20, v26;
	v29 =	vperm.xlane v21, v2;
	v26 =	vperm.xlane v25, v1  }
0x1b6: {  	(erf) = vpow2.f32 v9;
	v9 =	vmax.f32 v23, v15;
	v15 =	vld [tilespmem:s23+$0x0];
	v23 =	vadd.f32 v10, v27  }
0x1b7: {  	v22 =	vperm.xlane v20, v3;
	v10 =	vperm.xlane v14, v2  }
0x1b8: {  	v28 =	vld [tilespmem:s22+$0xFFFFFFF0];
	v11 =	vmax.f32 v16, v11;
	v27 =	vmul.f32 v9, v5;
	v30 =	vperm.xlane v23, v3  }
0x1b9: {  	v31 =	vmul.f32 v11, v5;
	v20 =	vadd.f32 v20, v22;
	v9 =	vld [tilespmem:s23+$0xFFFFFFF0];
	v14 =	vadd.f32 v14, v10  }
0x1ba: {  	v16 =	vld [tilespmem:s22+$0x10];
	v11 =	vadd.f32 v21, v29;
	v22 =	vperm.xlane v27, v1;
	v21 =	vadd.f32 v23, v30  }
0x1bb: {  	v10 =	vld [tilespmem:s23+$0x10];
	v23 =	vperm.xlane v20, v4;
	v29 =	vperm.xlane v14, v3;
	v24 =	vadd.f32 v24, v15  }
0x1bc: {  	v22 =	vadd.f32 v27, v22;
	v27 =	vperm.xlane v31, v1;
	v30 =	vperm.xlane v11, v3  }
0x1bd: {  	v25 =	vadd.f32 v25, v26;
	v32 =	vperm.xlane v21, v4;
	v35 =	vmul.f32 $2.000000030e-01, v24  }
0x1be: {  	v28 =	vadd.f32 v28, v9;
	v20 =	vadd.f32 v20, v23;
	v23 =	vperm.xlane v22, v2  }
0x1bf: {  	v14 =	vadd.f32 v14, v29;
	v34 =	vpop (erf);
	v24 =	vmax.f32 v24, v35;
	v21 =	vadd.f32 v21, v32  }
0x1c0: {  	v33 =	vld [tilespmem:s22+$0xFFFFFFE0];
	v36 =	vmul.f32 v34, v13;
	v13 =	vadd.f32 v16, v10;
	v16 =	vmul.f32 $2.000000030e-01, v28  }
0x1c1: {  	v30 =	vadd.f32 v11, v30;
	v11 =	vld [tilespmem:s23+$0xFFFFFFE0];
	v29 =	vperm.xlane v14, v4;
	v24 =	vmul.f32 v24, v5  }
0x1c2: {  	v21 =	vmul.f32 $1.442695020e+00, v21;
	v26 =	vmul.f32 $2.000000030e-01, v13;
	v16 =	vmax.f32 v28, v16  }
0x1c3: {  	v27 =	vadd.f32 v31, v27;
	v28 =	vperm.xlane v30, v4;
	v54 =	vmul.f32 v16, v5  }
0x1c4: {  	v14 =	vadd.f32 v14, v29;
	v16 =	vperm.xlane v24, v1;
	(erf) = vpow2.f32 v21  }
0x1c5: {  	v13 =	vmax.f32 v13, v26;
	v26 =	vmul.f32 $1.442695020e+00, v20;
	v20 =	vadd.f32 v22, v23  }
0x1c6: {  	v56 =	vperm.xlane v27, v2;
	v22 =	vadd.f32 v33, v11;
	v28 =	vadd.f32 v30, v28  }
0x1c7: {  	s24 =	simm.s32 $0xE000;
	v30 =	vmul.f32 $1.442695020e+00, v14;
	v16 =	vadd.f32 v24, v16;
	v24 =	vperm.xlane v20, v3  }
0x1c8: {  	v55 =	vld [tilespmem:s24+$0x0];
	v33 =	vmul.f32 $2.000000030e-01, v22;
	(erf) = vpow2.f32 v26  }
0x1c9: {  	v37 =	vld [tilespmem:s24+$0x10];
	v28 =	vmul.f32 $1.442695020e+00, v28;
	v31 =	vperm.xlane v16, v2  }
0x1ca: {  	s13 =	simm.s32 $0xC000;
	v21 =	vld [tilespmem:s24+$0xFFFFFFF0];
	v22 =	vmax.f32 v22, v33;
	v29 =	vadd.f32 v20, v24;
	v24 =	vperm.xlane v25, v2  }
0x1cb: {  	v20 =	vmul.f32 v13, v5;
	v13 =	vld [tilespmem:s13+$0xFFFFFFF0];
	v31 =	vadd.f32 v16, v31;
	v22 =	vmul.f32 v22, v5  }
0x1cc: {  	v23 =	vperm.xlane v54, v1;
	(erf) = vpow2.f32 v28;
	v16 =	vld [tilespmem:s13+$0x0];
	v25 =	vadd.f32 v25, v24  }
0x1cd: {  	v14 =	vld [tilespmem:s13+$0x10];
	v26 =	vperm.xlane v31, v3;
	v24 =	vperm.xlane v22, v1  }
0x1ce: {  	v27 =	vadd.f32 v27, v56;
	v57 =	vperm.xlane v25, v3;
	v39 =	vpop (erf);
	(erf) = vpow2.f32 v30  }
0x1cf: {  	v26 =	vadd.f32 v31, v26;
	v31 =	vperm.xlane v29, v4;
	v38 =	vadd.f32 v22, v24  }
0x1d0: {  	v24 =	vperm.xlane v20, v1;
	v22 =	vperm.xlane v27, v3;
	v21 =	vadd.f32 v21, v13  }
0x1d1: {  	v30 =	vmul.f32 v39, v17;
	v31 =	vadd.f32 v29, v31;
	v29 =	vadd.f32 v55, v16  }
0x1d2: {  	v37 =	vadd.f32 v37, v14;
	v28 =	vperm.xlane v26, v4;
	v59 =	vmul.f32 $2.000000030e-01, v21  }
0x1d3: {  	s7 =	simm.s32 $0x4F60;
	v40 =	vld [tilespmem:s24+$0xFFFFFFE0];
	v25 =	vadd.f32 v25, v57;
	v22 =	vadd.f32 v27, v22;
	v27 =	vmul.f32 $2.000000030e-01, v29  }
0x1d4: {  	s14 =	simm.s32 $0x4FE0;
	[tilespmem:s7+$0x10] =	vst v34;
	v17 =	vld [tilespmem:s13+$0xFFFFFFE0];
	v58 =	vperm.xlane v38, v2;
	v60 =	vadd.f32 v26, v28;
	v21 =	vmax.f32 v21, v59  }
0x1d5: {  	[tilespmem:s14+$0x0] =	vst v30;
	v30 =	vpop (erf);
	v21 =	vmul.f32 v21, v5;
	v26 =	vmax.f32 v29, v27;
	v27 =	vmul.f32 $2.000000030e-01, v37  }
0x1d6: {  	v23 =	vadd.f32 v54, v23;
	[tilespmem:s7+$0xFFFFFFD0] =	vst v30;
	v30 =	vmul.f32 v30, v19;
	v63 =	vpop (erf);
	v61 =	vmul.f32 v26, v5  }
0x1d7: {  	[tilespmem:s7+$0x0] =	vst v36;
	v29 =	vperm.xlane v25, v4;
	v18 =	vmul.f32 v63, v18;
	v28 =	vmax.f32 v37, v27  }
0x1d8: {  	[tilespmem:s14+$0x10] =	vst v39;
	v27 =	vmul.f32 $1.442695020e+00, v31;
	v31 =	vadd.f32 v38, v58;
	v62 =	vperm.xlane v61, v1  }
0x1d9: {  	s8 =	simm.s32 $0xC040;
	v33 =	vadd.f32 v40, v17;
	[tilespmem:s7+$0x30] =	vst v63;
	v35 =	vmul.f32 $1.442695020e+00, v60;
	v26 =	vperm.xlane v22, v4  }
0x1da: {  	s20 =	simm.s32 $0xC;
	s21 =	simm.s32 $0xE040;
	s13 =	simm.s32 $0x4FE0;
	v19 =	vperm.xlane v21, v1;
	[tilespmem:s7+$0xFFFFFFC0] =	vst v30;
	v30 =	vpop (erf);
	v34 =	vperm.xlane v31, v3;
	v32 =	vadd.f32 v61, v62  }
.LBB2_10:
0x1db: {  	v36 =	vld [tilespmem:s21+$0xFFFFFFF0];
	s20 =	sadd.s32 $0x4, s20;
	v37 =	vmul.f32 $2.000000030e-01, v33;
	v24 =	vadd.f32 v20, v24;
	s14 =	sadd.s32 $0x80, s14;
	v12 =	vmul.f32 v30, v12;
	[tilespmem:s7+$0x20] =	vst v18;
	v18 =	vmovc v8  }
0x1dc: {  	v25 =	vadd.f32 v25, v29;
	v8 =	vmovc v11;
	v38 =	vld [tilespmem:s21+$0xFFFFFFE0];
	p1 =	slt.u32 s20, $0xFC;
	v20 =	vperm.xlane v32, v2;
	(erf) = vpow2.f32 v35;
	[tilespmem:s7+$0xFFFFFFF0] =	vst v30  }
0x1dd: {  	v31 =	vadd.f32 v31, v34;
	v29 =	vld [tilespmem:s21+$0x0];
	v30 =	vmax.f32 v33, v37;
	v33 =	vperm.xlane v23, v2;
	[tilespmem:s7+$0xFFFFFFE0] =	vst v12;
	s7 =	smov.u32 s13;
	s13 =	smov.u32 s14  }
0x1de: {  	v11 =	vmovc v17;
	v34 =	vld [tilespmem:s21+$0x10];
	v32 =	vadd.f32 v32, v20;
	v20 =	vmul.f32 v28, v5;
	v28 =	vperm.xlane v24, v2  }
0x1df: {  	v22 =	vadd.f32 v22, v26;
	v30 =	vmul.f32 v30, v5;
	v17 =	vld [tilespmem:s8+$0xFFFFFFE0];
	(erf) = vpow2.f32 v27;
	v12 =	vmovc v6;
	v6 =	vmovc v9  }
0x1e0: {  	v35 =	vmovc v7;
	v25 =	vmul.f32 $1.442695020e+00, v25;
	v23 =	vadd.f32 v23, v33;
	v9 =	vmovc v13;
	v26 =	vld [tilespmem:s8+$0x0];
	v27 =	vperm.xlane v32, v3  }
0x1e1: {  	v7 =	vmovc v10;
	v10 =	vmovc v14;
	v22 =	vmul.f32 $1.442695020e+00, v22;
	v33 =	vperm.xlane v30, v1;
	v28 =	vadd.f32 v24, v28;
	v13 =	vld [tilespmem:s8+$0xFFFFFFF0]  }
0x1e2: {  	v37 =	vperm.xlane v23, v3;
	v14 =	vld [tilespmem:s8+$0x10];
	v27 =	vadd.f32 v32, v27;
	v32 =	vperm.xlane v31, v4  }
0x1e3: {  	v24 =	vperm.xlane v20, v1;
	v30 =	vadd.f32 v30, v33;
	(erf) = vpow2.f32 v22  }
0x1e4: {  	v22 =	vperm.xlane v28, v3;
	v33 =	vperm.xlane v27, v4;
	v31 =	vadd.f32 v31, v32  }
0x1e5: {  	v32 =	vperm.xlane v30, v2;
	v29 =	vadd.f32 v29, v26;
	v39 =	vpop (erf);
	(erf) = vpow2.f32 v25  }
0x1e6: {  	v22 =	vadd.f32 v28, v22;
	v36 =	vadd.f32 v36, v13;
	v40 =	vmul.f32 v39, v15;
	[tilespmem:s14+$0x10] =	vst v39  }
0x1e7: {  	v25 =	vadd.f32 v23, v37;
	v15 =	vmovc v16;
	v16 =	vmovc v26;
	v28 =	vmul.f32 $2.000000030e-01, v29;
	v34 =	vadd.f32 v34, v14  }
0x1e8: {  	v23 =	vadd.f32 v21, v19;
	v37 =	vadd.f32 v27, v33;
	v26 =	vmul.f32 $2.000000030e-01, v36;
	[tilespmem:s14+$0x0] =	vst v40;
	v19 =	vpop (erf)  }
0x1e9: {  	v21 =	vmax.f32 v29, v28;
	v27 =	vmul.f32 $2.000000030e-01, v34;
	v29 =	vperm.xlane v25, v4;
	[tilespmem:s7+$0xFFFFFFD0] =	vst v19  }
.Ltmp4:
0x1ea: {  	v28 =	vmax.f32 v36, v26;
	v36 =	vmul.f32 v21, v5;
	v26 =	vperm.xlane v22, v4;
	(pc) =	sbr.rel @p1 .LBB2_10-.Ltmp4, $4  }
0x1eb: {  	v21 =	vmul.f32 v28, v5;
	v28 =	vmax.f32 v34, v27;
	v27 =	vmul.f32 $1.442695020e+00, v31  }
0x1ec: {  	v39 =	vmul.f32 v19, v18;
	v31 =	vadd.f32 v30, v32;
	v34 =	vperm.xlane v36, v1;
	v32 =	vpop (erf)  }
0x1ed: {  	v33 =	vadd.f32 v38, v17;
	v19 =	vperm.xlane v21, v1;
	v18 =	vmul.f32 v32, v35;
	[tilespmem:s7+$0x30] =	vst v32  }
0x1ee: {  	s21 =	sadd.s32 $0x40, s21;
	s8 =	sadd.s32 $0x40, s8;
	v35 =	vmul.f32 $1.442695020e+00, v37;
	v32 =	vadd.f32 v36, v34;
	v34 =	vperm.xlane v31, v3;
	[tilespmem:s7+$0xFFFFFFC0] =	vst v39;
	v30 =	vpop (erf)  }
0x1ef: {  	v36 =	vmul.f32 $2.000000030e-01, v33;
	v12 =	vmul.f32 v30, v12;
	v20 =	vadd.f32 v20, v24  }
0x1f0: {  	v25 =	vadd.f32 v25, v29;
	v44 =	vperm.xlane v23, v2;
	v28 =	vmul.f32 v28, v5  }
0x1f1: {  	v22 =	vadd.f32 v22, v26;
	v24 =	vperm.xlane v32, v2;
	(erf) = vpow2.f32 v35  }
0x1f2: {  	v29 =	vmax.f32 v33, v36;
	v45 =	vperm.xlane v20, v2;
	v23 =	vadd.f32 v23, v44  }
0x1f3: {  	(erf) = vpow2.f32 v27;
	v25 =	vmul.f32 $1.442695020e+00, v25;
	v24 =	vadd.f32 v32, v24  }
0x1f4: {  	v19 =	vadd.f32 v21, v19;
	v29 =	vmul.f32 v29, v5;
	v46 =	vperm.xlane v23, v3  }
0x1f5: {  	v31 =	vadd.f32 v31, v34;
	v22 =	vmul.f32 $1.442695020e+00, v22;
	v26 =	vperm.xlane v24, v3  }
0x1f6: {  	v20 =	vadd.f32 v20, v45;
	v27 =	vperm.xlane v29, v1;
	v23 =	vadd.f32 v23, v46  }
0x1f7: {  	(erf) = vpow2.f32 v22;
	v24 =	vadd.f32 v24, v26;
	v26 =	vperm.xlane v31, v4  }
0x1f8: {  	v27 =	vadd.f32 v29, v27;
	v29 =	vperm.xlane v28, v1;
	v21 =	vperm.xlane v23, v4  }
0x1f9: {  	v22 =	vperm.xlane v24, v4;
	v26 =	vadd.f32 v31, v26;
	v31 =	vperm.xlane v20, v3  }
0x1fa: {  	v47 =	vperm.xlane v27, v2;
	v48 =	vpop (erf);
	(erf) = vpow2.f32 v25;
	v25 =	vadd.f32 v28, v29  }
0x1fb: {  	v29 =	vperm.xlane v19, v2;
	v15 =	vmul.f32 v48, v15;
	v20 =	vadd.f32 v20, v31  }
0x1fc: {  	v22 =	vadd.f32 v24, v22;
	v27 =	vadd.f32 v27, v47;
	v24 =	vperm.xlane v25, v2  }
0x1fd: {  	v21 =	vadd.f32 v23, v21;
	v26 =	vmul.f32 $1.442695020e+00, v26;
	v28 =	vperm.xlane v20, v4  }
0x1fe: {  	v22 =	vmul.f32 $1.442695020e+00, v22;
	v24 =	vadd.f32 v25, v24;
	v25 =	vperm.xlane v27, v3  }
0x1ff: {  	[tilespmem:s7+$0x20] =	vst v18;
	v19 =	vadd.f32 v19, v29;
	v21 =	vmul.f32 $1.442695020e+00, v21;
	v18 =	vadd.f32 v20, v28  }
0x200: {  	v23 =	vpop (erf);
	(erf) = vpow2.f32 v22;
	v20 =	vperm.xlane v24, v3;
	v22 =	vadd.f32 v27, v25  }
0x201: {  	s8 =	sadd.s32 $0x80, s14;
	[tilespmem:s7+$0xFFFFFFE0] =	vst v12;
	v8 =	vmul.f32 v23, v8;
	v12 =	vmul.f32 $1.442695020e+00, v18  }
0x202: {  	[tilespmem:s8+$0x0] =	vst v15;
	v15 =	vpop (erf);
	v18 =	vperm.xlane v19, v3;
	v20 =	vadd.f32 v24, v20;
	v24 =	vperm.xlane v22, v4  }
0x203: {  	(erf) = vpow2.f32 v26;
	v7 =	vmul.f32 v15, v7  }
0x204: {  	[tilespmem:s7+$0xFFFFFFF0] =	vst v30;
	(erf) = vpow2.f32 v12;
	v12 =	vadd.f32 v19, v18;
	v19 =	vadd.f32 v22, v24  }
0x205: {  	[tilespmem:s8+$0x10] =	vst v48;
	v18 =	vperm.xlane v20, v4;
	(erf) = vpow2.f32 v21  }
0x206: {  	[tilespmem:s13+$0x30] =	vst v15;
	v15 =	vperm.xlane v12, v4;
	v19 =	vmul.f32 $1.442695020e+00, v19  }
0x207: {  	[tilespmem:s13+$0xFFFFFFC0] =	vst v8;
	v8 =	vpop (erf);
	v18 =	vadd.f32 v20, v18  }
0x208: {  	[tilespmem:s13+$0xFFFFFFD0] =	vst v23;
	v6 =	vmul.f32 v8, v6;
	v12 =	vadd.f32 v12, v15;
	(erf) = vpow2.f32 v19  }
0x209: {  	[tilespmem:s13+$0x20] =	vst v7;
	v15 =	vmul.f32 $1.442695020e+00, v18  }
0x20a: {  	[tilespmem:s13+$0xFFFFFFE0] =	vst v6;
	v6 =	vmul.f32 $1.442695020e+00, v12  }
0x20b: {  	s22 =	sadd.s32 $0x80, s8;
	[tilespmem:s13+$0xFFFFFFF0] =	vst v8;
	v7 =	vpop (erf);
	(erf) = vpow2.f32 v15  }
0x20c: {  	v8 =	vmul.f32 v7, v16;
	[tilespmem:s22+$0x10] =	vst v7;
	v7 =	vpop (erf)  }
0x20d: {  	[tilespmem:s8+$0xFFFFFFD0] =	vst v7;
	(erf) = vpow2.f32 v6  }
0x20e: {  	v7 =	vmul.f32 v7, v11;
	[tilespmem:s22+$0x0] =	vst v8;
	v6 =	vpop (erf)  }
0x20f: {  	v8 =	vmul.f32 v6, v10;
	[tilespmem:s8+$0x30] =	vst v6;
	v6 =	vpop (erf)  }
0x210: {  	[tilespmem:s8+$0xFFFFFFC0] =	vst v7;
	v7 =	vmul.f32 v6, v9  }
0x211: {  	[tilespmem:s8+$0xFFFFFFF0] =	vst v6;
	v6 =	vpop (erf)  }
0x212: {  	[tilespmem:s22+$0xFFFFFFD0] =	vst v6;
	v6 =	vmul.f32 v6, v17  }
0x213: {  	[tilespmem:s8+$0x20] =	vst v8  }
0x214: {  	[tilespmem:s8+$0xFFFFFFE0] =	vst v7;
	v7 =	vpop (erf)  }
0x215: {  	v8 =	vmul.f32 v7, v14;
	[tilespmem:s22+$0x30] =	vst v7  }
0x216: {  	[tilespmem:s22+$0xFFFFFFC0] =	vst v6;
	v6 =	vpop (erf)  }
0x217: {  	[tilespmem:s22+$0x20] =	vst v8;
	v7 =	vmul.f32 v6, v13  }
0x218: {  	[tilespmem:s22+$0xFFFFFFF0] =	vst v6  }
0x219: {  	s23 =	simm.s32 $0xBD20;
	[tilespmem:s22+$0xFFFFFFE0] =	vst v7  }
0x21a: {  	[spmem:s3] =	stream.indirect.scatter.add.f32 [tilespmem:s17], [sflag:$0x4], $0x20, s23, s26, $0xb8;
	[tilespmem:$0xFF30] =	vst v63  }
0x21b: {  	_ =	swait.ge [sflag:s18], $0x1000  }
0x21c: {  	[sflag:s18] =	ssyncset.done $0x0  }
0x21d: {  	s24 =	simm.s32 $0xBDA0;
	[sflag:s18] =	ssyncadd.s32 $0xFFFFF000  }
0x21e: {  	[spmem:s3] =	stream.indirect.scatter.add.f32 [tilespmem:s15], [sflag:$0x4], $0x20, s24, s26, $0xb8;
	[tilespmem:$0xFF30] =	vst v63  }
0x21f: {  	_ =	swait.ge [sflag:s18], $0x1000  }
0x220: {  	[sflag:s18] =	ssyncset.done $0x0  }
0x221: {  	[sflag:s18] =	ssyncadd.s32 $0xFFFFF000  }
0x222: {  	_ =	swait.ge [sflag:s16], $0x800  }
0x223: {  	[sflag:s16] =	ssyncset.done $0x0  }
0x224: {  	[sflag:s16] =	ssyncadd.s32 $0xFFFFF800  }
0x225: {  	_ =	swait.ge [sflag:s16], $0x800  }
0x226: {  	[sflag:s16] =	ssyncset.done $0x0  }
0x227: {  	[sflag:s16] =	ssyncadd.s32 $0xFFFFF800  }
0x228: {  	_ =	swait.ge [sflag:s16], $0x800  }
0x229: {  	[sflag:s16] =	ssyncset.done $0x0  }
0x22a: {  	[sflag:s16] =	ssyncadd.s32 $0xFFFFF800  }
0x22b: {  	_ =	swait.ge [sflag:s16], $0x800  }
0x22c: {  	[sflag:s16] =	ssyncset.done $0x0  }
0x22d: {  	s8 =	simm.s32 $0xEF40;
	[sflag:s16] =	ssyncadd.s32 $0xFFFFF800  }
0x22e: {  	s13 =	simm.s32 $0xCF40;
	v6 =	vld [tilespmem:s8+$0x0]  }
0x22f: {  	v13 =	vld [tilespmem:s13+$0x0];
	_ =	sdelay $0x4  }
0x230: {  	v7 =	vld [tilespmem:s8+$0xFFFFFFF0];
	v6 =	vadd.f32 v6, v13  }
0x231: {  	v8 =	vld [tilespmem:s8+$0xFFFFFFE0]  }
0x232: {  	v9 =	vld [tilespmem:s8+$0x10];
	v10 =	vmul.f32 $2.000000030e-01, v6  }
0x233: {  	v12 =	vld [tilespmem:s13+$0xFFFFFFF0]  }
0x234: {  	v19 =	vld [tilespmem:s13+$0xFFFFFFE0];
	v6 =	vmax.f32 v6, v10  }
0x235: {  	s14 =	simm.s32 $0xEF80;
	v18 =	vld [tilespmem:s13+$0x10];
	v6 =	vmul.f32 v6, v5  }
0x236: {  	s20 =	simm.s32 $0xCF80;
	v11 =	vld [tilespmem:s14+$0x0]  }
0x237: {  	v17 =	vld [tilespmem:s20+$0x0];
	v10 =	vperm.xlane v6, v1  }
0x238: {  	v7 =	vadd.f32 v7, v12  }
0x239: {  	v8 =	vadd.f32 v8, v19;
	v10 =	vadd.f32 v6, v10  }
0x23a: {  	v15 =	vld [tilespmem:s14+$0xFFFFFFF0];
	v9 =	vadd.f32 v9, v18;
	v14 =	vmul.f32 $2.000000030e-01, v7  }
0x23b: {  	v16 =	vmul.f32 $2.000000030e-01, v8;
	v6 =	vld [tilespmem:s20+$0xFFFFFFF0];
	v20 =	vperm.xlane v10, v2  }
0x23c: {  	v11 =	vadd.f32 v11, v17;
	v21 =	vmul.f32 $2.000000030e-01, v9  }
0x23d: {  	v7 =	vmax.f32 v7, v14;
	v8 =	vmax.f32 v8, v16;
	v16 =	vld [tilespmem:s14+$0x10];
	v10 =	vadd.f32 v10, v20  }
0x23e: {  	v14 =	vmul.f32 v7, v5;
	v7 =	vld [tilespmem:s20+$0x10];
	v20 =	vmul.f32 v8, v5  }
0x23f: {  	v23 =	vld [tilespmem:s14+$0xFFFFFFE0];
	v8 =	vmax.f32 v9, v21;
	v21 =	vmul.f32 $2.000000030e-01, v11;
	v9 =	vperm.xlane v10, v3  }
0x240: {  	v24 =	vmul.f32 v8, v5;
	v15 =	vadd.f32 v15, v6;
	v8 =	vld [tilespmem:s20+$0xFFFFFFE0]  }
0x241: {  	v25 =	vperm.xlane v20, v1;
	v9 =	vadd.f32 v10, v9;
	v10 =	vmax.f32 v11, v21  }
0x242: {  	v11 =	vmul.f32 $2.000000030e-01, v15;
	v10 =	vmul.f32 v10, v5  }
0x243: {  	v22 =	vperm.xlane v14, v1;
	v16 =	vadd.f32 v16, v7;
	v20 =	vadd.f32 v20, v25  }
0x244: {  	v25 =	vperm.xlane v9, v4;
	v11 =	vmax.f32 v15, v11;
	v15 =	vperm.xlane v10, v1  }
0x245: {  	v21 =	vperm.xlane v24, v1;
	v26 =	vperm.xlane v20, v2;
	v23 =	vadd.f32 v23, v8  }
0x246: {  	v9 =	vadd.f32 v9, v25;
	v25 =	vmul.f32 v11, v5;
	v10 =	vadd.f32 v10, v15  }
0x247: {  	v21 =	vadd.f32 v24, v21;
	v11 =	vmul.f32 $2.000000030e-01, v16;
	v15 =	vmul.f32 $2.000000030e-01, v23  }
0x248: {  	s21 =	simm.s32 $0xEFC0;
	v14 =	vadd.f32 v14, v22;
	v9 =	vmul.f32 $1.442695020e+00, v9;
	v27 =	vperm.xlane v10, v2  }
0x249: {  	s22 =	simm.s32 $0xCFC0;
	v24 =	vld [tilespmem:s21+$0x0];
	v20 =	vadd.f32 v20, v26;
	v29 =	vperm.xlane v21, v2;
	v26 =	vperm.xlane v25, v1  }
0x24a: {  	(erf) = vpow2.f32 v9;
	v9 =	vmax.f32 v23, v15;
	v15 =	vld [tilespmem:s22+$0x0];
	v23 =	vadd.f32 v10, v27  }
0x24b: {  	v22 =	vperm.xlane v20, v3;
	v10 =	vperm.xlane v14, v2  }
0x24c: {  	v28 =	vld [tilespmem:s21+$0xFFFFFFF0];
	v11 =	vmax.f32 v16, v11;
	v27 =	vmul.f32 v9, v5;
	v30 =	vperm.xlane v23, v3  }
0x24d: {  	v31 =	vmul.f32 v11, v5;
	v20 =	vadd.f32 v20, v22;
	v9 =	vld [tilespmem:s22+$0xFFFFFFF0];
	v14 =	vadd.f32 v14, v10  }
0x24e: {  	v16 =	vld [tilespmem:s21+$0x10];
	v11 =	vadd.f32 v21, v29;
	v22 =	vperm.xlane v27, v1;
	v21 =	vadd.f32 v23, v30  }
0x24f: {  	v10 =	vld [tilespmem:s22+$0x10];
	v23 =	vperm.xlane v20, v4;
	v29 =	vperm.xlane v14, v3;
	v24 =	vadd.f32 v24, v15  }
0x250: {  	v22 =	vadd.f32 v27, v22;
	v27 =	vperm.xlane v31, v1;
	v30 =	vperm.xlane v11, v3  }
0x251: {  	v25 =	vadd.f32 v25, v26;
	v49 =	vperm.xlane v21, v4;
	v52 =	vmul.f32 $2.000000030e-01, v24  }
0x252: {  	v28 =	vadd.f32 v28, v9;
	v20 =	vadd.f32 v20, v23;
	v23 =	vperm.xlane v22, v2  }
0x253: {  	v14 =	vadd.f32 v14, v29;
	v51 =	vpop (erf);
	v24 =	vmax.f32 v24, v52;
	v21 =	vadd.f32 v21, v49  }
0x254: {  	v50 =	vld [tilespmem:s21+$0xFFFFFFE0];
	v53 =	vmul.f32 v51, v13;
	v13 =	vadd.f32 v16, v10;
	v16 =	vmul.f32 $2.000000030e-01, v28  }
0x255: {  	v30 =	vadd.f32 v11, v30;
	v11 =	vld [tilespmem:s22+$0xFFFFFFE0];
	v29 =	vperm.xlane v14, v4;
	v24 =	vmul.f32 v24, v5  }
0x256: {  	v21 =	vmul.f32 $1.442695020e+00, v21;
	v26 =	vmul.f32 $2.000000030e-01, v13;
	v16 =	vmax.f32 v28, v16  }
0x257: {  	v27 =	vadd.f32 v31, v27;
	v28 =	vperm.xlane v30, v4;
	v54 =	vmul.f32 v16, v5  }
0x258: {  	v14 =	vadd.f32 v14, v29;
	v16 =	vperm.xlane v24, v1;
	(erf) = vpow2.f32 v21  }
0x259: {  	v13 =	vmax.f32 v13, v26;
	v26 =	vmul.f32 $1.442695020e+00, v20;
	v20 =	vadd.f32 v22, v23  }
0x25a: {  	v56 =	vperm.xlane v27, v2;
	v22 =	vadd.f32 v50, v11;
	v28 =	vadd.f32 v30, v28  }
0x25b: {  	s23 =	simm.s32 $0xF000;
	v30 =	vmul.f32 $1.442695020e+00, v14;
	v16 =	vadd.f32 v24, v16;
	v24 =	vperm.xlane v20, v3  }
0x25c: {  	v55 =	vld [tilespmem:s23+$0x0];
	v33 =	vmul.f32 $2.000000030e-01, v22;
	(erf) = vpow2.f32 v26  }
0x25d: {  	v37 =	vld [tilespmem:s23+$0x10];
	v28 =	vmul.f32 $1.442695020e+00, v28;
	v31 =	vperm.xlane v16, v2  }
0x25e: {  	s24 =	simm.s32 $0xD000;
	v21 =	vld [tilespmem:s23+$0xFFFFFFF0];
	v22 =	vmax.f32 v22, v33;
	v29 =	vadd.f32 v20, v24;
	v24 =	vperm.xlane v25, v2  }
0x25f: {  	v20 =	vmul.f32 v13, v5;
	v13 =	vld [tilespmem:s24+$0xFFFFFFF0];
	v31 =	vadd.f32 v16, v31;
	v22 =	vmul.f32 v22, v5  }
0x260: {  	v23 =	vperm.xlane v54, v1;
	(erf) = vpow2.f32 v28;
	v16 =	vld [tilespmem:s24+$0x0];
	v25 =	vadd.f32 v25, v24  }
0x261: {  	v14 =	vld [tilespmem:s24+$0x10];
	v26 =	vperm.xlane v31, v3;
	v24 =	vperm.xlane v22, v1  }
0x262: {  	v27 =	vadd.f32 v27, v56;
	v57 =	vperm.xlane v25, v3;
	v39 =	vpop (erf);
	(erf) = vpow2.f32 v30  }
0x263: {  	v26 =	vadd.f32 v31, v26;
	v31 =	vperm.xlane v29, v4;
	v38 =	vadd.f32 v22, v24  }
0x264: {  	v24 =	vperm.xlane v20, v1;
	v22 =	vperm.xlane v27, v3;
	v21 =	vadd.f32 v21, v13  }
0x265: {  	v30 =	vmul.f32 v39, v17;
	v31 =	vadd.f32 v29, v31;
	v29 =	vadd.f32 v55, v16  }
0x266: {  	v37 =	vadd.f32 v37, v14;
	v28 =	vperm.xlane v26, v4;
	v59 =	vmul.f32 $2.000000030e-01, v21  }
0x267: {  	s7 =	simm.s32 $0x4F60;
	v40 =	vld [tilespmem:s23+$0xFFFFFFE0];
	v25 =	vadd.f32 v25, v57;
	v22 =	vadd.f32 v27, v22;
	v27 =	vmul.f32 $2.000000030e-01, v29  }
0x268: {  	s14 =	simm.s32 $0x4FE0;
	[tilespmem:s7+$0x10] =	vst v51;
	v17 =	vld [tilespmem:s24+$0xFFFFFFE0];
	v58 =	vperm.xlane v38, v2;
	v60 =	vadd.f32 v26, v28;
	v21 =	vmax.f32 v21, v59  }
0x269: {  	[tilespmem:s14+$0x0] =	vst v30;
	v30 =	vpop (erf);
	v21 =	vmul.f32 v21, v5;
	v26 =	vmax.f32 v29, v27;
	v27 =	vmul.f32 $2.000000030e-01, v37  }
0x26a: {  	v23 =	vadd.f32 v54, v23;
	[tilespmem:s7+$0xFFFFFFD0] =	vst v30;
	v30 =	vmul.f32 v30, v19;
	v63 =	vpop (erf);
	v61 =	vmul.f32 v26, v5  }
0x26b: {  	[tilespmem:s7+$0x0] =	vst v53;
	v29 =	vperm.xlane v25, v4;
	v18 =	vmul.f32 v63, v18;
	v28 =	vmax.f32 v37, v27  }
0x26c: {  	s8 =	simm.s32 $0xD040;
	[tilespmem:s14+$0x10] =	vst v39;
	v27 =	vmul.f32 $1.442695020e+00, v31;
	v31 =	vadd.f32 v38, v58;
	v62 =	vperm.xlane v61, v1  }
0x26d: {  	s13 =	simm.s32 $0x4FE0;
	s20 =	simm.s32 $0xC;
	s21 =	simm.s32 $0xF040;
	v33 =	vadd.f32 v40, v17;
	[tilespmem:s7+$0x30] =	vst v63;
	v35 =	vmul.f32 $1.442695020e+00, v60;
	v26 =	vperm.xlane v22, v4  }
0x26e: {  	s22 =	smov.u32 s12;
	s23 =	smov.u32 s11;
	s24 =	simm.s32 $0x6F20;
	v19 =	vperm.xlane v21, v1;
	[tilespmem:s7+$0xFFFFFFC0] =	vst v30;
	v30 =	vpop (erf);
	v34 =	vperm.xlane v31, v3;
	v32 =	vadd.f32 v61, v62  }
.LBB2_12:
0x26f: {  	v36 =	vld [tilespmem:s21+$0xFFFFFFF0];
	s20 =	sadd.s32 $0x4, s20;
	v37 =	vmul.f32 $2.000000030e-01, v33;
	v24 =	vadd.f32 v20, v24;
	s14 =	sadd.s32 $0x80, s14;
	v12 =	vmul.f32 v30, v12;
	[tilespmem:s7+$0x20] =	vst v18;
	v18 =	vmovc v8  }
0x270: {  	v25 =	vadd.f32 v25, v29;
	v8 =	vmovc v11;
	v38 =	vld [tilespmem:s21+$0xFFFFFFE0];
	p1 =	slt.u32 s20, $0xFC;
	v20 =	vperm.xlane v32, v2;
	(erf) = vpow2.f32 v35;
	[tilespmem:s7+$0xFFFFFFF0] =	vst v30  }
0x271: {  	v31 =	vadd.f32 v31, v34;
	v29 =	vld [tilespmem:s21+$0x0];
	v30 =	vmax.f32 v33, v37;
	v33 =	vperm.xlane v23, v2;
	[tilespmem:s7+$0xFFFFFFE0] =	vst v12;
	s7 =	smov.u32 s13;
	s13 =	smov.u32 s14  }
0x272: {  	v11 =	vmovc v17;
	v34 =	vld [tilespmem:s21+$0x10];
	v32 =	vadd.f32 v32, v20;
	v20 =	vmul.f32 v28, v5;
	v28 =	vperm.xlane v24, v2  }
0x273: {  	v22 =	vadd.f32 v22, v26;
	v30 =	vmul.f32 v30, v5;
	v17 =	vld [tilespmem:s8+$0xFFFFFFE0];
	(erf) = vpow2.f32 v27;
	v12 =	vmovc v6;
	v6 =	vmovc v9  }
0x274: {  	v35 =	vmovc v7;
	v25 =	vmul.f32 $1.442695020e+00, v25;
	v23 =	vadd.f32 v23, v33;
	v9 =	vmovc v13;
	v26 =	vld [tilespmem:s8+$0x0];
	v27 =	vperm.xlane v32, v3  }
0x275: {  	v7 =	vmovc v10;
	v10 =	vmovc v14;
	v22 =	vmul.f32 $1.442695020e+00, v22;
	v33 =	vperm.xlane v30, v1;
	v28 =	vadd.f32 v24, v28;
	v13 =	vld [tilespmem:s8+$0xFFFFFFF0]  }
0x276: {  	v37 =	vperm.xlane v23, v3;
	v14 =	vld [tilespmem:s8+$0x10];
	v27 =	vadd.f32 v32, v27;
	v32 =	vperm.xlane v31, v4  }
0x277: {  	v24 =	vperm.xlane v20, v1;
	v30 =	vadd.f32 v30, v33;
	(erf) = vpow2.f32 v22  }
0x278: {  	v22 =	vperm.xlane v28, v3;
	v33 =	vperm.xlane v27, v4;
	v31 =	vadd.f32 v31, v32  }
0x279: {  	v32 =	vperm.xlane v30, v2;
	v29 =	vadd.f32 v29, v26;
	v39 =	vpop (erf);
	(erf) = vpow2.f32 v25  }
0x27a: {  	v22 =	vadd.f32 v28, v22;
	v36 =	vadd.f32 v36, v13;
	v40 =	vmul.f32 v39, v15;
	[tilespmem:s14+$0x10] =	vst v39  }
0x27b: {  	v25 =	vadd.f32 v23, v37;
	v15 =	vmovc v16;
	v16 =	vmovc v26;
	v28 =	vmul.f32 $2.000000030e-01, v29;
	v34 =	vadd.f32 v34, v14  }
0x27c: {  	v23 =	vadd.f32 v21, v19;
	v37 =	vadd.f32 v27, v33;
	v26 =	vmul.f32 $2.000000030e-01, v36;
	[tilespmem:s14+$0x0] =	vst v40;
	v19 =	vpop (erf)  }
0x27d: {  	v21 =	vmax.f32 v29, v28;
	v27 =	vmul.f32 $2.000000030e-01, v34;
	v29 =	vperm.xlane v25, v4;
	[tilespmem:s7+$0xFFFFFFD0] =	vst v19  }
.Ltmp5:
0x27e: {  	v28 =	vmax.f32 v36, v26;
	v36 =	vmul.f32 v21, v5;
	v26 =	vperm.xlane v22, v4;
	(pc) =	sbr.rel @p1 .LBB2_12-.Ltmp5, $4  }
0x27f: {  	v21 =	vmul.f32 v28, v5;
	v28 =	vmax.f32 v34, v27;
	v27 =	vmul.f32 $1.442695020e+00, v31  }
0x280: {  	v39 =	vmul.f32 v19, v18;
	v31 =	vadd.f32 v30, v32;
	v34 =	vperm.xlane v36, v1;
	v32 =	vpop (erf)  }
0x281: {  	v33 =	vadd.f32 v38, v17;
	v19 =	vperm.xlane v21, v1;
	v18 =	vmul.f32 v32, v35;
	[tilespmem:s7+$0x30] =	vst v32  }
0x282: {  	s21 =	sadd.s32 $0x40, s21;
	s8 =	sadd.s32 $0x40, s8;
	v35 =	vmul.f32 $1.442695020e+00, v37;
	v32 =	vadd.f32 v36, v34;
	v34 =	vperm.xlane v31, v3;
	[tilespmem:s7+$0xFFFFFFC0] =	vst v39;
	v30 =	vpop (erf)  }
0x283: {  	v36 =	vmul.f32 $2.000000030e-01, v33;
	v12 =	vmul.f32 v30, v12;
	v20 =	vadd.f32 v20, v24  }
0x284: {  	v25 =	vadd.f32 v25, v29;
	v62 =	vperm.xlane v23, v2;
	v28 =	vmul.f32 v28, v5  }
0x285: {  	v22 =	vadd.f32 v22, v26;
	v19 =	vadd.f32 v21, v19;
	v60 =	vperm.xlane v32, v2  }
0x286: {  	(erf) = vpow2.f32 v35;
	v61 =	vmax.f32 v33, v36;
	v63 =	vperm.xlane v20, v2  }
0x287: {  	v31 =	vadd.f32 v31, v34;
	(erf) = vpow2.f32 v27;
	v5 =	vmul.f32 v61, v5  }
0x288: {  	v23 =	vadd.f32 v23, v62;
	v25 =	vmul.f32 $1.442695020e+00, v25;
	v22 =	vmul.f32 $1.442695020e+00, v22  }
0x289: {  	v40 =	vperm.xlane v28, v1;
	v24 =	vadd.f32 v32, v60;
	v37 =	vperm.xlane v5, v1  }
0x28a: {  	v49 =	vperm.xlane v19, v2;
	v38 =	vperm.xlane v31, v4;
	v20 =	vadd.f32 v20, v63  }
0x28b: {  	v39 =	vperm.xlane v23, v3;
	v36 =	vperm.xlane v24, v3;
	v5 =	vadd.f32 v5, v37  }
0x28c: {  	(erf) = vpow2.f32 v22;
	v45 =	vadd.f32 v28, v40;
	v19 =	vadd.f32 v19, v49  }
0x28d: {  	v26 =	vadd.f32 v31, v38;
	v24 =	vadd.f32 v24, v36;
	v43 =	vperm.xlane v5, v2  }
0x28e: {  	v42 =	vperm.xlane v20, v3;
	v23 =	vadd.f32 v23, v39;
	v54 =	vperm.xlane v19, v3  }
0x28f: {  	v47 =	vperm.xlane v45, v2;
	v41 =	vperm.xlane v24, v4;
	v5 =	vadd.f32 v5, v43  }
0x290: {  	v26 =	vmul.f32 $1.442695020e+00, v26;
	v20 =	vadd.f32 v20, v42;
	v58 =	vadd.f32 v19, v54  }
0x291: {  	v44 =	vpop (erf);
	(erf) = vpow2.f32 v25;
	v22 =	vadd.f32 v24, v41;
	v50 =	vperm.xlane v5, v3  }
0x292: {  	v46 =	vperm.xlane v23, v4;
	v48 =	vperm.xlane v20, v4;
	v24 =	vadd.f32 v45, v47  }
0x293: {  	v60 =	vperm.xlane v58, v4;
	v22 =	vmul.f32 $1.442695020e+00, v22;
	v5 =	vadd.f32 v5, v50  }
0x294: {  	[tilespmem:s7+$0x20] =	vst v18;
	v15 =	vmul.f32 v44, v15;
	v51 =	vadd.f32 v20, v48;
	v52 =	vperm.xlane v24, v3  }
0x295: {  	[tilespmem:s7+$0xFFFFFFF0] =	vst v30;
	v21 =	vadd.f32 v23, v46;
	(erf) = vpow2.f32 v22;
	v56 =	vperm.xlane v5, v4  }
0x296: {  	s8 =	sadd.s32 $0x80, s14;
	[tilespmem:s7+$0xFFFFFFE0] =	vst v12;
	v55 =	vpop (erf);
	v53 =	vmul.f32 $1.442695020e+00, v51;
	v20 =	vadd.f32 v24, v52;
	(erf) = vpow2.f32 v26  }
0x297: {  	[tilespmem:s8+$0x10] =	vst v44;
	v21 =	vmul.f32 $1.442695020e+00, v21;
	v8 =	vmul.f32 v55, v8;
	v5 =	vadd.f32 v5, v56  }
0x298: {  	[tilespmem:s13+$0xFFFFFFD0] =	vst v55;
	(erf) = vpow2.f32 v53;
	v59 =	vperm.xlane v20, v4  }
0x299: {  	[tilespmem:s8+$0x0] =	vst v15;
	v57 =	vpop (erf);
	(erf) = vpow2.f32 v21;
	v5 =	vmul.f32 $1.442695020e+00, v5  }
0x29a: {  	v7 =	vmul.f32 v57, v7;
	[tilespmem:s13+$0x30] =	vst v57;
	v18 =	vadd.f32 v20, v59;
	v61 =	vpop (erf)  }
0x29b: {  	v12 =	vadd.f32 v58, v60;
	[tilespmem:s13+$0xFFFFFFC0] =	vst v8;
	v6 =	vmul.f32 v61, v6;
	(erf) = vpow2.f32 v5  }
0x29c: {  	[tilespmem:s13+$0x20] =	vst v7;
	v62 =	vmul.f32 $1.442695020e+00, v18  }
0x29d: {  	[tilespmem:s13+$0xFFFFFFF0] =	vst v61;
	v5 =	vmul.f32 $1.442695020e+00, v12  }
0x29e: {  	s11 =	sadd.s32 $0x80, s8;
	[tilespmem:s13+$0xFFFFFFE0] =	vst v6;
	v7 =	vpop (erf);
	(erf) = vpow2.f32 v62  }
0x29f: {  	v63 =	vmul.f32 v7, v16;
	[tilespmem:s11+$0x10] =	vst v7;
	v6 =	vpop (erf)  }
0x2a0: {  	(erf) = vpow2.f32 v5;
	[tilespmem:s8+$0xFFFFFFD0] =	vst v6  }
0x2a1: {  	v6 =	vmul.f32 v6, v11;
	[tilespmem:s11+$0x0] =	vst v63;
	v5 =	vpop (erf)  }
0x2a2: {  	v7 =	vmul.f32 v5, v10;
	[tilespmem:s8+$0x30] =	vst v5;
	v5 =	vpop (erf)  }
0x2a3: {  	[tilespmem:s8+$0xFFFFFFC0] =	vst v6;
	v6 =	vmul.f32 v5, v9  }
0x2a4: {  	[tilespmem:s8+$0xFFFFFFF0] =	vst v5;
	v5 =	vpop (erf)  }
0x2a5: {  	[tilespmem:s11+$0xFFFFFFD0] =	vst v5;
	v5 =	vmul.f32 v5, v17  }
0x2a6: {  	[tilespmem:s8+$0x20] =	vst v7  }
0x2a7: {  	[tilespmem:s8+$0xFFFFFFE0] =	vst v6;
	v6 =	vpop (erf)  }
0x2a8: {  	v7 =	vmul.f32 v6, v14;
	[tilespmem:s11+$0x30] =	vst v6  }
0x2a9: {  	[tilespmem:s11+$0xFFFFFFC0] =	vst v5;
	v5 =	vpop (erf)  }
0x2aa: {  	[tilespmem:s11+$0x20] =	vst v7;
	v6 =	vmul.f32 v5, v13  }
0x2ab: {  	[tilespmem:s11+$0xFFFFFFF0] =	vst v5  }
0x2ac: {  	s12 =	simm.s32 $0xBE20;
	[tilespmem:s11+$0xFFFFFFE0] =	vst v6  }
0x2ad: {  	[spmem:s3] =	stream.indirect.scatter.add.f32 [tilespmem:s17], [sflag:$0x4], $0x20, s12, s26, $0xb8;
	[tilespmem:$0xFF30] =	vst v63  }
0x2ae: {  	_ =	swait.ge [sflag:s18], $0x1000  }
0x2af: {  	[sflag:s18] =	ssyncset.done $0x0  }
0x2b0: {  	s13 =	simm.s32 $0xBEA0;
	[sflag:s18] =	ssyncadd.s32 $0xFFFFF000  }
0x2b1: {  	[spmem:s3] =	stream.indirect.scatter.add.f32 [tilespmem:s15], [sflag:$0x4], $0x20, s13, s26, $0xb8;
	[tilespmem:$0xFF30] =	vst v63  }
0x2b2: {  	_ =	swait.ge [sflag:s18], $0x1000  }
0x2b3: {  	[sflag:s18] =	ssyncset.done $0x0  }
0x2b4: {  	s14 =	stileid.u32;
	[sflag:s18] =	ssyncadd.s32 $0xFFFFF000  }
0x2b5: {  	s7 =	sshll.u32 s14, $0x6;
	[bflag:$0x0] =	sbarrier.arrive $0xFFFF  }
0x2b6: {  	s20 =	sshrl.u32 s9, $0x3;
	s7 =	sor.u32 $0x1C04, s7;
	s21 =	rddreg [dreg:$0x9]  }
0x2b7: {  	[hbm:s21], [sflag:s7] =	dma.local [spmem:s20], $0x1F4  }
0x2b8: {  	_ =	swait.ge [sflag:s18], $0x1F4  }
0x2b9: {  	s20 =	smov.u32 s10;
	[sflag:s18] =	ssyncset.done $0x0  }
0x2ba: {  	s10 =	sshrl.u32 s10, $0x3;
	s11 =	rddreg [dreg:$0xa];
	[sflag:s18] =	ssyncadd.s32 $0xFFFFFE0C  }
0x2bb: {  	[hbm:s11], [sflag:s7] =	dma.local [spmem:s10], $0x1F4  }
0x2bc: {  	_ =	swait.ge [sflag:s18], $0x1F4  }
0x2bd: {  	[sflag:s18] =	ssyncset.done $0x0;
	s21 =	rddreg [dreg:$0x6]  }
0x2be: {  	s13 =	rddreg [dreg:$0xb];
	[sflag:s18] =	ssyncadd.s32 $0xFFFFFE0C;
	s12 =	sshrl.u32 s21, $0x3  }
0x2bf: {  	[hbm:s13], [sflag:s7] =	dma.local [spmem:s12], $0x1F4  }
0x2c0: {  	_ =	swait.ge [sflag:s18], $0x1F4  }
0x2c1: {  	s14 =	smov.u32 s9;
	[sflag:s18] =	ssyncset.done $0x0  }
0x2c2: {  	s9 =	sshrl.u32 s22, $0x3;
	s10 =	rddreg [dreg:$0xc];
	[sflag:s18] =	ssyncadd.s32 $0xFFFFFE0C  }
0x2c3: {  	[hbm:s10], [sflag:s7] =	dma.local [spmem:s9], $0x1F4  }
0x2c4: {  	_ =	swait.ge [sflag:s18], $0x1F4  }
0x2c5: {  	[sflag:s18] =	ssyncset.done $0x0  }
0x2c6: {  	s11 =	sshrl.u32 s23, $0x3;
	s12 =	rddreg [dreg:$0xd];
	[sflag:s18] =	ssyncadd.s32 $0xFFFFFE0C  }
0x2c7: {  	[hbm:s12], [sflag:s7] =	dma.local [spmem:s11], $0x1F4  }
0x2c8: {  	_ =	swait.ge [sflag:s18], $0x1F4  }
0x2c9: {  	s6 =	sadd.s32 $0x1, s6;
	s13 =	rddreg [dreg:$0x8]  }
0x2ca: {  	p1 =	sne.s32 s6, s13  }
.Ltmp6:
0x2cb: {  	_ = 	snop;
	(pc) =	sbr.rel @p1 .LBB2_1-.Ltmp6, $3  }
0x2cc: {  	_ =	sdelay $0x1  }
0x2cd: {  	[sflag:s18] =	ssyncset.done $0x0  }
0x2ce: {  	[sflag:s18] =	ssyncadd.s32 $0xFFFFFE0C  }
0x2cf: {  	_ =	sfence.sel $0x180000  }
0x2d0: {  	[bflag:$0x0] =	sbarrier.arrive $0xFFFF  }
0x2d1: {  	_ =	strace $0x9000004A  }
0x2d2: {  	[bflag:$0x2] =	sbarrier.arrive $0xFFFF  }
0x2d3: {  	s0 =	rddreg [dreg:$0x3]  }
0x2d4: {  	s0 =	sadd.s32 @!p0 $0x100000, s0  }
0x2d5: {  	[sflag:s0] =	ssyncadd.tile.s32 @!p0 $0x1;
	_ =	shalt  }
.Lfunc_end2:
_tile_overlayer_lowered:
.L_overlay_start_2:
0x2d6: {  	(tag) =	ssettag $0x2  }
0x2d7: {  	s0 =	rddreg [dreg:$0x0];
	s2 =	stileid.u32  }
0x2d8: {  	s1 =	rddreg [dreg:$0x1];
	p0 =	sne.s32 s2, $0x0  }
0x2d9: {  	s3 =	rddreg [dreg:$0x2];
	[bflag:$0x3] =	sbarrier.arrive $0xFFFF;
	s2 =	simm.s32 @!p0 $0x1C04  }
0x2da: {  	[timem:s3], [sflag:s2] =	dma.local @!p0 [hbm:s0], s1  }
0x2db: {  	s0 =	simm.s32 @!p0 $0x4  }
0x2dc: {  	_ =	swait.ge @!p0 [sflag:s0], s1  }
0x2dd: {  	s1 =	ssub.s32 @!p0 $0x0, s1;
	[sflag:s0] =	ssyncset.done @!p0 $0x0  }
0x2de: {  	[sflag:s0] =	ssyncadd.s32 @!p0 s1  }
0x2df: {  	[bflag:$0x3] =	sbarrier.arrive $0xFFFF  }
0x2e0: {  	_ =	shalt  }

// kernel: kernel.13.cloned.1.call-start
scs
__scs_entry_jumppad:
0x0: {  	(pc) =	sbr.rel $0x88, $3  }
0x1: {  	(tag) =	ssettag $0x0;
	lr =	simm.s32 $0x1  }
0x2: {  	[smem:$0x3F9A] =	sst lr;
	_ =	strace $0xD0000000  }
0x3: {  	_ = 	snop  }
0x4: {  	_ = 	snop  }
0x5: {  	_ = 	snop  }
0x6: {  	_ = 	snop  }
0x7: {  	_ = 	snop  }
__scs_overlays_trampoline_lowered:
0x8: {  	[smem:$0x3FA9] =	sst s0  }
0x9: {  	[smem:$0x3FAA] =	sst s1  }
0xa: {  	[smem:$0x3FAB] =	sst s2  }
0xb: {  	[smem:$0x3FAC] =	sst s3  }
0xc: {  	[smem:$0x3FAD] =	sst s4  }
0xd: {  	[smem:$0x3FAE] =	sst s5  }
0xe: {  	[smem:$0x3FAF] =	sst s6  }
0xf: {  	[smem:$0x3FB0] =	sst s7  }
0x10: {  	[smem:$0x3FB1] =	sst s8  }
0x11: {  	[smem:$0x3FB2] =	sst s9;
	s0 =	simm.s32 @!p0 $0x0  }
0x12: {  	s1 =	sld [smem:$0x3F98];
	s0 =	simm.s32 @p0 $0x1  }
0x13: {  	[smem:$0x3FB3] =	sst s0;
	s0 =	simm.s32 @!p1 $0x0  }
0x14: {  	s2 =	sld [smem:$0x3F97];
	s0 =	simm.s32 @p1 $0x1  }
0x15: {  	[smem:$0x3FB4] =	sst s0;
	s0 =	simm.s32 @!p2 $0x0  }
0x16: {  	s3 =	sld [smem:$0x3FDB];
	s0 =	simm.s32 @p2 $0x1  }
0x17: {  	s4 =	simm.s32 $0x1BF5;
	[smem:$0x3FB6] =	sst s0  }
0x18: {  	s0 =	sld [smem:$0x3F99];
	_ =	swait.ge [sflag:s4], $0x0  }
0x19: {  	s7 =	sld [smem:$0x3F9A]  }
0x1a: {  	s8 =	sadd.s32 $0xFFFFE003, lr  }
0x1b: {  	s9 =	sadd.s32 $0xFFFFFEF7, lr;
	s5 =	simm.s32 $0xFFFFFFFF;
	p2 =	slt.u32 s8, $0xFFFFF086  }
0x1c: {  	p1 =	slt.u32 s9, $0xF7A;
	s5 =	simm.s32 @!p2 $0x0  }
0x1d: {  	s5 =	simm.s32 @p1 $0x1;
	p0 =	seq.s32 s7, s2  }
0x1e: {  	s7 =	smul.u32 @!p0 $0xF7A, s2;
	p2 =	seq.s32 @!p0 s5, $0x0  }
0x1f: {  	s9 =	smul.u32 $0xF7A, s1;
	s8 =	simm.s32 @!p0 $0x1BF5;
	p2 =	por !p2, p0  }
0x20: {  	[sflag:s8] =	ssyncset.s32 @!p0 $0xFFFFF086;
	s6 =	sadd.s32 @!p0 s3, s7;
	s7 =	simm.s32 @!p0 $0x108  }
0x21: {  	s3 =	sadd.s32 s3, s9;
	s6 =	sadd.s32 @!p0 $0x88, s6;
	s7 =	simm.s32 @p2 $0x1082  }
0x22: {  	[simem:s7], [sflag:s8] =	dma.local @!p0 [hbm:s6], $0xF7A  }
0x23: {  	s9 =	sor.u32 $0xD0000000, s2;
	s6 =	simm.s32 $0x108;
	_ =	swait.ge @!p0 [sflag:s8], $0x0  }
0x24: {  	s3 =	sadd.s32 $0x88, s3;
	s6 =	simm.s32 @!p1 $0x1082;
	[sflag:s4] =	ssyncset.s32 $0xFFFFF086  }
0x25: {  	[simem:s6], [sflag:s4] =	dma.local [hbm:s3], $0xF7A  }
0x26: {  	[smem:$0x3F9A] =	sst s1;
	(tag) =	ssettag s2;
	_ =	strace s9  }
0x27: {  	s1 =	sld [smem:$0x3FAA]  }
0x28: {  	s2 =	sld [smem:$0x3FAB]  }
0x29: {  	s4 =	sld [smem:$0x3FAD]  }
0x2a: {  	p0 =	seq.s32 s5, $0x0;
	s5 =	sld [smem:$0x3FAE]  }
0x2b: {  	s6 =	sld [smem:$0x3FAF]  }
0x2c: {  	s7 =	sld [smem:$0x3FB0]  }
0x2d: {  	s3 =	simm.s32 $0x108;
	s8 =	sld [smem:$0x3FB1]  }
0x2e: {  	s3 =	simm.s32 @!p0 $0x1082;
	s9 =	sld [smem:$0x3FB2]  }
0x2f: {  	lr =	sadd.s32 s0, s3;
	s0 =	sld [smem:$0x3FA9]  }
0x30: {  	s3 =	sld [smem:$0x3FAC]  }
0x31: {  	[smem:$0x3FB5] =	sst s10  }
0x32: {  	s10 =	sld [smem:$0x3FB3];
	_ =	sdelay $0x3  }
0x33: {  	p0 =	seq.s32 s10, $0x1;
	s10 =	sld [smem:$0x3FB5];
	_ =	sdelay $0x3  }
0x34: {  	[smem:$0x3FB5] =	sst s10  }
0x35: {  	s10 =	sld [smem:$0x3FB4];
	_ =	sdelay $0x3  }
0x36: {  	p1 =	seq.s32 s10, $0x1;
	s10 =	sld [smem:$0x3FB5];
	_ =	sdelay $0x3  }
0x37: {  	[smem:$0x3FB5] =	sst s10  }
0x38: {  	s10 =	sld [smem:$0x3FB6]  }
0x39: {  	_ = 	snop;
	(pc) =	sbr.ind lr, $3  }
0x3a: {  	_ = 	snop  }
0x3b: {  	_ = 	snop  }
0x3c: {  	p2 =	seq.s32 s10, $0x1;
	s10 =	sld [smem:$0x3FB5]  }
0x3d: {  	_ =	shalt  }
0x3e: {  	_ =	shalt  }
0x3f: {  	_ =	shalt  }
0x40: {  	_ =	shalt  }
0x41: {  	_ =	shalt  }
0x42: {  	_ =	shalt  }
0x43: {  	_ =	shalt  }
0x44: {  	_ =	shalt  }
0x45: {  	_ =	shalt  }
0x46: {  	_ =	shalt  }
0x47: {  	_ =	shalt  }
0x48: {  	_ =	shalt  }
0x49: {  	_ =	shalt  }
0x4a: {  	_ =	shalt  }
0x4b: {  	_ =	shalt  }
0x4c: {  	_ =	shalt  }
0x4d: {  	_ =	shalt  }
0x4e: {  	_ =	shalt  }
0x4f: {  	_ =	shalt  }
0x50: {  	_ =	shalt  }
0x51: {  	_ =	shalt  }
0x52: {  	_ =	shalt  }
0x53: {  	_ =	shalt  }
0x54: {  	_ =	shalt  }
0x55: {  	_ =	shalt  }
0x56: {  	_ =	shalt  }
0x57: {  	_ =	shalt  }
0x58: {  	_ =	shalt  }
0x59: {  	_ =	shalt  }
0x5a: {  	_ =	shalt  }
0x5b: {  	_ =	shalt  }
0x5c: {  	_ =	shalt  }
0x5d: {  	_ =	shalt  }
0x5e: {  	_ =	shalt  }
0x5f: {  	_ =	shalt  }
0x60: {  	_ =	shalt  }
0x61: {  	_ =	shalt  }
0x62: {  	_ =	shalt  }
0x63: {  	_ =	shalt  }
0x64: {  	_ =	shalt  }
0x65: {  	_ =	shalt  }
0x66: {  	_ =	shalt  }
0x67: {  	_ =	shalt  }
0x68: {  	_ =	shalt  }
0x69: {  	_ =	shalt  }
0x6a: {  	_ =	shalt  }
0x6b: {  	_ =	shalt  }
0x6c: {  	_ =	shalt  }
0x6d: {  	_ =	shalt  }
0x6e: {  	_ =	shalt  }
0x6f: {  	_ =	shalt  }
0x70: {  	_ =	shalt  }
0x71: {  	_ =	shalt  }
0x72: {  	_ =	shalt  }
0x73: {  	_ =	shalt  }
0x74: {  	_ =	shalt  }
0x75: {  	_ =	shalt  }
0x76: {  	_ =	shalt  }
0x77: {  	_ =	shalt  }
0x78: {  	_ =	shalt  }
0x79: {  	_ =	shalt  }
0x7a: {  	_ =	shalt  }
0x7b: {  	_ =	shalt  }
0x7c: {  	_ =	shalt  }
0x7d: {  	_ =	shalt  }
0x7e: {  	_ =	shalt  }
0x7f: {  	_ =	shalt  }
0x80: {  	_ =	shalt  }
0x81: {  	_ =	shalt  }
0x82: {  	_ =	shalt  }
0x83: {  	_ =	shalt  }
0x84: {  	_ =	shalt  }
0x85: {  	_ =	shalt  }
0x86: {  	_ =	shalt  }
0x87: {  	_ =	shalt  }
.Lfunc_end0:
.L_simem_size_0:
called_computation.2_lowered:
.L_overlay_start_0:
0x88: {  	s2 =	sld [smem:$0x3FD9]  }
0x89: {  	s3 =	sld [smem:$0x3FFE];
	_ =	sdelay $0x1  }
0x8a: {  	s1 =	srdreg.scid  }
0x8b: {  	s0 =	sand.u32 $0x1, s1  }
0x8c: {  	s17 =	sshll.u32 s0, $0xA;
	s2 =	sadd.s32 s3, s2  }
0x8d: {  	s2 =	sadd.s32 s2, s17  }
0x8e: {  	[smem:$0x3FC1] =	sst s2  }
0x8f: {  	_ = 	snop  }
0x90: {  	s2 =	sld [smem:$0x3FD0];
	(tm) =	ssettm $0x1  }
0x91: {  	s18 =	sld [smem:$0x3FFB];
	_ =	sdelay $0x3  }
0x92: {  	_ =	strace s18  }
0x93: {  	s3 =	sld [smem:$0x3FFC];
	_ =	sdelay $0x3  }
0x94: {  	_ =	strace s3  }
0x95: {  	s3 =	sld [smem:$0x3FFD];
	_ =	sdelay $0x3  }
0x96: {  	_ =	strace s3  }
0x97: {  	_ =	strace $0x8FFFFFFF  }
0x98: {  	s19 =	sld [smem:$0x3FDB];
	_ =	sdelay $0x1  }
0x99: {  	s4 =	simm.s32 $_scs_section_size  }
0x9a: {  	s5 =	simm.s32 $_size__tile_overlayer_lowered;
	s6 =	simm.s32 $_tile_overlayer_lowered  }
0x9b: {  	s22 =	simm.s32 $0x1BFF;
	s21 =	sshll.u32 s6, $0x1;
	s3 =	sadd.s32 s4, s19  }
0x9c: {  	s7 =	simm.s32 $0x0;
	s20 =	sshll.u32 s5, $0x1;
	s5 =	sadd.s32 s21, s3  }
0x9d: {  	[timem:s7], [sflag:s22] =	dma.local [hbm:s5], s20  }
0x9e: {  	_ =	swait.ge [sflag:s22], s20  }
0x9f: {  	s4 =	ssub.s32 $0x0, s20;
	[sflag:s22] =	ssyncset.done $0x0  }
0xa0: {  	[sflag:s22] =	ssyncadd.s32 s4;
	_ =	sdelay $0x1  }
0xa1: {  	s23 =	simm.s32 $0x1B8B  }
0xa2: {  	_ =	swait.ge [sflag:s23], $0x1  }
0xa3: {  	[sflag:s23] =	ssyncset.done $0x0  }
0xa4: {  	s25 =	simm.s32 $0x1B8E;
	s24 =	sld [smem:$0x3FFE];
	[sflag:s23] =	ssyncadd.s32 $0xFFFFFFFF  }
0xa5: {  	s26 =	simm.s32 $execute0_lowered;
	[smem:$0x3FD2] =	sst s25  }
0xa6: {  	s5 =	sshll.u32 s26, $0x1;
	_ =	strace $0x8000004C;
	[dreg:$0x1] =	wrdreg $0xFFFFFFFF  }
0xa7: {  	s28 =	simm.s32 $_size_execute0_lowered;
	s3 =	sadd.s32 s3, s5;
	[dreg:$0x0] =	wrdreg $0x0  }
0xa8: {  	s5 =	sshll.u32 s28, $0x1;
	[dreg:$0x2] =	wrdreg s3  }
0xa9: {  	[dreg:$0x3] =	wrdreg s5  }
0xaa: {  	[dreg:$0x4] =	wrdreg $0xC0  }
0xab: {  	_ =	task [dreg:s7], $0x5FFFF  }
0xac: {  	[dreg:$0x1] =	wrdreg $0xFFFFFFFF  }
0xad: {  	[dreg:$0x0] =	wrdreg $0x60  }
0xae: {  	[dreg:$0x2] =	wrdreg s24  }
0xaf: {  	[dreg:$0x3] =	wrdreg s2  }
0xb0: {  	[dreg:$0x4] =	wrdreg $0x9  }
0xb1: {  	_ =	task.clear_ibuf [dreg:s7], $0x5FFFF;
	_ =	strace $0x9000004C  }
0xb2: {  	s29 =	simm.s32 $0x9;
	_ =	strace $0x8000004E  }
0xb3: {  	_ =	swait.ge [sflag:s29], $0x1  }
0xb4: {  	[sflag:s29] =	ssyncadd.s32 $0xFFFFFFFF  }
0xb5: {  	_ =	strace $0x9000004E  }
0xb6: {  	_ =	sfence  }
0xb7: {  	s30 =	sld [smem:$0x0];
	_ =	sdelay $0x2  }
0xb8: {  	s31 =	sshll.u32 s1, $0xD;
	s1 =	sshrl.u32 s1, $0x2  }
0xb9: {  	s3 =	sand.u32 $0x4000, s31;
	s1 =	sadd.s32 s1, s30  }
0xba: {  	s0 =	sor.u32 s3, s0;
	s1 =	sshll.u32 s1, $0x11  }
0xbb: {  	s0 =	sor.u32 s1, s0  }
0xbc: {  	s0 =	sadd.s32 $0x8F2B, s0  }
0xbd: {  	[sflag:s0] =	ssyncadd.remote.s32 $0x1  }
0xbe: {  	_ =	sfence.sel $0xFFFF  }
0xbf: {  	[dreg:$0x0] =	wrdreg $0xFFFFFFFF;
	(pc) =	sbr.abs _section_cstart, $3  }
0xc0: {  	[dreg:$0x1] =	wrdreg $0xFFFFFFFF  }
0xc1: {  	_ =	task.clear_ibuf [dreg:s7], $0x2FFFF;
	_ =	strace $0x9FFFFFFF  }
0xc2: {  	(tm) =	ssettm $0x7FFFFFFF  }
0xc3: {  	_ =	shalt  }
tec
execute0_lowered:
.L_overlay_start_1:
0x0: {  	(tag) =	ssettag $0x1  }
0x1: {  	s5 =	rddreg [dreg:$0x0]  }
0x2: {  	s6 =	rddreg [dreg:$0x1]  }
0x3: {  	s0 =	rddreg [dreg:$0x2];
	s2 =	simm.s32 $0x0;
	s3 =	srdreg.scid  }
0x4: {  	s1 =	stileid.u32;
	s11 =	simm.s32 $0x420;
	s12 =	simm.s32 $0x820  }
0x5: {  	s13 =	simm.s32 $0x0;
	[smem:$0x7FF] =	sst s2;
	s4 =	sand.u32 $0x1, s3  }
0x6: {  	s7 =	sshll.u32 s1, $0x6;
	s3 =	sadd.s32 $0xB800, s5;
	s8 =	sshll.u32 s4, $0x5  }
0x7: {  	_ =	strace $0x8000004D;
	s31 =	ssub.s32 $0x2, s4;
	s7 =	sor.u32 s8, s7  }
0x8: {  	s4 =	sadd.s32 $0x1A00, s5;
	s10 =	sshrl.u32 s31, $0x1;
	s9 =	sshrl.u32 s7, $0x3  }
0x9: {  	s8 =	ssub.s32 s31, s10;
	s7 =	sshll.u32 s7, $0x1;
	s10 =	simm.s32 $0x1  }
0xa: {  	s5 =	sadd.s32 s9, s5;
	s6 =	sadd.s32 s6, s7;
	s7 =	smax.u32 s8, $0x1  }
0xb: {  	s8 =	simm.s32 $0x2;
	s9 =	simm.s32 $0x20;
	s5 =	sadd.s32 $0x2E400, s5  }
.LBB2_1:
0xc: {  	[tilespmem:s2], [sflag:$0x2] =	stream.linear.gather [hbm4b:s5+s2], $0x20, $0x38;
	[tilespmem:$0xA20] =	vst v63  }
0xd: {  	_ =	swait.ge [sflag:s8], $0x20  }
0xe: {  	[sflag:s8] =	ssyncset.done $0x0  }
0xf: {  	[sflag:s8] =	ssyncadd.s32 $0xFFFFFFE0  }
0x10: {  	[tilespmem:s9], [sflag:$0x1] =	stream.indirect.gather [hbm4b:s3+s9], $0x20, s2, s9, $0xb8;
	[tilespmem:$0xA20] =	vst v63  }
0x11: {  	_ =	swait.ge [sflag:s10], $0x400  }
0x12: {  	[sflag:s10] =	ssyncset.done $0x0  }
0x13: {  	[sflag:s10] =	ssyncadd.s32 $0xFFFFFC00  }
0x14: {  	[tilespmem:s11], [sflag:$0x1] =	stream.indirect.gather [hbm4b:s4+s9], $0x20, s2, s9, $0xb8;
	[tilespmem:$0xA20] =	vst v63  }
0x15: {  	_ =	swait.ge [sflag:s10], $0x400  }
0x16: {  	[sflag:s10] =	ssyncset.done $0x0  }
0x17: {  	s14 =	simm.s32 $0x0;
	[sflag:s10] =	ssyncadd.s32 $0xFFFFFC00  }
0x18: {  	v0 =	vld [tilespmem:s14+$0x30]  }
0x19: {  	v1 =	vld [tilespmem:s14+$0x430];
	_ =	sdelay $0x4  }
0x1a: {  	v0 =	vadd.f32 v1, v0;
	_ =	sdelay $0x1  }
0x1b: {  	v0 =	vadd.f32 $9.999999710e-10, v0;
	_ =	sdelay $0x1  }
0x1c: {  	(erf) = vrcp.f32 v0;
	_ =	sdelay $0x1  }
0x1d: {  	v1 =	vld [tilespmem:s14+$0x20]  }
0x1e: {  	v0 =	vld [tilespmem:s14+$0x420];
	_ =	sdelay $0x4  }
0x1f: {  	v0 =	vadd.f32 v0, v1  }
0x20: {  	v1 =	vpop (erf)  }
0x21: {  	v0 =	vmul.f32 v1, v0;
	_ =	sdelay $0x1  }
0x22: {  	s16 =	simm.s32 $0x20;
	[tilespmem:s12+$0x0] =	vst v0  }
0x23: {  	s15 =	simm.s32 $0x100;
	s14 =	simm.s32 $0x820;
	v0 =	vld [tilespmem:s16+$0x30]  }
.LBB2_2:
0x24: {  	p0 =	sne.s32 s15, $0xF80;
	v1 =	vld [tilespmem:s16+$0x430];
	_ =	sdelay $0x4  }
0x25: {  	v0 =	vadd.f32 v1, v0;
	_ =	sdelay $0x1  }
0x26: {  	v0 =	vadd.f32 $9.999999710e-10, v0;
	_ =	sdelay $0x1  }
0x27: {  	(erf) = vrcp.f32 v0;
	_ =	sdelay $0x1  }
0x28: {  	v0 =	vld [tilespmem:s16+$0x420]  }
0x29: {  	v1 =	vld [tilespmem:s16+$0x20];
	_ =	sdelay $0x4  }
0x2a: {  	v0 =	vadd.f32 v0, v1  }
.Ltmp0:
0x2b: {  	v1 =	vpop (erf);
	(pc) =	sbr.rel @p0 .LBB2_2-.Ltmp0, $4  }
0x2c: {  	v0 =	vmul.f32 v1, v0  }
0x2d: {  	s14 =	sadd.s32 $0x10, s14  }
0x2e: {  	s16 =	sshra.s32 s15, $0x2;
	[tilespmem:s14+$0x0] =	vst v0  }
0x2f: {  	s15 =	sadd.s32 $0x80, s15;
	v0 =	vld [tilespmem:s16+$0x30]  }
0x30: {  	v1 =	vld [tilespmem:s16+$0x430];
	_ =	sdelay $0x4  }
0x31: {  	v0 =	vadd.f32 v1, v0;
	_ =	sdelay $0x1  }
0x32: {  	v0 =	vadd.f32 $9.999999710e-10, v0;
	_ =	sdelay $0x1  }
0x33: {  	(erf) = vrcp.f32 v0;
	_ =	sdelay $0x1  }
0x34: {  	v61 =	vld [tilespmem:s16+$0x420]  }
0x35: {  	v62 =	vld [tilespmem:s16+$0x20];
	_ =	sdelay $0x4  }
0x36: {  	v0 =	vadd.f32 v61, v62  }
0x37: {  	v63 =	vpop (erf)  }
0x38: {  	s13 =	sadd.s32 $0x1, s13;
	v0 =	vmul.f32 v63, v0  }
0x39: {  	s14 =	sadd.s32 $0x10, s14;
	p0 =	sne.s32 s13, s7  }
.Ltmp1:
0x3a: {  	[tilespmem:s14+$0x0] =	vst v0;
	(pc) =	sbr.rel @p0 .LBB2_1-.Ltmp1, $4  }
0x3b: {  	[hbm4b:s6+s2] =	stream.linear.scatter [tilespmem:s12], [sflag:$0x2], $0x200, $0x38;
	[tilespmem:$0xA20] =	vst v63  }
0x3c: {  	_ =	swait.ge [sflag:s8], $0x200  }
0x3d: {  	[sflag:s8] =	ssyncset.done $0x0  }
0x3e: {  	[sflag:s8] =	ssyncadd.s32 $0xFFFFFE00  }
0x3f: {  	_ =	sfence.sel $0x180000  }
0x40: {  	[bflag:$0x0] =	sbarrier.arrive $0xFFFF  }
0x41: {  	p0 =	sne.s32 s1, $0x0;
	_ =	strace $0x9000004D  }
0x42: {  	s0 =	sadd.s32 @!p0 $0x100000, s0;
	[bflag:$0x2] =	sbarrier.arrive $0xFFFF  }
0x43: {  	[sflag:s0] =	ssyncadd.tile.s32 @!p0 $0x1;
	_ =	shalt  }
.Lfunc_end2:
_tile_overlayer_lowered:
.L_overlay_start_2:
0x44: {  	(tag) =	ssettag $0x2  }
0x45: {  	s0 =	rddreg [dreg:$0x0];
	s2 =	stileid.u32  }
0x46: {  	s1 =	rddreg [dreg:$0x1];
	p0 =	sne.s32 s2, $0x0  }
0x47: {  	s3 =	rddreg [dreg:$0x2];
	[bflag:$0x3] =	sbarrier.arrive $0xFFFF;
	s2 =	simm.s32 @!p0 $0x1C02  }
0x48: {  	[timem:s3], [sflag:s2] =	dma.local @!p0 [hbm:s0], s1  }
0x49: {  	s0 =	simm.s32 @!p0 $0x2  }
0x4a: {  	_ =	swait.ge @!p0 [sflag:s0], s1  }
0x4b: {  	s1 =	ssub.s32 @!p0 $0x0, s1;
	[sflag:s0] =	ssyncset.done @!p0 $0x0  }
0x4c: {  	[sflag:s0] =	ssyncadd.s32 @!p0 s1  }
0x4d: {  	[bflag:$0x3] =	sbarrier.arrive $0xFFFF  }
0x4e: {  	_ =	shalt  }

// kernel: kernel.7.cloned.1.call-start
scs
__scs_entry_jumppad:
0x0: {  	(pc) =	sbr.rel $0x88, $3  }
0x1: {  	(tag) =	ssettag $0x0;
	lr =	simm.s32 $0x1  }
0x2: {  	[smem:$0x3F9A] =	sst lr;
	_ =	strace $0xD0000000  }
0x3: {  	_ = 	snop  }
0x4: {  	_ = 	snop  }
0x5: {  	_ = 	snop  }
0x6: {  	_ = 	snop  }
0x7: {  	_ = 	snop  }
__scs_overlays_trampoline_lowered:
0x8: {  	[smem:$0x3FA9] =	sst s0  }
0x9: {  	[smem:$0x3FAA] =	sst s1  }
0xa: {  	[smem:$0x3FAB] =	sst s2  }
0xb: {  	[smem:$0x3FAC] =	sst s3  }
0xc: {  	[smem:$0x3FAD] =	sst s4  }
0xd: {  	[smem:$0x3FAE] =	sst s5  }
0xe: {  	[smem:$0x3FAF] =	sst s6  }
0xf: {  	[smem:$0x3FB0] =	sst s7  }
0x10: {  	[smem:$0x3FB1] =	sst s8  }
0x11: {  	[smem:$0x3FB2] =	sst s9;
	s0 =	simm.s32 @!p0 $0x0  }
0x12: {  	s1 =	sld [smem:$0x3F98];
	s0 =	simm.s32 @p0 $0x1  }
0x13: {  	[smem:$0x3FB3] =	sst s0;
	s0 =	simm.s32 @!p1 $0x0  }
0x14: {  	s2 =	sld [smem:$0x3F97];
	s0 =	simm.s32 @p1 $0x1  }
0x15: {  	[smem:$0x3FB4] =	sst s0;
	s0 =	simm.s32 @!p2 $0x0  }
0x16: {  	s3 =	sld [smem:$0x3FDB];
	s0 =	simm.s32 @p2 $0x1  }
0x17: {  	s4 =	simm.s32 $0x1BF5;
	[smem:$0x3FB6] =	sst s0  }
0x18: {  	s0 =	sld [smem:$0x3F99];
	_ =	swait.ge [sflag:s4], $0x0  }
0x19: {  	s7 =	sld [smem:$0x3F9A]  }
0x1a: {  	s8 =	sadd.s32 $0xFFFFE003, lr  }
0x1b: {  	s9 =	sadd.s32 $0xFFFFFEF7, lr;
	s5 =	simm.s32 $0xFFFFFFFF;
	p2 =	slt.u32 s8, $0xFFFFF086  }
0x1c: {  	p1 =	slt.u32 s9, $0xF7A;
	s5 =	simm.s32 @!p2 $0x0  }
0x1d: {  	s5 =	simm.s32 @p1 $0x1;
	p0 =	seq.s32 s7, s2  }
0x1e: {  	s7 =	smul.u32 @!p0 $0xF7A, s2;
	p2 =	seq.s32 @!p0 s5, $0x0  }
0x1f: {  	s9 =	smul.u32 $0xF7A, s1;
	s8 =	simm.s32 @!p0 $0x1BF5;
	p2 =	por !p2, p0  }
0x20: {  	[sflag:s8] =	ssyncset.s32 @!p0 $0xFFFFF086;
	s6 =	sadd.s32 @!p0 s3, s7;
	s7 =	simm.s32 @!p0 $0x108  }
0x21: {  	s3 =	sadd.s32 s3, s9;
	s6 =	sadd.s32 @!p0 $0x88, s6;
	s7 =	simm.s32 @p2 $0x1082  }
0x22: {  	[simem:s7], [sflag:s8] =	dma.local @!p0 [hbm:s6], $0xF7A  }
0x23: {  	s9 =	sor.u32 $0xD0000000, s2;
	s6 =	simm.s32 $0x108;
	_ =	swait.ge @!p0 [sflag:s8], $0x0  }
0x24: {  	s3 =	sadd.s32 $0x88, s3;
	s6 =	simm.s32 @!p1 $0x1082;
	[sflag:s4] =	ssyncset.s32 $0xFFFFF086  }
0x25: {  	[simem:s6], [sflag:s4] =	dma.local [hbm:s3], $0xF7A  }
0x26: {  	[smem:$0x3F9A] =	sst s1;
	(tag) =	ssettag s2;
	_ =	strace s9  }
0x27: {  	s1 =	sld [smem:$0x3FAA]  }
0x28: {  	s2 =	sld [smem:$0x3FAB]  }
0x29: {  	s4 =	sld [smem:$0x3FAD]  }
0x2a: {  	p0 =	seq.s32 s5, $0x0;
	s5 =	sld [smem:$0x3FAE]  }
0x2b: {  	s6 =	sld [smem:$0x3FAF]  }
0x2c: {  	s7 =	sld [smem:$0x3FB0]  }
0x2d: {  	s3 =	simm.s32 $0x108;
	s8 =	sld [smem:$0x3FB1]  }
0x2e: {  	s3 =	simm.s32 @!p0 $0x1082;
	s9 =	sld [smem:$0x3FB2]  }
0x2f: {  	lr =	sadd.s32 s0, s3;
	s0 =	sld [smem:$0x3FA9]  }
0x30: {  	s3 =	sld [smem:$0x3FAC]  }
0x31: {  	[smem:$0x3FB5] =	sst s10  }
0x32: {  	s10 =	sld [smem:$0x3FB3];
	_ =	sdelay $0x3  }
0x33: {  	p0 =	seq.s32 s10, $0x1;
	s10 =	sld [smem:$0x3FB5];
	_ =	sdelay $0x3  }
0x34: {  	[smem:$0x3FB5] =	sst s10  }
0x35: {  	s10 =	sld [smem:$0x3FB4];
	_ =	sdelay $0x3  }
0x36: {  	p1 =	seq.s32 s10, $0x1;
	s10 =	sld [smem:$0x3FB5];
	_ =	sdelay $0x3  }
0x37: {  	[smem:$0x3FB5] =	sst s10  }
0x38: {  	s10 =	sld [smem:$0x3FB6]  }
0x39: {  	_ = 	snop;
	(pc) =	sbr.ind lr, $3  }
0x3a: {  	_ = 	snop  }
0x3b: {  	_ = 	snop  }
0x3c: {  	p2 =	seq.s32 s10, $0x1;
	s10 =	sld [smem:$0x3FB5]  }
0x3d: {  	_ =	shalt  }
0x3e: {  	_ =	shalt  }
0x3f: {  	_ =	shalt  }
0x40: {  	_ =	shalt  }
0x41: {  	_ =	shalt  }
0x42: {  	_ =	shalt  }
0x43: {  	_ =	shalt  }
0x44: {  	_ =	shalt  }
0x45: {  	_ =	shalt  }
0x46: {  	_ =	shalt  }
0x47: {  	_ =	shalt  }
0x48: {  	_ =	shalt  }
0x49: {  	_ =	shalt  }
0x4a: {  	_ =	shalt  }
0x4b: {  	_ =	shalt  }
0x4c: {  	_ =	shalt  }
0x4d: {  	_ =	shalt  }
0x4e: {  	_ =	shalt  }
0x4f: {  	_ =	shalt  }
0x50: {  	_ =	shalt  }
0x51: {  	_ =	shalt  }
0x52: {  	_ =	shalt  }
0x53: {  	_ =	shalt  }
0x54: {  	_ =	shalt  }
0x55: {  	_ =	shalt  }
0x56: {  	_ =	shalt  }
0x57: {  	_ =	shalt  }
0x58: {  	_ =	shalt  }
0x59: {  	_ =	shalt  }
0x5a: {  	_ =	shalt  }
0x5b: {  	_ =	shalt  }
0x5c: {  	_ =	shalt  }
0x5d: {  	_ =	shalt  }
0x5e: {  	_ =	shalt  }
0x5f: {  	_ =	shalt  }
0x60: {  	_ =	shalt  }
0x61: {  	_ =	shalt  }
0x62: {  	_ =	shalt  }
0x63: {  	_ =	shalt  }
0x64: {  	_ =	shalt  }
0x65: {  	_ =	shalt  }
0x66: {  	_ =	shalt  }
0x67: {  	_ =	shalt  }
0x68: {  	_ =	shalt  }
0x69: {  	_ =	shalt  }
0x6a: {  	_ =	shalt  }
0x6b: {  	_ =	shalt  }
0x6c: {  	_ =	shalt  }
0x6d: {  	_ =	shalt  }
0x6e: {  	_ =	shalt  }
0x6f: {  	_ =	shalt  }
0x70: {  	_ =	shalt  }
0x71: {  	_ =	shalt  }
0x72: {  	_ =	shalt  }
0x73: {  	_ =	shalt  }
0x74: {  	_ =	shalt  }
0x75: {  	_ =	shalt  }
0x76: {  	_ =	shalt  }
0x77: {  	_ =	shalt  }
0x78: {  	_ =	shalt  }
0x79: {  	_ =	shalt  }
0x7a: {  	_ =	shalt  }
0x7b: {  	_ =	shalt  }
0x7c: {  	_ =	shalt  }
0x7d: {  	_ =	shalt  }
0x7e: {  	_ =	shalt  }
0x7f: {  	_ =	shalt  }
0x80: {  	_ =	shalt  }
0x81: {  	_ =	shalt  }
0x82: {  	_ =	shalt  }
0x83: {  	_ =	shalt  }
0x84: {  	_ =	shalt  }
0x85: {  	_ =	shalt  }
0x86: {  	_ =	shalt  }
0x87: {  	_ =	shalt  }
.Lfunc_end0:
.L_simem_size_0:
called_computation_lowered:
.L_overlay_start_0:
0x88: {  	s2 =	sld [smem:$0x3FD9]  }
0x89: {  	s3 =	sld [smem:$0x3FFE];
	_ =	sdelay $0x1  }
0x8a: {  	s1 =	srdreg.scid  }
0x8b: {  	s0 =	sand.u32 $0x1, s1  }
0x8c: {  	s17 =	sshll.u32 s0, $0xA;
	s2 =	sadd.s32 s3, s2  }
0x8d: {  	s2 =	sadd.s32 s2, s17  }
0x8e: {  	[smem:$0x3FC1] =	sst s2  }
0x8f: {  	_ = 	snop  }
0x90: {  	s2 =	sld [smem:$0x3FD0];
	(tm) =	ssettm $0x1  }
0x91: {  	s18 =	sld [smem:$0x3FFB];
	_ =	sdelay $0x3  }
0x92: {  	_ =	strace s18  }
0x93: {  	s3 =	sld [smem:$0x3FFC];
	_ =	sdelay $0x3  }
0x94: {  	_ =	strace s3  }
0x95: {  	s3 =	sld [smem:$0x3FFD];
	_ =	sdelay $0x3  }
0x96: {  	_ =	strace s3  }
0x97: {  	_ =	strace $0x8FFFFFFF  }
0x98: {  	s19 =	sld [smem:$0x3FDB];
	_ =	sdelay $0x1  }
0x99: {  	s4 =	simm.s32 $_scs_section_size  }
0x9a: {  	s5 =	simm.s32 $_size__tile_overlayer_lowered;
	s6 =	simm.s32 $_tile_overlayer_lowered  }
0x9b: {  	s22 =	simm.s32 $0x1BFF;
	s21 =	sshll.u32 s6, $0x1;
	s3 =	sadd.s32 s4, s19  }
0x9c: {  	s7 =	simm.s32 $0x0;
	s20 =	sshll.u32 s5, $0x1;
	s5 =	sadd.s32 s21, s3  }
0x9d: {  	[timem:s7], [sflag:s22] =	dma.local [hbm:s5], s20  }
0x9e: {  	_ =	swait.ge [sflag:s22], s20  }
0x9f: {  	s4 =	ssub.s32 $0x0, s20;
	[sflag:s22] =	ssyncset.done $0x0  }
0xa0: {  	[sflag:s22] =	ssyncadd.s32 s4;
	_ =	sdelay $0x1  }
0xa1: {  	s23 =	simm.s32 $0x1B8B  }
0xa2: {  	_ =	swait.ge [sflag:s23], $0x1  }
0xa3: {  	[sflag:s23] =	ssyncset.done $0x0  }
0xa4: {  	s25 =	simm.s32 $0x1B8E;
	s24 =	sld [smem:$0x3FFE];
	[sflag:s23] =	ssyncadd.s32 $0xFFFFFFFF  }
0xa5: {  	s26 =	simm.s32 $execute0_lowered;
	[smem:$0x3FD2] =	sst s25  }
0xa6: {  	s5 =	sshll.u32 s26, $0x1;
	_ =	strace $0x80000046;
	[dreg:$0x1] =	wrdreg $0xFFFFFFFF  }
0xa7: {  	s28 =	simm.s32 $_size_execute0_lowered;
	s3 =	sadd.s32 s3, s5;
	[dreg:$0x0] =	wrdreg $0x0  }
0xa8: {  	s5 =	sshll.u32 s28, $0x1;
	[dreg:$0x2] =	wrdreg s3  }
0xa9: {  	[dreg:$0x3] =	wrdreg s5  }
0xaa: {  	[dreg:$0x4] =	wrdreg $0xC0  }
0xab: {  	_ =	task [dreg:s7], $0x5FFFF  }
0xac: {  	[dreg:$0x1] =	wrdreg $0xFFFFFFFF  }
0xad: {  	[dreg:$0x0] =	wrdreg $0x60  }
0xae: {  	[dreg:$0x2] =	wrdreg s24  }
0xaf: {  	[dreg:$0x3] =	wrdreg s2  }
0xb0: {  	[dreg:$0x4] =	wrdreg $0x0  }
0xb1: {  	[dreg:$0x5] =	wrdreg $0x9  }
0xb2: {  	_ =	task.clear_ibuf [dreg:s7], $0x6FFFF;
	_ =	strace $0x90000046  }
0xb3: {  	s29 =	simm.s32 $0x9;
	_ =	strace $0x80000048  }
0xb4: {  	_ =	swait.ge [sflag:s29], $0x1  }
0xb5: {  	[sflag:s29] =	ssyncadd.s32 $0xFFFFFFFF  }
0xb6: {  	_ =	strace $0x90000048  }
0xb7: {  	_ =	sfence  }
0xb8: {  	s30 =	sld [smem:$0x0];
	_ =	sdelay $0x2  }
0xb9: {  	s31 =	sshll.u32 s1, $0xD;
	s1 =	sshrl.u32 s1, $0x2  }
0xba: {  	s3 =	sand.u32 $0x4000, s31;
	s1 =	sadd.s32 s1, s30  }
0xbb: {  	s0 =	sor.u32 s3, s0;
	s1 =	sshll.u32 s1, $0x11  }
0xbc: {  	s0 =	sor.u32 s1, s0  }
0xbd: {  	s0 =	sadd.s32 $0x8F2B, s0  }
0xbe: {  	[sflag:s0] =	ssyncadd.remote.s32 $0x1  }
0xbf: {  	_ =	sfence.sel $0xFFFF  }
0xc0: {  	[dreg:$0x0] =	wrdreg $0xFFFFFFFF;
	(pc) =	sbr.abs _section_cstart, $3  }
0xc1: {  	[dreg:$0x1] =	wrdreg $0xFFFFFFFF  }
0xc2: {  	_ =	task.clear_ibuf [dreg:s7], $0x2FFFF;
	_ =	strace $0x9FFFFFFF  }
0xc3: {  	(tm) =	ssettm $0x7FFFFFFF  }
tec
execute0_lowered:
.L_overlay_start_1:
0x0: {  	(tag) =	ssettag $0x1  }
0x1: {  	s0 =	rddreg [dreg:$0x0]  }
0x2: {  	s2 =	rddreg [dreg:$0x2]  }
0x3: {  	s1 =	srdreg.scid;
	s14 =	stileid.u32  }
0x4: {  	s4 =	simm.s32 $0x0;
	s16 =	simm.s32 $0x115D0;
	s17 =	simm.s32 $0xC5D0  }
0x5: {  	s18 =	simm.s32 $0x4;
	s28 =	simm.s32 $0x13DD0;
	s29 =	simm.s32 $0x17DD0  }
0x6: {  	s31 =	simm.s32 $0x15DD0;
	s19 =	simm.s32 $0x1;
	s30 =	simm.s32 $0x2  }
0x7: {  	s1 =	sand.u32 $0x1, s1;
	s3 =	sshll.u32 s14, $0x1;
	[smem:$0x7FF] =	sst s4  }
0x8: {  	s5 =	sadd.s32 $0x15A00, s0;
	s7 =	smul.u32 $0xC350, s14;
	s15 =	sadd.s32 $0xC3500, s2  }
0x9: {  	p0 =	sne.s32 s14, $0x0;
	s3 =	sor.u32 s1, s3;
	_ =	strace $0x80000047  }
0xa: {  	s22 =	smul.u32 $0x186A0, s1;
	s1 =	ssub.s32 $0x2, s1;
	[dreg:$0x6] =	wrdreg s15  }
0xb: {  	s15 =	simm.s32 $0xEDD0;
	s3 =	smul.u32 $0x500, s3;
	s6 =	sshrl.u32 s1, $0x1  }
0xc: {  	s8 =	sadd.s32 s7, s2;
	s24 =	sadd.s32 $0x2710, s7;
	s25 =	sadd.s32 $0x4E20, s7  }
0xd: {  	s26 =	sadd.s32 $0x7530, s7;
	s13 =	sadd.s32 $0x9C40, s7;
	s7 =	sshrl.u32 s7, $0x3  }
0xe: {  	s1 =	ssub.s32 s1, s6;
	s9 =	sadd.s32 s24, s2;
	s10 =	sadd.s32 s25, s2  }
0xf: {  	s11 =	sadd.s32 s26, s2;
	s12 =	sadd.s32 s13, s2;
	s4 =	sshrl.u32 s25, $0x3  }
0x10: {  	v0 =	vimm.s32 $0xFEDCBA98;
	s6 =	sshrl.u32 s26, $0x3;
	s13 =	sshrl.u32 s13, $0x3;
	s25 =	simm.s32 $0x3  }
0x11: {  	v1 =	vimm.s32 $0x76543210;
	v0 =	vunpack.c.l.s4.s8 v0;
	s26 =	simm.s32 $0x80;
	s3 =	sadd.s32 s3, s0;
	s1 =	smax.u32 s1, $0x1  }
0x12: {  	v1 =	vunpack.c.l.s4.s8 v1;
	s0 =	sadd.s32 s22, s0;
	s23 =	sadd.s32 $0xBA00, s3;
	[dreg:$0x7] =	wrdreg s1  }
0x13: {  	v0 =	vunpack.c.0.s8.s32 v0;
	s3 =	sadd.s32 $0x1A00, s3;
	s0 =	sadd.s32 $0x29400, s0;
	[dreg:$0x4] =	wrdreg s23  }
0x14: {  	v1 =	vunpack.c.0.s8.s32 v1;
	s1 =	simm.s32 $0x19DD0;
	[dreg:$0x5] =	wrdreg s3;
	s3 =	sshrl.u32 s24, $0x3  }
0x15: {  	v2 =	vand.u32 $0xF, v0;
	s20 =	sadd.s32 s7, s0;
	s22 =	sadd.s32 s4, s0;
	s23 =	sadd.s32 s6, s0  }
0x16: {  	v0 =	vimm.f32 $0.0e+00;
	v1 =	vcombine.low v2, v1;
	s24 =	sadd.s32 s13, s0;
	s21 =	sadd.s32 s3, s0;
	s0 =	simm.s32 $0x0  }
.LBB2_1:
0x17: {  	s3 =	simm.s32 $0x0;
	s4 =	rddreg [dreg:$0x4]  }
0x18: {  	[tilespmem:s15], [sflag:$0x3] =	stream.linear.gather [hbm4b:s4+s3], $0x2800, $0x38;
	[tilespmem:$0x1BE10] =	vst v63  }
0x19: {  	s14 =	rddreg [dreg:$0x5]  }
0x1a: {  	[tilespmem:s16], [sflag:$0x3] =	stream.linear.gather [hbm4b:s14+s3], $0x2800, $0x38;
	[tilespmem:$0x1BE10] =	vst v63  }
0x1b: {  	s4 =	simm.s32 $0x140;
	s3 =	simm.s32 $0x0  }
.LBB2_2:
0x1c: {  	p1 =	sne.s32 s4, $0x9EC0;
	[tilespmem:s3+$0xC610] =	vst v0;
	s6 =	smov.u32 s4;
	s4 =	sadd.s32 $0x140, s4  }
.Ltmp0:
0x1d: {  	[tilespmem:s3+$0xC600] =	vst v0;
	(pc) =	sbr.rel @p1 .LBB2_2-.Ltmp0, $4  }
0x1e: {  	[tilespmem:s3+$0xC5F0] =	vst v0  }
0x1f: {  	[tilespmem:s3+$0xC5D0] =	vst v0  }
0x20: {  	[tilespmem:s3+$0xC5E0] =	vst v0  }
0x21: {  	s3 =	sshra.s32 s6, $0x2  }
0x22: {  	[tilespmem:s3+$0xC610] =	vst v0  }
0x23: {  	[tilespmem:s3+$0xC600] =	vst v0  }
0x24: {  	[tilespmem:s3+$0xC5F0] =	vst v0  }
0x25: {  	[tilespmem:s3+$0xC5D0] =	vst v0  }
0x26: {  	[tilespmem:s3+$0xC5E0] =	vst v0  }
0x27: {  	[spmem:s8] =	stream.linear.scatter [tilespmem:s17], [sflag:$0x4], $0x2710, $0x38;
	[tilespmem:$0x1BE10] =	vst v63  }
0x28: {  	_ =	swait.ge [sflag:s18], $0x2710  }
0x29: {  	[sflag:s18] =	ssyncset.done $0x0  }
0x2a: {  	[sflag:s18] =	ssyncadd.s32 $0xFFFFD8F0  }
0x2b: {  	[spmem:s9] =	stream.linear.scatter [tilespmem:s17], [sflag:$0x4], $0x2710, $0x38;
	[tilespmem:$0x1BE10] =	vst v63  }
0x2c: {  	_ =	swait.ge [sflag:s18], $0x2710  }
0x2d: {  	[sflag:s18] =	ssyncset.done $0x0  }
0x2e: {  	[sflag:s18] =	ssyncadd.s32 $0xFFFFD8F0  }
0x2f: {  	[spmem:s10] =	stream.linear.scatter [tilespmem:s17], [sflag:$0x4], $0x2710, $0x38;
	[tilespmem:$0x1BE10] =	vst v63  }
0x30: {  	_ =	swait.ge [sflag:s18], $0x2710  }
0x31: {  	[sflag:s18] =	ssyncset.done $0x0  }
0x32: {  	[sflag:s18] =	ssyncadd.s32 $0xFFFFD8F0  }
0x33: {  	[spmem:s11] =	stream.linear.scatter [tilespmem:s17], [sflag:$0x4], $0x2710, $0x38;
	[tilespmem:$0x1BE10] =	vst v63  }
0x34: {  	_ =	swait.ge [sflag:s18], $0x2710  }
0x35: {  	[sflag:s18] =	ssyncset.done $0x0  }
0x36: {  	[sflag:s18] =	ssyncadd.s32 $0xFFFFD8F0  }
0x37: {  	[spmem:s12] =	stream.linear.scatter [tilespmem:s17], [sflag:$0x4], $0x2710, $0x38;
	[tilespmem:$0x1BE10] =	vst v63  }
0x38: {  	_ =	swait.ge [sflag:s18], $0x2710  }
0x39: {  	[sflag:s18] =	ssyncset.done $0x0  }
0x3a: {  	s3 =	simm.s32 @!p0 $0xC5D0;
	s4 =	rddreg [dreg:$0x6];
	[sflag:s18] =	ssyncadd.s32 $0xFFFFD8F0  }
0x3b: {  	[spmem:s4] =	stream.linear.scatter @!p0 [tilespmem:s3], [sflag:$0x4], $0x2800, $0x38;
	[tilespmem:$0x1BE10] =	vst v63  }
0x3c: {  	s3 =	simm.s32 @!p0 $0x4  }
0x3d: {  	_ =	swait.ge @!p0 [sflag:s3], $0x2800  }
0x3e: {  	[sflag:s3] =	ssyncset.done @!p0 $0x0  }
0x3f: {  	[sflag:s3] =	ssyncadd.s32 @!p0 $0xFFFFD800  }
0x40: {  	s6 =	simm.s32 $0x1BDD0;
	s3 =	simm.s32 $0x0;
	s14 =	rddreg [dreg:$0x1]  }
0x41: {  	[tilespmem:s6], [sflag:$0x4] =	stream.linear.gather [hbm4b:s14+s3], $0x40, $0x38;
	[tilespmem:$0x1BE10] =	vst v63  }
0x42: {  	_ =	swait.ge [sflag:s18], $0x40  }
0x43: {  	[sflag:s18] =	ssyncset.done $0x0  }
0x44: {  	[sflag:s18] =	ssyncadd.s32 $0xFFFFFFC0  }
0x45: {  	v3 =	vld [tilespmem:$0x1BDD0]  }
0x46: {  	v4 =	vld [tilespmem:$0x1BDE0]  }
0x47: {  	v5 =	vld [tilespmem:$0x1BDF0]  }
0x48: {  	v2 =	vld [tilespmem:$0x1BE00];
	_ =	swait.ge [sflag:s25], $0x2800  }
0x49: {  	[sflag:s25] =	ssyncset.done $0x0  }
0x4a: {  	[sflag:s25] =	ssyncadd.s32 $0xFFFFD800  }
0x4b: {  	_ =	swait.ge [sflag:s25], $0x2800  }
0x4c: {  	[sflag:s25] =	ssyncset.done $0x0  }
0x4d: {  	[sflag:s25] =	ssyncadd.s32 $0xFFFFD800  }
0x4e: {  	[tilespmem:s28], [sflag:$0x1] =	stream.indirect.gather [hbm4b:s5+s26], $0x40, s15, s26, $0xb8;
	[tilespmem:$0x1BE10] =	vst v63  }
0x4f: {  	_ = 	snop  }
0x50: {  	[tilespmem:s29], [sflag:$0x1] =	stream.indirect.gather [hbm4b:s5+s26], $0x40, s16, s26, $0xb8;
	[tilespmem:$0x1BE10] =	vst v63  }
0x51: {  	s15 =	simm.s32 $0xEE50  }
0x52: {  	[tilespmem:s31], [sflag:$0x2] =	stream.indirect.gather [hbm4b:s5+s26], $0x40, s15, s26, $0xb8;
	[tilespmem:$0x1BE10] =	vst v63  }
0x53: {  	s16 =	simm.s32 $0x11650  }
0x54: {  	[tilespmem:s1], [sflag:$0x2] =	stream.indirect.gather [hbm4b:s5+s26], $0x40, s16, s26, $0xb8;
	[tilespmem:$0x1BE10] =	vst v63  }
0x55: {  	[bflag:$0x0] =	sbarrier.arrive $0xFFFF  }
.LBB2_4:
0x56: {  	_ =	swait.ge [sflag:s19], $0x2000  }
0x57: {  	[sflag:s19] =	ssyncset.done $0x0  }
0x58: {  	[sflag:s19] =	ssyncadd.s32 $0xFFFFE000  }
0x59: {  	_ =	swait.ge [sflag:s19], $0x2000  }
0x5a: {  	[sflag:s19] =	ssyncset.done $0x0  }
0x5b: {  	s6 =	simm.s32 $0x13E50;
	[sflag:s19] =	ssyncadd.s32 $0xFFFFE000  }
0x5c: {  	v21 =	vld [tilespmem:s6+$0x70]  }
0x5d: {  	s4 =	simm.s32 $0x17E50;
	v17 =	vld [tilespmem:s6+$0x40]  }
0x5e: {  	v6 =	vld [tilespmem:s4+$0x40]  }
0x5f: {  	v20 =	vld [tilespmem:s6+$0x50]  }
0x60: {  	v7 =	vld [tilespmem:s4+$0x50]  }
0x61: {  	v19 =	vld [tilespmem:s6+$0x60]  }
0x62: {  	v10 =	vld [tilespmem:s4+$0x60]  }
0x63: {  	v11 =	vld [tilespmem:s4+$0x70]  }
0x64: {  	v12 =	vld [tilespmem:s4+$0xFFFFFF80]  }
0x65: {  	v27 =	vld [tilespmem:s6+$0xFFFFFF90]  }
0x66: {  	v13 =	vld [tilespmem:s4+$0xFFFFFF90]  }
0x67: {  	v9 =	vld [tilespmem:s6+$0xFFFFFFC0]  }
0x68: {  	v15 =	vld [tilespmem:s4+$0xFFFFFFC0];
	v6 =	vadd.f32 v6, v17;
	v14 =	vadd.f32 v7, v20  }
0x69: {  	v8 =	vld [tilespmem:s6+$0xFFFFFFD0]  }
0x6a: {  	v22 =	vld [tilespmem:s4+$0xFFFFFFD0];
	v10 =	vadd.f32 v10, v19;
	v16 =	vmul.f32 $2.000000030e-01, v6;
	v18 =	vmul.f32 $2.000000030e-01, v14  }
0x6b: {  	v24 =	vld [tilespmem:s4+$0x10];
	v11 =	vadd.f32 v11, v21  }
0x6c: {  	v25 =	vld [tilespmem:s6+$0xFFFFFF80];
	v6 =	vmax.f32 v6, v16;
	v14 =	vmax.f32 v14, v18;
	v16 =	vmul.f32 $2.000000030e-01, v10  }
0x6d: {  	v7 =	vld [tilespmem:s6+$0x0];
	v23 =	vmul.f32 v6, v3;
	v14 =	vmul.f32 v14, v4  }
0x6e: {  	v13 =	vadd.f32 v13, v27;
	v18 =	vld [tilespmem:s4+$0x0];
	v10 =	vmax.f32 v10, v16;
	v16 =	vmul.f32 $2.000000030e-01, v11  }
0x6f: {  	v30 =	vld [tilespmem:s6+$0xFFFFFFA0];
	v14 =	vadd.f32 v14, v23;
	v10 =	vmul.f32 v10, v5  }
0x70: {  	v28 =	vld [tilespmem:s4+$0xFFFFFFE0];
	v23 =	vmul.f32 $2.000000030e-01, v13;
	v11 =	vmax.f32 v11, v16  }
0x71: {  	v15 =	vadd.f32 v15, v9;
	v6 =	vld [tilespmem:s6+$0x10];
	v10 =	vadd.f32 v10, v14;
	v14 =	vmul.f32 v11, v2  }
0x72: {  	v29 =	vld [tilespmem:s6+$0xFFFFFFB0];
	v12 =	vadd.f32 v12, v25;
	v16 =	vadd.f32 v22, v8;
	v13 =	vmax.f32 v13, v23  }
0x73: {  	v11 =	vld [tilespmem:s6+$0xFFFFFFE0];
	v23 =	vmul.f32 $2.000000030e-01, v15;
	v18 =	vadd.f32 v18, v7;
	v14 =	vadd.f32 v14, v10  }
0x74: {  	v33 =	vmul.f32 $2.000000030e-01, v12;
	v22 =	vld [tilespmem:s4+$0xFFFFFFA0];
	v26 =	vmul.f32 $2.000000030e-01, v16  }
0x75: {  	v10 =	vld [tilespmem:s6+$0x20];
	v15 =	vmax.f32 v15, v23;
	v31 =	vmul.f32 $2.000000030e-01, v18;
	v23 =	vperm.xlane v14, v1  }
0x76: {  	v13 =	vmul.f32 v13, v4;
	v24 =	vadd.f32 v24, v6;
	v16 =	vmax.f32 v16, v26;
	v26 =	vld [tilespmem:s4+$0x20]  }
0x77: {  	v15 =	vmul.f32 v15, v3;
	v18 =	vmax.f32 v18, v31;
	v14 =	vadd.f32 v14, v23;
	v23 =	vld [tilespmem:s4+$0xFFFFFFB0]  }
0x78: {  	v58 =	vld [tilespmem:s4+$0xFFFFFFF0];
	v31 =	vmul.f32 $2.000000030e-01, v24;
	v34 =	vmul.f32 v18, v3;
	v18 =	vadd.f32 v28, v11  }
0x79: {  	v12 =	vmax.f32 v12, v33;
	v32 =	vmul.f32 v16, v4;
	v16 =	vld [tilespmem:s6+$0xFFFFFFF0];
	v14 =	vmul.f32 $1.442695020e+00, v14  }
0x7a: {  	v59 =	vld [tilespmem:s4+$0x30];
	v22 =	vadd.f32 v22, v30;
	v24 =	vmax.f32 v24, v31;
	v31 =	vmul.f32 $2.000000030e-01, v18  }
0x7b: {  	v26 =	vadd.f32 v26, v10;
	(erf) = vpow2.f32 v14;
	v14 =	vmul.f32 v12, v3;
	v12 =	vld [tilespmem:s6+$0x30]  }
0x7c: {  	v28 =	vmul.f32 $2.000000030e-01, v22;
	v24 =	vmul.f32 v24, v4;
	v23 =	vadd.f32 v23, v29  }
0x7d: {  	v18 =	vmax.f32 v18, v31;
	v31 =	vmul.f32 $2.000000030e-01, v26;
	v13 =	vadd.f32 v13, v14  }
0x7e: {  	v14 =	vmax.f32 v22, v28;
	v28 =	vadd.f32 v58, v16;
	v22 =	vmul.f32 $2.000000030e-01, v23  }
0x7f: {  	s15 =	simm.s32 $0x17F50;
	v15 =	vadd.f32 v32, v15;
	v18 =	vmul.f32 v18, v5;
	v14 =	vmul.f32 v14, v5  }
0x80: {  	s16 =	simm.s32 $0x13F50;
	v37 =	vld [tilespmem:s15+$0xFFFFFF90];
	v22 =	vmax.f32 v23, v22;
	v23 =	vmul.f32 $2.000000030e-01, v28;
	v60 =	vadd.f32 v59, v12  }
0x81: {  	v26 =	vmax.f32 v26, v31;
	v15 =	vadd.f32 v18, v15;
	v18 =	vld [tilespmem:s16+$0x70];
	v14 =	vadd.f32 v14, v13  }
0x82: {  	v31 =	vld [tilespmem:s15+$0x40];
	v22 =	vmul.f32 v22, v2;
	v23 =	vmax.f32 v28, v23;
	v28 =	vmul.f32 $2.000000030e-01, v60  }
0x83: {  	v24 =	vadd.f32 v24, v34;
	v26 =	vmul.f32 v26, v5;
	v13 =	vld [tilespmem:s16+$0x40];
	v23 =	vmul.f32 v23, v2  }
0x84: {  	v22 =	vadd.f32 v22, v14;
	v14 =	vld [tilespmem:s16+$0x50];
	v28 =	vmax.f32 v60, v28  }
0x85: {  	v24 =	vadd.f32 v26, v24;
	v33 =	vpop (erf);
	v23 =	vadd.f32 v23, v15;
	v26 =	vmul.f32 v28, v2;
	v28 =	vld [tilespmem:s15+$0x50]  }
0x86: {  	v61 =	vperm.xlane v22, v1;
	v36 =	vmul.f32 v33, v17;
	v17 =	vld [tilespmem:s16+$0xFFFFFF90]  }
0x87: {  	v15 =	vld [tilespmem:s16+$0x60];
	v62 =	vperm.xlane v23, v1  }
0x88: {  	v63 =	vmul.f32 v33, v21;
	v22 =	vadd.f32 v22, v61;
	v24 =	vadd.f32 v26, v24;
	v26 =	vld [tilespmem:s15+$0x60]  }
0x89: {  	v21 =	vld [tilespmem:s15+$0x70];
	v32 =	vmul.f32 v33, v20;
	v42 =	vmul.f32 v33, v19;
	v23 =	vadd.f32 v23, v62  }
0x8a: {  	v31 =	vadd.f32 v31, v13;
	v22 =	vmul.f32 $1.442695020e+00, v22;
	v51 =	vperm.xlane v24, v1  }
0x8b: {  	v39 =	vld [tilespmem:s15+$0xFFFFFFC0];
	v28 =	vadd.f32 v28, v14;
	v37 =	vadd.f32 v37, v17;
	v23 =	vmul.f32 $1.442695020e+00, v23  }
0x8c: {  	v41 =	vld [tilespmem:s15+$0x0];
	v24 =	vadd.f32 v24, v51;
	(erf) = vpow2.f32 v22;
	v22 =	vmul.f32 $2.000000030e-01, v31  }
0x8d: {  	v45 =	vld [tilespmem:s15+$0xFFFFFFA0];
	v38 =	vmul.f32 $2.000000030e-01, v28;
	v26 =	vadd.f32 v26, v15;
	v53 =	vmul.f32 $2.000000030e-01, v37  }
0x8e: {  	v20 =	vld [tilespmem:s16+$0xFFFFFFC0];
	v40 =	vadd.f32 v21, v18;
	v24 =	vmul.f32 $1.442695020e+00, v24;
	(erf) = vpow2.f32 v23  }
0x8f: {  	v21 =	vld [tilespmem:s16+$0xFFFFFFD0];
	v22 =	vmax.f32 v31, v22;
	v23 =	vmax.f32 v28, v38;
	v28 =	vmul.f32 $2.000000030e-01, v26  }
0x90: {  	v31 =	vld [tilespmem:s15+$0xFFFFFFD0];
	v52 =	vmul.f32 v22, v3;
	v23 =	vmul.f32 v23, v4  }
0x91: {  	v22 =	vld [tilespmem:s16+$0x0];
	v19 =	vmax.f32 v37, v53;
	v26 =	vmax.f32 v26, v28;
	v28 =	vmul.f32 $2.000000030e-01, v40  }
0x92: {  	v38 =	vmul.f32 v19, v4;
	v19 =	vld [tilespmem:s16+$0xFFFFFFA0];
	v23 =	vadd.f32 v23, v52;
	v26 =	vmul.f32 v26, v5  }
0x93: {  	v54 =	vld [tilespmem:s15+$0x10];
	v39 =	vadd.f32 v39, v20;
	v28 =	vmax.f32 v40, v28  }
0x94: {  	(erf) = vpow2.f32 v24;
	v24 =	vld [tilespmem:s16+$0x10];
	v26 =	vadd.f32 v26, v23;
	v28 =	vmul.f32 v28, v2  }
0x95: {  	v35 =	vld [tilespmem:s15+$0xFFFFFF80]  }
0x96: {  	v55 =	vmul.f32 $2.000000030e-01, v39;
	v31 =	vadd.f32 v31, v21;
	v23 =	vld [tilespmem:s16+$0xFFFFFF80];
	v43 =	vpop (erf);
	v28 =	vadd.f32 v28, v26  }
0x97: {  	v56 =	vadd.f32 v41, v22;
	v60 =	vadd.f32 v45, v19;
	v44 =	vmul.f32 v43, v25  }
0x98: {  	v46 =	vld [tilespmem:s15+$0xFFFFFFE0];
	v25 =	vmax.f32 v39, v55;
	v26 =	vmul.f32 $2.000000030e-01, v31;
	v57 =	vperm.xlane v28, v1  }
0x99: {  	v40 =	vadd.f32 v54, v24;
	v49 =	vmul.f32 v43, v27;
	v39 =	vmul.f32 v25, v3;
	v25 =	vld [tilespmem:s16+$0xFFFFFFE0]  }
0x9a: {  	v48 =	vld [tilespmem:s15+$0x20];
	v52 =	vmul.f32 $2.000000030e-01, v60;
	v26 =	vmax.f32 v31, v26;
	v28 =	vadd.f32 v28, v57  }
0x9b: {  	v31 =	vmul.f32 $2.000000030e-01, v56;
	v35 =	vadd.f32 v35, v23;
	v47 =	vmul.f32 v26, v4;
	v26 =	vld [tilespmem:s16+$0x20]  }
0x9c: {  	s4 =	simm.s32 $0xC670;
	v61 =	vld [tilespmem:s15+$0xFFFFFFB0];
	v58 =	vmul.f32 $2.000000030e-01, v40;
	v50 =	vmul.f32 $1.442695020e+00, v28  }
0x9d: {  	[tilespmem:s4+$0x90] =	vst v33;
	v34 =	vmax.f32 v60, v52;
	v27 =	vmax.f32 v56, v31;
	v31 =	vld [tilespmem:s16+$0xFFFFFFB0];
	v59 =	vmul.f32 $2.000000030e-01, v35  }
0x9e: {  	[tilespmem:s4+$0x80] =	vst v63;
	v53 =	vld [tilespmem:s15+$0xFFFFFFF0];
	v57 =	vmul.f32 v43, v30;
	v63 =	vadd.f32 v46, v25;
	(erf) = vpow2.f32 v50  }
0x9f: {  	[tilespmem:s4+$0x50] =	vst v36;
	v34 =	vmul.f32 v34, v5;
	v62 =	vmul.f32 v27, v3;
	v28 =	vld [tilespmem:s16+$0xFFFFFFF0];
	v27 =	vmax.f32 v35, v59  }
0xa0: {  	[tilespmem:s4+$0x60] =	vst v32;
	v56 =	vld [tilespmem:s15+$0x30];
	v50 =	vmax.f32 v40, v58;
	v54 =	vmul.f32 $2.000000030e-01, v63;
	v55 =	vadd.f32 v48, v26  }
0xa1: {  	[tilespmem:s4+$0x70] =	vst v42;
	v39 =	vadd.f32 v47, v39;
	v51 =	vmul.f32 v27, v3;
	v27 =	vld [tilespmem:s16+$0x30];
	v32 =	vmul.f32 v50, v4  }
0xa2: {  	[tilespmem:s4+$0xFFFFFFA0] =	vst v43;
	v45 =	vadd.f32 v61, v31;
	v30 =	vmax.f32 v63, v54;
	v58 =	vmul.f32 $2.000000030e-01, v55  }
0xa3: {  	v33 =	vpop (erf);
	[tilespmem:s4+$0xFFFFFF60] =	vst v44;
	v36 =	vadd.f32 v38, v51;
	v59 =	vmul.f32 v30, v5;
	v32 =	vadd.f32 v32, v62  }
0xa4: {  	[tilespmem:s4+$0xFFFFFFF0] =	vst v33;
	v60 =	vmul.f32 $2.000000030e-01, v45;
	v37 =	vadd.f32 v53, v28;
	v61 =	vmax.f32 v55, v58  }
0xa5: {  	[tilespmem:s4+$0xFFFFFF70] =	vst v49;
	v36 =	vadd.f32 v34, v36;
	v35 =	vadd.f32 v59, v39;
	v62 =	vmul.f32 v61, v5  }
0xa6: {  	[tilespmem:s4+$0xFFFFFF80] =	vst v57;
	v30 =	vpop (erf);
	v63 =	vmax.f32 v45, v60;
	v41 =	vmul.f32 $2.000000030e-01, v37;
	v38 =	vadd.f32 v56, v27  }
0xa7: {  	s7 =	simm.s32 $0x4;
	s13 =	simm.s32 $0x14050;
	s6 =	simm.s32 $0xC670;
	v39 =	vmul.f32 v43, v29;
	[tilespmem:s4+$0x40] =	vst v30;
	v40 =	vmul.f32 v63, v2;
	v34 =	vadd.f32 v62, v32;
	v32 =	vpop (erf)  }
.LBB2_5:
0xa8: {  	v37 =	vmax.f32 v37, v41;
	v41 =	vmul.f32 $2.000000030e-01, v38;
	v42 =	vmul.f32 v32, v18;
	v18 =	vld [tilespmem:s13+$0x70];
	v29 =	vmovc v31  }
0xa9: {  	s15 =	sadd.s32 $0x100, s15;
	v43 =	vmul.f32 v33, v9;
	s6 =	sadd.s32 $0x140, s6;
	v31 =	vld [tilespmem:s13+$0x40];
	v36 =	vadd.f32 v40, v36;
	v37 =	vmul.f32 v37, v2;
	[tilespmem:s4+$0xFFFFFF90] =	vst v39  }
0xaa: {  	v11 =	vmul.f32 v33, v11;
	v39 =	vld [tilespmem:s15+$0x40];
	v38 =	vmax.f32 v38, v41;
	[tilespmem:s6+$0x80] =	vst v42;
	v42 =	vmul.f32 v33, v8  }
0xab: {  	v40 =	vld [tilespmem:s13+$0x50];
	v41 =	vperm.xlane v36, v1;
	v35 =	vadd.f32 v37, v35;
	v37 =	vmul.f32 v38, v2;
	[tilespmem:s4+$0xFFFFFFB0] =	vst v43  }
0xac: {  	s7 =	sadd.s32 $0x4, s7;
	v16 =	vmul.f32 v33, v16;
	v9 =	vmovc v20;
	v33 =	vmul.f32 v30, v7;
	v8 =	vmov v21;
	v38 =	vld [tilespmem:s15+$0x50];
	[tilespmem:s4+$0xFFFFFFC0] =	vst v42  }
0xad: {  	p1 =	slt.u32 s7, $0x7C;
	v42 =	vld [tilespmem:s13+$0x60];
	v20 =	vadd.f32 v36, v41;
	v21 =	vperm.xlane v35, v1;
	v34 =	vadd.f32 v37, v34;
	[tilespmem:s4+$0xFFFFFFD0] =	vst v11  }
0xae: {  	v7 =	vmovc v22;
	v43 =	vmul.f32 v30, v6;
	v6 =	vmov v24;
	v37 =	vmul.f32 v30, v10;
	v36 =	vld [tilespmem:s15+$0x60];
	[tilespmem:s4+$0xFFFFFFE0] =	vst v16  }
0xaf: {  	v11 =	vmovc v25;
	v22 =	vld [tilespmem:s15+$0x70];
	v20 =	vmul.f32 $1.442695020e+00, v20;
	v21 =	vadd.f32 v35, v21;
	v24 =	vperm.xlane v34, v1;
	[tilespmem:s4+$0x0] =	vst v33  }
0xb0: {  	v25 =	vmul.f32 v32, v13;
	v10 =	vmovc v26;
	v13 =	vmov v31;
	v35 =	vld [tilespmem:s15+$0xFFFFFF80];
	[tilespmem:s4+$0x10] =	vst v43;
	v43 =	vmul.f32 v30, v12  }
0xb1: {  	v16 =	vmovc v28;
	v26 =	vadd.f32 v39, v13;
	v41 =	vld [tilespmem:s13+$0xFFFFFF90];
	v30 =	vadd.f32 v38, v40;
	v21 =	vmul.f32 $1.442695020e+00, v21;
	[tilespmem:s4+$0x20] =	vst v37  }
0xb2: {  	v31 =	vmul.f32 v32, v14;
	v14 =	vmovc v40;
	v24 =	vadd.f32 v34, v24;
	v28 =	vld [tilespmem:s15+$0xFFFFFF90];
	(erf) = vpow2.f32 v20;
	[tilespmem:s4+$0x30] =	vst v43;
	s4 =	smov.u32 s6  }
0xb3: {  	v12 =	vmovc v27;
	v33 =	vmul.f32 $2.000000030e-01, v26;
	v20 =	vld [tilespmem:s13+$0xFFFFFFC0];
	v34 =	vmul.f32 $2.000000030e-01, v30;
	v36 =	vadd.f32 v36, v42;
	[tilespmem:s6+$0x50] =	vst v25  }
0xb4: {  	v24 =	vmul.f32 $1.442695020e+00, v24;
	v25 =	vld [tilespmem:s15+$0xFFFFFFC0];
	v27 =	vadd.f32 v22, v18;
	[tilespmem:s6+$0x60] =	vst v31;
	(erf) = vpow2.f32 v21  }
0xb5: {  	v22 =	vmax.f32 v26, v33;
	v21 =	vld [tilespmem:s13+$0xFFFFFFD0];
	v26 =	vmax.f32 v30, v34;
	v30 =	vmul.f32 $2.000000030e-01, v36;
	[tilespmem:s6+$0x90] =	vst v32  }
0xb6: {  	v33 =	vmul.f32 v22, v3;
	v31 =	vld [tilespmem:s15+$0xFFFFFFD0];
	v26 =	vmul.f32 v26, v4  }
0xb7: {  	v34 =	vmul.f32 $2.000000030e-01, v27;
	v28 =	vadd.f32 v28, v41;
	v22 =	vld [tilespmem:s13+$0x0];
	v30 =	vmax.f32 v36, v30  }
0xb8: {  	v36 =	vld [tilespmem:s15+$0x0];
	v26 =	vadd.f32 v26, v33;
	v30 =	vmul.f32 v30, v5;
	(erf) = vpow2.f32 v24  }
0xb9: {  	v27 =	vmax.f32 v27, v34;
	v33 =	vmul.f32 $2.000000030e-01, v28;
	v25 =	vadd.f32 v25, v20;
	v24 =	vld [tilespmem:s13+$0x10]  }
0xba: {  	v27 =	vmul.f32 v27, v2;
	v34 =	vld [tilespmem:s15+$0x10];
	v26 =	vadd.f32 v30, v26;
	v30 =	vmul.f32 v32, v15;
	v15 =	vmovc v42  }
0xbb: {  	v32 =	vld [tilespmem:s13+$0xFFFFFF80];
	v28 =	vmax.f32 v28, v33;
	v40 =	vmul.f32 $2.000000030e-01, v25;
	v31 =	vadd.f32 v31, v21;
	v39 =	vpop (erf)  }
0xbc: {  	v37 =	vmul.f32 v28, v4;
	v38 =	vld [tilespmem:s13+$0xFFFFFFA0];
	v27 =	vadd.f32 v27, v26;
	v23 =	vmul.f32 v39, v23;
	[tilespmem:s6+$0x70] =	vst v30  }
0xbd: {  	v28 =	vld [tilespmem:s15+$0xFFFFFFA0];
	v25 =	vmax.f32 v25, v40;
	v26 =	vmul.f32 $2.000000030e-01, v31;
	v30 =	vadd.f32 v36, v22;
	[tilespmem:s6+$0xFFFFFFA0] =	vst v39;
	v33 =	vpop (erf)  }
0xbe: {  	v36 =	vmul.f32 v25, v3;
	v25 =	vld [tilespmem:s13+$0xFFFFFFE0];
	v40 =	vperm.xlane v27, v1;
	[tilespmem:s6+$0xFFFFFF60] =	vst v23  }
0xbf: {  	v44 =	vmax.f32 v31, v26;
	v42 =	vld [tilespmem:s15+$0xFFFFFFE0];
	v31 =	vmul.f32 $2.000000030e-01, v30;
	v34 =	vadd.f32 v34, v24;
	[tilespmem:s6+$0xFFFFFFF0] =	vst v33  }
0xc0: {  	v35 =	vadd.f32 v35, v32;
	v43 =	vmul.f32 v44, v4;
	v26 =	vld [tilespmem:s13+$0x20];
	v27 =	vadd.f32 v27, v40;
	v23 =	vmovc v32  }
0xc1: {  	v45 =	vmul.f32 v39, v17;
	v32 =	vmax.f32 v30, v31;
	v40 =	vmul.f32 $2.000000030e-01, v34;
	v44 =	vld [tilespmem:s15+$0x20];
	v30 =	vpop (erf)  }
0xc2: {  	v17 =	vmovc v41;
	v46 =	vmul.f32 $2.000000030e-01, v35;
	v47 =	vadd.f32 v28, v38;
	v31 =	vld [tilespmem:s13+$0xFFFFFFB0];
	v27 =	vmul.f32 $1.442695020e+00, v27;
	[tilespmem:s6+$0x40] =	vst v30  }
0xc3: {  	v43 =	vadd.f32 v43, v36;
	v32 =	vmul.f32 v32, v3;
	v41 =	vld [tilespmem:s15+$0xFFFFFFB0];
	v34 =	vmax.f32 v34, v40;
	[tilespmem:s6+$0xFFFFFF70] =	vst v45  }
0xc4: {  	v35 =	vmax.f32 v35, v46;
	v36 =	vadd.f32 v42, v25;
	v28 =	vld [tilespmem:s13+$0xFFFFFFF0];
	(erf) = vpow2.f32 v27  }
0xc5: {  	v40 =	vmul.f32 $2.000000030e-01, v47;
	v35 =	vmul.f32 v35, v3;
	v42 =	vld [tilespmem:s15+$0xFFFFFFF0]  }
0xc6: {  	v34 =	vmul.f32 v34, v4;
	v45 =	vmul.f32 $2.000000030e-01, v36;
	v44 =	vadd.f32 v44, v26;
	v27 =	vld [tilespmem:s13+$0x30]  }
0xc7: {  	v46 =	vmul.f32 v39, v19;
	v19 =	vmovc v38;
	v35 =	vadd.f32 v37, v35;
	v37 =	vmax.f32 v47, v40;
	v40 =	vld [tilespmem:s15+$0x30]  }
0xc8: {  	v38 =	vadd.f32 v41, v31;
	v36 =	vmax.f32 v36, v45;
	v41 =	vmul.f32 $2.000000030e-01, v44  }
.Ltmp1:
0xc9: {  	v32 =	vadd.f32 v34, v32;
	v45 =	vmul.f32 v37, v5;
	v47 =	vmul.f32 v36, v5;
	[tilespmem:s6+$0xFFFFFF80] =	vst v46;
	(pc) =	sbr.rel @p1 .LBB2_5-.Ltmp1, $4  }
0xca: {  	v34 =	vmul.f32 $2.000000030e-01, v38;
	v37 =	vadd.f32 v42, v28;
	v41 =	vmax.f32 v44, v41  }
0xcb: {  	v36 =	vadd.f32 v45, v35;
	v35 =	vadd.f32 v47, v43;
	v42 =	vmul.f32 v41, v5  }
0xcc: {  	v34 =	vmax.f32 v38, v34;
	v41 =	vmul.f32 $2.000000030e-01, v37;
	v38 =	vadd.f32 v40, v27  }
0xcd: {  	v39 =	vmul.f32 v39, v29;
	s13 =	sadd.s32 $0x100, s13;
	v40 =	vmul.f32 v34, v2;
	v34 =	vadd.f32 v42, v32;
	v32 =	vpop (erf)  }
0xce: {  	_ = 	snop  }
0xcf: {  	v29 =	vmul.f32 $2.000000030e-01, v38;
	v37 =	vmax.f32 v37, v41;
	v36 =	vadd.f32 v40, v36  }
0xd0: {  	v37 =	vmul.f32 v37, v2  }
0xd1: {  	v29 =	vmax.f32 v38, v29;
	v49 =	vperm.xlane v36, v1  }
0xd2: {  	v29 =	vmul.f32 v29, v2;
	v35 =	vadd.f32 v37, v35  }
0xd3: {  	v18 =	vmul.f32 v32, v18;
	v36 =	vadd.f32 v36, v49  }
0xd4: {  	v9 =	vmul.f32 v33, v9;
	s6 =	sadd.s32 $0x140, s6;
	[tilespmem:s4+$0xFFFFFF90] =	vst v39;
	v29 =	vadd.f32 v29, v34;
	v50 =	vperm.xlane v35, v1  }
0xd5: {  	[tilespmem:s6+$0x80] =	vst v18;
	v18 =	vmul.f32 $1.442695020e+00, v36  }
0xd6: {  	v8 =	vmul.f32 v33, v8;
	[tilespmem:s4+$0xFFFFFFB0] =	vst v9;
	v51 =	vperm.xlane v29, v1;
	v9 =	vadd.f32 v35, v50  }
0xd7: {  	v11 =	vmul.f32 v33, v11;
	[tilespmem:s6+$0x90] =	vst v32;
	(erf) = vpow2.f32 v18  }
0xd8: {  	[tilespmem:s4+$0xFFFFFFC0] =	vst v8;
	v8 =	vmul.f32 v33, v16;
	v16 =	vadd.f32 v29, v51;
	v9 =	vmul.f32 $1.442695020e+00, v9  }
0xd9: {  	v7 =	vmul.f32 v30, v7;
	v6 =	vmul.f32 v30, v6;
	[tilespmem:s4+$0xFFFFFFD0] =	vst v11  }
0xda: {  	[tilespmem:s4+$0xFFFFFFE0] =	vst v8;
	v8 =	vmul.f32 $1.442695020e+00, v16;
	(erf) = vpow2.f32 v9  }
0xdb: {  	v10 =	vmul.f32 v30, v10;
	[tilespmem:s4+$0x10] =	vst v6;
	v6 =	vmul.f32 v30, v12  }
0xdc: {  	[tilespmem:s4+$0x0] =	vst v7;
	v7 =	vmul.f32 v32, v13;
	(erf) = vpow2.f32 v8  }
0xdd: {  	[tilespmem:s4+$0x20] =	vst v10  }
0xde: {  	[tilespmem:s4+$0x30] =	vst v6;
	v6 =	vmul.f32 v32, v15  }
0xdf: {  	[tilespmem:s6+$0x50] =	vst v7;
	v8 =	vmul.f32 v32, v14  }
0xe0: {  	[tilespmem:s6+$0x70] =	vst v6;
	v7 =	vpop (erf)  }
0xe1: {  	[tilespmem:s6+$0x60] =	vst v8;
	v8 =	vmul.f32 v7, v23  }
0xe2: {  	[tilespmem:s6+$0xFFFFFFA0] =	vst v7  }
0xe3: {  	v10 =	vmul.f32 v7, v19;
	v6 =	vpop (erf);
	[tilespmem:s6+$0xFFFFFF60] =	vst v8  }
0xe4: {  	[tilespmem:s6+$0xFFFFFFF0] =	vst v6  }
0xe5: {  	v8 =	vmul.f32 v7, v17;
	[tilespmem:s6+$0xFFFFFF80] =	vst v10;
	v9 =	vpop (erf)  }
0xe6: {  	v7 =	vmul.f32 v7, v31;
	[tilespmem:s6+$0x40] =	vst v9  }
0xe7: {  	v10 =	vmul.f32 v6, v25;
	[tilespmem:s6+$0xFFFFFF70] =	vst v8  }
0xe8: {  	v8 =	vmul.f32 v6, v20;
	[tilespmem:s6+$0xFFFFFF90] =	vst v7  }
0xe9: {  	v7 =	vmul.f32 v6, v21;
	[tilespmem:s6+$0xFFFFFFD0] =	vst v10  }
0xea: {  	v6 =	vmul.f32 v6, v28;
	[tilespmem:s6+$0xFFFFFFB0] =	vst v8  }
0xeb: {  	[tilespmem:s6+$0xFFFFFFC0] =	vst v7;
	v7 =	vmul.f32 v9, v22  }
0xec: {  	[tilespmem:s6+$0xFFFFFFE0] =	vst v6;
	v6 =	vmul.f32 v9, v24  }
0xed: {  	v8 =	vmul.f32 v9, v26;
	[tilespmem:s6+$0x0] =	vst v7  }
0xee: {  	s15 =	sshll.u32 s3, $0x8;
	[tilespmem:s6+$0x10] =	vst v6;
	v6 =	vmul.f32 v9, v27  }
0xef: {  	s16 =	sand.u32 $0x3FFFFF00, s15;
	[tilespmem:s6+$0x20] =	vst v8  }
0xf0: {  	s14 =	sadd.s32 $0x115D0, s16;
	[tilespmem:s6+$0x30] =	vst v6  }
0xf1: {  	[spmem:s2] =	stream.indirect.scatter.add.f32 [tilespmem:s17], [sflag:$0x4], $0x50, s14, s26, $0xb8;
	[tilespmem:$0x1BE10] =	vst v63  }
0xf2: {  	_ =	swait.ge [sflag:s18], $0x2800  }
0xf3: {  	[sflag:s18] =	ssyncset.done $0x0  }
0xf4: {  	s6 =	sadd.s32 $0xEED0, s15;
	[sflag:s18] =	ssyncadd.s32 $0xFFFFD800  }
0xf5: {  	[tilespmem:s28], [sflag:$0x1] =	stream.indirect.gather [hbm4b:s5+s26], $0x40, s6, s26, $0xb8;
	[tilespmem:$0x1BE10] =	vst v63  }
0xf6: {  	s7 =	sadd.s32 $0x116D0, s15  }
0xf7: {  	[tilespmem:s29], [sflag:$0x1] =	stream.indirect.gather [hbm4b:s5+s26], $0x40, s7, s26, $0xb8;
	[tilespmem:$0x1BE10] =	vst v63  }
0xf8: {  	_ =	swait.ge [sflag:s30], $0x2000  }
0xf9: {  	[sflag:s30] =	ssyncset.done $0x0  }
0xfa: {  	[sflag:s30] =	ssyncadd.s32 $0xFFFFE000  }
0xfb: {  	_ =	swait.ge [sflag:s30], $0x2000  }
0xfc: {  	[sflag:s30] =	ssyncset.done $0x0  }
0xfd: {  	s13 =	simm.s32 $0x15E50;
	[sflag:s30] =	ssyncadd.s32 $0xFFFFE000  }
0xfe: {  	v21 =	vld [tilespmem:s13+$0x70]  }
0xff: {  	s14 =	simm.s32 $0x19E50;
	v17 =	vld [tilespmem:s13+$0x40]  }
0x100: {  	v6 =	vld [tilespmem:s14+$0x40]  }
0x101: {  	v20 =	vld [tilespmem:s13+$0x50]  }
0x102: {  	v7 =	vld [tilespmem:s14+$0x50]  }
0x103: {  	v19 =	vld [tilespmem:s13+$0x60]  }
0x104: {  	v10 =	vld [tilespmem:s14+$0x60]  }
0x105: {  	v11 =	vld [tilespmem:s14+$0x70]  }
0x106: {  	v12 =	vld [tilespmem:s14+$0xFFFFFF80]  }
0x107: {  	v27 =	vld [tilespmem:s13+$0xFFFFFF90]  }
0x108: {  	v13 =	vld [tilespmem:s14+$0xFFFFFF90]  }
0x109: {  	v9 =	vld [tilespmem:s13+$0xFFFFFFC0]  }
0x10a: {  	v15 =	vld [tilespmem:s14+$0xFFFFFFC0];
	v6 =	vadd.f32 v6, v17;
	v14 =	vadd.f32 v7, v20  }
0x10b: {  	v8 =	vld [tilespmem:s13+$0xFFFFFFD0]  }
0x10c: {  	v22 =	vld [tilespmem:s14+$0xFFFFFFD0];
	v10 =	vadd.f32 v10, v19;
	v16 =	vmul.f32 $2.000000030e-01, v6;
	v18 =	vmul.f32 $2.000000030e-01, v14  }
0x10d: {  	v24 =	vld [tilespmem:s14+$0x10];
	v11 =	vadd.f32 v11, v21  }
0x10e: {  	v25 =	vld [tilespmem:s13+$0xFFFFFF80];
	v6 =	vmax.f32 v6, v16;
	v14 =	vmax.f32 v14, v18;
	v16 =	vmul.f32 $2.000000030e-01, v10  }
0x10f: {  	v7 =	vld [tilespmem:s13+$0x0];
	v23 =	vmul.f32 v6, v3;
	v14 =	vmul.f32 v14, v4  }
0x110: {  	v13 =	vadd.f32 v13, v27;
	v18 =	vld [tilespmem:s14+$0x0];
	v10 =	vmax.f32 v10, v16;
	v16 =	vmul.f32 $2.000000030e-01, v11  }
0x111: {  	v30 =	vld [tilespmem:s13+$0xFFFFFFA0];
	v14 =	vadd.f32 v14, v23;
	v10 =	vmul.f32 v10, v5  }
0x112: {  	v28 =	vld [tilespmem:s14+$0xFFFFFFE0];
	v23 =	vmul.f32 $2.000000030e-01, v13;
	v11 =	vmax.f32 v11, v16  }
0x113: {  	v15 =	vadd.f32 v15, v9;
	v6 =	vld [tilespmem:s13+$0x10];
	v10 =	vadd.f32 v10, v14;
	v14 =	vmul.f32 v11, v2  }
0x114: {  	v29 =	vld [tilespmem:s13+$0xFFFFFFB0];
	v12 =	vadd.f32 v12, v25;
	v16 =	vadd.f32 v22, v8;
	v13 =	vmax.f32 v13, v23  }
0x115: {  	v11 =	vld [tilespmem:s13+$0xFFFFFFE0];
	v23 =	vmul.f32 $2.000000030e-01, v15;
	v18 =	vadd.f32 v18, v7;
	v14 =	vadd.f32 v14, v10  }
0x116: {  	v53 =	vmul.f32 $2.000000030e-01, v12;
	v22 =	vld [tilespmem:s14+$0xFFFFFFA0];
	v26 =	vmul.f32 $2.000000030e-01, v16  }
0x117: {  	v10 =	vld [tilespmem:s13+$0x20];
	v15 =	vmax.f32 v15, v23;
	v31 =	vmul.f32 $2.000000030e-01, v18;
	v23 =	vperm.xlane v14, v1  }
0x118: {  	v13 =	vmul.f32 v13, v4;
	v24 =	vadd.f32 v24, v6;
	v16 =	vmax.f32 v16, v26;
	v26 =	vld [tilespmem:s14+$0x20]  }
0x119: {  	v15 =	vmul.f32 v15, v3;
	v18 =	vmax.f32 v18, v31;
	v14 =	vadd.f32 v14, v23;
	v23 =	vld [tilespmem:s14+$0xFFFFFFB0]  }
0x11a: {  	v54 =	vld [tilespmem:s14+$0xFFFFFFF0];
	v31 =	vmul.f32 $2.000000030e-01, v24;
	v55 =	vmul.f32 v18, v3;
	v18 =	vadd.f32 v28, v11  }
0x11b: {  	v12 =	vmax.f32 v12, v53;
	v52 =	vmul.f32 v16, v4;
	v16 =	vld [tilespmem:s13+$0xFFFFFFF0];
	v14 =	vmul.f32 $1.442695020e+00, v14  }
0x11c: {  	v56 =	vld [tilespmem:s14+$0x30];
	v22 =	vadd.f32 v22, v30;
	v24 =	vmax.f32 v24, v31;
	v31 =	vmul.f32 $2.000000030e-01, v18  }
0x11d: {  	v26 =	vadd.f32 v26, v10;
	(erf) = vpow2.f32 v14;
	v14 =	vmul.f32 v12, v3;
	v12 =	vld [tilespmem:s13+$0x30]  }
0x11e: {  	v28 =	vmul.f32 $2.000000030e-01, v22;
	v24 =	vmul.f32 v24, v4;
	v23 =	vadd.f32 v23, v29  }
0x11f: {  	v18 =	vmax.f32 v18, v31;
	v31 =	vmul.f32 $2.000000030e-01, v26;
	v13 =	vadd.f32 v13, v14  }
0x120: {  	v14 =	vmax.f32 v22, v28;
	v28 =	vadd.f32 v54, v16;
	v22 =	vmul.f32 $2.000000030e-01, v23  }
0x121: {  	s4 =	simm.s32 $0x19F50;
	v15 =	vadd.f32 v52, v15;
	v18 =	vmul.f32 v18, v5;
	v14 =	vmul.f32 v14, v5  }
0x122: {  	s7 =	simm.s32 $0x15F50;
	v47 =	vld [tilespmem:s4+$0xFFFFFF90];
	v22 =	vmax.f32 v23, v22;
	v23 =	vmul.f32 $2.000000030e-01, v28;
	v57 =	vadd.f32 v56, v12  }
0x123: {  	v26 =	vmax.f32 v26, v31;
	v15 =	vadd.f32 v18, v15;
	v18 =	vld [tilespmem:s7+$0x70];
	v14 =	vadd.f32 v14, v13  }
0x124: {  	v31 =	vld [tilespmem:s4+$0x40];
	v22 =	vmul.f32 v22, v2;
	v23 =	vmax.f32 v28, v23;
	v28 =	vmul.f32 $2.000000030e-01, v57  }
0x125: {  	v24 =	vadd.f32 v24, v55;
	v26 =	vmul.f32 v26, v5;
	v13 =	vld [tilespmem:s7+$0x40];
	v23 =	vmul.f32 v23, v2  }
0x126: {  	v22 =	vadd.f32 v22, v14;
	v14 =	vld [tilespmem:s7+$0x50];
	v28 =	vmax.f32 v57, v28  }
0x127: {  	v24 =	vadd.f32 v26, v24;
	v33 =	vpop (erf);
	v23 =	vadd.f32 v23, v15;
	v26 =	vmul.f32 v28, v2;
	v28 =	vld [tilespmem:s4+$0x50]  }
0x128: {  	v58 =	vperm.xlane v22, v1;
	v63 =	vmul.f32 v33, v17;
	v17 =	vld [tilespmem:s7+$0xFFFFFF90]  }
0x129: {  	v15 =	vld [tilespmem:s7+$0x60];
	v59 =	vperm.xlane v23, v1  }
0x12a: {  	v60 =	vmul.f32 v33, v21;
	v22 =	vadd.f32 v22, v58;
	v24 =	vadd.f32 v26, v24;
	v26 =	vld [tilespmem:s4+$0x60]  }
0x12b: {  	v21 =	vld [tilespmem:s4+$0x70];
	v32 =	vmul.f32 v33, v20;
	v42 =	vmul.f32 v33, v19;
	v23 =	vadd.f32 v23, v59  }
0x12c: {  	v31 =	vadd.f32 v31, v13;
	v22 =	vmul.f32 $1.442695020e+00, v22;
	v61 =	vperm.xlane v24, v1  }
0x12d: {  	v49 =	vld [tilespmem:s4+$0xFFFFFFC0];
	v28 =	vadd.f32 v28, v14;
	v37 =	vadd.f32 v47, v17;
	v23 =	vmul.f32 $1.442695020e+00, v23  }
0x12e: {  	v45 =	vld [tilespmem:s4+$0xFFFFFFA0];
	v24 =	vadd.f32 v24, v61;
	(erf) = vpow2.f32 v22;
	v22 =	vmul.f32 $2.000000030e-01, v31  }
0x12f: {  	v52 =	vld [tilespmem:s4+$0x0];
	v48 =	vmul.f32 $2.000000030e-01, v28;
	v26 =	vadd.f32 v26, v15;
	v53 =	vmul.f32 $2.000000030e-01, v37  }
0x130: {  	v20 =	vld [tilespmem:s7+$0xFFFFFFC0];
	v50 =	vadd.f32 v21, v18;
	v24 =	vmul.f32 $1.442695020e+00, v24;
	(erf) = vpow2.f32 v23  }
0x131: {  	v21 =	vld [tilespmem:s7+$0xFFFFFFD0];
	v22 =	vmax.f32 v31, v22;
	v23 =	vmax.f32 v28, v48;
	v28 =	vmul.f32 $2.000000030e-01, v26  }
0x132: {  	v31 =	vld [tilespmem:s4+$0xFFFFFFD0];
	v51 =	vmul.f32 v22, v3;
	v23 =	vmul.f32 v23, v4  }
0x133: {  	v22 =	vld [tilespmem:s7+$0x0];
	v19 =	vmax.f32 v37, v53;
	v26 =	vmax.f32 v26, v28;
	v28 =	vmul.f32 $2.000000030e-01, v50  }
0x134: {  	v38 =	vmul.f32 v19, v4;
	v19 =	vld [tilespmem:s7+$0xFFFFFFA0];
	v23 =	vadd.f32 v23, v51;
	v26 =	vmul.f32 v26, v5  }
0x135: {  	v54 =	vld [tilespmem:s4+$0x10];
	v39 =	vadd.f32 v49, v20;
	v28 =	vmax.f32 v50, v28  }
0x136: {  	(erf) = vpow2.f32 v24;
	v24 =	vld [tilespmem:s7+$0x10];
	v26 =	vadd.f32 v26, v23;
	v28 =	vmul.f32 v28, v2  }
0x137: {  	v62 =	vld [tilespmem:s4+$0xFFFFFF80]  }
0x138: {  	s6 =	simm.s32 $0xC670;
	v55 =	vmul.f32 $2.000000030e-01, v39;
	v31 =	vadd.f32 v31, v21;
	v23 =	vld [tilespmem:s7+$0xFFFFFF80];
	v43 =	vpop (erf);
	v28 =	vadd.f32 v28, v26  }
0x139: {  	[tilespmem:s6+$0x80] =	vst v60;
	v56 =	vadd.f32 v52, v22;
	v60 =	vadd.f32 v45, v19;
	v44 =	vmul.f32 v43, v25  }
0x13a: {  	v46 =	vld [tilespmem:s4+$0xFFFFFFE0];
	v25 =	vmax.f32 v39, v55;
	v26 =	vmul.f32 $2.000000030e-01, v31;
	v57 =	vperm.xlane v28, v1  }
0x13b: {  	v40 =	vadd.f32 v54, v24;
	v49 =	vmul.f32 v43, v27;
	v39 =	vmul.f32 v25, v3;
	v25 =	vld [tilespmem:s7+$0xFFFFFFE0]  }
0x13c: {  	v48 =	vld [tilespmem:s4+$0x20];
	v52 =	vmul.f32 $2.000000030e-01, v60;
	v26 =	vmax.f32 v31, v26;
	v28 =	vadd.f32 v28, v57  }
0x13d: {  	v31 =	vmul.f32 $2.000000030e-01, v56;
	v35 =	vadd.f32 v62, v23;
	v47 =	vmul.f32 v26, v4;
	v26 =	vld [tilespmem:s7+$0x20]  }
0x13e: {  	v61 =	vld [tilespmem:s4+$0xFFFFFFB0];
	v58 =	vmul.f32 $2.000000030e-01, v40;
	v50 =	vmul.f32 $1.442695020e+00, v28  }
0x13f: {  	v34 =	vmax.f32 v60, v52;
	v27 =	vmax.f32 v56, v31;
	v31 =	vld [tilespmem:s7+$0xFFFFFFB0];
	v59 =	vmul.f32 $2.000000030e-01, v35  }
0x140: {  	[tilespmem:s6+$0x50] =	vst v63;
	v53 =	vld [tilespmem:s4+$0xFFFFFFF0];
	v57 =	vmul.f32 v43, v30;
	v63 =	vadd.f32 v46, v25;
	(erf) = vpow2.f32 v50  }
0x141: {  	[tilespmem:s6+$0x90] =	vst v33;
	v34 =	vmul.f32 v34, v5;
	v62 =	vmul.f32 v27, v3;
	v28 =	vld [tilespmem:s7+$0xFFFFFFF0];
	v27 =	vmax.f32 v35, v59  }
0x142: {  	[tilespmem:s6+$0x60] =	vst v32;
	v56 =	vld [tilespmem:s4+$0x30];
	v50 =	vmax.f32 v40, v58;
	v54 =	vmul.f32 $2.000000030e-01, v63;
	v55 =	vadd.f32 v48, v26  }
0x143: {  	[tilespmem:s6+$0x70] =	vst v42;
	v39 =	vadd.f32 v47, v39;
	v51 =	vmul.f32 v27, v3;
	v27 =	vld [tilespmem:s7+$0x30];
	v32 =	vmul.f32 v50, v4  }
0x144: {  	[tilespmem:s6+$0xFFFFFFA0] =	vst v43;
	v45 =	vadd.f32 v61, v31;
	v30 =	vmax.f32 v63, v54;
	v58 =	vmul.f32 $2.000000030e-01, v55  }
0x145: {  	v33 =	vpop (erf);
	[tilespmem:s6+$0xFFFFFF60] =	vst v44;
	v36 =	vadd.f32 v38, v51;
	v59 =	vmul.f32 v30, v5;
	v32 =	vadd.f32 v32, v62  }
0x146: {  	[tilespmem:s6+$0xFFFFFFF0] =	vst v33;
	v60 =	vmul.f32 $2.000000030e-01, v45;
	v37 =	vadd.f32 v53, v28;
	v61 =	vmax.f32 v55, v58  }
0x147: {  	[tilespmem:s6+$0xFFFFFF70] =	vst v49;
	v36 =	vadd.f32 v34, v36;
	v35 =	vadd.f32 v59, v39;
	v62 =	vmul.f32 v61, v5  }
0x148: {  	[tilespmem:s6+$0xFFFFFF80] =	vst v57;
	v30 =	vpop (erf);
	v63 =	vmax.f32 v45, v60;
	v41 =	vmul.f32 $2.000000030e-01, v37;
	v38 =	vadd.f32 v56, v27  }
0x149: {  	s14 =	simm.s32 $0x16050;
	s13 =	simm.s32 $0x4;
	s7 =	simm.s32 $0xC670;
	v39 =	vmul.f32 v43, v29;
	[tilespmem:s6+$0x40] =	vst v30;
	v40 =	vmul.f32 v63, v2;
	v34 =	vadd.f32 v62, v32;
	v32 =	vpop (erf)  }
.LBB2_7:
0x14a: {  	v37 =	vmax.f32 v37, v41;
	v41 =	vmul.f32 $2.000000030e-01, v38;
	v42 =	vmul.f32 v32, v18;
	v18 =	vld [tilespmem:s14+$0x70];
	v29 =	vmovc v31  }
0x14b: {  	s4 =	sadd.s32 $0x100, s4;
	v43 =	vmul.f32 v33, v9;
	s7 =	sadd.s32 $0x140, s7;
	v31 =	vld [tilespmem:s14+$0x40];
	v36 =	vadd.f32 v40, v36;
	v37 =	vmul.f32 v37, v2;
	[tilespmem:s6+$0xFFFFFF90] =	vst v39  }
0x14c: {  	v11 =	vmul.f32 v33, v11;
	v39 =	vld [tilespmem:s4+$0x40];
	v38 =	vmax.f32 v38, v41;
	[tilespmem:s7+$0x80] =	vst v42;
	v42 =	vmul.f32 v33, v8  }
0x14d: {  	v40 =	vld [tilespmem:s14+$0x50];
	v41 =	vperm.xlane v36, v1;
	v35 =	vadd.f32 v37, v35;
	v37 =	vmul.f32 v38, v2;
	[tilespmem:s6+$0xFFFFFFB0] =	vst v43  }
0x14e: {  	s13 =	sadd.s32 $0x4, s13;
	v16 =	vmul.f32 v33, v16;
	v9 =	vmovc v20;
	v33 =	vmul.f32 v30, v7;
	v8 =	vmov v21;
	v38 =	vld [tilespmem:s4+$0x50];
	[tilespmem:s6+$0xFFFFFFC0] =	vst v42  }
0x14f: {  	p1 =	slt.u32 s13, $0x7C;
	v42 =	vld [tilespmem:s14+$0x60];
	v20 =	vadd.f32 v36, v41;
	v21 =	vperm.xlane v35, v1;
	v34 =	vadd.f32 v37, v34;
	[tilespmem:s6+$0xFFFFFFD0] =	vst v11  }
0x150: {  	v7 =	vmovc v22;
	v43 =	vmul.f32 v30, v6;
	v6 =	vmov v24;
	v37 =	vmul.f32 v30, v10;
	v36 =	vld [tilespmem:s4+$0x60];
	[tilespmem:s6+$0xFFFFFFE0] =	vst v16  }
0x151: {  	v11 =	vmovc v25;
	v22 =	vld [tilespmem:s4+$0x70];
	v20 =	vmul.f32 $1.442695020e+00, v20;
	v21 =	vadd.f32 v35, v21;
	v24 =	vperm.xlane v34, v1;
	[tilespmem:s6+$0x0] =	vst v33  }
0x152: {  	v25 =	vmul.f32 v32, v13;
	v10 =	vmovc v26;
	v13 =	vmov v31;
	v35 =	vld [tilespmem:s4+$0xFFFFFF80];
	[tilespmem:s6+$0x10] =	vst v43;
	v43 =	vmul.f32 v30, v12  }
0x153: {  	v16 =	vmovc v28;
	v26 =	vadd.f32 v39, v13;
	v41 =	vld [tilespmem:s14+$0xFFFFFF90];
	v30 =	vadd.f32 v38, v40;
	v21 =	vmul.f32 $1.442695020e+00, v21;
	[tilespmem:s6+$0x20] =	vst v37  }
0x154: {  	v31 =	vmul.f32 v32, v14;
	v14 =	vmovc v40;
	v24 =	vadd.f32 v34, v24;
	v28 =	vld [tilespmem:s4+$0xFFFFFF90];
	(erf) = vpow2.f32 v20;
	[tilespmem:s6+$0x30] =	vst v43;
	s6 =	smov.u32 s7  }
0x155: {  	v12 =	vmovc v27;
	v33 =	vmul.f32 $2.000000030e-01, v26;
	v20 =	vld [tilespmem:s14+$0xFFFFFFC0];
	v34 =	vmul.f32 $2.000000030e-01, v30;
	v36 =	vadd.f32 v36, v42;
	[tilespmem:s7+$0x50] =	vst v25  }
0x156: {  	v24 =	vmul.f32 $1.442695020e+00, v24;
	v25 =	vld [tilespmem:s4+$0xFFFFFFC0];
	v27 =	vadd.f32 v22, v18;
	[tilespmem:s7+$0x60] =	vst v31;
	(erf) = vpow2.f32 v21  }
0x157: {  	v22 =	vmax.f32 v26, v33;
	v21 =	vld [tilespmem:s14+$0xFFFFFFD0];
	v26 =	vmax.f32 v30, v34;
	v30 =	vmul.f32 $2.000000030e-01, v36;
	[tilespmem:s7+$0x90] =	vst v32  }
0x158: {  	v33 =	vmul.f32 v22, v3;
	v31 =	vld [tilespmem:s4+$0xFFFFFFD0];
	v26 =	vmul.f32 v26, v4  }
0x159: {  	v34 =	vmul.f32 $2.000000030e-01, v27;
	v28 =	vadd.f32 v28, v41;
	v22 =	vld [tilespmem:s14+$0x0];
	v30 =	vmax.f32 v36, v30  }
0x15a: {  	v36 =	vld [tilespmem:s4+$0x0];
	v26 =	vadd.f32 v26, v33;
	v30 =	vmul.f32 v30, v5;
	(erf) = vpow2.f32 v24  }
0x15b: {  	v27 =	vmax.f32 v27, v34;
	v33 =	vmul.f32 $2.000000030e-01, v28;
	v25 =	vadd.f32 v25, v20;
	v24 =	vld [tilespmem:s14+$0x10]  }
0x15c: {  	v27 =	vmul.f32 v27, v2;
	v34 =	vld [tilespmem:s4+$0x10];
	v26 =	vadd.f32 v30, v26;
	v30 =	vmul.f32 v32, v15;
	v15 =	vmovc v42  }
0x15d: {  	v32 =	vld [tilespmem:s14+$0xFFFFFF80];
	v28 =	vmax.f32 v28, v33;
	v40 =	vmul.f32 $2.000000030e-01, v25;
	v31 =	vadd.f32 v31, v21;
	v39 =	vpop (erf)  }
0x15e: {  	v37 =	vmul.f32 v28, v4;
	v38 =	vld [tilespmem:s14+$0xFFFFFFA0];
	v27 =	vadd.f32 v27, v26;
	v23 =	vmul.f32 v39, v23;
	[tilespmem:s7+$0x70] =	vst v30  }
0x15f: {  	v28 =	vld [tilespmem:s4+$0xFFFFFFA0];
	v25 =	vmax.f32 v25, v40;
	v26 =	vmul.f32 $2.000000030e-01, v31;
	v30 =	vadd.f32 v36, v22;
	[tilespmem:s7+$0xFFFFFFA0] =	vst v39;
	v33 =	vpop (erf)  }
0x160: {  	v36 =	vmul.f32 v25, v3;
	v25 =	vld [tilespmem:s14+$0xFFFFFFE0];
	v40 =	vperm.xlane v27, v1;
	[tilespmem:s7+$0xFFFFFF60] =	vst v23  }
0x161: {  	v44 =	vmax.f32 v31, v26;
	v42 =	vld [tilespmem:s4+$0xFFFFFFE0];
	v31 =	vmul.f32 $2.000000030e-01, v30;
	v34 =	vadd.f32 v34, v24;
	[tilespmem:s7+$0xFFFFFFF0] =	vst v33  }
0x162: {  	v35 =	vadd.f32 v35, v32;
	v43 =	vmul.f32 v44, v4;
	v26 =	vld [tilespmem:s14+$0x20];
	v27 =	vadd.f32 v27, v40;
	v23 =	vmovc v32  }
0x163: {  	v45 =	vmul.f32 v39, v17;
	v32 =	vmax.f32 v30, v31;
	v40 =	vmul.f32 $2.000000030e-01, v34;
	v44 =	vld [tilespmem:s4+$0x20];
	v30 =	vpop (erf)  }
0x164: {  	v17 =	vmovc v41;
	v46 =	vmul.f32 $2.000000030e-01, v35;
	v47 =	vadd.f32 v28, v38;
	v31 =	vld [tilespmem:s14+$0xFFFFFFB0];
	v27 =	vmul.f32 $1.442695020e+00, v27;
	[tilespmem:s7+$0x40] =	vst v30  }
0x165: {  	v43 =	vadd.f32 v43, v36;
	v32 =	vmul.f32 v32, v3;
	v41 =	vld [tilespmem:s4+$0xFFFFFFB0];
	v34 =	vmax.f32 v34, v40;
	[tilespmem:s7+$0xFFFFFF70] =	vst v45  }
0x166: {  	v35 =	vmax.f32 v35, v46;
	v36 =	vadd.f32 v42, v25;
	v28 =	vld [tilespmem:s14+$0xFFFFFFF0];
	(erf) = vpow2.f32 v27  }
0x167: {  	v40 =	vmul.f32 $2.000000030e-01, v47;
	v35 =	vmul.f32 v35, v3;
	v42 =	vld [tilespmem:s4+$0xFFFFFFF0]  }
0x168: {  	v34 =	vmul.f32 v34, v4;
	v45 =	vmul.f32 $2.000000030e-01, v36;
	v44 =	vadd.f32 v44, v26;
	v27 =	vld [tilespmem:s14+$0x30]  }
0x169: {  	v46 =	vmul.f32 v39, v19;
	v19 =	vmovc v38;
	v35 =	vadd.f32 v37, v35;
	v37 =	vmax.f32 v47, v40;
	v40 =	vld [tilespmem:s4+$0x30]  }
0x16a: {  	v38 =	vadd.f32 v41, v31;
	v36 =	vmax.f32 v36, v45;
	v41 =	vmul.f32 $2.000000030e-01, v44  }
.Ltmp2:
0x16b: {  	v32 =	vadd.f32 v34, v32;
	v45 =	vmul.f32 v37, v5;
	v47 =	vmul.f32 v36, v5;
	[tilespmem:s7+$0xFFFFFF80] =	vst v46;
	(pc) =	sbr.rel @p1 .LBB2_7-.Ltmp2, $4  }
0x16c: {  	v34 =	vmul.f32 $2.000000030e-01, v38;
	v37 =	vadd.f32 v42, v28;
	v41 =	vmax.f32 v44, v41  }
0x16d: {  	v36 =	vadd.f32 v45, v35;
	v35 =	vadd.f32 v47, v43;
	v42 =	vmul.f32 v41, v5  }
0x16e: {  	v34 =	vmax.f32 v38, v34;
	v41 =	vmul.f32 $2.000000030e-01, v37;
	v38 =	vadd.f32 v40, v27  }
0x16f: {  	v39 =	vmul.f32 v39, v29;
	s14 =	sadd.s32 $0x100, s14;
	v40 =	vmul.f32 v34, v2;
	v34 =	vadd.f32 v42, v32;
	v32 =	vpop (erf)  }
0x170: {  	_ = 	snop  }
0x171: {  	v37 =	vmax.f32 v37, v41;
	v36 =	vadd.f32 v40, v36  }
0x172: {  	v37 =	vmul.f32 v37, v2  }
0x173: {  	v29 =	vmul.f32 $2.000000030e-01, v38;
	v48 =	vperm.xlane v36, v1  }
0x174: {  	v18 =	vmul.f32 v32, v18;
	v35 =	vadd.f32 v37, v35  }
0x175: {  	v9 =	vmul.f32 v33, v9;
	v29 =	vmax.f32 v38, v29;
	v36 =	vadd.f32 v36, v48  }
0x176: {  	s4 =	sadd.s32 $0x140, s7;
	[tilespmem:s6+$0xFFFFFF90] =	vst v39;
	v29 =	vmul.f32 v29, v2;
	v49 =	vperm.xlane v35, v1  }
0x177: {  	v8 =	vmul.f32 v33, v8;
	[tilespmem:s4+$0x90] =	vst v32;
	v50 =	vmul.f32 $1.442695020e+00, v36  }
0x178: {  	v11 =	vmul.f32 v33, v11;
	[tilespmem:s4+$0x80] =	vst v18;
	v29 =	vadd.f32 v29, v34;
	v52 =	vadd.f32 v35, v49  }
0x179: {  	v53 =	vmul.f32 v33, v16;
	[tilespmem:s6+$0xFFFFFFB0] =	vst v9;
	(erf) = vpow2.f32 v50  }
0x17a: {  	[tilespmem:s6+$0xFFFFFFC0] =	vst v8;
	v51 =	vperm.xlane v29, v1;
	v9 =	vmul.f32 $1.442695020e+00, v52  }
0x17b: {  	v7 =	vmul.f32 v30, v7;
	[tilespmem:s6+$0xFFFFFFD0] =	vst v11  }
0x17c: {  	v6 =	vmul.f32 v30, v6;
	[tilespmem:s6+$0xFFFFFFE0] =	vst v53;
	v54 =	vadd.f32 v29, v51;
	(erf) = vpow2.f32 v9  }
0x17d: {  	v10 =	vmul.f32 v30, v10;
	v56 =	vmul.f32 v32, v14;
	[tilespmem:s6+$0x0] =	vst v7  }
0x17e: {  	[tilespmem:s6+$0x10] =	vst v6;
	v7 =	vmul.f32 v32, v13;
	v55 =	vmul.f32 $1.442695020e+00, v54  }
0x17f: {  	v6 =	vmul.f32 v30, v12;
	[tilespmem:s6+$0x20] =	vst v10  }
0x180: {  	[tilespmem:s4+$0x60] =	vst v56;
	(erf) = vpow2.f32 v55  }
0x181: {  	[tilespmem:s6+$0x30] =	vst v6;
	v6 =	vmul.f32 v32, v15  }
0x182: {  	[tilespmem:s4+$0x50] =	vst v7;
	v7 =	vpop (erf)  }
0x183: {  	[tilespmem:s4+$0x70] =	vst v6;
	v57 =	vmul.f32 v7, v23  }
0x184: {  	[tilespmem:s4+$0xFFFFFFA0] =	vst v7  }
0x185: {  	v58 =	vmul.f32 v7, v17;
	v6 =	vpop (erf);
	[tilespmem:s4+$0xFFFFFF60] =	vst v57  }
0x186: {  	v60 =	vmul.f32 v7, v19;
	[tilespmem:s4+$0xFFFFFFF0] =	vst v6  }
0x187: {  	v7 =	vmul.f32 v7, v31;
	[tilespmem:s4+$0xFFFFFF70] =	vst v58  }
0x188: {  	[tilespmem:s4+$0xFFFFFF80] =	vst v60  }
0x189: {  	v61 =	vmul.f32 v6, v20;
	[tilespmem:s4+$0xFFFFFF90] =	vst v7;
	v59 =	vpop (erf)  }
0x18a: {  	v7 =	vmul.f32 v6, v21;
	[tilespmem:s4+$0x40] =	vst v59  }
0x18b: {  	v62 =	vmul.f32 v6, v25;
	[tilespmem:s4+$0xFFFFFFB0] =	vst v61  }
0x18c: {  	v6 =	vmul.f32 v6, v28;
	[tilespmem:s4+$0xFFFFFFC0] =	vst v7  }
0x18d: {  	v7 =	vmul.f32 v59, v22;
	[tilespmem:s4+$0xFFFFFFD0] =	vst v62  }
0x18e: {  	[tilespmem:s4+$0xFFFFFFE0] =	vst v6;
	v6 =	vmul.f32 v59, v24  }
0x18f: {  	v63 =	vmul.f32 v59, v26;
	[tilespmem:s4+$0x0] =	vst v7  }
0x190: {  	[tilespmem:s4+$0x10] =	vst v6;
	v6 =	vmul.f32 v59, v27  }
0x191: {  	[tilespmem:s4+$0x20] =	vst v63  }
0x192: {  	s13 =	sadd.s32 $0x11650, s16;
	s3 =	sadd.s32 $0x1, s3;
	[tilespmem:s4+$0x30] =	vst v6  }
0x193: {  	[spmem:s2] =	stream.indirect.scatter.add.f32 [tilespmem:s17], [sflag:$0x4], $0x50, s13, s26, $0xb8;
	[tilespmem:$0x1BE10] =	vst v63  }
0x194: {  	p1 =	sne.s32 s3, $0x27;
	_ =	swait.ge [sflag:s18], $0x2800  }
.Ltmp3:
0x195: {  	[sflag:s18] =	ssyncset.done $0x0;
	(pc) =	sbr.rel @p1 .LBB2_4-.Ltmp3, $4  }
0x196: {  	s14 =	sadd.s32 $0xEF50, s15;
	[sflag:s18] =	ssyncadd.s32 $0xFFFFD800  }
0x197: {  	[tilespmem:s31], [sflag:$0x2] =	stream.indirect.gather [hbm4b:s5+s26], $0x40, s14, s26, $0xb8;
	[tilespmem:$0x1BE10] =	vst v63  }
0x198: {  	s16 =	sadd.s32 $0x11750, s15  }
0x199: {  	[tilespmem:s1], [sflag:$0x2] =	stream.indirect.gather [hbm4b:s5+s26], $0x40, s16, s26, $0xb8;
	[tilespmem:$0x1BE10] =	vst v63  }
0x19a: {  	_ =	swait.ge [sflag:s19], $0x2000  }
0x19b: {  	[sflag:s19] =	ssyncset.done $0x0  }
0x19c: {  	[sflag:s19] =	ssyncadd.s32 $0xFFFFE000  }
0x19d: {  	_ =	swait.ge [sflag:s19], $0x2000  }
0x19e: {  	[sflag:s19] =	ssyncset.done $0x0  }
0x19f: {  	s4 =	simm.s32 $0x13E50;
	[sflag:s19] =	ssyncadd.s32 $0xFFFFE000  }
0x1a0: {  	v21 =	vld [tilespmem:s4+$0x70]  }
0x1a1: {  	s3 =	simm.s32 $0x17E50;
	v17 =	vld [tilespmem:s4+$0x40]  }
0x1a2: {  	v6 =	vld [tilespmem:s3+$0x40]  }
0x1a3: {  	v20 =	vld [tilespmem:s4+$0x50]  }
0x1a4: {  	v7 =	vld [tilespmem:s3+$0x50]  }
0x1a5: {  	v19 =	vld [tilespmem:s4+$0x60]  }
0x1a6: {  	v10 =	vld [tilespmem:s3+$0x60]  }
0x1a7: {  	v11 =	vld [tilespmem:s3+$0x70]  }
0x1a8: {  	v12 =	vld [tilespmem:s3+$0xFFFFFF80]  }
0x1a9: {  	v27 =	vld [tilespmem:s4+$0xFFFFFF90]  }
0x1aa: {  	v13 =	vld [tilespmem:s3+$0xFFFFFF90]  }
0x1ab: {  	v9 =	vld [tilespmem:s4+$0xFFFFFFC0]  }
0x1ac: {  	v15 =	vld [tilespmem:s3+$0xFFFFFFC0];
	v6 =	vadd.f32 v6, v17;
	v14 =	vadd.f32 v7, v20  }
0x1ad: {  	v8 =	vld [tilespmem:s4+$0xFFFFFFD0]  }
0x1ae: {  	v22 =	vld [tilespmem:s3+$0xFFFFFFD0];
	v10 =	vadd.f32 v10, v19;
	v16 =	vmul.f32 $2.000000030e-01, v6;
	v18 =	vmul.f32 $2.000000030e-01, v14  }
0x1af: {  	v24 =	vld [tilespmem:s3+$0x10];
	v11 =	vadd.f32 v11, v21  }
0x1b0: {  	v25 =	vld [tilespmem:s4+$0xFFFFFF80];
	v6 =	vmax.f32 v6, v16;
	v14 =	vmax.f32 v14, v18;
	v16 =	vmul.f32 $2.000000030e-01, v10  }
0x1b1: {  	v7 =	vld [tilespmem:s4+$0x0];
	v23 =	vmul.f32 v6, v3;
	v14 =	vmul.f32 v14, v4  }
0x1b2: {  	v13 =	vadd.f32 v13, v27;
	v18 =	vld [tilespmem:s3+$0x0];
	v10 =	vmax.f32 v10, v16;
	v16 =	vmul.f32 $2.000000030e-01, v11  }
0x1b3: {  	v30 =	vld [tilespmem:s4+$0xFFFFFFA0];
	v14 =	vadd.f32 v14, v23;
	v10 =	vmul.f32 v10, v5  }
0x1b4: {  	v28 =	vld [tilespmem:s3+$0xFFFFFFE0];
	v23 =	vmul.f32 $2.000000030e-01, v13;
	v11 =	vmax.f32 v11, v16  }
0x1b5: {  	v15 =	vadd.f32 v15, v9;
	v6 =	vld [tilespmem:s4+$0x10];
	v10 =	vadd.f32 v10, v14;
	v14 =	vmul.f32 v11, v2  }
0x1b6: {  	v29 =	vld [tilespmem:s4+$0xFFFFFFB0];
	v12 =	vadd.f32 v12, v25;
	v16 =	vadd.f32 v22, v8;
	v13 =	vmax.f32 v13, v23  }
0x1b7: {  	v11 =	vld [tilespmem:s4+$0xFFFFFFE0];
	v23 =	vmul.f32 $2.000000030e-01, v15;
	v18 =	vadd.f32 v18, v7;
	v14 =	vadd.f32 v14, v10  }
0x1b8: {  	v33 =	vmul.f32 $2.000000030e-01, v12;
	v22 =	vld [tilespmem:s3+$0xFFFFFFA0];
	v26 =	vmul.f32 $2.000000030e-01, v16  }
0x1b9: {  	v10 =	vld [tilespmem:s4+$0x20];
	v15 =	vmax.f32 v15, v23;
	v31 =	vmul.f32 $2.000000030e-01, v18;
	v23 =	vperm.xlane v14, v1  }
0x1ba: {  	v13 =	vmul.f32 v13, v4;
	v24 =	vadd.f32 v24, v6;
	v16 =	vmax.f32 v16, v26;
	v26 =	vld [tilespmem:s3+$0x20]  }
0x1bb: {  	v15 =	vmul.f32 v15, v3;
	v18 =	vmax.f32 v18, v31;
	v14 =	vadd.f32 v14, v23;
	v23 =	vld [tilespmem:s3+$0xFFFFFFB0]  }
0x1bc: {  	v58 =	vld [tilespmem:s3+$0xFFFFFFF0];
	v31 =	vmul.f32 $2.000000030e-01, v24;
	v34 =	vmul.f32 v18, v3;
	v18 =	vadd.f32 v28, v11  }
0x1bd: {  	v12 =	vmax.f32 v12, v33;
	v32 =	vmul.f32 v16, v4;
	v16 =	vld [tilespmem:s4+$0xFFFFFFF0];
	v14 =	vmul.f32 $1.442695020e+00, v14  }
0x1be: {  	v59 =	vld [tilespmem:s3+$0x30];
	v22 =	vadd.f32 v22, v30;
	v24 =	vmax.f32 v24, v31;
	v31 =	vmul.f32 $2.000000030e-01, v18  }
0x1bf: {  	v26 =	vadd.f32 v26, v10;
	(erf) = vpow2.f32 v14;
	v14 =	vmul.f32 v12, v3;
	v12 =	vld [tilespmem:s4+$0x30]  }
0x1c0: {  	v28 =	vmul.f32 $2.000000030e-01, v22;
	v24 =	vmul.f32 v24, v4;
	v23 =	vadd.f32 v23, v29  }
0x1c1: {  	v18 =	vmax.f32 v18, v31;
	v31 =	vmul.f32 $2.000000030e-01, v26;
	v13 =	vadd.f32 v13, v14  }
0x1c2: {  	v14 =	vmax.f32 v22, v28;
	v28 =	vadd.f32 v58, v16;
	v22 =	vmul.f32 $2.000000030e-01, v23  }
0x1c3: {  	v15 =	vadd.f32 v32, v15;
	s3 =	simm.s32 $0x17F50;
	v18 =	vmul.f32 v18, v5;
	v14 =	vmul.f32 v14, v5  }
0x1c4: {  	s6 =	simm.s32 $0x13F50;
	v37 =	vld [tilespmem:s3+$0xFFFFFF90];
	v22 =	vmax.f32 v23, v22;
	v23 =	vmul.f32 $2.000000030e-01, v28;
	v60 =	vadd.f32 v59, v12  }
0x1c5: {  	v26 =	vmax.f32 v26, v31;
	v15 =	vadd.f32 v18, v15;
	v18 =	vld [tilespmem:s6+$0x70];
	v14 =	vadd.f32 v14, v13  }
0x1c6: {  	v31 =	vld [tilespmem:s3+$0x40];
	v22 =	vmul.f32 v22, v2;
	v23 =	vmax.f32 v28, v23;
	v28 =	vmul.f32 $2.000000030e-01, v60  }
0x1c7: {  	v24 =	vadd.f32 v24, v34;
	v26 =	vmul.f32 v26, v5;
	v13 =	vld [tilespmem:s6+$0x40];
	v23 =	vmul.f32 v23, v2  }
0x1c8: {  	v22 =	vadd.f32 v22, v14;
	v14 =	vld [tilespmem:s6+$0x50];
	v28 =	vmax.f32 v60, v28  }
0x1c9: {  	v24 =	vadd.f32 v26, v24;
	v33 =	vpop (erf);
	v23 =	vadd.f32 v23, v15;
	v26 =	vmul.f32 v28, v2;
	v28 =	vld [tilespmem:s3+$0x50]  }
0x1ca: {  	v61 =	vperm.xlane v22, v1;
	v36 =	vmul.f32 v33, v17;
	v17 =	vld [tilespmem:s6+$0xFFFFFF90]  }
0x1cb: {  	v15 =	vld [tilespmem:s6+$0x60];
	v62 =	vperm.xlane v23, v1  }
0x1cc: {  	v63 =	vmul.f32 v33, v21;
	v22 =	vadd.f32 v22, v61;
	v24 =	vadd.f32 v26, v24;
	v26 =	vld [tilespmem:s3+$0x60]  }
0x1cd: {  	v21 =	vld [tilespmem:s3+$0x70];
	v32 =	vmul.f32 v33, v20;
	v42 =	vmul.f32 v33, v19;
	v23 =	vadd.f32 v23, v62  }
0x1ce: {  	v31 =	vadd.f32 v31, v13;
	v22 =	vmul.f32 $1.442695020e+00, v22;
	v51 =	vperm.xlane v24, v1  }
0x1cf: {  	v39 =	vld [tilespmem:s3+$0xFFFFFFC0];
	v28 =	vadd.f32 v28, v14;
	v37 =	vadd.f32 v37, v17;
	v23 =	vmul.f32 $1.442695020e+00, v23  }
0x1d0: {  	v41 =	vld [tilespmem:s3+$0x0];
	v24 =	vadd.f32 v24, v51;
	(erf) = vpow2.f32 v22;
	v22 =	vmul.f32 $2.000000030e-01, v31  }
0x1d1: {  	v45 =	vld [tilespmem:s3+$0xFFFFFFA0];
	v38 =	vmul.f32 $2.000000030e-01, v28;
	v26 =	vadd.f32 v26, v15;
	v53 =	vmul.f32 $2.000000030e-01, v37  }
0x1d2: {  	v20 =	vld [tilespmem:s6+$0xFFFFFFC0];
	v40 =	vadd.f32 v21, v18;
	v24 =	vmul.f32 $1.442695020e+00, v24;
	(erf) = vpow2.f32 v23  }
0x1d3: {  	v21 =	vld [tilespmem:s6+$0xFFFFFFD0];
	v22 =	vmax.f32 v31, v22;
	v23 =	vmax.f32 v28, v38;
	v28 =	vmul.f32 $2.000000030e-01, v26  }
0x1d4: {  	v31 =	vld [tilespmem:s3+$0xFFFFFFD0];
	v52 =	vmul.f32 v22, v3;
	v23 =	vmul.f32 v23, v4  }
0x1d5: {  	v22 =	vld [tilespmem:s6+$0x0];
	v19 =	vmax.f32 v37, v53;
	v26 =	vmax.f32 v26, v28;
	v28 =	vmul.f32 $2.000000030e-01, v40  }
0x1d6: {  	v38 =	vmul.f32 v19, v4;
	v19 =	vld [tilespmem:s6+$0xFFFFFFA0];
	v23 =	vadd.f32 v23, v52;
	v26 =	vmul.f32 v26, v5  }
0x1d7: {  	v54 =	vld [tilespmem:s3+$0x10];
	v39 =	vadd.f32 v39, v20;
	v28 =	vmax.f32 v40, v28  }
0x1d8: {  	(erf) = vpow2.f32 v24;
	v24 =	vld [tilespmem:s6+$0x10];
	v26 =	vadd.f32 v26, v23;
	v28 =	vmul.f32 v28, v2  }
0x1d9: {  	v35 =	vld [tilespmem:s3+$0xFFFFFF80]  }
0x1da: {  	v55 =	vmul.f32 $2.000000030e-01, v39;
	v31 =	vadd.f32 v31, v21;
	v23 =	vld [tilespmem:s6+$0xFFFFFF80];
	v43 =	vpop (erf);
	v28 =	vadd.f32 v28, v26  }
0x1db: {  	v56 =	vadd.f32 v41, v22;
	v60 =	vadd.f32 v45, v19;
	v44 =	vmul.f32 v43, v25  }
0x1dc: {  	v46 =	vld [tilespmem:s3+$0xFFFFFFE0];
	v25 =	vmax.f32 v39, v55;
	v26 =	vmul.f32 $2.000000030e-01, v31;
	v57 =	vperm.xlane v28, v1  }
0x1dd: {  	v40 =	vadd.f32 v54, v24;
	v49 =	vmul.f32 v43, v27;
	v39 =	vmul.f32 v25, v3;
	v25 =	vld [tilespmem:s6+$0xFFFFFFE0]  }
0x1de: {  	v48 =	vld [tilespmem:s3+$0x20];
	v52 =	vmul.f32 $2.000000030e-01, v60;
	v26 =	vmax.f32 v31, v26;
	v28 =	vadd.f32 v28, v57  }
0x1df: {  	v31 =	vmul.f32 $2.000000030e-01, v56;
	v35 =	vadd.f32 v35, v23;
	v47 =	vmul.f32 v26, v4;
	v26 =	vld [tilespmem:s6+$0x20]  }
0x1e0: {  	s4 =	simm.s32 $0xC670;
	v61 =	vld [tilespmem:s3+$0xFFFFFFB0];
	v58 =	vmul.f32 $2.000000030e-01, v40;
	v50 =	vmul.f32 $1.442695020e+00, v28  }
0x1e1: {  	[tilespmem:s4+$0x90] =	vst v33;
	v34 =	vmax.f32 v60, v52;
	v27 =	vmax.f32 v56, v31;
	v31 =	vld [tilespmem:s6+$0xFFFFFFB0];
	v59 =	vmul.f32 $2.000000030e-01, v35  }
0x1e2: {  	[tilespmem:s4+$0x80] =	vst v63;
	v53 =	vld [tilespmem:s3+$0xFFFFFFF0];
	v57 =	vmul.f32 v43, v30;
	v63 =	vadd.f32 v46, v25;
	(erf) = vpow2.f32 v50  }
0x1e3: {  	[tilespmem:s4+$0x50] =	vst v36;
	v34 =	vmul.f32 v34, v5;
	v62 =	vmul.f32 v27, v3;
	v28 =	vld [tilespmem:s6+$0xFFFFFFF0];
	v27 =	vmax.f32 v35, v59  }
0x1e4: {  	[tilespmem:s4+$0x60] =	vst v32;
	v56 =	vld [tilespmem:s3+$0x30];
	v50 =	vmax.f32 v40, v58;
	v54 =	vmul.f32 $2.000000030e-01, v63;
	v55 =	vadd.f32 v48, v26  }
0x1e5: {  	[tilespmem:s4+$0x70] =	vst v42;
	v39 =	vadd.f32 v47, v39;
	v51 =	vmul.f32 v27, v3;
	v27 =	vld [tilespmem:s6+$0x30];
	v32 =	vmul.f32 v50, v4  }
0x1e6: {  	[tilespmem:s4+$0xFFFFFFA0] =	vst v43;
	v45 =	vadd.f32 v61, v31;
	v30 =	vmax.f32 v63, v54;
	v58 =	vmul.f32 $2.000000030e-01, v55  }
0x1e7: {  	v33 =	vpop (erf);
	[tilespmem:s4+$0xFFFFFF60] =	vst v44;
	v36 =	vadd.f32 v38, v51;
	v59 =	vmul.f32 v30, v5;
	v32 =	vadd.f32 v32, v62  }
0x1e8: {  	[tilespmem:s4+$0xFFFFFFF0] =	vst v33;
	v60 =	vmul.f32 $2.000000030e-01, v45;
	v37 =	vadd.f32 v53, v28;
	v61 =	vmax.f32 v55, v58  }
0x1e9: {  	[tilespmem:s4+$0xFFFFFF70] =	vst v49;
	v36 =	vadd.f32 v34, v36;
	v35 =	vadd.f32 v59, v39;
	v62 =	vmul.f32 v61, v5  }
0x1ea: {  	[tilespmem:s4+$0xFFFFFF80] =	vst v57;
	v30 =	vpop (erf);
	v63 =	vmax.f32 v45, v60;
	v41 =	vmul.f32 $2.000000030e-01, v37;
	v38 =	vadd.f32 v56, v27  }
0x1eb: {  	s7 =	simm.s32 $0x4;
	s13 =	simm.s32 $0x14050;
	s6 =	simm.s32 $0xC670;
	v39 =	vmul.f32 v43, v29;
	[tilespmem:s4+$0x40] =	vst v30;
	v40 =	vmul.f32 v63, v2;
	v34 =	vadd.f32 v62, v32;
	v32 =	vpop (erf)  }
.LBB2_10:
0x1ec: {  	v37 =	vmax.f32 v37, v41;
	v41 =	vmul.f32 $2.000000030e-01, v38;
	v42 =	vmul.f32 v32, v18;
	v18 =	vld [tilespmem:s13+$0x70];
	v29 =	vmovc v31  }
0x1ed: {  	s3 =	sadd.s32 $0x100, s3;
	v43 =	vmul.f32 v33, v9;
	s6 =	sadd.s32 $0x140, s6;
	v31 =	vld [tilespmem:s13+$0x40];
	v36 =	vadd.f32 v40, v36;
	v37 =	vmul.f32 v37, v2;
	[tilespmem:s4+$0xFFFFFF90] =	vst v39  }
0x1ee: {  	v11 =	vmul.f32 v33, v11;
	v39 =	vld [tilespmem:s3+$0x40];
	v38 =	vmax.f32 v38, v41;
	[tilespmem:s6+$0x80] =	vst v42;
	v42 =	vmul.f32 v33, v8  }
0x1ef: {  	v40 =	vld [tilespmem:s13+$0x50];
	v41 =	vperm.xlane v36, v1;
	v35 =	vadd.f32 v37, v35;
	v37 =	vmul.f32 v38, v2;
	[tilespmem:s4+$0xFFFFFFB0] =	vst v43  }
0x1f0: {  	s7 =	sadd.s32 $0x4, s7;
	v16 =	vmul.f32 v33, v16;
	v9 =	vmovc v20;
	v33 =	vmul.f32 v30, v7;
	v8 =	vmov v21;
	v38 =	vld [tilespmem:s3+$0x50];
	[tilespmem:s4+$0xFFFFFFC0] =	vst v42  }
0x1f1: {  	p1 =	slt.u32 s7, $0x7C;
	v42 =	vld [tilespmem:s13+$0x60];
	v20 =	vadd.f32 v36, v41;
	v21 =	vperm.xlane v35, v1;
	v34 =	vadd.f32 v37, v34;
	[tilespmem:s4+$0xFFFFFFD0] =	vst v11  }
0x1f2: {  	v7 =	vmovc v22;
	v43 =	vmul.f32 v30, v6;
	v6 =	vmov v24;
	v37 =	vmul.f32 v30, v10;
	v36 =	vld [tilespmem:s3+$0x60];
	[tilespmem:s4+$0xFFFFFFE0] =	vst v16  }
0x1f3: {  	v11 =	vmovc v25;
	v22 =	vld [tilespmem:s3+$0x70];
	v20 =	vmul.f32 $1.442695020e+00, v20;
	v21 =	vadd.f32 v35, v21;
	v24 =	vperm.xlane v34, v1;
	[tilespmem:s4+$0x0] =	vst v33  }
0x1f4: {  	v25 =	vmul.f32 v32, v13;
	v10 =	vmovc v26;
	v13 =	vmov v31;
	v35 =	vld [tilespmem:s3+$0xFFFFFF80];
	[tilespmem:s4+$0x10] =	vst v43;
	v43 =	vmul.f32 v30, v12  }
0x1f5: {  	v16 =	vmovc v28;
	v26 =	vadd.f32 v39, v13;
	v41 =	vld [tilespmem:s13+$0xFFFFFF90];
	v30 =	vadd.f32 v38, v40;
	v21 =	vmul.f32 $1.442695020e+00, v21;
	[tilespmem:s4+$0x20] =	vst v37  }
0x1f6: {  	v31 =	vmul.f32 v32, v14;
	v14 =	vmovc v40;
	v24 =	vadd.f32 v34, v24;
	v28 =	vld [tilespmem:s3+$0xFFFFFF90];
	(erf) = vpow2.f32 v20;
	[tilespmem:s4+$0x30] =	vst v43;
	s4 =	smov.u32 s6  }
0x1f7: {  	v12 =	vmovc v27;
	v33 =	vmul.f32 $2.000000030e-01, v26;
	v20 =	vld [tilespmem:s13+$0xFFFFFFC0];
	v34 =	vmul.f32 $2.000000030e-01, v30;
	v36 =	vadd.f32 v36, v42;
	[tilespmem:s6+$0x50] =	vst v25  }
0x1f8: {  	v24 =	vmul.f32 $1.442695020e+00, v24;
	v25 =	vld [tilespmem:s3+$0xFFFFFFC0];
	v27 =	vadd.f32 v22, v18;
	[tilespmem:s6+$0x60] =	vst v31;
	(erf) = vpow2.f32 v21  }
0x1f9: {  	v22 =	vmax.f32 v26, v33;
	v21 =	vld [tilespmem:s13+$0xFFFFFFD0];
	v26 =	vmax.f32 v30, v34;
	v30 =	vmul.f32 $2.000000030e-01, v36;
	[tilespmem:s6+$0x90] =	vst v32  }
0x1fa: {  	v33 =	vmul.f32 v22, v3;
	v31 =	vld [tilespmem:s3+$0xFFFFFFD0];
	v26 =	vmul.f32 v26, v4  }
0x1fb: {  	v34 =	vmul.f32 $2.000000030e-01, v27;
	v28 =	vadd.f32 v28, v41;
	v22 =	vld [tilespmem:s13+$0x0];
	v30 =	vmax.f32 v36, v30  }
0x1fc: {  	v36 =	vld [tilespmem:s3+$0x0];
	v26 =	vadd.f32 v26, v33;
	v30 =	vmul.f32 v30, v5;
	(erf) = vpow2.f32 v24  }
0x1fd: {  	v27 =	vmax.f32 v27, v34;
	v33 =	vmul.f32 $2.000000030e-01, v28;
	v25 =	vadd.f32 v25, v20;
	v24 =	vld [tilespmem:s13+$0x10]  }
0x1fe: {  	v27 =	vmul.f32 v27, v2;
	v34 =	vld [tilespmem:s3+$0x10];
	v26 =	vadd.f32 v30, v26;
	v30 =	vmul.f32 v32, v15;
	v15 =	vmovc v42  }
0x1ff: {  	v32 =	vld [tilespmem:s13+$0xFFFFFF80];
	v28 =	vmax.f32 v28, v33;
	v40 =	vmul.f32 $2.000000030e-01, v25;
	v31 =	vadd.f32 v31, v21;
	v39 =	vpop (erf)  }
0x200: {  	v37 =	vmul.f32 v28, v4;
	v38 =	vld [tilespmem:s13+$0xFFFFFFA0];
	v27 =	vadd.f32 v27, v26;
	v23 =	vmul.f32 v39, v23;
	[tilespmem:s6+$0x70] =	vst v30  }
0x201: {  	v28 =	vld [tilespmem:s3+$0xFFFFFFA0];
	v25 =	vmax.f32 v25, v40;
	v26 =	vmul.f32 $2.000000030e-01, v31;
	v30 =	vadd.f32 v36, v22;
	[tilespmem:s6+$0xFFFFFFA0] =	vst v39;
	v33 =	vpop (erf)  }
0x202: {  	v36 =	vmul.f32 v25, v3;
	v25 =	vld [tilespmem:s13+$0xFFFFFFE0];
	v40 =	vperm.xlane v27, v1;
	[tilespmem:s6+$0xFFFFFF60] =	vst v23  }
0x203: {  	v44 =	vmax.f32 v31, v26;
	v42 =	vld [tilespmem:s3+$0xFFFFFFE0];
	v31 =	vmul.f32 $2.000000030e-01, v30;
	v34 =	vadd.f32 v34, v24;
	[tilespmem:s6+$0xFFFFFFF0] =	vst v33  }
0x204: {  	v35 =	vadd.f32 v35, v32;
	v43 =	vmul.f32 v44, v4;
	v26 =	vld [tilespmem:s13+$0x20];
	v27 =	vadd.f32 v27, v40;
	v23 =	vmovc v32  }
0x205: {  	v45 =	vmul.f32 v39, v17;
	v32 =	vmax.f32 v30, v31;
	v40 =	vmul.f32 $2.000000030e-01, v34;
	v44 =	vld [tilespmem:s3+$0x20];
	v30 =	vpop (erf)  }
0x206: {  	v17 =	vmovc v41;
	v46 =	vmul.f32 $2.000000030e-01, v35;
	v47 =	vadd.f32 v28, v38;
	v31 =	vld [tilespmem:s13+$0xFFFFFFB0];
	v27 =	vmul.f32 $1.442695020e+00, v27;
	[tilespmem:s6+$0x40] =	vst v30  }
0x207: {  	v43 =	vadd.f32 v43, v36;
	v32 =	vmul.f32 v32, v3;
	v41 =	vld [tilespmem:s3+$0xFFFFFFB0];
	v34 =	vmax.f32 v34, v40;
	[tilespmem:s6+$0xFFFFFF70] =	vst v45  }
0x208: {  	v35 =	vmax.f32 v35, v46;
	v36 =	vadd.f32 v42, v25;
	v28 =	vld [tilespmem:s13+$0xFFFFFFF0];
	(erf) = vpow2.f32 v27  }
0x209: {  	v40 =	vmul.f32 $2.000000030e-01, v47;
	v35 =	vmul.f32 v35, v3;
	v42 =	vld [tilespmem:s3+$0xFFFFFFF0]  }
0x20a: {  	v34 =	vmul.f32 v34, v4;
	v45 =	vmul.f32 $2.000000030e-01, v36;
	v44 =	vadd.f32 v44, v26;
	v27 =	vld [tilespmem:s13+$0x30]  }
0x20b: {  	v46 =	vmul.f32 v39, v19;
	v19 =	vmovc v38;
	v35 =	vadd.f32 v37, v35;
	v37 =	vmax.f32 v47, v40;
	v40 =	vld [tilespmem:s3+$0x30]  }
0x20c: {  	v38 =	vadd.f32 v41, v31;
	v36 =	vmax.f32 v36, v45;
	v41 =	vmul.f32 $2.000000030e-01, v44  }
.Ltmp4:
0x20d: {  	v32 =	vadd.f32 v34, v32;
	v45 =	vmul.f32 v37, v5;
	v47 =	vmul.f32 v36, v5;
	[tilespmem:s6+$0xFFFFFF80] =	vst v46;
	(pc) =	sbr.rel @p1 .LBB2_10-.Ltmp4, $4  }
0x20e: {  	v34 =	vmul.f32 $2.000000030e-01, v38;
	v37 =	vadd.f32 v42, v28;
	v41 =	vmax.f32 v44, v41  }
0x20f: {  	v36 =	vadd.f32 v45, v35;
	v35 =	vadd.f32 v47, v43;
	v42 =	vmul.f32 v41, v5  }
0x210: {  	v34 =	vmax.f32 v38, v34;
	v41 =	vmul.f32 $2.000000030e-01, v37;
	v38 =	vadd.f32 v40, v27  }
0x211: {  	v39 =	vmul.f32 v39, v29;
	s13 =	sadd.s32 $0x100, s13;
	v40 =	vmul.f32 v34, v2;
	v34 =	vadd.f32 v42, v32;
	v32 =	vpop (erf)  }
0x212: {  	_ = 	snop  }
0x213: {  	v29 =	vmul.f32 $2.000000030e-01, v38;
	v37 =	vmax.f32 v37, v41;
	v36 =	vadd.f32 v40, v36  }
0x214: {  	v37 =	vmul.f32 v37, v2  }
0x215: {  	v29 =	vmax.f32 v38, v29;
	v49 =	vperm.xlane v36, v1  }
0x216: {  	v29 =	vmul.f32 v29, v2;
	v35 =	vadd.f32 v37, v35  }
0x217: {  	v18 =	vmul.f32 v32, v18;
	v36 =	vadd.f32 v36, v49  }
0x218: {  	v9 =	vmul.f32 v33, v9;
	s3 =	sadd.s32 $0x140, s6;
	[tilespmem:s4+$0xFFFFFF90] =	vst v39;
	v29 =	vadd.f32 v29, v34;
	v50 =	vperm.xlane v35, v1  }
0x219: {  	[tilespmem:s3+$0x80] =	vst v18;
	v18 =	vmul.f32 $1.442695020e+00, v36  }
0x21a: {  	v8 =	vmul.f32 v33, v8;
	[tilespmem:s4+$0xFFFFFFB0] =	vst v9;
	v51 =	vperm.xlane v29, v1;
	v9 =	vadd.f32 v35, v50  }
0x21b: {  	v11 =	vmul.f32 v33, v11;
	[tilespmem:s3+$0x90] =	vst v32;
	(erf) = vpow2.f32 v18  }
0x21c: {  	[tilespmem:s4+$0xFFFFFFC0] =	vst v8;
	v8 =	vmul.f32 v33, v16;
	v16 =	vadd.f32 v29, v51;
	v9 =	vmul.f32 $1.442695020e+00, v9  }
0x21d: {  	v7 =	vmul.f32 v30, v7;
	v6 =	vmul.f32 v30, v6;
	[tilespmem:s4+$0xFFFFFFD0] =	vst v11  }
0x21e: {  	[tilespmem:s4+$0xFFFFFFE0] =	vst v8;
	v8 =	vmul.f32 $1.442695020e+00, v16;
	(erf) = vpow2.f32 v9  }
0x21f: {  	v10 =	vmul.f32 v30, v10;
	[tilespmem:s4+$0x10] =	vst v6;
	v6 =	vmul.f32 v30, v12  }
0x220: {  	[tilespmem:s4+$0x0] =	vst v7;
	v7 =	vmul.f32 v32, v13;
	(erf) = vpow2.f32 v8  }
0x221: {  	[tilespmem:s4+$0x20] =	vst v10  }
0x222: {  	[tilespmem:s4+$0x30] =	vst v6;
	v6 =	vmul.f32 v32, v15  }
0x223: {  	[tilespmem:s3+$0x50] =	vst v7;
	v8 =	vmul.f32 v32, v14  }
0x224: {  	[tilespmem:s3+$0x70] =	vst v6;
	v7 =	vpop (erf)  }
0x225: {  	[tilespmem:s3+$0x60] =	vst v8;
	v8 =	vmul.f32 v7, v23  }
0x226: {  	[tilespmem:s3+$0xFFFFFFA0] =	vst v7  }
0x227: {  	v10 =	vmul.f32 v7, v19;
	v6 =	vpop (erf);
	[tilespmem:s3+$0xFFFFFF60] =	vst v8  }
0x228: {  	[tilespmem:s3+$0xFFFFFFF0] =	vst v6  }
0x229: {  	v8 =	vmul.f32 v7, v17;
	[tilespmem:s3+$0xFFFFFF80] =	vst v10;
	v9 =	vpop (erf)  }
0x22a: {  	v7 =	vmul.f32 v7, v31;
	[tilespmem:s3+$0x40] =	vst v9  }
0x22b: {  	v10 =	vmul.f32 v6, v25;
	[tilespmem:s3+$0xFFFFFF70] =	vst v8  }
0x22c: {  	v8 =	vmul.f32 v6, v20;
	[tilespmem:s3+$0xFFFFFF90] =	vst v7  }
0x22d: {  	v7 =	vmul.f32 v6, v21;
	[tilespmem:s3+$0xFFFFFFD0] =	vst v10  }
0x22e: {  	v6 =	vmul.f32 v6, v28;
	[tilespmem:s3+$0xFFFFFFB0] =	vst v8  }
0x22f: {  	[tilespmem:s3+$0xFFFFFFC0] =	vst v7;
	v7 =	vmul.f32 v9, v22  }
0x230: {  	[tilespmem:s3+$0xFFFFFFE0] =	vst v6;
	v6 =	vmul.f32 v9, v24  }
0x231: {  	v8 =	vmul.f32 v9, v26;
	[tilespmem:s3+$0x0] =	vst v7  }
0x232: {  	[tilespmem:s3+$0x10] =	vst v6;
	v6 =	vmul.f32 v9, v27  }
0x233: {  	[tilespmem:s3+$0x20] =	vst v8  }
0x234: {  	s13 =	simm.s32 $0x13CD0;
	[tilespmem:s3+$0x30] =	vst v6  }
0x235: {  	[spmem:s2] =	stream.indirect.scatter.add.f32 [tilespmem:s17], [sflag:$0x4], $0x50, s13, s26, $0xb8;
	[tilespmem:$0x1BE10] =	vst v63  }
0x236: {  	_ =	swait.ge [sflag:s18], $0x2800  }
0x237: {  	[sflag:s18] =	ssyncset.done $0x0  }
0x238: {  	[sflag:s18] =	ssyncadd.s32 $0xFFFFD800  }
0x239: {  	_ =	swait.ge [sflag:s30], $0x2000  }
0x23a: {  	[sflag:s30] =	ssyncset.done $0x0  }
0x23b: {  	[sflag:s30] =	ssyncadd.s32 $0xFFFFE000  }
0x23c: {  	_ =	swait.ge [sflag:s30], $0x2000  }
0x23d: {  	[sflag:s30] =	ssyncset.done $0x0  }
0x23e: {  	s14 =	simm.s32 $0x15E50;
	[sflag:s30] =	ssyncadd.s32 $0xFFFFE000  }
0x23f: {  	v21 =	vld [tilespmem:s14+$0x70]  }
0x240: {  	s15 =	simm.s32 $0x19E50;
	v17 =	vld [tilespmem:s14+$0x40]  }
0x241: {  	v6 =	vld [tilespmem:s15+$0x40]  }
0x242: {  	v20 =	vld [tilespmem:s14+$0x50]  }
0x243: {  	v7 =	vld [tilespmem:s15+$0x50]  }
0x244: {  	v19 =	vld [tilespmem:s14+$0x60]  }
0x245: {  	v10 =	vld [tilespmem:s15+$0x60]  }
0x246: {  	v11 =	vld [tilespmem:s15+$0x70]  }
0x247: {  	v12 =	vld [tilespmem:s15+$0xFFFFFF80]  }
0x248: {  	v27 =	vld [tilespmem:s14+$0xFFFFFF90]  }
0x249: {  	v13 =	vld [tilespmem:s15+$0xFFFFFF90]  }
0x24a: {  	v9 =	vld [tilespmem:s14+$0xFFFFFFC0]  }
0x24b: {  	v15 =	vld [tilespmem:s15+$0xFFFFFFC0];
	v6 =	vadd.f32 v6, v17;
	v14 =	vadd.f32 v7, v20  }
0x24c: {  	v8 =	vld [tilespmem:s14+$0xFFFFFFD0]  }
0x24d: {  	v22 =	vld [tilespmem:s15+$0xFFFFFFD0];
	v10 =	vadd.f32 v10, v19;
	v16 =	vmul.f32 $2.000000030e-01, v6;
	v18 =	vmul.f32 $2.000000030e-01, v14  }
0x24e: {  	v24 =	vld [tilespmem:s15+$0x10];
	v11 =	vadd.f32 v11, v21  }
0x24f: {  	v25 =	vld [tilespmem:s14+$0xFFFFFF80];
	v6 =	vmax.f32 v6, v16;
	v14 =	vmax.f32 v14, v18;
	v16 =	vmul.f32 $2.000000030e-01, v10  }
0x250: {  	v7 =	vld [tilespmem:s14+$0x0];
	v23 =	vmul.f32 v6, v3;
	v14 =	vmul.f32 v14, v4  }
0x251: {  	v13 =	vadd.f32 v13, v27;
	v18 =	vld [tilespmem:s15+$0x0];
	v10 =	vmax.f32 v10, v16;
	v16 =	vmul.f32 $2.000000030e-01, v11  }
0x252: {  	v30 =	vld [tilespmem:s14+$0xFFFFFFA0];
	v14 =	vadd.f32 v14, v23;
	v10 =	vmul.f32 v10, v5  }
0x253: {  	v28 =	vld [tilespmem:s15+$0xFFFFFFE0];
	v23 =	vmul.f32 $2.000000030e-01, v13;
	v11 =	vmax.f32 v11, v16  }
0x254: {  	v15 =	vadd.f32 v15, v9;
	v6 =	vld [tilespmem:s14+$0x10];
	v10 =	vadd.f32 v10, v14;
	v14 =	vmul.f32 v11, v2  }
0x255: {  	v29 =	vld [tilespmem:s14+$0xFFFFFFB0];
	v12 =	vadd.f32 v12, v25;
	v16 =	vadd.f32 v22, v8;
	v13 =	vmax.f32 v13, v23  }
0x256: {  	v11 =	vld [tilespmem:s14+$0xFFFFFFE0];
	v23 =	vmul.f32 $2.000000030e-01, v15;
	v18 =	vadd.f32 v18, v7;
	v14 =	vadd.f32 v14, v10  }
0x257: {  	v53 =	vmul.f32 $2.000000030e-01, v12;
	v22 =	vld [tilespmem:s15+$0xFFFFFFA0];
	v26 =	vmul.f32 $2.000000030e-01, v16  }
0x258: {  	v10 =	vld [tilespmem:s14+$0x20];
	v15 =	vmax.f32 v15, v23;
	v31 =	vmul.f32 $2.000000030e-01, v18;
	v23 =	vperm.xlane v14, v1  }
0x259: {  	v13 =	vmul.f32 v13, v4;
	v24 =	vadd.f32 v24, v6;
	v16 =	vmax.f32 v16, v26;
	v26 =	vld [tilespmem:s15+$0x20]  }
0x25a: {  	v15 =	vmul.f32 v15, v3;
	v18 =	vmax.f32 v18, v31;
	v14 =	vadd.f32 v14, v23;
	v23 =	vld [tilespmem:s15+$0xFFFFFFB0]  }
0x25b: {  	v54 =	vld [tilespmem:s15+$0xFFFFFFF0];
	v31 =	vmul.f32 $2.000000030e-01, v24;
	v55 =	vmul.f32 v18, v3;
	v18 =	vadd.f32 v28, v11  }
0x25c: {  	v12 =	vmax.f32 v12, v53;
	v52 =	vmul.f32 v16, v4;
	v16 =	vld [tilespmem:s14+$0xFFFFFFF0];
	v14 =	vmul.f32 $1.442695020e+00, v14  }
0x25d: {  	v56 =	vld [tilespmem:s15+$0x30];
	v22 =	vadd.f32 v22, v30;
	v24 =	vmax.f32 v24, v31;
	v31 =	vmul.f32 $2.000000030e-01, v18  }
0x25e: {  	v26 =	vadd.f32 v26, v10;
	(erf) = vpow2.f32 v14;
	v14 =	vmul.f32 v12, v3;
	v12 =	vld [tilespmem:s14+$0x30]  }
0x25f: {  	v28 =	vmul.f32 $2.000000030e-01, v22;
	v24 =	vmul.f32 v24, v4;
	v23 =	vadd.f32 v23, v29  }
0x260: {  	v18 =	vmax.f32 v18, v31;
	v31 =	vmul.f32 $2.000000030e-01, v26;
	v13 =	vadd.f32 v13, v14  }
0x261: {  	v14 =	vmax.f32 v22, v28;
	v28 =	vadd.f32 v54, v16;
	v22 =	vmul.f32 $2.000000030e-01, v23  }
0x262: {  	s3 =	simm.s32 $0x19F50;
	v15 =	vadd.f32 v52, v15;
	v18 =	vmul.f32 v18, v5;
	v14 =	vmul.f32 v14, v5  }
0x263: {  	s16 =	simm.s32 $0x15F50;
	v47 =	vld [tilespmem:s3+$0xFFFFFF90];
	v22 =	vmax.f32 v23, v22;
	v23 =	vmul.f32 $2.000000030e-01, v28;
	v57 =	vadd.f32 v56, v12  }
0x264: {  	v26 =	vmax.f32 v26, v31;
	v15 =	vadd.f32 v18, v15;
	v18 =	vld [tilespmem:s16+$0x70];
	v14 =	vadd.f32 v14, v13  }
0x265: {  	v31 =	vld [tilespmem:s3+$0x40];
	v22 =	vmul.f32 v22, v2;
	v23 =	vmax.f32 v28, v23;
	v28 =	vmul.f32 $2.000000030e-01, v57  }
0x266: {  	v24 =	vadd.f32 v24, v55;
	v26 =	vmul.f32 v26, v5;
	v13 =	vld [tilespmem:s16+$0x40];
	v23 =	vmul.f32 v23, v2  }
0x267: {  	v22 =	vadd.f32 v22, v14;
	v14 =	vld [tilespmem:s16+$0x50];
	v28 =	vmax.f32 v57, v28  }
0x268: {  	v24 =	vadd.f32 v26, v24;
	v33 =	vpop (erf);
	v23 =	vadd.f32 v23, v15;
	v26 =	vmul.f32 v28, v2;
	v28 =	vld [tilespmem:s3+$0x50]  }
0x269: {  	v58 =	vperm.xlane v22, v1;
	v63 =	vmul.f32 v33, v17;
	v17 =	vld [tilespmem:s16+$0xFFFFFF90]  }
0x26a: {  	v15 =	vld [tilespmem:s16+$0x60];
	v59 =	vperm.xlane v23, v1  }
0x26b: {  	v60 =	vmul.f32 v33, v21;
	v22 =	vadd.f32 v22, v58;
	v24 =	vadd.f32 v26, v24;
	v26 =	vld [tilespmem:s3+$0x60]  }
0x26c: {  	v21 =	vld [tilespmem:s3+$0x70];
	v32 =	vmul.f32 v33, v20;
	v42 =	vmul.f32 v33, v19;
	v23 =	vadd.f32 v23, v59  }
0x26d: {  	v31 =	vadd.f32 v31, v13;
	v22 =	vmul.f32 $1.442695020e+00, v22;
	v61 =	vperm.xlane v24, v1  }
0x26e: {  	v49 =	vld [tilespmem:s3+$0xFFFFFFC0];
	v28 =	vadd.f32 v28, v14;
	v37 =	vadd.f32 v47, v17;
	v23 =	vmul.f32 $1.442695020e+00, v23  }
0x26f: {  	v45 =	vld [tilespmem:s3+$0xFFFFFFA0];
	v24 =	vadd.f32 v24, v61;
	(erf) = vpow2.f32 v22;
	v22 =	vmul.f32 $2.000000030e-01, v31  }
0x270: {  	v52 =	vld [tilespmem:s3+$0x0];
	v48 =	vmul.f32 $2.000000030e-01, v28;
	v26 =	vadd.f32 v26, v15;
	v53 =	vmul.f32 $2.000000030e-01, v37  }
0x271: {  	v20 =	vld [tilespmem:s16+$0xFFFFFFC0];
	v50 =	vadd.f32 v21, v18;
	v24 =	vmul.f32 $1.442695020e+00, v24;
	(erf) = vpow2.f32 v23  }
0x272: {  	v21 =	vld [tilespmem:s16+$0xFFFFFFD0];
	v22 =	vmax.f32 v31, v22;
	v23 =	vmax.f32 v28, v48;
	v28 =	vmul.f32 $2.000000030e-01, v26  }
0x273: {  	v31 =	vld [tilespmem:s3+$0xFFFFFFD0];
	v51 =	vmul.f32 v22, v3;
	v23 =	vmul.f32 v23, v4  }
0x274: {  	v22 =	vld [tilespmem:s16+$0x0];
	v19 =	vmax.f32 v37, v53;
	v26 =	vmax.f32 v26, v28;
	v28 =	vmul.f32 $2.000000030e-01, v50  }
0x275: {  	v38 =	vmul.f32 v19, v4;
	v19 =	vld [tilespmem:s16+$0xFFFFFFA0];
	v23 =	vadd.f32 v23, v51;
	v26 =	vmul.f32 v26, v5  }
0x276: {  	v54 =	vld [tilespmem:s3+$0x10];
	v39 =	vadd.f32 v49, v20;
	v28 =	vmax.f32 v50, v28  }
0x277: {  	(erf) = vpow2.f32 v24;
	v24 =	vld [tilespmem:s16+$0x10];
	v26 =	vadd.f32 v26, v23;
	v28 =	vmul.f32 v28, v2  }
0x278: {  	v62 =	vld [tilespmem:s3+$0xFFFFFF80]  }
0x279: {  	s4 =	simm.s32 $0xC670;
	v55 =	vmul.f32 $2.000000030e-01, v39;
	v31 =	vadd.f32 v31, v21;
	v23 =	vld [tilespmem:s16+$0xFFFFFF80];
	v43 =	vpop (erf);
	v28 =	vadd.f32 v28, v26  }
0x27a: {  	[tilespmem:s4+$0x80] =	vst v60;
	v56 =	vadd.f32 v52, v22;
	v60 =	vadd.f32 v45, v19;
	v44 =	vmul.f32 v43, v25  }
0x27b: {  	v46 =	vld [tilespmem:s3+$0xFFFFFFE0];
	v25 =	vmax.f32 v39, v55;
	v26 =	vmul.f32 $2.000000030e-01, v31;
	v57 =	vperm.xlane v28, v1  }
0x27c: {  	v40 =	vadd.f32 v54, v24;
	v49 =	vmul.f32 v43, v27;
	v39 =	vmul.f32 v25, v3;
	v25 =	vld [tilespmem:s16+$0xFFFFFFE0]  }
0x27d: {  	v48 =	vld [tilespmem:s3+$0x20];
	v52 =	vmul.f32 $2.000000030e-01, v60;
	v26 =	vmax.f32 v31, v26;
	v28 =	vadd.f32 v28, v57  }
0x27e: {  	v31 =	vmul.f32 $2.000000030e-01, v56;
	v35 =	vadd.f32 v62, v23;
	v47 =	vmul.f32 v26, v4;
	v26 =	vld [tilespmem:s16+$0x20]  }
0x27f: {  	v61 =	vld [tilespmem:s3+$0xFFFFFFB0];
	v58 =	vmul.f32 $2.000000030e-01, v40;
	v50 =	vmul.f32 $1.442695020e+00, v28  }
0x280: {  	v34 =	vmax.f32 v60, v52;
	v27 =	vmax.f32 v56, v31;
	v31 =	vld [tilespmem:s16+$0xFFFFFFB0];
	v59 =	vmul.f32 $2.000000030e-01, v35  }
0x281: {  	[tilespmem:s4+$0x50] =	vst v63;
	v53 =	vld [tilespmem:s3+$0xFFFFFFF0];
	v57 =	vmul.f32 v43, v30;
	v63 =	vadd.f32 v46, v25;
	(erf) = vpow2.f32 v50  }
0x282: {  	[tilespmem:s4+$0x90] =	vst v33;
	v34 =	vmul.f32 v34, v5;
	v62 =	vmul.f32 v27, v3;
	v28 =	vld [tilespmem:s16+$0xFFFFFFF0];
	v27 =	vmax.f32 v35, v59  }
0x283: {  	[tilespmem:s4+$0x60] =	vst v32;
	v56 =	vld [tilespmem:s3+$0x30];
	v50 =	vmax.f32 v40, v58;
	v54 =	vmul.f32 $2.000000030e-01, v63;
	v55 =	vadd.f32 v48, v26  }
0x284: {  	[tilespmem:s4+$0x70] =	vst v42;
	v39 =	vadd.f32 v47, v39;
	v51 =	vmul.f32 v27, v3;
	v27 =	vld [tilespmem:s16+$0x30];
	v32 =	vmul.f32 v50, v4  }
0x285: {  	[tilespmem:s4+$0xFFFFFFA0] =	vst v43;
	v45 =	vadd.f32 v61, v31;
	v30 =	vmax.f32 v63, v54;
	v58 =	vmul.f32 $2.000000030e-01, v55  }
0x286: {  	v33 =	vpop (erf);
	[tilespmem:s4+$0xFFFFFF60] =	vst v44;
	v36 =	vadd.f32 v38, v51;
	v59 =	vmul.f32 v30, v5;
	v32 =	vadd.f32 v32, v62  }
0x287: {  	[tilespmem:s4+$0xFFFFFFF0] =	vst v33;
	v60 =	vmul.f32 $2.000000030e-01, v45;
	v37 =	vadd.f32 v53, v28;
	v61 =	vmax.f32 v55, v58  }
0x288: {  	[tilespmem:s4+$0xFFFFFF70] =	vst v49;
	v36 =	vadd.f32 v34, v36;
	v35 =	vadd.f32 v59, v39;
	v62 =	vmul.f32 v61, v5  }
0x289: {  	s7 =	simm.s32 $0x4;
	[tilespmem:s4+$0xFFFFFF80] =	vst v57;
	v30 =	vpop (erf);
	v63 =	vmax.f32 v45, v60;
	v41 =	vmul.f32 $2.000000030e-01, v37;
	v38 =	vadd.f32 v56, v27  }
0x28a: {  	s6 =	simm.s32 $0xC670;
	s13 =	simm.s32 $0x16050;
	s16 =	simm.s32 $0x115D0;
	v39 =	vmul.f32 v43, v29;
	[tilespmem:s4+$0x40] =	vst v30;
	v40 =	vmul.f32 v63, v2;
	v34 =	vadd.f32 v62, v32;
	v32 =	vpop (erf)  }
.LBB2_12:
0x28b: {  	v37 =	vmax.f32 v37, v41;
	v41 =	vmul.f32 $2.000000030e-01, v38;
	v42 =	vmul.f32 v32, v18;
	v18 =	vld [tilespmem:s13+$0x70];
	v29 =	vmovc v31  }
0x28c: {  	s3 =	sadd.s32 $0x100, s3;
	v43 =	vmul.f32 v33, v9;
	s6 =	sadd.s32 $0x140, s6;
	v31 =	vld [tilespmem:s13+$0x40];
	v36 =	vadd.f32 v40, v36;
	v37 =	vmul.f32 v37, v2;
	[tilespmem:s4+$0xFFFFFF90] =	vst v39  }
0x28d: {  	v11 =	vmul.f32 v33, v11;
	v39 =	vld [tilespmem:s3+$0x40];
	v38 =	vmax.f32 v38, v41;
	[tilespmem:s6+$0x80] =	vst v42;
	v42 =	vmul.f32 v33, v8  }
0x28e: {  	v40 =	vld [tilespmem:s13+$0x50];
	v41 =	vperm.xlane v36, v1;
	v35 =	vadd.f32 v37, v35;
	v37 =	vmul.f32 v38, v2;
	[tilespmem:s4+$0xFFFFFFB0] =	vst v43  }
0x28f: {  	s7 =	sadd.s32 $0x4, s7;
	v16 =	vmul.f32 v33, v16;
	v9 =	vmovc v20;
	v33 =	vmul.f32 v30, v7;
	v8 =	vmov v21;
	v38 =	vld [tilespmem:s3+$0x50];
	[tilespmem:s4+$0xFFFFFFC0] =	vst v42  }
0x290: {  	p1 =	slt.u32 s7, $0x7C;
	v42 =	vld [tilespmem:s13+$0x60];
	v20 =	vadd.f32 v36, v41;
	v21 =	vperm.xlane v35, v1;
	v34 =	vadd.f32 v37, v34;
	[tilespmem:s4+$0xFFFFFFD0] =	vst v11  }
0x291: {  	v7 =	vmovc v22;
	v43 =	vmul.f32 v30, v6;
	v6 =	vmov v24;
	v37 =	vmul.f32 v30, v10;
	v36 =	vld [tilespmem:s3+$0x60];
	[tilespmem:s4+$0xFFFFFFE0] =	vst v16  }
0x292: {  	v11 =	vmovc v25;
	v22 =	vld [tilespmem:s3+$0x70];
	v20 =	vmul.f32 $1.442695020e+00, v20;
	v21 =	vadd.f32 v35, v21;
	v24 =	vperm.xlane v34, v1;
	[tilespmem:s4+$0x0] =	vst v33  }
0x293: {  	v25 =	vmul.f32 v32, v13;
	v10 =	vmovc v26;
	v13 =	vmov v31;
	v35 =	vld [tilespmem:s3+$0xFFFFFF80];
	[tilespmem:s4+$0x10] =	vst v43;
	v43 =	vmul.f32 v30, v12  }
0x294: {  	v16 =	vmovc v28;
	v26 =	vadd.f32 v39, v13;
	v41 =	vld [tilespmem:s13+$0xFFFFFF90];
	v30 =	vadd.f32 v38, v40;
	v21 =	vmul.f32 $1.442695020e+00, v21;
	[tilespmem:s4+$0x20] =	vst v37  }
0x295: {  	v31 =	vmul.f32 v32, v14;
	v14 =	vmovc v40;
	v24 =	vadd.f32 v34, v24;
	v28 =	vld [tilespmem:s3+$0xFFFFFF90];
	(erf) = vpow2.f32 v20;
	[tilespmem:s4+$0x30] =	vst v43;
	s4 =	smov.u32 s6  }
0x296: {  	v12 =	vmovc v27;
	v33 =	vmul.f32 $2.000000030e-01, v26;
	v20 =	vld [tilespmem:s13+$0xFFFFFFC0];
	v34 =	vmul.f32 $2.000000030e-01, v30;
	v36 =	vadd.f32 v36, v42;
	[tilespmem:s6+$0x50] =	vst v25  }
0x297: {  	v24 =	vmul.f32 $1.442695020e+00, v24;
	v25 =	vld [tilespmem:s3+$0xFFFFFFC0];
	v27 =	vadd.f32 v22, v18;
	[tilespmem:s6+$0x60] =	vst v31;
	(erf) = vpow2.f32 v21  }
0x298: {  	v22 =	vmax.f32 v26, v33;
	v21 =	vld [tilespmem:s13+$0xFFFFFFD0];
	v26 =	vmax.f32 v30, v34;
	v30 =	vmul.f32 $2.000000030e-01, v36;
	[tilespmem:s6+$0x90] =	vst v32  }
0x299: {  	v33 =	vmul.f32 v22, v3;
	v31 =	vld [tilespmem:s3+$0xFFFFFFD0];
	v26 =	vmul.f32 v26, v4  }
0x29a: {  	v34 =	vmul.f32 $2.000000030e-01, v27;
	v28 =	vadd.f32 v28, v41;
	v22 =	vld [tilespmem:s13+$0x0];
	v30 =	vmax.f32 v36, v30  }
0x29b: {  	v36 =	vld [tilespmem:s3+$0x0];
	v26 =	vadd.f32 v26, v33;
	v30 =	vmul.f32 v30, v5;
	(erf) = vpow2.f32 v24  }
0x29c: {  	v27 =	vmax.f32 v27, v34;
	v33 =	vmul.f32 $2.000000030e-01, v28;
	v25 =	vadd.f32 v25, v20;
	v24 =	vld [tilespmem:s13+$0x10]  }
0x29d: {  	v27 =	vmul.f32 v27, v2;
	v34 =	vld [tilespmem:s3+$0x10];
	v26 =	vadd.f32 v30, v26;
	v30 =	vmul.f32 v32, v15;
	v15 =	vmovc v42  }
0x29e: {  	v32 =	vld [tilespmem:s13+$0xFFFFFF80];
	v28 =	vmax.f32 v28, v33;
	v40 =	vmul.f32 $2.000000030e-01, v25;
	v31 =	vadd.f32 v31, v21;
	v39 =	vpop (erf)  }
0x29f: {  	v37 =	vmul.f32 v28, v4;
	v38 =	vld [tilespmem:s13+$0xFFFFFFA0];
	v27 =	vadd.f32 v27, v26;
	v23 =	vmul.f32 v39, v23;
	[tilespmem:s6+$0x70] =	vst v30  }
0x2a0: {  	v28 =	vld [tilespmem:s3+$0xFFFFFFA0];
	v25 =	vmax.f32 v25, v40;
	v26 =	vmul.f32 $2.000000030e-01, v31;
	v30 =	vadd.f32 v36, v22;
	[tilespmem:s6+$0xFFFFFFA0] =	vst v39;
	v33 =	vpop (erf)  }
0x2a1: {  	v36 =	vmul.f32 v25, v3;
	v25 =	vld [tilespmem:s13+$0xFFFFFFE0];
	v40 =	vperm.xlane v27, v1;
	[tilespmem:s6+$0xFFFFFF60] =	vst v23  }
0x2a2: {  	v44 =	vmax.f32 v31, v26;
	v42 =	vld [tilespmem:s3+$0xFFFFFFE0];
	v31 =	vmul.f32 $2.000000030e-01, v30;
	v34 =	vadd.f32 v34, v24;
	[tilespmem:s6+$0xFFFFFFF0] =	vst v33  }
0x2a3: {  	v35 =	vadd.f32 v35, v32;
	v43 =	vmul.f32 v44, v4;
	v26 =	vld [tilespmem:s13+$0x20];
	v27 =	vadd.f32 v27, v40;
	v23 =	vmovc v32  }
0x2a4: {  	v45 =	vmul.f32 v39, v17;
	v32 =	vmax.f32 v30, v31;
	v40 =	vmul.f32 $2.000000030e-01, v34;
	v44 =	vld [tilespmem:s3+$0x20];
	v30 =	vpop (erf)  }
0x2a5: {  	v17 =	vmovc v41;
	v46 =	vmul.f32 $2.000000030e-01, v35;
	v47 =	vadd.f32 v28, v38;
	v31 =	vld [tilespmem:s13+$0xFFFFFFB0];
	v27 =	vmul.f32 $1.442695020e+00, v27;
	[tilespmem:s6+$0x40] =	vst v30  }
0x2a6: {  	v43 =	vadd.f32 v43, v36;
	v32 =	vmul.f32 v32, v3;
	v41 =	vld [tilespmem:s3+$0xFFFFFFB0];
	v34 =	vmax.f32 v34, v40;
	[tilespmem:s6+$0xFFFFFF70] =	vst v45  }
0x2a7: {  	v35 =	vmax.f32 v35, v46;
	v36 =	vadd.f32 v42, v25;
	v28 =	vld [tilespmem:s13+$0xFFFFFFF0];
	(erf) = vpow2.f32 v27  }
0x2a8: {  	v40 =	vmul.f32 $2.000000030e-01, v47;
	v35 =	vmul.f32 v35, v3;
	v42 =	vld [tilespmem:s3+$0xFFFFFFF0]  }
0x2a9: {  	v34 =	vmul.f32 v34, v4;
	v45 =	vmul.f32 $2.000000030e-01, v36;
	v44 =	vadd.f32 v44, v26;
	v27 =	vld [tilespmem:s13+$0x30]  }
0x2aa: {  	v46 =	vmul.f32 v39, v19;
	v19 =	vmovc v38;
	v35 =	vadd.f32 v37, v35;
	v37 =	vmax.f32 v47, v40;
	v40 =	vld [tilespmem:s3+$0x30]  }
0x2ab: {  	v38 =	vadd.f32 v41, v31;
	v36 =	vmax.f32 v36, v45;
	v41 =	vmul.f32 $2.000000030e-01, v44  }
.Ltmp5:
0x2ac: {  	v32 =	vadd.f32 v34, v32;
	v45 =	vmul.f32 v37, v5;
	v47 =	vmul.f32 v36, v5;
	[tilespmem:s6+$0xFFFFFF80] =	vst v46;
	(pc) =	sbr.rel @p1 .LBB2_12-.Ltmp5, $4  }
0x2ad: {  	v34 =	vmul.f32 $2.000000030e-01, v38;
	v37 =	vadd.f32 v42, v28;
	v41 =	vmax.f32 v44, v41  }
0x2ae: {  	v36 =	vadd.f32 v45, v35;
	v35 =	vadd.f32 v47, v43;
	v42 =	vmul.f32 v41, v5  }
0x2af: {  	v34 =	vmax.f32 v38, v34;
	v41 =	vmul.f32 $2.000000030e-01, v37;
	v38 =	vadd.f32 v40, v27  }
0x2b0: {  	v39 =	vmul.f32 v39, v29;
	s13 =	sadd.s32 $0x100, s13;
	v40 =	vmul.f32 v34, v2;
	v34 =	vadd.f32 v42, v32;
	v32 =	vpop (erf)  }
0x2b1: {  	_ = 	snop  }
0x2b2: {  	v4 =	vmax.f32 v37, v41;
	v5 =	vadd.f32 v40, v36  }
0x2b3: {  	v3 =	vmul.f32 $2.000000030e-01, v38;
	v4 =	vmul.f32 v4, v2  }
0x2b4: {  	v29 =	vperm.xlane v5, v1  }
0x2b5: {  	v3 =	vmax.f32 v38, v3;
	v4 =	vadd.f32 v4, v35  }
0x2b6: {  	v2 =	vmul.f32 v3, v2;
	v3 =	vmul.f32 v32, v18;
	v5 =	vadd.f32 v5, v29  }
0x2b7: {  	s3 =	sadd.s32 $0x140, s6;
	[tilespmem:s4+$0xFFFFFF90] =	vst v39;
	v51 =	vperm.xlane v4, v1  }
0x2b8: {  	v9 =	vmul.f32 v33, v9;
	v2 =	vadd.f32 v2, v34;
	[tilespmem:s3+$0x80] =	vst v3;
	v3 =	vmul.f32 $1.442695020e+00, v5  }
0x2b9: {  	v8 =	vmul.f32 v33, v8;
	v11 =	vmul.f32 v33, v11;
	[tilespmem:s3+$0x90] =	vst v32;
	v4 =	vadd.f32 v4, v51  }
0x2ba: {  	[tilespmem:s4+$0xFFFFFFB0] =	vst v9;
	v52 =	vperm.xlane v2, v1;
	(erf) = vpow2.f32 v3  }
0x2bb: {  	v53 =	vmul.f32 v33, v16;
	[tilespmem:s4+$0xFFFFFFC0] =	vst v8;
	v4 =	vmul.f32 $1.442695020e+00, v4  }
0x2bc: {  	v54 =	vmul.f32 v30, v6;
	[tilespmem:s4+$0xFFFFFFD0] =	vst v11;
	v2 =	vadd.f32 v2, v52  }
0x2bd: {  	[tilespmem:s4+$0xFFFFFFE0] =	vst v53;
	v3 =	vmul.f32 v30, v7;
	(erf) = vpow2.f32 v4  }
0x2be: {  	v55 =	vmul.f32 v30, v10;
	[tilespmem:s4+$0x10] =	vst v54;
	v2 =	vmul.f32 $1.442695020e+00, v2  }
0x2bf: {  	v56 =	vmul.f32 v32, v14;
	[tilespmem:s4+$0x0] =	vst v3;
	v3 =	vmul.f32 v30, v12  }
0x2c0: {  	[tilespmem:s4+$0x20] =	vst v55;
	(erf) = vpow2.f32 v2;
	v2 =	vmul.f32 v32, v13  }
0x2c1: {  	[tilespmem:s3+$0x60] =	vst v56  }
0x2c2: {  	[tilespmem:s3+$0x50] =	vst v2;
	v2 =	vmul.f32 v32, v15  }
0x2c3: {  	[tilespmem:s4+$0x30] =	vst v3;
	v3 =	vpop (erf)  }
0x2c4: {  	[tilespmem:s3+$0x70] =	vst v2;
	v57 =	vmul.f32 v3, v23  }
0x2c5: {  	[tilespmem:s3+$0xFFFFFFA0] =	vst v3  }
0x2c6: {  	v58 =	vmul.f32 v3, v17;
	v2 =	vpop (erf);
	[tilespmem:s3+$0xFFFFFF60] =	vst v57  }
0x2c7: {  	v60 =	vmul.f32 v3, v19;
	[tilespmem:s3+$0xFFFFFFF0] =	vst v2  }
0x2c8: {  	v3 =	vmul.f32 v3, v31;
	[tilespmem:s3+$0xFFFFFF70] =	vst v58  }
0x2c9: {  	[tilespmem:s3+$0xFFFFFF80] =	vst v60  }
0x2ca: {  	v61 =	vmul.f32 v2, v20;
	[tilespmem:s3+$0xFFFFFF90] =	vst v3;
	v59 =	vpop (erf)  }
0x2cb: {  	v3 =	vmul.f32 v2, v21;
	[tilespmem:s3+$0x40] =	vst v59  }
0x2cc: {  	v62 =	vmul.f32 v2, v25;
	[tilespmem:s3+$0xFFFFFFB0] =	vst v61  }
0x2cd: {  	v2 =	vmul.f32 v2, v28;
	[tilespmem:s3+$0xFFFFFFC0] =	vst v3  }
0x2ce: {  	v3 =	vmul.f32 v59, v22;
	[tilespmem:s3+$0xFFFFFFD0] =	vst v62  }
0x2cf: {  	[tilespmem:s3+$0xFFFFFFE0] =	vst v2;
	v2 =	vmul.f32 v59, v24  }
0x2d0: {  	v63 =	vmul.f32 v59, v26;
	[tilespmem:s3+$0x0] =	vst v3  }
0x2d1: {  	[tilespmem:s3+$0x10] =	vst v2;
	v2 =	vmul.f32 v59, v27  }
0x2d2: {  	[tilespmem:s3+$0x20] =	vst v63  }
0x2d3: {  	s13 =	simm.s32 $0x13D50;
	[tilespmem:s3+$0x30] =	vst v2  }
0x2d4: {  	[spmem:s2] =	stream.indirect.scatter.add.f32 [tilespmem:s17], [sflag:$0x4], $0x50, s13, s26, $0xb8;
	[tilespmem:$0x1BE10] =	vst v63  }
0x2d5: {  	_ =	swait.ge [sflag:s18], $0x2800  }
0x2d6: {  	s14 =	stileid.u32;
	[sflag:s18] =	ssyncset.done $0x0  }
0x2d7: {  	s3 =	sshll.u32 s14, $0x6;
	[sflag:s18] =	ssyncadd.s32 $0xFFFFD800  }
0x2d8: {  	s15 =	sshrl.u32 s8, $0x3;
	s3 =	sor.u32 $0x1C04, s3;
	[bflag:$0x0] =	sbarrier.arrive $0xFFFF  }
0x2d9: {  	[hbm:s20], [sflag:s3] =	dma.local [spmem:s15], $0x4E2  }
0x2da: {  	_ =	swait.ge [sflag:s18], $0x4E2  }
0x2db: {  	[sflag:s18] =	ssyncset.done $0x0  }
0x2dc: {  	s6 =	sshrl.u32 s9, $0x3;
	[sflag:s18] =	ssyncadd.s32 $0xFFFFFB1E  }
0x2dd: {  	[hbm:s21], [sflag:s3] =	dma.local [spmem:s6], $0x4E2  }
0x2de: {  	_ =	swait.ge [sflag:s18], $0x4E2  }
0x2df: {  	[sflag:s18] =	ssyncset.done $0x0  }
0x2e0: {  	s7 =	sshrl.u32 s10, $0x3;
	[sflag:s18] =	ssyncadd.s32 $0xFFFFFB1E  }
0x2e1: {  	[hbm:s22], [sflag:s3] =	dma.local [spmem:s7], $0x4E2  }
0x2e2: {  	_ =	swait.ge [sflag:s18], $0x4E2  }
0x2e3: {  	[sflag:s18] =	ssyncset.done $0x0  }
0x2e4: {  	s13 =	sshrl.u32 s11, $0x3;
	[sflag:s18] =	ssyncadd.s32 $0xFFFFFB1E  }
0x2e5: {  	[hbm:s23], [sflag:s3] =	dma.local [spmem:s13], $0x4E2  }
0x2e6: {  	_ =	swait.ge [sflag:s18], $0x4E2  }
0x2e7: {  	[sflag:s18] =	ssyncset.done $0x0  }
0x2e8: {  	s14 =	sshrl.u32 s12, $0x3;
	[sflag:s18] =	ssyncadd.s32 $0xFFFFFB1E  }
0x2e9: {  	[hbm:s24], [sflag:s3] =	dma.local [spmem:s14], $0x4E2  }
0x2ea: {  	_ =	swait.ge [sflag:s18], $0x4E2  }
0x2eb: {  	s0 =	sadd.s32 $0x1, s0;
	s15 =	rddreg [dreg:$0x7]  }
0x2ec: {  	p1 =	sne.s32 s0, s15  }
.Ltmp6:
0x2ed: {  	_ = 	snop;
	(pc) =	sbr.rel @p1 .LBB2_1-.Ltmp6, $3  }
0x2ee: {  	_ =	sdelay $0x1  }
0x2ef: {  	[sflag:s18] =	ssyncset.done $0x0  }
0x2f0: {  	[sflag:s18] =	ssyncadd.s32 $0xFFFFFB1E;
	s15 =	simm.s32 $0xEDD0  }
0x2f1: {  	_ =	sfence.sel $0x180000  }
0x2f2: {  	[bflag:$0x0] =	sbarrier.arrive $0xFFFF  }
0x2f3: {  	_ =	strace $0x90000047  }
0x2f4: {  	[bflag:$0x2] =	sbarrier.arrive $0xFFFF  }
0x2f5: {  	s0 =	rddreg [dreg:$0x3]  }
0x2f6: {  	s0 =	sadd.s32 @!p0 $0x100000, s0  }
0x2f7: {  	[sflag:s0] =	ssyncadd.tile.s32 @!p0 $0x1;
	_ =	shalt  }
.Lfunc_end2:
_tile_overlayer_lowered:
.L_overlay_start_2:
0x2f8: {  	(tag) =	ssettag $0x2  }
0x2f9: {  	s0 =	rddreg [dreg:$0x0];
	s2 =	stileid.u32  }
0x2fa: {  	s1 =	rddreg [dreg:$0x1];
	p0 =	sne.s32 s2, $0x0  }
0x2fb: {  	s3 =	rddreg [dreg:$0x2];
	[bflag:$0x3] =	sbarrier.arrive $0xFFFF;
	s2 =	simm.s32 @!p0 $0x1C04  }
0x2fc: {  	[timem:s3], [sflag:s2] =	dma.local @!p0 [hbm:s0], s1  }
0x2fd: {  	s0 =	simm.s32 @!p0 $0x4  }
0x2fe: {  	_ =	swait.ge @!p0 [sflag:s0], s1  }
0x2ff: {  	s1 =	ssub.s32 @!p0 $0x0, s1;
	[sflag:s0] =	ssyncset.done @!p0 $0x0  }
0x300: {  	[sflag:s0] =	ssyncadd.s32 @!p0 s1  }
0x301: {  	[bflag:$0x3] =	sbarrier.arrive $0xFFFF  }
0x302: {  	_ =	shalt  }

</sc_bundles>
